<compile_context>
chip_gen: v7x
topology: tpu7x:2x2x1
jax: 0.10.2.dev20260603
libtpu: 0.0.44.dev20260713+nightly
codegen_flags: <defaults>
</compile_context>

<pallas_src>
import functools

import jax
import jax.numpy as jnp
from jax import lax
from jax.experimental import pallas as pl
from jax.experimental.pallas import tpu as pltpu
from jax.experimental.pallas import tpu_sc as plsc

_NC = 2
_NS = 16
_NW = _NC * _NS
_EK = 80


def _table_body(ns_ref, w_ref, t_ref):
    t_ref[...] = jnp.dot(ns_ref[...], w_ref[...],
                         preferred_element_type=jnp.float32)


def _node_table(ns, w_cat):
    n, d = ns.shape
    blk = 2000
    return pl.pallas_call(
        _table_body,
        grid=(n // blk,),
        in_specs=[pl.BlockSpec((blk, d), lambda i: (i, 0)),
                  pl.BlockSpec((d, d), lambda i: (0, 0))],
        out_specs=pl.BlockSpec((blk, d), lambda i: (i, 0)),
        out_shape=jax.ShapeDtypeStruct((n, d), jnp.float32),
    )(ns, w_cat)


def _gather_body(epw, rpw, table_h, fi_h, ti_h, p_h,
                 fi_v, ti_v, bufa0, bufa1, bufb0, bufb1, bufp0, bufp1,
                 sa0, sa1, sb0, sb1, sw0, sw1):
    wid = lax.axis_index("s") * _NC + lax.axis_index("c")
    pltpu.sync_copy(fi_h.at[wid], fi_v)
    pltpu.sync_copy(ti_h.at[wid], ti_v)
    e_base = wid * epw
    bufa = (bufa0, bufa1)
    bufb = (bufb0, bufb1)
    bufp = (bufp0, bufp1)
    sa = (sa0, sa1)
    sb = (sb0, sb1)
    sw = (sw0, sw1)
    d = bufa0.shape[1]
    h = d // 2
    ng = d // 16

    def start(j, b):
        pltpu.make_async_copy(table_h.at[fi_v.at[j]], bufa[b], sa[b]).start()
        pltpu.make_async_copy(table_h.at[ti_v.at[j]], bufb[b], sb[b]).start()

    def wait_in(b):
        pltpu.make_async_copy(table_h.at[fi_v.at[0]], bufa[b], sa[b]).wait()
        pltpu.make_async_copy(table_h.at[ti_v.at[0]], bufb[b], sb[b]).wait()

    def wdesc(j, b):
        return pltpu.make_async_copy(
            bufp[b], p_h.at[pl.ds(e_base + j * _EK, _EK)], sw[b])

    start(0, 0)

    def outer(jo, carry):
        for b in (0, 1):
            j = jo * 2 + b

            @pl.when(j < rpw)
            def _():
                @pl.when(j + 1 < rpw)
                def _():
                    start(j + 1, 1 - b)
                wait_in(b)

                @pl.when(j >= 2)
                def _():
                    wdesc(0, b).wait()

                def row(r, c):
                    for g in range(ng):
                        g2 = g + ng // 2 if g < ng // 2 else g - ng // 2
                        bufp[b][r, pl.ds(g * 16, 16)] = (
                            bufa[b][r, pl.ds(g * 16, 16)]
                            + bufb[b][r, pl.ds(g2 * 16, 16)])
                    return c
                lax.fori_loop(0, _EK, row, 0)
                wdesc(j, b).start()
        return carry

    lax.fori_loop(0, (rpw + 1) // 2, outer, 0)
    wdesc(0, 0).wait()
    wdesc(0, 1).wait()


def _sc_gather(table, fi3d, ti3d):
    _, rpw, ek = fi3d.shape
    e = _NW * rpw * ek
    epw = rpw * ek
    d = table.shape[1]
    mesh = plsc.VectorSubcoreMesh(core_axis_name="c", subcore_axis_name="s")
    fbuf = lambda: pltpu.VMEM((ek, d), jnp.float32)
    return pl.kernel(
        functools.partial(_gather_body, epw, rpw),
        out_type=jax.ShapeDtypeStruct((e, d), jnp.float32),
        mesh=mesh,
        scratch_types=[pltpu.VMEM((rpw, ek), jnp.int32),
                       pltpu.VMEM((rpw, ek), jnp.int32),
                       fbuf(), fbuf(), fbuf(), fbuf(), fbuf(), fbuf(),
                       pltpu.SemaphoreType.DMA, pltpu.SemaphoreType.DMA,
                       pltpu.SemaphoreType.DMA, pltpu.SemaphoreType.DMA,
                       pltpu.SemaphoreType.DMA, pltpu.SemaphoreType.DMA],
    )(table, fi3d, ti3d)


def _mlp_body(p_ref, ef_ref, we_ref, b1_ref, w2_ref, b2_ref,
              w3_ref, b3_ref, m1_ref, m2_ref):
    h = we_ref.shape[1]
    c = jnp.dot(ef_ref[...], we_ref[...],
                preferred_element_type=jnp.float32) + b1_ref[...]
    p = p_ref[...]
    x1 = jnp.maximum(p[:, :h] + c, 0.0)
    x2 = jnp.maximum(p[:, h:] + c, 0.0)
    w2 = w2_ref[...]
    b2 = b2_ref[...]
    h1 = jnp.maximum(jnp.dot(x1, w2, preferred_element_type=jnp.float32) + b2, 0.0)
    h2 = jnp.maximum(jnp.dot(x2, w2, preferred_element_type=jnp.float32) + b2, 0.0)
    w3 = w3_ref[...]
    b3 = b3_ref[...]
    m1_ref[...] = jnp.dot(h1, w3, preferred_element_type=jnp.float32) + b3
    m2_ref[...] = jnp.dot(h2, w3, preferred_element_type=jnp.float32) + b3


def _edge_mlp(p, ef, we, b1, w2, b2, w3, b3, blk, off_blocks):
    es, d = p.shape
    h = we.shape[1]
    wspec01 = pl.BlockSpec((d, h), lambda i: (0, 0))
    wspec2 = pl.BlockSpec((h, h), lambda i: (0, 0))
    wspec3 = pl.BlockSpec((h, d), lambda i: (0, 0))
    bspec_h = pl.BlockSpec((h,), lambda i: (0,))
    bspec_d = pl.BlockSpec((d,), lambda i: (0,))
    eblk = pl.BlockSpec((blk, d), lambda i: (i, 0))
    efblk = pl.BlockSpec((blk, d), lambda i: (i + off_blocks, 0))
    return pl.pallas_call(
        _mlp_body,
        grid=(es // blk,),
        in_specs=[eblk, efblk, wspec01, bspec_h, wspec2, bspec_h,
                  wspec3, bspec_d],
        out_specs=[eblk, eblk],
        out_shape=[jax.ShapeDtypeStruct((es, d), jnp.float32),
                   jax.ShapeDtypeStruct((es, d), jnp.float32)],
    )(p, ef, we, b1, w2, b2, w3, b3)


def _scatter_body(npad, epw, rpw, m1_h, m2_h, ti_h, fi_h, out_h,
                  idx_v, mbuf0, mbuf1, acc, sem0, sem1):
    cid = lax.axis_index("c")
    sid = lax.axis_index("s")
    wid = sid * _NC + cid
    nps = npad // _NS

    def zset(t, carry):
        r = t // 8
        col = t % 8
        mbuf0[r, pl.ds(col * 16, 16)] = jnp.zeros((16,), jnp.float32)
        mbuf1[r, pl.ds(col * 16, 16)] = jnp.zeros((16,), jnp.float32)
        return carry
    lax.fori_loop(0, _EK * 8, zset, 0)

    def zcopy(t, carry):
        pltpu.sync_copy(mbuf0, acc.at[pl.ds(sid * nps + 2 * t * _EK, _EK)])
        pltpu.sync_copy(mbuf1, acc.at[pl.ds(sid * nps + (2 * t + 1) * _EK, _EK)])
        return carry
    lax.fori_loop(0, nps // (2 * _EK), zcopy, 0)
    plsc.subcore_barrier()

    e_base = wid * epw
    bufs = (mbuf0, mbuf1)
    sems = (sem0, sem1)

    def _scatter_stream(m_h, idx_h):
        pltpu.sync_copy(idx_h.at[wid], idx_v)
        def start(j, b):
            pltpu.make_async_copy(m_h.at[pl.ds(e_base + j * _EK, _EK)],
                                  bufs[b], sems[b]).start()
        def wait(b):
            pltpu.make_async_copy(m_h.at[pl.ds(e_base, _EK)],
                                  bufs[b], sems[b]).wait()

        start(0, 0)

        def outer(jo, carry):
            for b in (0, 1):
                j = jo * 2 + b

                @pl.when(j < rpw)
                def _():
                    @pl.when(j + 1 < rpw)
                    def _():
                        start(j + 1, 1 - b)
                    wait(b)
                    pltpu.sync_copy(bufs[b], acc.at[idx_v.at[j]], add=True)
            return carry

        lax.fori_loop(0, (rpw + 1) // 2, outer, 0)

    _scatter_stream(m1_h, ti_h)
    _scatter_stream(m2_h, fi_h)
    plsc.subcore_barrier()

    pltpu.sync_copy(acc.at[pl.ds(sid * nps, nps)],
                    out_h.at[pl.ds(cid * npad + sid * nps, nps)])


def _sc_scatter(m1, m2, ti3d, fi3d, npad):
    _, rpw, ek = ti3d.shape
    epw = rpw * ek
    d = m1.shape[1]
    mesh = plsc.VectorSubcoreMesh(core_axis_name="c", subcore_axis_name="s")
    return pl.kernel(
        functools.partial(_scatter_body, npad, epw, rpw),
        out_type=jax.ShapeDtypeStruct((_NC * npad, d), jnp.float32),
        mesh=mesh,
        scratch_types=[pltpu.VMEM((rpw, ek), jnp.int32),
                       pltpu.VMEM((ek, d), jnp.float32),
                       pltpu.VMEM((ek, d), jnp.float32),
                       pltpu.VMEM_SHARED((npad, d), jnp.float32),
                       pltpu.SemaphoreType.DMA,
                       pltpu.SemaphoreType.DMA],
    )(m1, m2, ti3d, fi3d)


def _gru(x, h, wih, whh, bih, bhh):
    d = x.shape[1]
    gi = lax.dot_general(x, wih, (((1,), (1,)), ((), ())),
                         preferred_element_type=jnp.float32) + bih
    gh = lax.dot_general(h, whh, (((1,), (1,)), ((), ())),
                         preferred_element_type=jnp.float32) + bhh
    r = jax.nn.sigmoid(gi[:, :d] + gh[:, :d])
    z = jax.nn.sigmoid(gi[:, d:2 * d] + gh[:, d:2 * d])
    nn = jnp.tanh(gi[:, 2 * d:] + r * gh[:, 2 * d:])
    return (1.0 - z) * nn + z * h


def _gru_body(np_, ns_ref, *rest):
    (p_refs, (w0i_ref, w0h_ref, b0i_ref, b0h_ref,
              w1i_ref, w1h_ref, b1i_ref, b1h_ref,
              w2i_ref, w2h_ref, b2i_ref, b2h_ref, out_ref)) = (
        rest[:np_], rest[np_:])
    ns = ns_ref[...]
    agg = p_refs[0][...]
    for p in p_refs[1:]:
        agg = agg + p[...]
    h1 = _gru(ns, agg, w0i_ref[...], w0h_ref[...], b0i_ref[...], b0h_ref[...])
    h2 = _gru(agg, h1, w1i_ref[...], w1h_ref[...], b1i_ref[...], b1h_ref[...])
    out_ref[...] = _gru(h1, h2, w2i_ref[...], w2h_ref[...], b2i_ref[...],
                        b2h_ref[...])


def _gru_chain(ns, parts, g0_wih, g0_whh, g0_bih, g0_bhh,
               g1_wih, g1_whh, g1_bih, g1_bhh,
               g2_wih, g2_whh, g2_bih, g2_bhh):
    n, d = ns.shape
    blk = 2000
    nb = n // blk
    nblk = pl.BlockSpec((blk, d), lambda i: (i, 0))
    wspec = pl.BlockSpec((3 * d, d), lambda i: (0, 0))
    bspec = pl.BlockSpec((3 * d,), lambda i: (0,))
    return pl.pallas_call(
        functools.partial(_gru_body, len(parts)),
        grid=(nb,),
        in_specs=[nblk] + [nblk] * len(parts) +
                 [wspec, wspec, bspec, bspec,
                  wspec, wspec, bspec, bspec,
                  wspec, wspec, bspec, bspec],
        out_specs=nblk,
        out_shape=jax.ShapeDtypeStruct((n, d), jnp.float32),
    )(ns, *parts,
      g0_wih, g0_whh, g0_bih, g0_bhh,
      g1_wih, g1_whh, g1_bih, g1_bhh,
      g2_wih, g2_whh, g2_bih, g2_bhh)


def kernel(node_states, from_idx, to_idx, edge_features, graph_idx,
           mW1, mb1, mW2, mb2, mW3, mb3,
           g0_wih, g0_whh, g0_bih, g0_bhh,
           g1_wih, g1_whh, g1_bih, g1_bhh,
           g2_wih, g2_whh, g2_bih, g2_bhh):
    n, d = node_states.shape
    w_cat = jnp.concatenate([mW1[:d], mW1[d:2 * d]], axis=1)
    we = mW1[2 * d:]

    e = from_idx.shape[0]
    rpw_total = e // (_NW * _EK)
    rpw_segs = (rpw_total // 2, rpw_total - rpw_total // 2)
    blk = _NW * _EK
    stripe = _NS * 2 * _EK
    npad = ((n + stripe - 1) // stripe) * stripe

    table = _node_table(node_states, w_cat)
    parts = []
    e_off = 0
    for rpw_s in rpw_segs:
        es = _NW * rpw_s * _EK
        fi3d = lax.slice(from_idx, (e_off,), (e_off + es,)).reshape(
            _NW, rpw_s, _EK)
        ti3d = lax.slice(to_idx, (e_off,), (e_off + es,)).reshape(
            _NW, rpw_s, _EK)
        p = _sc_gather(table, fi3d, ti3d)
        m1, m2 = _edge_mlp(p, edge_features, we, mb1, mW2, mb2,
                           mW3, mb3, blk, e_off // blk)
        partials = _sc_scatter(m1, m2, ti3d, fi3d, npad)
        parts.append(partials[:n])
        parts.append(partials[npad:npad + n])
        e_off += es
    return _gru_chain(node_states, parts,
                      g0_wih, g0_whh, g0_bih, g0_bhh,
                      g1_wih, g1_whh, g1_bih, g1_bhh,
                      g2_wih, g2_whh, g2_bih, g2_bhh)

# --- scband reference (transcript-rebuilt; emitter-appended) ---
"""Pipeline reference for scband-graph-prop-layer-21440476742360 (READ-ONLY COPY).

The authoritative reference and input builder live on the scoring server;
editing this copy changes nothing except your own understanding.
"""

import jax, jax.numpy as jnp
import numpy as np

N = 10000
E = 320000
D = 128
H = 64


def _mlp(x, W1, b1, W2, b2, W3, b3):
    x = jax.nn.relu(x @ W1 + b1)
    x = jax.nn.relu(x @ W2 + b2)
    return x @ W3 + b3


def _gru(x, h, wih, whh, bih, bhh):
    gi = x @ wih.T + bih
    gh = h @ whh.T + bhh
    i_r, i_z, i_n = jnp.split(gi, 3, axis=1)
    h_r, h_z, h_n = jnp.split(gh, 3, axis=1)
    r = jax.nn.sigmoid(i_r + h_r)
    z = jax.nn.sigmoid(i_z + h_z)
    n = jnp.tanh(i_n + r * h_n)
    return (1.0 - z) * n + z * h


def setup_inputs(seed: int = 0):
    key = jax.random.key(seed)
    ks = jax.random.split(key, 32)
    inp = {}
    inp['node_states'] = jax.random.normal(ks[0], (N, D), dtype=jnp.float32)
    inp['from_idx'] = jax.random.randint(ks[1], (E,), 0, N, dtype=jnp.int32)
    inp['to_idx'] = jax.random.randint(ks[2], (E,), 0, N, dtype=jnp.int32)
    inp['edge_features'] = jax.random.normal(ks[3], (E, D), dtype=jnp.float32)
    inp['graph_idx'] = jnp.sort(jax.random.randint(ks[4], (N,), 0, 16, dtype=jnp.int32))
    # message_net MLP params (in=3D, hidden=H, out=D)
    inp['mW1'] = jax.random.normal(ks[5], (3 * D, H), dtype=jnp.float32) / np.sqrt(3 * D)
    inp['mb1'] = jnp.zeros((H,), dtype=jnp.float32)
    inp['mW2'] = jax.random.normal(ks[6], (H, H), dtype=jnp.float32) / np.sqrt(H)
    inp['mb2'] = jnp.zeros((H,), dtype=jnp.float32)
    inp['mW3'] = jax.random.normal(ks[7], (H, D), dtype=jnp.float32) / np.sqrt(H)
    inp['mb3'] = jnp.zeros((D,), dtype=jnp.float32)
    # three GRU cells, each (input=D, hidden=D): weight_ih [3D,D], weight_hh [3D,D], biases [3D]
    for gi, base in enumerate([8, 12, 16]):
        inp[f'g{gi}_wih'] = jax.random.normal(ks[base], (3 * D, D), dtype=jnp.float32) / np.sqrt(D)
        inp[f'g{gi}_whh'] = jax.random.normal(ks[base + 1], (3 * D, D), dtype=jnp.float32) / np.sqrt(D)
        inp[f'g{gi}_bih'] = jnp.zeros((3 * D,), dtype=jnp.float32)
        inp[f'g{gi}_bhh'] = jnp.zeros((3 * D,), dtype=jnp.float32)
    return inp


def _prop_once(ns, fi, ti, ef, mW1, mb1, mW2, mb2, mW3, mb3):
    from_states = jnp.take(ns, fi, axis=0)
    to_states = jnp.take(ns, ti, axis=0)
    edge_inputs = jnp.concatenate([from_states, to_states, ef], axis=1)
    edge_states = _mlp(edge_inputs, mW1, mb1, mW2, mb2, mW3, mb3)
    return jnp.zeros_like(ns).at[ti].add(edge_states)


def reference(node_states, from_idx, to_idx, edge_features, graph_idx,
              mW1, mb1, mW2, mb2, mW3, mb3,
              g0_wih, g0_whh, g0_bih, g0_bhh,
              g1_wih, g1_whh, g1_bih, g1_bhh,
              g2_wih, g2_whh, g2_bih, g2_bhh):
    agg = _prop_once(node_states, from_idx, to_idx, edge_features, mW1, mb1, mW2, mb2, mW3, mb3)
    agg = agg + _prop_once(node_states, to_idx, from_idx, edge_features, mW1, mb1, mW2, mb2, mW3, mb3)
    h1 = _gru(node_states, agg, g0_wih, g0_whh, g0_bih, g0_bhh)
    h2 = _gru(agg, h1, g1_wih, g1_whh, g1_bih, g1_bhh)
    h3 = _gru(h1, h2, g2_wih, g2_whh, g2_bih, g2_bhh)
    return h3

if __name__ == "__main__":
    import jax
    _d = setup_inputs()
    print(jax.jit(kernel)(*tuple(_d.values())))

</pallas_src>

<mosaic_0001>
#map = affine_map<(d0, d1) -> (0, 0)>
#map1 = affine_map<(d0, d1) -> (0, 0, 0)>
module attributes {stable_mosaic.version = 14 : i64} {
  func.func @_gather_body(%arg0: i32, %arg1: i32, %arg2: memref<10000x128xf32, #tpu.memory_space<hbm>>, %arg3: memref<32x62x80xi32, #tpu.memory_space<hbm>>, %arg4: memref<32x62x80xi32, #tpu.memory_space<hbm>>, %arg5: memref<158720x128xf32, #tpu.memory_space<hbm>>, %arg6: memref<62x80xi32, #tpu.memory_space<vmem>>, %arg7: memref<62x80xi32, #tpu.memory_space<vmem>>, %arg8: memref<80x128xf32, #tpu.memory_space<vmem>>, %arg9: memref<80x128xf32, #tpu.memory_space<vmem>>, %arg10: memref<80x128xf32, #tpu.memory_space<vmem>>, %arg11: memref<80x128xf32, #tpu.memory_space<vmem>>, %arg12: memref<80x128xf32, #tpu.memory_space<vmem>>, %arg13: memref<80x128xf32, #tpu.memory_space<vmem>>, %arg14: memref<!tpu.dma_semaphore, #tpu.memory_space<semaphore_mem>>, %arg15: memref<!tpu.dma_semaphore, #tpu.memory_space<semaphore_mem>>, %arg16: memref<!tpu.dma_semaphore, #tpu.memory_space<semaphore_mem>>, %arg17: memref<!tpu.dma_semaphore, #tpu.memory_space<semaphore_mem>>, %arg18: memref<!tpu.dma_semaphore, #tpu.memory_space<semaphore_mem>>, %arg19: memref<!tpu.dma_semaphore, #tpu.memory_space<semaphore_mem>>) attributes {dimension_semantics = [#tpu.dimension_semantics<core_parallel>, #tpu.dimension_semantics<subcore_parallel>], iteration_bounds = array<i64: 2, 16>, scalar_prefetch = 0 : i64, scratch_operands = 14 : i64, tpu.core_type = #tpu.core_type<sc_vector_subcore>, window_params = [{transform_indices = #map}, {transform_indices = #map1}, {transform_indices = #map1}, {transform_indices = #map}]} {
    %mul3A = arith.constant 2 : i32
    %mul3A_0 = arith.muli %arg1, %mul3A : i32
    %add3A = arith.addi %mul3A_0, %arg0 : i32
    "tpu.region"() ({
      %run_scoped3A = tpu.sem_alloc : memref<!tpu.dma_semaphore, #tpu.memory_space<semaphore_mem>>
      %dma_start3A_32 = arith.constant 0 : i32
      %dma_start3A_33 = arith.constant 0 : i32
      %dma_start3A_34 = tpu.memref_slice %arg3[%add3A, %dma_start3A_32, %dma_start3A_33] : memref<32x62x80xi32, #tpu.memory_space<hbm>> -> memref<1x62x80xi32, #tpu.memory_space<hbm>>
      %dma_start3A_35 = tpu.memref_squeeze %dma_start3A_34 : memref<1x62x80xi32, #tpu.memory_space<hbm>> -> memref<62x80xi32, #tpu.memory_space<hbm>>
      %dma_start3A_36 = arith.constant 0 : i32
      %dma_start3A_37 = arith.constant 0 : i32
      %dma_start3A_38 = tpu.memref_slice %arg3[%add3A, %dma_start3A_36, %dma_start3A_37] : memref<32x62x80xi32, #tpu.memory_space<hbm>> -> memref<1x62x80xi32, #tpu.memory_space<hbm>>
      %dma_start3A_39 = tpu.memref_squeeze %dma_start3A_38 : memref<1x62x80xi32, #tpu.memory_space<hbm>> -> memref<62x80xi32, #tpu.memory_space<hbm>>
      tpu.enqueue_dma source(%dma_start3A_39 : memref<62x80xi32, #tpu.memory_space<hbm>>) target(%arg6 : memref<62x80xi32, #tpu.memory_space<vmem>>) target_semaphore(%run_scoped3A : memref<!tpu.dma_semaphore, #tpu.memory_space<semaphore_mem>>)
      %dma_wait3A_40 = arith.constant 0 : i32
      %dma_wait3A_41 = arith.constant 0 : i32
      %dma_wait3A_42 = tpu.memref_slice %arg3[%add3A, %dma_wait3A_40, %dma_wait3A_41] : memref<32x62x80xi32, #tpu.memory_space<hbm>> -> memref<1x62x80xi32, #tpu.memory_space<hbm>>
      %dma_wait3A_43 = tpu.memref_squeeze %dma_wait3A_42 : memref<1x62x80xi32, #tpu.memory_space<hbm>> -> memref<62x80xi32, #tpu.memory_space<hbm>>
      %dma_wait3A_44 = arith.constant 0 : i32
      %dma_wait3A_45 = arith.constant 0 : i32
      %dma_wait3A_46 = tpu.memref_slice %arg3[%add3A, %dma_wait3A_44, %dma_wait3A_45] : memref<32x62x80xi32, #tpu.memory_space<hbm>> -> memref<1x62x80xi32, #tpu.memory_space<hbm>>
      %dma_wait3A_47 = tpu.memref_squeeze %dma_wait3A_46 : memref<1x62x80xi32, #tpu.memory_space<hbm>> -> memref<62x80xi32, #tpu.memory_space<hbm>>
      tpu.wait_dma2 semaphore(%run_scoped3A : memref<!tpu.dma_semaphore, #tpu.memory_space<semaphore_mem>>) src(%dma_wait3A_47 : memref<62x80xi32, #tpu.memory_space<hbm>>) dst(%arg6 : memref<62x80xi32, #tpu.memory_space<vmem>>)
      tpu.yield
    }) : () -> ()
    "tpu.region"() ({
      %run_scoped3A = tpu.sem_alloc : memref<!tpu.dma_semaphore, #tpu.memory_space<semaphore_mem>>
      %dma_start3A_32 = arith.constant 0 : i32
      %dma_start3A_33 = arith.constant 0 : i32
      %dma_start3A_34 = tpu.memref_slice %arg4[%add3A, %dma_start3A_32, %dma_start3A_33] : memref<32x62x80xi32, #tpu.memory_space<hbm>> -> memref<1x62x80xi32, #tpu.memory_space<hbm>>
      %dma_start3A_35 = tpu.memref_squeeze %dma_start3A_34 : memref<1x62x80xi32, #tpu.memory_space<hbm>> -> memref<62x80xi32, #tpu.memory_space<hbm>>
      %dma_start3A_36 = arith.constant 0 : i32
      %dma_start3A_37 = arith.constant 0 : i32
      %dma_start3A_38 = tpu.memref_slice %arg4[%add3A, %dma_start3A_36, %dma_start3A_37] : memref<32x62x80xi32, #tpu.memory_space<hbm>> -> memref<1x62x80xi32, #tpu.memory_space<hbm>>
      %dma_start3A_39 = tpu.memref_squeeze %dma_start3A_38 : memref<1x62x80xi32, #tpu.memory_space<hbm>> -> memref<62x80xi32, #tpu.memory_space<hbm>>
      tpu.enqueue_dma source(%dma_start3A_39 : memref<62x80xi32, #tpu.memory_space<hbm>>) target(%arg7 : memref<62x80xi32, #tpu.memory_space<vmem>>) target_semaphore(%run_scoped3A : memref<!tpu.dma_semaphore, #tpu.memory_space<semaphore_mem>>)
      %dma_wait3A_40 = arith.constant 0 : i32
      %dma_wait3A_41 = arith.constant 0 : i32
      %dma_wait3A_42 = tpu.memref_slice %arg4[%add3A, %dma_wait3A_40, %dma_wait3A_41] : memref<32x62x80xi32, #tpu.memory_space<hbm>> -> memref<1x62x80xi32, #tpu.memory_space<hbm>>
      %dma_wait3A_43 = tpu.memref_squeeze %dma_wait3A_42 : memref<1x62x80xi32, #tpu.memory_space<hbm>> -> memref<62x80xi32, #tpu.memory_space<hbm>>
      %dma_wait3A_44 = arith.constant 0 : i32
      %dma_wait3A_45 = arith.constant 0 : i32
      %dma_wait3A_46 = tpu.memref_slice %arg4[%add3A, %dma_wait3A_44, %dma_wait3A_45] : memref<32x62x80xi32, #tpu.memory_space<hbm>> -> memref<1x62x80xi32, #tpu.memory_space<hbm>>
      %dma_wait3A_47 = tpu.memref_squeeze %dma_wait3A_46 : memref<1x62x80xi32, #tpu.memory_space<hbm>> -> memref<62x80xi32, #tpu.memory_space<hbm>>
      tpu.wait_dma2 semaphore(%run_scoped3A : memref<!tpu.dma_semaphore, #tpu.memory_space<semaphore_mem>>) src(%dma_wait3A_47 : memref<62x80xi32, #tpu.memory_space<hbm>>) dst(%arg7 : memref<62x80xi32, #tpu.memory_space<vmem>>)
      tpu.yield
    }) : () -> ()
    %mul3A_1 = arith.constant 4960 : i32
    %mul3A_2 = arith.muli %add3A, %mul3A_1 : i32
    %dma_start3A = arith.constant 0 : i32
    %dma_start3A_3 = arith.constant 0 : i32
    %dma_start3A_4 = tpu.memref_slice %arg6[%dma_start3A, %dma_start3A_3] : memref<62x80xi32, #tpu.memory_space<vmem>> -> memref<1x80xi32, #tpu.memory_space<vmem>>
    %dma_start3A_5 = tpu.memref_squeeze %dma_start3A_4 : memref<1x80xi32, #tpu.memory_space<vmem>> -> memref<80xi32, #tpu.memory_space<vmem>>
    %dma_start3A_6 = arith.constant 0 : i32
    %dma_start3A_7 = arith.constant 0 : i32
    %dma_start3A_8 = tpu.memref_slice %arg2[%dma_start3A_6, %dma_start3A_7] : memref<10000x128xf32, #tpu.memory_space<hbm>> -> memref<10000x128xf32, #tpu.memory_space<hbm>>
    tpu.enqueue_indirect_dma source(%dma_start3A_8 : memref<10000x128xf32, #tpu.memory_space<hbm>>) target(%arg8 : memref<80x128xf32, #tpu.memory_space<vmem>>) offsets(%dma_start3A_5 : memref<80xi32, #tpu.memory_space<vmem>>) semaphore(%arg14 : memref<!tpu.dma_semaphore, #tpu.memory_space<semaphore_mem>>)
    %dma_start3A_9 = arith.constant 0 : i32
    %dma_start3A_10 = arith.constant 0 : i32
    %dma_start3A_11 = tpu.memref_slice %arg7[%dma_start3A_9, %dma_start3A_10] : memref<62x80xi32, #tpu.memory_space<vmem>> -> memref<1x80xi32, #tpu.memory_space<vmem>>
    %dma_start3A_12 = tpu.memref_squeeze %dma_start3A_11 : memref<1x80xi32, #tpu.memory_space<vmem>> -> memref<80xi32, #tpu.memory_space<vmem>>
    %dma_start3A_13 = arith.constant 0 : i32
    %dma_start3A_14 = arith.constant 0 : i32
    %dma_start3A_15 = tpu.memref_slice %arg2[%dma_start3A_13, %dma_start3A_14] : memref<10000x128xf32, #tpu.memory_space<hbm>> -> memref<10000x128xf32, #tpu.memory_space<hbm>>
    tpu.enqueue_indirect_dma source(%dma_start3A_15 : memref<10000x128xf32, #tpu.memory_space<hbm>>) target(%arg10 : memref<80x128xf32, #tpu.memory_space<vmem>>) offsets(%dma_start3A_12 : memref<80xi32, #tpu.memory_space<vmem>>) semaphore(%arg16 : memref<!tpu.dma_semaphore, #tpu.memory_space<semaphore_mem>>)
    %scan3A = arith.constant 0 : i32
    %scan3A_16 = arith.constant 0 : i32
    %scan3A_17 = arith.constant 31 : i32
    %scan3A_18 = arith.addi %scan3A_16, %scan3A_17 : i32
    %scan3A_19 = arith.constant 1 : i32
    scf.for %scan3A_32 = %scan3A_16 to %scan3A_18 step %scan3A_19  : i32 {
      %mul3A_33 = arith.constant 2 : i32
      %mul3A_34 = arith.muli %scan3A_32, %mul3A_33 : i32
      %add3A_35 = arith.constant 0 : i32
      %add3A_36 = arith.addi %mul3A_34, %add3A_35 : i32
      %lt3A = arith.constant 62 : i32
      %lt3A_37 = arith.cmpi slt, %add3A_36, %lt3A : i32
      %convert_element_type3A = arith.extui %lt3A_37 : i1 to i32
      %cond3A = arith.constant 0 : i32
      %cond3A_38 = arith.cmpi ne, %convert_element_type3A, %cond3A : i32
      scf.if %cond3A_38 {
        %add3A_48 = arith.constant 1 : i32
        %add3A_49 = arith.addi %add3A_36, %add3A_48 : i32
        %lt3A_50 = arith.constant 62 : i32
        %lt3A_51 = arith.cmpi slt, %add3A_49, %lt3A_50 : i32
        %convert_element_type3A_52 = arith.extui %lt3A_51 : i1 to i32
        %cond3A_53 = arith.constant 0 : i32
        %cond3A_54 = arith.cmpi ne, %convert_element_type3A_52, %cond3A_53 : i32
        scf.if %cond3A_54 {
          %add3A_86 = arith.constant 1 : i32
          %add3A_87 = arith.addi %add3A_36, %add3A_86 : i32
          %dma_start3A_88 = arith.constant 0 : i32
          %dma_start3A_89 = tpu.memref_slice %arg6[%add3A_87, %dma_start3A_88] : memref<62x80xi32, #tpu.memory_space<vmem>> -> memref<1x80xi32, #tpu.memory_space<vmem>>
          %dma_start3A_90 = tpu.memref_squeeze %dma_start3A_89 : memref<1x80xi32, #tpu.memory_space<vmem>> -> memref<80xi32, #tpu.memory_space<vmem>>
          %dma_start3A_91 = arith.constant 0 : i32
          %dma_start3A_92 = arith.constant 0 : i32
          %dma_start3A_93 = tpu.memref_slice %arg2[%dma_start3A_91, %dma_start3A_92] : memref<10000x128xf32, #tpu.memory_space<hbm>> -> memref<10000x128xf32, #tpu.memory_space<hbm>>
          tpu.enqueue_indirect_dma source(%dma_start3A_93 : memref<10000x128xf32, #tpu.memory_space<hbm>>) target(%arg9 : memref<80x128xf32, #tpu.memory_space<vmem>>) offsets(%dma_start3A_90 : memref<80xi32, #tpu.memory_space<vmem>>) semaphore(%arg15 : memref<!tpu.dma_semaphore, #tpu.memory_space<semaphore_mem>>)
          %dma_start3A_94 = arith.constant 0 : i32
          %dma_start3A_95 = tpu.memref_slice %arg7[%add3A_87, %dma_start3A_94] : memref<62x80xi32, #tpu.memory_space<vmem>> -> memref<1x80xi32, #tpu.memory_space<vmem>>
          %dma_start3A_96 = tpu.memref_squeeze %dma_start3A_95 : memref<1x80xi32, #tpu.memory_space<vmem>> -> memref<80xi32, #tpu.memory_space<vmem>>
          %dma_start3A_97 = arith.constant 0 : i32
          %dma_start3A_98 = arith.constant 0 : i32
          %dma_start3A_99 = tpu.memref_slice %arg2[%dma_start3A_97, %dma_start3A_98] : memref<10000x128xf32, #tpu.memory_space<hbm>> -> memref<10000x128xf32, #tpu.memory_space<hbm>>
          tpu.enqueue_indirect_dma source(%dma_start3A_99 : memref<10000x128xf32, #tpu.memory_space<hbm>>) target(%arg11 : memref<80x128xf32, #tpu.memory_space<vmem>>) offsets(%dma_start3A_96 : memref<80xi32, #tpu.memory_space<vmem>>) semaphore(%arg17 : memref<!tpu.dma_semaphore, #tpu.memory_space<semaphore_mem>>)
        } else {
        }
        %dma_wait3A_55 = arith.constant 0 : i32
        %dma_wait3A_56 = arith.constant 0 : i32
        %dma_wait3A_57 = tpu.memref_slice %arg6[%dma_wait3A_55, %dma_wait3A_56] : memref<62x80xi32, #tpu.memory_space<vmem>> -> memref<1x80xi32, #tpu.memory_space<vmem>>
        %dma_wait3A_58 = tpu.memref_squeeze %dma_wait3A_57 : memref<1x80xi32, #tpu.memory_space<vmem>> -> memref<80xi32, #tpu.memory_space<vmem>>
        %dma_wait3A_59 = arith.constant 0 : i32
        %dma_wait3A_60 = arith.constant 0 : i32
        %dma_wait3A_61 = tpu.memref_slice %arg2[%dma_wait3A_59, %dma_wait3A_60] : memref<10000x128xf32, #tpu.memory_space<hbm>> -> memref<10000x128xf32, #tpu.memory_space<hbm>>
        tpu.wait_indirect_dma semaphore(%arg14 : memref<!tpu.dma_semaphore, #tpu.memory_space<semaphore_mem>>) src(%dma_wait3A_61 : memref<10000x128xf32, #tpu.memory_space<hbm>>) dst(%arg8 : memref<80x128xf32, #tpu.memory_space<vmem>>)
        %dma_wait3A_62 = arith.constant 0 : i32
        %dma_wait3A_63 = arith.constant 0 : i32
        %dma_wait3A_64 = tpu.memref_slice %arg7[%dma_wait3A_62, %dma_wait3A_63] : memref<62x80xi32, #tpu.memory_space<vmem>> -> memref<1x80xi32, #tpu.memory_space<vmem>>
        %dma_wait3A_65 = tpu.memref_squeeze %dma_wait3A_64 : memref<1x80xi32, #tpu.memory_space<vmem>> -> memref<80xi32, #tpu.memory_space<vmem>>
        %dma_wait3A_66 = arith.constant 0 : i32
        %dma_wait3A_67 = arith.constant 0 : i32
        %dma_wait3A_68 = tpu.memref_slice %arg2[%dma_wait3A_66, %dma_wait3A_67] : memref<10000x128xf32, #tpu.memory_space<hbm>> -> memref<10000x128xf32, #tpu.memory_space<hbm>>
        tpu.wait_indirect_dma semaphore(%arg16 : memref<!tpu.dma_semaphore, #tpu.memory_space<semaphore_mem>>) src(%dma_wait3A_68 : memref<10000x128xf32, #tpu.memory_space<hbm>>) dst(%arg10 : memref<80x128xf32, #tpu.memory_space<vmem>>)
        %ge3A = arith.constant 2 : i32
        %ge3A_69 = arith.cmpi sge, %add3A_36, %ge3A : i32
        %convert_element_type3A_70 = arith.extui %ge3A_69 : i1 to i32
        %cond3A_71 = arith.constant 0 : i32
        %cond3A_72 = arith.cmpi ne, %convert_element_type3A_70, %cond3A_71 : i32
        scf.if %cond3A_72 {
          %add3A_86 = arith.constant 0 : i32
          %add3A_87 = arith.addi %mul3A_2, %add3A_86 : i32
          %dma_wait3A_88 = arith.constant 0 : i32
          %dma_wait3A_89 = tpu.memref_slice %arg5[%add3A_87, %dma_wait3A_88] : memref<158720x128xf32, #tpu.memory_space<hbm>> -> memref<80x128xf32, #tpu.memory_space<hbm>>
          %dma_wait3A_90 = arith.constant 0 : i32
          %dma_wait3A_91 = tpu.memref_slice %arg5[%add3A_87, %dma_wait3A_90] : memref<158720x128xf32, #tpu.memory_space<hbm>> -> memref<80x128xf32, #tpu.memory_space<hbm>>
          tpu.wait_dma2 semaphore(%arg18 : memref<!tpu.dma_semaphore, #tpu.memory_space<semaphore_mem>>) src(%arg12 : memref<80x128xf32, #tpu.memory_space<vmem>>) dst(%dma_wait3A_91 : memref<80x128xf32, #tpu.memory_space<hbm>>)
        } else {
        }
        %scan3A_73 = arith.constant 0 : i32
        %scan3A_74 = arith.constant 0 : i32
        %scan3A_75 = arith.constant 80 : i32
        %scan3A_76 = arith.addi %scan3A_74, %scan3A_75 : i32
        %scan3A_77 = arith.constant 1 : i32
        scf.for %scan3A_86 = %scan3A_74 to %scan3A_76 step %scan3A_77  : i32 {
          %get3A = arith.index_cast %scan3A_86 : i32 to index
          %get3A_87 = arith.constant 0 : index
          %get3A_88 = tpu.vector_load %arg8[%get3A, %get3A_87] {strides = array<i32>} : memref<80x128xf32, #tpu.memory_space<vmem>>, vector<1x16xf32>,
          %get3A_89 = vector.shape_cast %get3A_88 : vector<1x16xf32> to vector<16xf32>
          %get3A_90 = arith.index_cast %scan3A_86 : i32 to index
          %get3A_91 = arith.constant 64 : index
          %get3A_92 = tpu.vector_load %arg10[%get3A_90, %get3A_91] {strides = array<i32>} : memref<80x128xf32, #tpu.memory_space<vmem>>, vector<1x16xf32>,
          %get3A_93 = vector.shape_cast %get3A_92 : vector<1x16xf32> to vector<16xf32>
          %add3A_94 = arith.addf %get3A_89, %get3A_93 : vector<16xf32>
          %swap3A = arith.index_cast %scan3A_86 : i32 to index
          %swap3A_95 = arith.constant 0 : index
          %swap3A_96 = tpu.vector_load %arg12[%swap3A, %swap3A_95] {strides = array<i32>} : memref<80x128xf32, #tpu.memory_space<vmem>>, vector<1x16xf32>,
          %swap3A_97 = vector.shape_cast %swap3A_96 : vector<1x16xf32> to vector<16xf32>
          %swap3A_98 = vector.shape_cast %add3A_94 : vector<16xf32> to vector<1x16xf32>
          tpu.vector_store %arg12[%swap3A, %swap3A_95], %swap3A_98 {strides = array<i32>} : memref<80x128xf32, #tpu.memory_space<vmem>>, vector<1x16xf32>,
          %get3A_99 = arith.index_cast %scan3A_86 : i32 to index
          %get3A_100 = arith.constant 16 : index
          %get3A_101 = tpu.vector_load %arg8[%get3A_99, %get3A_100] {strides = array<i32>} : memref<80x128xf32, #tpu.memory_space<vmem>>, vector<1x16xf32>,
          %get3A_102 = vector.shape_cast %get3A_101 : vector<1x16xf32> to vector<16xf32>
          %get3A_103 = arith.index_cast %scan3A_86 : i32 to index
          %get3A_104 = arith.constant 80 : index
          %get3A_105 = tpu.vector_load %arg10[%get3A_103, %get3A_104] {strides = array<i32>} : memref<80x128xf32, #tpu.memory_space<vmem>>, vector<1x16xf32>,
          %get3A_106 = vector.shape_cast %get3A_105 : vector<1x16xf32> to vector<16xf32>
          %add3A_107 = arith.addf %get3A_102, %get3A_106 : vector<16xf32>
          %swap3A_108 = arith.index_cast %scan3A_86 : i32 to index
          %swap3A_109 = arith.constant 16 : index
          %swap3A_110 = tpu.vector_load %arg12[%swap3A_108, %swap3A_109] {strides = array<i32>} : memref<80x128xf32, #tpu.memory_space<vmem>>, vector<1x16xf32>,
          %swap3A_111 = vector.shape_cast %swap3A_110 : vector<1x16xf32> to vector<16xf32>
          %swap3A_112 = vector.shape_cast %add3A_107 : vector<16xf32> to vector<1x16xf32>
          tpu.vector_store %arg12[%swap3A_108, %swap3A_109], %swap3A_112 {strides = array<i32>} : memref<80x128xf32, #tpu.memory_space<vmem>>, vector<1x16xf32>,
          %get3A_113 = arith.index_cast %scan3A_86 : i32 to index
          %get3A_114 = arith.constant 32 : index
          %get3A_115 = tpu.vector_load %arg8[%get3A_113, %get3A_114] {strides = array<i32>} : memref<80x128xf32, #tpu.memory_space<vmem>>, vector<1x16xf32>,
          %get3A_116 = vector.shape_cast %get3A_115 : vector<1x16xf32> to vector<16xf32>
          %get3A_117 = arith.index_cast %scan3A_86 : i32 to index
          %get3A_118 = arith.constant 96 : index
          %get3A_119 = tpu.vector_load %arg10[%get3A_117, %get3A_118] {strides = array<i32>} : memref<80x128xf32, #tpu.memory_space<vmem>>, vector<1x16xf32>,
          %get3A_120 = vector.shape_cast %get3A_119 : vector<1x16xf32> to vector<16xf32>
          %add3A_121 = arith.addf %get3A_116, %get3A_120 : vector<16xf32>
          %swap3A_122 = arith.index_cast %scan3A_86 : i32 to index
          %swap3A_123 = arith.constant 32 : index
          %swap3A_124 = tpu.vector_load %arg12[%swap3A_122, %swap3A_123] {strides = array<i32>} : memref<80x128xf32, #tpu.memory_space<vmem>>, vector<1x16xf32>,
          %swap3A_125 = vector.shape_cast %swap3A_124 : vector<1x16xf32> to vector<16xf32>
          %swap3A_126 = vector.shape_cast %add3A_121 : vector<16xf32> to vector<1x16xf32>
          tpu.vector_store %arg12[%swap3A_122, %swap3A_123], %swap3A_126 {strides = array<i32>} : memref<80x128xf32, #tpu.memory_space<vmem>>, vector<1x16xf32>,
          %get3A_127 = arith.index_cast %scan3A_86 : i32 to index
          %get3A_128 = arith.constant 48 : index
          %get3A_129 = tpu.vector_load %arg8[%get3A_127, %get3A_128] {strides = array<i32>} : memref<80x128xf32, #tpu.memory_space<vmem>>, vector<1x16xf32>,
          %get3A_130 = vector.shape_cast %get3A_129 : vector<1x16xf32> to vector<16xf32>
          %get3A_131 = arith.index_cast %scan3A_86 : i32 to index
          %get3A_132 = arith.constant 112 : index
          %get3A_133 = tpu.vector_load %arg10[%get3A_131, %get3A_132] {strides = array<i32>} : memref<80x128xf32, #tpu.memory_space<vmem>>, vector<1x16xf32>,
          %get3A_134 = vector.shape_cast %get3A_133 : vector<1x16xf32> to vector<16xf32>
          %add3A_135 = arith.addf %get3A_130, %get3A_134 : vector<16xf32>
          %swap3A_136 = arith.index_cast %scan3A_86 : i32 to index
          %swap3A_137 = arith.constant 48 : index
          %swap3A_138 = tpu.vector_load %arg12[%swap3A_136, %swap3A_137] {strides = array<i32>} : memref<80x128xf32, #tpu.memory_space<vmem>>, vector<1x16xf32>,
          %swap3A_139 = vector.shape_cast %swap3A_138 : vector<1x16xf32> to vector<16xf32>
          %swap3A_140 = vector.shape_cast %add3A_135 : vector<16xf32> to vector<1x16xf32>
          tpu.vector_store %arg12[%swap3A_136, %swap3A_137], %swap3A_140 {strides = array<i32>} : memref<80x128xf32, #tpu.memory_space<vmem>>, vector<1x16xf32>,
          %get3A_141 = arith.index_cast %scan3A_86 : i32 to index
          %get3A_142 = arith.constant 64 : index
          %get3A_143 = tpu.vector_load %arg8[%get3A_141, %get3A_142] {strides = array<i32>} : memref<80x128xf32, #tpu.memory_space<vmem>>, vector<1x16xf32>,
          %get3A_144 = vector.shape_cast %get3A_143 : vector<1x16xf32> to vector<16xf32>
          %get3A_145 = arith.index_cast %scan3A_86 : i32 to index
          %get3A_146 = arith.constant 0 : index
          %get3A_147 = tpu.vector_load %arg10[%get3A_145, %get3A_146] {strides = array<i32>} : memref<80x128xf32, #tpu.memory_space<vmem>>, vector<1x16xf32>,
          %get3A_148 = vector.shape_cast %get3A_147 : vector<1x16xf32> to vector<16xf32>
          %add3A_149 = arith.addf %get3A_144, %get3A_148 : vector<16xf32>
          %swap3A_150 = arith.index_cast %scan3A_86 : i32 to index
          %swap3A_151 = arith.constant 64 : index
          %swap3A_152 = tpu.vector_load %arg12[%swap3A_150, %swap3A_151] {strides = array<i32>} : memref<80x128xf32, #tpu.memory_space<vmem>>, vector<1x16xf32>,
          %swap3A_153 = vector.shape_cast %swap3A_152 : vector<1x16xf32> to vector<16xf32>
          %swap3A_154 = vector.shape_cast %add3A_149 : vector<16xf32> to vector<1x16xf32>
          tpu.vector_store %arg12[%swap3A_150, %swap3A_151], %swap3A_154 {strides = array<i32>} : memref<80x128xf32, #tpu.memory_space<vmem>>, vector<1x16xf32>,
          %get3A_155 = arith.index_cast %scan3A_86 : i32 to index
          %get3A_156 = arith.constant 80 : index
          %get3A_157 = tpu.vector_load %arg8[%get3A_155, %get3A_156] {strides = array<i32>} : memref<80x128xf32, #tpu.memory_space<vmem>>, vector<1x16xf32>,
          %get3A_158 = vector.shape_cast %get3A_157 : vector<1x16xf32> to vector<16xf32>
          %get3A_159 = arith.index_cast %scan3A_86 : i32 to index
          %get3A_160 = arith.constant 16 : index
          %get3A_161 = tpu.vector_load %arg10[%get3A_159, %get3A_160] {strides = array<i32>} : memref<80x128xf32, #tpu.memory_space<vmem>>, vector<1x16xf32>,
          %get3A_162 = vector.shape_cast %get3A_161 : vector<1x16xf32> to vector<16xf32>
          %add3A_163 = arith.addf %get3A_158, %get3A_162 : vector<16xf32>
          %swap3A_164 = arith.index_cast %scan3A_86 : i32 to index
          %swap3A_165 = arith.constant 80 : index
          %swap3A_166 = tpu.vector_load %arg12[%swap3A_164, %swap3A_165] {strides = array<i32>} : memref<80x128xf32, #tpu.memory_space<vmem>>, vector<1x16xf32>,
          %swap3A_167 = vector.shape_cast %swap3A_166 : vector<1x16xf32> to vector<16xf32>
          %swap3A_168 = vector.shape_cast %add3A_163 : vector<16xf32> to vector<1x16xf32>
          tpu.vector_store %arg12[%swap3A_164, %swap3A_165], %swap3A_168 {strides = array<i32>} : memref<80x128xf32, #tpu.memory_space<vmem>>, vector<1x16xf32>,
          %get3A_169 = arith.index_cast %scan3A_86 : i32 to index
          %get3A_170 = arith.constant 96 : index
          %get3A_171 = tpu.vector_load %arg8[%get3A_169, %get3A_170] {strides = array<i32>} : memref<80x128xf32, #tpu.memory_space<vmem>>, vector<1x16xf32>,
          %get3A_172 = vector.shape_cast %get3A_171 : vector<1x16xf32> to vector<16xf32>
          %get3A_173 = arith.index_cast %scan3A_86 : i32 to index
          %get3A_174 = arith.constant 32 : index
          %get3A_175 = tpu.vector_load %arg10[%get3A_173, %get3A_174] {strides = array<i32>} : memref<80x128xf32, #tpu.memory_space<vmem>>, vector<1x16xf32>,
          %get3A_176 = vector.shape_cast %get3A_175 : vector<1x16xf32> to vector<16xf32>
          %add3A_177 = arith.addf %get3A_172, %get3A_176 : vector<16xf32>
          %swap3A_178 = arith.index_cast %scan3A_86 : i32 to index
          %swap3A_179 = arith.constant 96 : index
          %swap3A_180 = tpu.vector_load %arg12[%swap3A_178, %swap3A_179] {strides = array<i32>} : memref<80x128xf32, #tpu.memory_space<vmem>>, vector<1x16xf32>,
          %swap3A_181 = vector.shape_cast %swap3A_180 : vector<1x16xf32> to vector<16xf32>
          %swap3A_182 = vector.shape_cast %add3A_177 : vector<16xf32> to vector<1x16xf32>
          tpu.vector_store %arg12[%swap3A_178, %swap3A_179], %swap3A_182 {strides = array<i32>} : memref<80x128xf32, #tpu.memory_space<vmem>>, vector<1x16xf32>,
          %get3A_183 = arith.index_cast %scan3A_86 : i32 to index
          %get3A_184 = arith.constant 112 : index
          %get3A_185 = tpu.vector_load %arg8[%get3A_183, %get3A_184] {strides = array<i32>} : memref<80x128xf32, #tpu.memory_space<vmem>>, vector<1x16xf32>,
          %get3A_186 = vector.shape_cast %get3A_185 : vector<1x16xf32> to vector<16xf32>
          %get3A_187 = arith.index_cast %scan3A_86 : i32 to index
          %get3A_188 = arith.constant 48 : index
          %get3A_189 = tpu.vector_load %arg10[%get3A_187, %get3A_188] {strides = array<i32>} : memref<80x128xf32, #tpu.memory_space<vmem>>, vector<1x16xf32>,
          %get3A_190 = vector.shape_cast %get3A_189 : vector<1x16xf32> to vector<16xf32>
          %add3A_191 = arith.addf %get3A_186, %get3A_190 : vector<16xf32>
          %swap3A_192 = arith.index_cast %scan3A_86 : i32 to index
          %swap3A_193 = arith.constant 112 : index
          %swap3A_194 = tpu.vector_load %arg12[%swap3A_192, %swap3A_193] {strides = array<i32>} : memref<80x128xf32, #tpu.memory_space<vmem>>, vector<1x16xf32>,
          %swap3A_195 = vector.shape_cast %swap3A_194 : vector<1x16xf32> to vector<16xf32>
          %swap3A_196 = vector.shape_cast %add3A_191 : vector<16xf32> to vector<1x16xf32>
          tpu.vector_store %arg12[%swap3A_192, %swap3A_193], %swap3A_196 {strides = array<i32>} : memref<80x128xf32, #tpu.memory_space<vmem>>, vector<1x16xf32>,
        }
        %scan3A_78 = arith.constant 80 : i32
        %mul3A_79 = arith.constant 80 : i32
        %mul3A_80 = arith.muli %add3A_36, %mul3A_79 : i32
        %add3A_81 = arith.addi %mul3A_2, %mul3A_80 : i32
        %dma_start3A_82 = arith.constant 0 : i32
        %dma_start3A_83 = tpu.memref_slice %arg5[%add3A_81, %dma_start3A_82] : memref<158720x128xf32, #tpu.memory_space<hbm>> -> memref<80x128xf32, #tpu.memory_space<hbm>>
        %dma_start3A_84 = arith.constant 0 : i32
        %dma_start3A_85 = tpu.memref_slice %arg5[%add3A_81, %dma_start3A_84] : memref<158720x128xf32, #tpu.memory_space<hbm>> -> memref<80x128xf32, #tpu.memory_space<hbm>>
        tpu.enqueue_dma source(%arg12 : memref<80x128xf32, #tpu.memory_space<vmem>>) target(%dma_start3A_85 : memref<80x128xf32, #tpu.memory_space<hbm>>) target_semaphore(%arg18 : memref<!tpu.dma_semaphore, #tpu.memory_space<semaphore_mem>>)
      } else {
      }
      %mul3A_39 = arith.constant 2 : i32
      %mul3A_40 = arith.muli %scan3A_32, %mul3A_39 : i32
      %add3A_41 = arith.constant 1 : i32
      %add3A_42 = arith.addi %mul3A_40, %add3A_41 : i32
      %lt3A_43 = arith.constant 62 : i32
      %lt3A_44 = arith.cmpi slt, %add3A_42, %lt3A_43 : i32
      %convert_element_type3A_45 = arith.extui %lt3A_44 : i1 to i32
      %cond3A_46 = arith.constant 0 : i32
      %cond3A_47 = arith.cmpi ne, %convert_element_type3A_45, %cond3A_46 : i32
      scf.if %cond3A_47 {
        %add3A_48 = arith.constant 1 : i32
        %add3A_49 = arith.addi %add3A_42, %add3A_48 : i32
        %lt3A_50 = arith.constant 62 : i32
        %lt3A_51 = arith.cmpi slt, %add3A_49, %lt3A_50 : i32
        %convert_element_type3A_52 = arith.extui %lt3A_51 : i1 to i32
        %cond3A_53 = arith.constant 0 : i32
        %cond3A_54 = arith.cmpi ne, %convert_element_type3A_52, %cond3A_53 : i32
        scf.if %cond3A_54 {
          %add3A_86 = arith.constant 1 : i32
          %add3A_87 = arith.addi %add3A_42, %add3A_86 : i32
          %dma_start3A_88 = arith.constant 0 : i32
          %dma_start3A_89 = tpu.memref_slice %arg6[%add3A_87, %dma_start3A_88] : memref<62x80xi32, #tpu.memory_space<vmem>> -> memref<1x80xi32, #tpu.memory_space<vmem>>
          %dma_start3A_90 = tpu.memref_squeeze %dma_start3A_89 : memref<1x80xi32, #tpu.memory_space<vmem>> -> memref<80xi32, #tpu.memory_space<vmem>>
          %dma_start3A_91 = arith.constant 0 : i32
          %dma_start3A_92 = arith.constant 0 : i32
          %dma_start3A_93 = tpu.memref_slice %arg2[%dma_start3A_91, %dma_start3A_92] : memref<10000x128xf32, #tpu.memory_space<hbm>> -> memref<10000x128xf32, #tpu.memory_space<hbm>>
          tpu.enqueue_indirect_dma source(%dma_start3A_93 : memref<10000x128xf32, #tpu.memory_space<hbm>>) target(%arg8 : memref<80x128xf32, #tpu.memory_space<vmem>>) offsets(%dma_start3A_90 : memref<80xi32, #tpu.memory_space<vmem>>) semaphore(%arg14 : memref<!tpu.dma_semaphore, #tpu.memory_space<semaphore_mem>>)
          %dma_start3A_94 = arith.constant 0 : i32
          %dma_start3A_95 = tpu.memref_slice %arg7[%add3A_87, %dma_start3A_94] : memref<62x80xi32, #tpu.memory_space<vmem>> -> memref<1x80xi32, #tpu.memory_space<vmem>>
          %dma_start3A_96 = tpu.memref_squeeze %dma_start3A_95 : memref<1x80xi32, #tpu.memory_space<vmem>> -> memref<80xi32, #tpu.memory_space<vmem>>
          %dma_start3A_97 = arith.constant 0 : i32
          %dma_start3A_98 = arith.constant 0 : i32
          %dma_start3A_99 = tpu.memref_slice %arg2[%dma_start3A_97, %dma_start3A_98] : memref<10000x128xf32, #tpu.memory_space<hbm>> -> memref<10000x128xf32, #tpu.memory_space<hbm>>
          tpu.enqueue_indirect_dma source(%dma_start3A_99 : memref<10000x128xf32, #tpu.memory_space<hbm>>) target(%arg10 : memref<80x128xf32, #tpu.memory_space<vmem>>) offsets(%dma_start3A_96 : memref<80xi32, #tpu.memory_space<vmem>>) semaphore(%arg16 : memref<!tpu.dma_semaphore, #tpu.memory_space<semaphore_mem>>)
        } else {
        }
        %dma_wait3A_55 = arith.constant 0 : i32
        %dma_wait3A_56 = arith.constant 0 : i32
        %dma_wait3A_57 = tpu.memref_slice %arg6[%dma_wait3A_55, %dma_wait3A_56] : memref<62x80xi32, #tpu.memory_space<vmem>> -> memref<1x80xi32, #tpu.memory_space<vmem>>
        %dma_wait3A_58 = tpu.memref_squeeze %dma_wait3A_57 : memref<1x80xi32, #tpu.memory_space<vmem>> -> memref<80xi32, #tpu.memory_space<vmem>>
        %dma_wait3A_59 = arith.constant 0 : i32
        %dma_wait3A_60 = arith.constant 0 : i32
        %dma_wait3A_61 = tpu.memref_slice %arg2[%dma_wait3A_59, %dma_wait3A_60] : memref<10000x128xf32, #tpu.memory_space<hbm>> -> memref<10000x128xf32, #tpu.memory_space<hbm>>
        tpu.wait_indirect_dma semaphore(%arg15 : memref<!tpu.dma_semaphore, #tpu.memory_space<semaphore_mem>>) src(%dma_wait3A_61 : memref<10000x128xf32, #tpu.memory_space<hbm>>) dst(%arg9 : memref<80x128xf32, #tpu.memory_space<vmem>>)
        %dma_wait3A_62 = arith.constant 0 : i32
        %dma_wait3A_63 = arith.constant 0 : i32
        %dma_wait3A_64 = tpu.memref_slice %arg7[%dma_wait3A_62, %dma_wait3A_63] : memref<62x80xi32, #tpu.memory_space<vmem>> -> memref<1x80xi32, #tpu.memory_space<vmem>>
        %dma_wait3A_65 = tpu.memref_squeeze %dma_wait3A_64 : memref<1x80xi32, #tpu.memory_space<vmem>> -> memref<80xi32, #tpu.memory_space<vmem>>
        %dma_wait3A_66 = arith.constant 0 : i32
        %dma_wait3A_67 = arith.constant 0 : i32
        %dma_wait3A_68 = tpu.memref_slice %arg2[%dma_wait3A_66, %dma_wait3A_67] : memref<10000x128xf32, #tpu.memory_space<hbm>> -> memref<10000x128xf32, #tpu.memory_space<hbm>>
        tpu.wait_indirect_dma semaphore(%arg17 : memref<!tpu.dma_semaphore, #tpu.memory_space<semaphore_mem>>) src(%dma_wait3A_68 : memref<10000x128xf32, #tpu.memory_space<hbm>>) dst(%arg11 : memref<80x128xf32, #tpu.memory_space<vmem>>)
        %ge3A = arith.constant 2 : i32
        %ge3A_69 = arith.cmpi sge, %add3A_42, %ge3A : i32
        %convert_element_type3A_70 = arith.extui %ge3A_69 : i1 to i32
        %cond3A_71 = arith.constant 0 : i32
        %cond3A_72 = arith.cmpi ne, %convert_element_type3A_70, %cond3A_71 : i32
        scf.if %cond3A_72 {
          %add3A_86 = arith.constant 0 : i32
          %add3A_87 = arith.addi %mul3A_2, %add3A_86 : i32
          %dma_wait3A_88 = arith.constant 0 : i32
          %dma_wait3A_89 = tpu.memref_slice %arg5[%add3A_87, %dma_wait3A_88] : memref<158720x128xf32, #tpu.memory_space<hbm>> -> memref<80x128xf32, #tpu.memory_space<hbm>>
          %dma_wait3A_90 = arith.constant 0 : i32
          %dma_wait3A_91 = tpu.memref_slice %arg5[%add3A_87, %dma_wait3A_90] : memref<158720x128xf32, #tpu.memory_space<hbm>> -> memref<80x128xf32, #tpu.memory_space<hbm>>
          tpu.wait_dma2 semaphore(%arg19 : memref<!tpu.dma_semaphore, #tpu.memory_space<semaphore_mem>>) src(%arg13 : memref<80x128xf32, #tpu.memory_space<vmem>>) dst(%dma_wait3A_91 : memref<80x128xf32, #tpu.memory_space<hbm>>)
        } else {
        }
        %scan3A_73 = arith.constant 0 : i32
        %scan3A_74 = arith.constant 0 : i32
        %scan3A_75 = arith.constant 80 : i32
        %scan3A_76 = arith.addi %scan3A_74, %scan3A_75 : i32
        %scan3A_77 = arith.constant 1 : i32
        scf.for %scan3A_86 = %scan3A_74 to %scan3A_76 step %scan3A_77  : i32 {
          %get3A = arith.index_cast %scan3A_86 : i32 to index
          %get3A_87 = arith.constant 0 : index
          %get3A_88 = tpu.vector_load %arg9[%get3A, %get3A_87] {strides = array<i32>} : memref<80x128xf32, #tpu.memory_space<vmem>>, vector<1x16xf32>,
          %get3A_89 = vector.shape_cast %get3A_88 : vector<1x16xf32> to vector<16xf32>
          %get3A_90 = arith.index_cast %scan3A_86 : i32 to index
          %get3A_91 = arith.constant 64 : index
          %get3A_92 = tpu.vector_load %arg11[%get3A_90, %get3A_91] {strides = array<i32>} : memref<80x128xf32, #tpu.memory_space<vmem>>, vector<1x16xf32>,
          %get3A_93 = vector.shape_cast %get3A_92 : vector<1x16xf32> to vector<16xf32>
          %add3A_94 = arith.addf %get3A_89, %get3A_93 : vector<16xf32>
          %swap3A = arith.index_cast %scan3A_86 : i32 to index
          %swap3A_95 = arith.constant 0 : index
          %swap3A_96 = tpu.vector_load %arg13[%swap3A, %swap3A_95] {strides = array<i32>} : memref<80x128xf32, #tpu.memory_space<vmem>>, vector<1x16xf32>,
          %swap3A_97 = vector.shape_cast %swap3A_96 : vector<1x16xf32> to vector<16xf32>
          %swap3A_98 = vector.shape_cast %add3A_94 : vector<16xf32> to vector<1x16xf32>
          tpu.vector_store %arg13[%swap3A, %swap3A_95], %swap3A_98 {strides = array<i32>} : memref<80x128xf32, #tpu.memory_space<vmem>>, vector<1x16xf32>,
          %get3A_99 = arith.index_cast %scan3A_86 : i32 to index
          %get3A_100 = arith.constant 16 : index
          %get3A_101 = tpu.vector_load %arg9[%get3A_99, %get3A_100] {strides = array<i32>} : memref<80x128xf32, #tpu.memory_space<vmem>>, vector<1x16xf32>,
          %get3A_102 = vector.shape_cast %get3A_101 : vector<1x16xf32> to vector<16xf32>
          %get3A_103 = arith.index_cast %scan3A_86 : i32 to index
          %get3A_104 = arith.constant 80 : index
          %get3A_105 = tpu.vector_load %arg11[%get3A_103, %get3A_104] {strides = array<i32>} : memref<80x128xf32, #tpu.memory_space<vmem>>, vector<1x16xf32>,
          %get3A_106 = vector.shape_cast %get3A_105 : vector<1x16xf32> to vector<16xf32>
          %add3A_107 = arith.addf %get3A_102, %get3A_106 : vector<16xf32>
          %swap3A_108 = arith.index_cast %scan3A_86 : i32 to index
          %swap3A_109 = arith.constant 16 : index
          %swap3A_110 = tpu.vector_load %arg13[%swap3A_108, %swap3A_109] {strides = array<i32>} : memref<80x128xf32, #tpu.memory_space<vmem>>, vector<1x16xf32>,
          %swap3A_111 = vector.shape_cast %swap3A_110 : vector<1x16xf32> to vector<16xf32>
          %swap3A_112 = vector.shape_cast %add3A_107 : vector<16xf32> to vector<1x16xf32>
          tpu.vector_store %arg13[%swap3A_108, %swap3A_109], %swap3A_112 {strides = array<i32>} : memref<80x128xf32, #tpu.memory_space<vmem>>, vector<1x16xf32>,
          %get3A_113 = arith.index_cast %scan3A_86 : i32 to index
          %get3A_114 = arith.constant 32 : index
          %get3A_115 = tpu.vector_load %arg9[%get3A_113, %get3A_114] {strides = array<i32>} : memref<80x128xf32, #tpu.memory_space<vmem>>, vector<1x16xf32>,
          %get3A_116 = vector.shape_cast %get3A_115 : vector<1x16xf32> to vector<16xf32>
          %get3A_117 = arith.index_cast %scan3A_86 : i32 to index
          %get3A_118 = arith.constant 96 : index
          %get3A_119 = tpu.vector_load %arg11[%get3A_117, %get3A_118] {strides = array<i32>} : memref<80x128xf32, #tpu.memory_space<vmem>>, vector<1x16xf32>,
          %get3A_120 = vector.shape_cast %get3A_119 : vector<1x16xf32> to vector<16xf32>
          %add3A_121 = arith.addf %get3A_116, %get3A_120 : vector<16xf32>
          %swap3A_122 = arith.index_cast %scan3A_86 : i32 to index
          %swap3A_123 = arith.constant 32 : index
          %swap3A_124 = tpu.vector_load %arg13[%swap3A_122, %swap3A_123] {strides = array<i32>} : memref<80x128xf32, #tpu.memory_space<vmem>>, vector<1x16xf32>,
          %swap3A_125 = vector.shape_cast %swap3A_124 : vector<1x16xf32> to vector<16xf32>
          %swap3A_126 = vector.shape_cast %add3A_121 : vector<16xf32> to vector<1x16xf32>
          tpu.vector_store %arg13[%swap3A_122, %swap3A_123], %swap3A_126 {strides = array<i32>} : memref<80x128xf32, #tpu.memory_space<vmem>>, vector<1x16xf32>,
          %get3A_127 = arith.index_cast %scan3A_86 : i32 to index
          %get3A_128 = arith.constant 48 : index
          %get3A_129 = tpu.vector_load %arg9[%get3A_127, %get3A_128] {strides = array<i32>} : memref<80x128xf32, #tpu.memory_space<vmem>>, vector<1x16xf32>,
          %get3A_130 = vector.shape_cast %get3A_129 : vector<1x16xf32> to vector<16xf32>
          %get3A_131 = arith.index_cast %scan3A_86 : i32 to index
          %get3A_132 = arith.constant 112 : index
          %get3A_133 = tpu.vector_load %arg11[%get3A_131, %get3A_132] {strides = array<i32>} : memref<80x128xf32, #tpu.memory_space<vmem>>, vector<1x16xf32>,
          %get3A_134 = vector.shape_cast %get3A_133 : vector<1x16xf32> to vector<16xf32>
          %add3A_135 = arith.addf %get3A_130, %get3A_134 : vector<16xf32>
          %swap3A_136 = arith.index_cast %scan3A_86 : i32 to index
          %swap3A_137 = arith.constant 48 : index
          %swap3A_138 = tpu.vector_load %arg13[%swap3A_136, %swap3A_137] {strides = array<i32>} : memref<80x128xf32, #tpu.memory_space<vmem>>, vector<1x16xf32>,
          %swap3A_139 = vector.shape_cast %swap3A_138 : vector<1x16xf32> to vector<16xf32>
          %swap3A_140 = vector.shape_cast %add3A_135 : vector<16xf32> to vector<1x16xf32>
          tpu.vector_store %arg13[%swap3A_136, %swap3A_137], %swap3A_140 {strides = array<i32>} : memref<80x128xf32, #tpu.memory_space<vmem>>, vector<1x16xf32>,
          %get3A_141 = arith.index_cast %scan3A_86 : i32 to index
          %get3A_142 = arith.constant 64 : index
          %get3A_143 = tpu.vector_load %arg9[%get3A_141, %get3A_142] {strides = array<i32>} : memref<80x128xf32, #tpu.memory_space<vmem>>, vector<1x16xf32>,
          %get3A_144 = vector.shape_cast %get3A_143 : vector<1x16xf32> to vector<16xf32>
          %get3A_145 = arith.index_cast %scan3A_86 : i32 to index
          %get3A_146 = arith.constant 0 : index
          %get3A_147 = tpu.vector_load %arg11[%get3A_145, %get3A_146] {strides = array<i32>} : memref<80x128xf32, #tpu.memory_space<vmem>>, vector<1x16xf32>,
          %get3A_148 = vector.shape_cast %get3A_147 : vector<1x16xf32> to vector<16xf32>
          %add3A_149 = arith.addf %get3A_144, %get3A_148 : vector<16xf32>
          %swap3A_150 = arith.index_cast %scan3A_86 : i32 to index
          %swap3A_151 = arith.constant 64 : index
          %swap3A_152 = tpu.vector_load %arg13[%swap3A_150, %swap3A_151] {strides = array<i32>} : memref<80x128xf32, #tpu.memory_space<vmem>>, vector<1x16xf32>,
          %swap3A_153 = vector.shape_cast %swap3A_152 : vector<1x16xf32> to vector<16xf32>
          %swap3A_154 = vector.shape_cast %add3A_149 : vector<16xf32> to vector<1x16xf32>
          tpu.vector_store %arg13[%swap3A_150, %swap3A_151], %swap3A_154 {strides = array<i32>} : memref<80x128xf32, #tpu.memory_space<vmem>>, vector<1x16xf32>,
          %get3A_155 = arith.index_cast %scan3A_86 : i32 to index
          %get3A_156 = arith.constant 80 : index
          %get3A_157 = tpu.vector_load %arg9[%get3A_155, %get3A_156] {strides = array<i32>} : memref<80x128xf32, #tpu.memory_space<vmem>>, vector<1x16xf32>,
          %get3A_158 = vector.shape_cast %get3A_157 : vector<1x16xf32> to vector<16xf32>
          %get3A_159 = arith.index_cast %scan3A_86 : i32 to index
          %get3A_160 = arith.constant 16 : index
          %get3A_161 = tpu.vector_load %arg11[%get3A_159, %get3A_160] {strides = array<i32>} : memref<80x128xf32, #tpu.memory_space<vmem>>, vector<1x16xf32>,
          %get3A_162 = vector.shape_cast %get3A_161 : vector<1x16xf32> to vector<16xf32>
          %add3A_163 = arith.addf %get3A_158, %get3A_162 : vector<16xf32>
          %swap3A_164 = arith.index_cast %scan3A_86 : i32 to index
          %swap3A_165 = arith.constant 80 : index
          %swap3A_166 = tpu.vector_load %arg13[%swap3A_164, %swap3A_165] {strides = array<i32>} : memref<80x128xf32, #tpu.memory_space<vmem>>, vector<1x16xf32>,
          %swap3A_167 = vector.shape_cast %swap3A_166 : vector<1x16xf32> to vector<16xf32>
          %swap3A_168 = vector.shape_cast %add3A_163 : vector<16xf32> to vector<1x16xf32>
          tpu.vector_store %arg13[%swap3A_164, %swap3A_165], %swap3A_168 {strides = array<i32>} : memref<80x128xf32, #tpu.memory_space<vmem>>, vector<1x16xf32>,
          %get3A_169 = arith.index_cast %scan3A_86 : i32 to index
          %get3A_170 = arith.constant 96 : index
          %get3A_171 = tpu.vector_load %arg9[%get3A_169, %get3A_170] {strides = array<i32>} : memref<80x128xf32, #tpu.memory_space<vmem>>, vector<1x16xf32>,
          %get3A_172 = vector.shape_cast %get3A_171 : vector<1x16xf32> to vector<16xf32>
          %get3A_173 = arith.index_cast %scan3A_86 : i32 to index
          %get3A_174 = arith.constant 32 : index
          %get3A_175 = tpu.vector_load %arg11[%get3A_173, %get3A_174] {strides = array<i32>} : memref<80x128xf32, #tpu.memory_space<vmem>>, vector<1x16xf32>,
          %get3A_176 = vector.shape_cast %get3A_175 : vector<1x16xf32> to vector<16xf32>
          %add3A_177 = arith.addf %get3A_172, %get3A_176 : vector<16xf32>
          %swap3A_178 = arith.index_cast %scan3A_86 : i32 to index
          %swap3A_179 = arith.constant 96 : index
          %swap3A_180 = tpu.vector_load %arg13[%swap3A_178, %swap3A_179] {strides = array<i32>} : memref<80x128xf32, #tpu.memory_space<vmem>>, vector<1x16xf32>,
          %swap3A_181 = vector.shape_cast %swap3A_180 : vector<1x16xf32> to vector<16xf32>
          %swap3A_182 = vector.shape_cast %add3A_177 : vector<16xf32> to vector<1x16xf32>
          tpu.vector_store %arg13[%swap3A_178, %swap3A_179], %swap3A_182 {strides = array<i32>} : memref<80x128xf32, #tpu.memory_space<vmem>>, vector<1x16xf32>,
          %get3A_183 = arith.index_cast %scan3A_86 : i32 to index
          %get3A_184 = arith.constant 112 : index
          %get3A_185 = tpu.vector_load %arg9[%get3A_183, %get3A_184] {strides = array<i32>} : memref<80x128xf32, #tpu.memory_space<vmem>>, vector<1x16xf32>,
          %get3A_186 = vector.shape_cast %get3A_185 : vector<1x16xf32> to vector<16xf32>
          %get3A_187 = arith.index_cast %scan3A_86 : i32 to index
          %get3A_188 = arith.constant 48 : index
          %get3A_189 = tpu.vector_load %arg11[%get3A_187, %get3A_188] {strides = array<i32>} : memref<80x128xf32, #tpu.memory_space<vmem>>, vector<1x16xf32>,
          %get3A_190 = vector.shape_cast %get3A_189 : vector<1x16xf32> to vector<16xf32>
          %add3A_191 = arith.addf %get3A_186, %get3A_190 : vector<16xf32>
          %swap3A_192 = arith.index_cast %scan3A_86 : i32 to index
          %swap3A_193 = arith.constant 112 : index
          %swap3A_194 = tpu.vector_load %arg13[%swap3A_192, %swap3A_193] {strides = array<i32>} : memref<80x128xf32, #tpu.memory_space<vmem>>, vector<1x16xf32>,
          %swap3A_195 = vector.shape_cast %swap3A_194 : vector<1x16xf32> to vector<16xf32>
          %swap3A_196 = vector.shape_cast %add3A_191 : vector<16xf32> to vector<1x16xf32>
          tpu.vector_store %arg13[%swap3A_192, %swap3A_193], %swap3A_196 {strides = array<i32>} : memref<80x128xf32, #tpu.memory_space<vmem>>, vector<1x16xf32>,
        }
        %scan3A_78 = arith.constant 80 : i32
        %mul3A_79 = arith.constant 80 : i32
        %mul3A_80 = arith.muli %add3A_42, %mul3A_79 : i32
        %add3A_81 = arith.addi %mul3A_2, %mul3A_80 : i32
        %dma_start3A_82 = arith.constant 0 : i32
        %dma_start3A_83 = tpu.memref_slice %arg5[%add3A_81, %dma_start3A_82] : memref<158720x128xf32, #tpu.memory_space<hbm>> -> memref<80x128xf32, #tpu.memory_space<hbm>>
        %dma_start3A_84 = arith.constant 0 : i32
        %dma_start3A_85 = tpu.memref_slice %arg5[%add3A_81, %dma_start3A_84] : memref<158720x128xf32, #tpu.memory_space<hbm>> -> memref<80x128xf32, #tpu.memory_space<hbm>>
        tpu.enqueue_dma source(%arg13 : memref<80x128xf32, #tpu.memory_space<vmem>>) target(%dma_start3A_85 : memref<80x128xf32, #tpu.memory_space<hbm>>) target_semaphore(%arg19 : memref<!tpu.dma_semaphore, #tpu.memory_space<semaphore_mem>>)
      } else {
      }
    }
    %scan3A_20 = arith.constant 31 : i32
    %add3A_21 = arith.constant 0 : i32
    %add3A_22 = arith.addi %mul3A_2, %add3A_21 : i32
    %dma_wait3A = arith.constant 0 : i32
    %dma_wait3A_23 = tpu.memref_slice %arg5[%add3A_22, %dma_wait3A] : memref<158720x128xf32, #tpu.memory_space<hbm>> -> memref<80x128xf32, #tpu.memory_space<hbm>>
    %dma_wait3A_24 = arith.constant 0 : i32
    %dma_wait3A_25 = tpu.memref_slice %arg5[%add3A_22, %dma_wait3A_24] : memref<158720x128xf32, #tpu.memory_space<hbm>> -> memref<80x128xf32, #tpu.memory_space<hbm>>
    tpu.wait_dma2 semaphore(%arg18 : memref<!tpu.dma_semaphore, #tpu.memory_space<semaphore_mem>>) src(%arg12 : memref<80x128xf32, #tpu.memory_space<vmem>>) dst(%dma_wait3A_25 : memref<80x128xf32, #tpu.memory_space<hbm>>)
    %add3A_26 = arith.constant 0 : i32
    %add3A_27 = arith.addi %mul3A_2, %add3A_26 : i32
    %dma_wait3A_28 = arith.constant 0 : i32
    %dma_wait3A_29 = tpu.memref_slice %arg5[%add3A_27, %dma_wait3A_28] : memref<158720x128xf32, #tpu.memory_space<hbm>> -> memref<80x128xf32, #tpu.memory_space<hbm>>
    %dma_wait3A_30 = arith.constant 0 : i32
    %dma_wait3A_31 = tpu.memref_slice %arg5[%add3A_27, %dma_wait3A_30] : memref<158720x128xf32, #tpu.memory_space<hbm>> -> memref<80x128xf32, #tpu.memory_space<hbm>>
    tpu.wait_dma2 semaphore(%arg19 : memref<!tpu.dma_semaphore, #tpu.memory_space<semaphore_mem>>) src(%arg13 : memref<80x128xf32, #tpu.memory_space<vmem>>) dst(%dma_wait3A_31 : memref<80x128xf32, #tpu.memory_space<hbm>>)
    return
  }
}

#map = affine_map<(d0, d1) -> (0, 0)>
#map1 = affine_map<(d0, d1) -> (0, 0, 0)>
module attributes {stable_mosaic.version = 14 : i64} {
  func.func @_scatter_body(%arg0: i32, %arg1: i32, %arg2: memref<161280x128xf32, #tpu.memory_space<hbm>>, %arg3: memref<161280x128xf32, #tpu.memory_space<hbm>>, %arg4: memref<32x63x80xi32, #tpu.memory_space<hbm>>, %arg5: memref<32x63x80xi32, #tpu.memory_space<hbm>>, %arg6: memref<20480x128xf32, #tpu.memory_space<hbm>>, %arg7: memref<63x80xi32, #tpu.memory_space<vmem>>, %arg8: memref<80x128xf32, #tpu.memory_space<vmem>>, %arg9: memref<80x128xf32, #tpu.memory_space<vmem>>, %arg10: memref<10240x128xf32, #tpu.memory_space<vmem_shared>>, %arg11: memref<!tpu.dma_semaphore, #tpu.memory_space<semaphore_mem>>, %arg12: memref<!tpu.dma_semaphore, #tpu.memory_space<semaphore_mem>>) attributes {dimension_semantics = [#tpu.dimension_semantics<core_parallel>, #tpu.dimension_semantics<subcore_parallel>], iteration_bounds = array<i64: 2, 16>, scalar_prefetch = 0 : i64, scratch_operands = 6 : i64, tpu.core_type = #tpu.core_type<sc_vector_subcore>, window_params = [{transform_indices = #map}, {transform_indices = #map}, {transform_indices = #map1}, {transform_indices = #map1}, {transform_indices = #map}]} {
    %mul3A = arith.constant 2 : i32
    %mul3A_0 = arith.muli %arg1, %mul3A : i32
    %add3A = arith.addi %mul3A_0, %arg0 : i32
    %scan3A = arith.constant 0 : i32
    %scan3A_1 = arith.constant 0 : i32
    %scan3A_2 = arith.constant 640 : i32
    %scan3A_3 = arith.addi %scan3A_1, %scan3A_2 : i32
    %scan3A_4 = arith.constant 1 : i32
    scf.for %scan3A_45 = %scan3A_1 to %scan3A_3 step %scan3A_4  : i32 {
      %jit3A = arith.constant 8 : i32
      %div3A = arith.divsi %scan3A_45, %jit3A : i32
      %sign3A = arith.constant 0 : i32
      %sign3A_46 = arith.cmpi sgt, %scan3A_45, %sign3A : i32
      %sign3A_47 = arith.extui %sign3A_46 : i1 to i32
      %sign3A_48 = arith.constant 0 : i32
      %sign3A_49 = arith.cmpi slt, %scan3A_45, %sign3A_48 : i32
      %sign3A_50 = arith.extui %sign3A_49 : i1 to i32
      %sign3A_51 = arith.subi %sign3A_47, %sign3A_50 : i32
      %sign3A_52 = arith.constant 0 : i32
      %sign3A_53 = arith.cmpi sgt, %jit3A, %sign3A_52 : i32
      %sign3A_54 = arith.extui %sign3A_53 : i1 to i32
      %sign3A_55 = arith.constant 0 : i32
      %sign3A_56 = arith.cmpi slt, %jit3A, %sign3A_55 : i32
      %sign3A_57 = arith.extui %sign3A_56 : i1 to i32
      %sign3A_58 = arith.subi %sign3A_54, %sign3A_57 : i32
      %ne3A = arith.cmpi ne, %sign3A_51, %sign3A_58 : i32
      %rem3A = arith.remsi %scan3A_45, %jit3A : i32
      %ne3A_59 = arith.constant 0 : i32
      %ne3A_60 = arith.cmpi ne, %rem3A, %ne3A_59 : i32
      %and3A = arith.andi %ne3A, %ne3A_60 : i1
      %sub3A = arith.constant 1 : i32
      %sub3A_61 = arith.subi %div3A, %sub3A : i32
      %select_n3A = arith.select %and3A, %sub3A_61, %div3A : i32
      %jit3A_62 = arith.constant 8 : i32
      %eq3A = arith.constant 0 : i32
      %eq3A_63 = arith.cmpi eq, %jit3A_62, %eq3A : i32
      %jit3A_64 = arith.constant 1 : i32
      %select_n3A_65 = arith.select %eq3A_63, %jit3A_64, %jit3A_62 : i32
      %rem3A_66 = arith.remsi %scan3A_45, %select_n3A_65 : i32
      %ne3A_67 = arith.constant 0 : i32
      %ne3A_68 = arith.cmpi ne, %rem3A_66, %ne3A_67 : i32
      %lt3A = arith.constant 0 : i32
      %lt3A_69 = arith.cmpi slt, %rem3A_66, %lt3A : i32
      %lt3A_70 = arith.constant 0 : i32
      %lt3A_71 = arith.cmpi slt, %select_n3A_65, %lt3A_70 : i32
      %ne3A_72 = arith.xori %lt3A_69, %lt3A_71 : i1
      %and3A_73 = arith.andi %ne3A_72, %ne3A_68 : i1
      %add3A_74 = arith.addi %rem3A_66, %select_n3A_65 : i32
      %select_n3A_75 = arith.select %and3A_73, %add3A_74, %rem3A_66 : i32
      %broadcast_in_dim3A = arith.constant 0.000000e+00 : f32
      %broadcast_in_dim3A_76 = vector.broadcast %broadcast_in_dim3A : f32 to vector<16xf32>
      %mul3A_77 = arith.constant 16 : i32
      %mul3A_78 = arith.muli %select_n3A_75, %mul3A_77 : i32
      %swap3A = arith.index_cast %select_n3A : i32 to index
      %swap3A_79 = arith.index_cast %mul3A_78 : i32 to index
      %swap3A_80 = tpu.vector_load %arg8[%swap3A, %swap3A_79] {strides = array<i32>} : memref<80x128xf32, #tpu.memory_space<vmem>>, vector<1x16xf32>,
      %swap3A_81 = vector.shape_cast %swap3A_80 : vector<1x16xf32> to vector<16xf32>
      %swap3A_82 = vector.shape_cast %broadcast_in_dim3A_76 : vector<16xf32> to vector<1x16xf32>
      tpu.vector_store %arg8[%swap3A, %swap3A_79], %swap3A_82 {strides = array<i32>} : memref<80x128xf32, #tpu.memory_space<vmem>>, vector<1x16xf32>,
      %broadcast_in_dim3A_83 = arith.constant 0.000000e+00 : f32
      %broadcast_in_dim3A_84 = vector.broadcast %broadcast_in_dim3A_83 : f32 to vector<16xf32>
      %mul3A_85 = arith.constant 16 : i32
      %mul3A_86 = arith.muli %select_n3A_75, %mul3A_85 : i32
      %swap3A_87 = arith.index_cast %select_n3A : i32 to index
      %swap3A_88 = arith.index_cast %mul3A_86 : i32 to index
      %swap3A_89 = tpu.vector_load %arg9[%swap3A_87, %swap3A_88] {strides = array<i32>} : memref<80x128xf32, #tpu.memory_space<vmem>>, vector<1x16xf32>,
      %swap3A_90 = vector.shape_cast %swap3A_89 : vector<1x16xf32> to vector<16xf32>
      %swap3A_91 = vector.shape_cast %broadcast_in_dim3A_84 : vector<16xf32> to vector<1x16xf32>
      tpu.vector_store %arg9[%swap3A_87, %swap3A_88], %swap3A_91 {strides = array<i32>} : memref<80x128xf32, #tpu.memory_space<vmem>>, vector<1x16xf32>,
    }
    %scan3A_5 = arith.constant 640 : i32
    %scan3A_6 = arith.constant 0 : i32
    %scan3A_7 = arith.constant 0 : i32
    %scan3A_8 = arith.constant 4 : i32
    %scan3A_9 = arith.addi %scan3A_7, %scan3A_8 : i32
    %scan3A_10 = arith.constant 1 : i32
    scf.for %scan3A_45 = %scan3A_7 to %scan3A_9 step %scan3A_10  : i32 {
      %mul3A_46 = arith.constant 640 : i32
      %mul3A_47 = arith.muli %arg1, %mul3A_46 : i32
      %mul3A_48 = arith.constant 2 : i32
      %mul3A_49 = arith.muli %mul3A_48, %scan3A_45 : i32
      %mul3A_50 = arith.constant 80 : i32
      %mul3A_51 = arith.muli %mul3A_49, %mul3A_50 : i32
      %add3A_52 = arith.addi %mul3A_47, %mul3A_51 : i32
      "tpu.region"() ({
        %run_scoped3A = tpu.sem_alloc : memref<!tpu.dma_semaphore, #tpu.memory_space<semaphore_mem>>
        %dma_start3A_62 = arith.constant 0 : i32
        %dma_start3A_63 = tpu.memref_slice %arg10[%add3A_52, %dma_start3A_62] : memref<10240x128xf32, #tpu.memory_space<vmem_shared>> -> memref<80x128xf32, #tpu.memory_space<vmem_shared>>
        %dma_start3A_64 = arith.constant 0 : i32
        %dma_start3A_65 = tpu.memref_slice %arg10[%add3A_52, %dma_start3A_64] : memref<10240x128xf32, #tpu.memory_space<vmem_shared>> -> memref<80x128xf32, #tpu.memory_space<vmem_shared>>
        tpu.enqueue_dma source(%arg8 : memref<80x128xf32, #tpu.memory_space<vmem>>) target(%dma_start3A_65 : memref<80x128xf32, #tpu.memory_space<vmem_shared>>) target_semaphore(%run_scoped3A : memref<!tpu.dma_semaphore, #tpu.memory_space<semaphore_mem>>)
        %dma_wait3A = arith.constant 0 : i32
        %dma_wait3A_66 = tpu.memref_slice %arg10[%add3A_52, %dma_wait3A] : memref<10240x128xf32, #tpu.memory_space<vmem_shared>> -> memref<80x128xf32, #tpu.memory_space<vmem_shared>>
        %dma_wait3A_67 = arith.constant 0 : i32
        %dma_wait3A_68 = tpu.memref_slice %arg10[%add3A_52, %dma_wait3A_67] : memref<10240x128xf32, #tpu.memory_space<vmem_shared>> -> memref<80x128xf32, #tpu.memory_space<vmem_shared>>
        tpu.wait_dma2 semaphore(%run_scoped3A : memref<!tpu.dma_semaphore, #tpu.memory_space<semaphore_mem>>) src(%arg8 : memref<80x128xf32, #tpu.memory_space<vmem>>) dst(%dma_wait3A_68 : memref<80x128xf32, #tpu.memory_space<vmem_shared>>)
        tpu.yield
      }) : () -> ()
      %mul3A_53 = arith.constant 640 : i32
      %mul3A_54 = arith.muli %arg1, %mul3A_53 : i32
      %mul3A_55 = arith.constant 2 : i32
      %mul3A_56 = arith.muli %mul3A_55, %scan3A_45 : i32
      %add3A_57 = arith.constant 1 : i32
      %add3A_58 = arith.addi %mul3A_56, %add3A_57 : i32
      %mul3A_59 = arith.constant 80 : i32
      %mul3A_60 = arith.muli %add3A_58, %mul3A_59 : i32
      %add3A_61 = arith.addi %mul3A_54, %mul3A_60 : i32
      "tpu.region"() ({
        %run_scoped3A = tpu.sem_alloc : memref<!tpu.dma_semaphore, #tpu.memory_space<semaphore_mem>>
        %dma_start3A_62 = arith.constant 0 : i32
        %dma_start3A_63 = tpu.memref_slice %arg10[%add3A_61, %dma_start3A_62] : memref<10240x128xf32, #tpu.memory_space<vmem_shared>> -> memref<80x128xf32, #tpu.memory_space<vmem_shared>>
        %dma_start3A_64 = arith.constant 0 : i32
        %dma_start3A_65 = tpu.memref_slice %arg10[%add3A_61, %dma_start3A_64] : memref<10240x128xf32, #tpu.memory_space<vmem_shared>> -> memref<80x128xf32, #tpu.memory_space<vmem_shared>>
        tpu.enqueue_dma source(%arg9 : memref<80x128xf32, #tpu.memory_space<vmem>>) target(%dma_start3A_65 : memref<80x128xf32, #tpu.memory_space<vmem_shared>>) target_semaphore(%run_scoped3A : memref<!tpu.dma_semaphore, #tpu.memory_space<semaphore_mem>>)
        %dma_wait3A = arith.constant 0 : i32
        %dma_wait3A_66 = tpu.memref_slice %arg10[%add3A_61, %dma_wait3A] : memref<10240x128xf32, #tpu.memory_space<vmem_shared>> -> memref<80x128xf32, #tpu.memory_space<vmem_shared>>
        %dma_wait3A_67 = arith.constant 0 : i32
        %dma_wait3A_68 = tpu.memref_slice %arg10[%add3A_61, %dma_wait3A_67] : memref<10240x128xf32, #tpu.memory_space<vmem_shared>> -> memref<80x128xf32, #tpu.memory_space<vmem_shared>>
        tpu.wait_dma2 semaphore(%run_scoped3A : memref<!tpu.dma_semaphore, #tpu.memory_space<semaphore_mem>>) src(%arg9 : memref<80x128xf32, #tpu.memory_space<vmem>>) dst(%dma_wait3A_68 : memref<80x128xf32, #tpu.memory_space<vmem_shared>>)
        tpu.yield
      }) : () -> ()
    }
    %scan3A_11 = arith.constant 4 : i32
    %barrier3A = arith.constant 0 : index
    tpu.barrier barrier_id(%barrier3A)
    %mul3A_12 = arith.constant 5040 : i32
    %mul3A_13 = arith.muli %add3A, %mul3A_12 : i32
    "tpu.region"() ({
      %run_scoped3A = tpu.sem_alloc : memref<!tpu.dma_semaphore, #tpu.memory_space<semaphore_mem>>
      %dma_start3A_45 = arith.constant 0 : i32
      %dma_start3A_46 = arith.constant 0 : i32
      %dma_start3A_47 = tpu.memref_slice %arg4[%add3A, %dma_start3A_45, %dma_start3A_46] : memref<32x63x80xi32, #tpu.memory_space<hbm>> -> memref<1x63x80xi32, #tpu.memory_space<hbm>>
      %dma_start3A_48 = tpu.memref_squeeze %dma_start3A_47 : memref<1x63x80xi32, #tpu.memory_space<hbm>> -> memref<63x80xi32, #tpu.memory_space<hbm>>
      %dma_start3A_49 = arith.constant 0 : i32
      %dma_start3A_50 = arith.constant 0 : i32
      %dma_start3A_51 = tpu.memref_slice %arg4[%add3A, %dma_start3A_49, %dma_start3A_50] : memref<32x63x80xi32, #tpu.memory_space<hbm>> -> memref<1x63x80xi32, #tpu.memory_space<hbm>>
      %dma_start3A_52 = tpu.memref_squeeze %dma_start3A_51 : memref<1x63x80xi32, #tpu.memory_space<hbm>> -> memref<63x80xi32, #tpu.memory_space<hbm>>
      tpu.enqueue_dma source(%dma_start3A_52 : memref<63x80xi32, #tpu.memory_space<hbm>>) target(%arg7 : memref<63x80xi32, #tpu.memory_space<vmem>>) target_semaphore(%run_scoped3A : memref<!tpu.dma_semaphore, #tpu.memory_space<semaphore_mem>>)
      %dma_wait3A = arith.constant 0 : i32
      %dma_wait3A_53 = arith.constant 0 : i32
      %dma_wait3A_54 = tpu.memref_slice %arg4[%add3A, %dma_wait3A, %dma_wait3A_53] : memref<32x63x80xi32, #tpu.memory_space<hbm>> -> memref<1x63x80xi32, #tpu.memory_space<hbm>>
      %dma_wait3A_55 = tpu.memref_squeeze %dma_wait3A_54 : memref<1x63x80xi32, #tpu.memory_space<hbm>> -> memref<63x80xi32, #tpu.memory_space<hbm>>
      %dma_wait3A_56 = arith.constant 0 : i32
      %dma_wait3A_57 = arith.constant 0 : i32
      %dma_wait3A_58 = tpu.memref_slice %arg4[%add3A, %dma_wait3A_56, %dma_wait3A_57] : memref<32x63x80xi32, #tpu.memory_space<hbm>> -> memref<1x63x80xi32, #tpu.memory_space<hbm>>
      %dma_wait3A_59 = tpu.memref_squeeze %dma_wait3A_58 : memref<1x63x80xi32, #tpu.memory_space<hbm>> -> memref<63x80xi32, #tpu.memory_space<hbm>>
      tpu.wait_dma2 semaphore(%run_scoped3A : memref<!tpu.dma_semaphore, #tpu.memory_space<semaphore_mem>>) src(%dma_wait3A_59 : memref<63x80xi32, #tpu.memory_space<hbm>>) dst(%arg7 : memref<63x80xi32, #tpu.memory_space<vmem>>)
      tpu.yield
    }) : () -> ()
    %add3A_14 = arith.constant 0 : i32
    %add3A_15 = arith.addi %mul3A_13, %add3A_14 : i32
    %dma_start3A = arith.constant 0 : i32
    %dma_start3A_16 = tpu.memref_slice %arg2[%add3A_15, %dma_start3A] : memref<161280x128xf32, #tpu.memory_space<hbm>> -> memref<80x128xf32, #tpu.memory_space<hbm>>
    %dma_start3A_17 = arith.constant 0 : i32
    %dma_start3A_18 = tpu.memref_slice %arg2[%add3A_15, %dma_start3A_17] : memref<161280x128xf32, #tpu.memory_space<hbm>> -> memref<80x128xf32, #tpu.memory_space<hbm>>
    tpu.enqueue_dma source(%dma_start3A_18 : memref<80x128xf32, #tpu.memory_space<hbm>>) target(%arg8 : memref<80x128xf32, #tpu.memory_space<vmem>>) target_semaphore(%arg11 : memref<!tpu.dma_semaphore, #tpu.memory_space<semaphore_mem>>)
    %scan3A_19 = arith.constant 0 : i32
    %scan3A_20 = arith.constant 0 : i32
    %scan3A_21 = arith.constant 32 : i32
    %scan3A_22 = arith.addi %scan3A_20, %scan3A_21 : i32
    %scan3A_23 = arith.constant 1 : i32
    scf.for %scan3A_45 = %scan3A_20 to %scan3A_22 step %scan3A_23  : i32 {
      %mul3A_46 = arith.constant 2 : i32
      %mul3A_47 = arith.muli %scan3A_45, %mul3A_46 : i32
      %add3A_48 = arith.constant 0 : i32
      %add3A_49 = arith.addi %mul3A_47, %add3A_48 : i32
      %lt3A = arith.constant 63 : i32
      %lt3A_50 = arith.cmpi slt, %add3A_49, %lt3A : i32
      %convert_element_type3A = arith.extui %lt3A_50 : i1 to i32
      %cond3A = arith.constant 0 : i32
      %cond3A_51 = arith.cmpi ne, %convert_element_type3A, %cond3A : i32
      scf.if %cond3A_51 {
        %add3A_61 = arith.constant 1 : i32
        %add3A_62 = arith.addi %add3A_49, %add3A_61 : i32
        %lt3A_63 = arith.constant 63 : i32
        %lt3A_64 = arith.cmpi slt, %add3A_62, %lt3A_63 : i32
        %convert_element_type3A_65 = arith.extui %lt3A_64 : i1 to i32
        %cond3A_66 = arith.constant 0 : i32
        %cond3A_67 = arith.cmpi ne, %convert_element_type3A_65, %cond3A_66 : i32
        scf.if %cond3A_67 {
          %add3A_71 = arith.constant 1 : i32
          %add3A_72 = arith.addi %add3A_49, %add3A_71 : i32
          %mul3A_73 = arith.constant 80 : i32
          %mul3A_74 = arith.muli %add3A_72, %mul3A_73 : i32
          %add3A_75 = arith.addi %mul3A_13, %mul3A_74 : i32
          %dma_start3A_76 = arith.constant 0 : i32
          %dma_start3A_77 = tpu.memref_slice %arg2[%add3A_75, %dma_start3A_76] : memref<161280x128xf32, #tpu.memory_space<hbm>> -> memref<80x128xf32, #tpu.memory_space<hbm>>
          %dma_start3A_78 = arith.constant 0 : i32
          %dma_start3A_79 = tpu.memref_slice %arg2[%add3A_75, %dma_start3A_78] : memref<161280x128xf32, #tpu.memory_space<hbm>> -> memref<80x128xf32, #tpu.memory_space<hbm>>
          tpu.enqueue_dma source(%dma_start3A_79 : memref<80x128xf32, #tpu.memory_space<hbm>>) target(%arg9 : memref<80x128xf32, #tpu.memory_space<vmem>>) target_semaphore(%arg12 : memref<!tpu.dma_semaphore, #tpu.memory_space<semaphore_mem>>)
        } else {
        }
        %dma_wait3A = arith.constant 0 : i32
        %dma_wait3A_68 = tpu.memref_slice %arg2[%mul3A_13, %dma_wait3A] : memref<161280x128xf32, #tpu.memory_space<hbm>> -> memref<80x128xf32, #tpu.memory_space<hbm>>
        %dma_wait3A_69 = arith.constant 0 : i32
        %dma_wait3A_70 = tpu.memref_slice %arg2[%mul3A_13, %dma_wait3A_69] : memref<161280x128xf32, #tpu.memory_space<hbm>> -> memref<80x128xf32, #tpu.memory_space<hbm>>
        tpu.wait_dma2 semaphore(%arg11 : memref<!tpu.dma_semaphore, #tpu.memory_space<semaphore_mem>>) src(%dma_wait3A_70 : memref<80x128xf32, #tpu.memory_space<hbm>>) dst(%arg8 : memref<80x128xf32, #tpu.memory_space<vmem>>)
        "tpu.region"() ({
          %run_scoped3A = tpu.sem_alloc : memref<!tpu.dma_semaphore, #tpu.memory_space<semaphore_mem>>
          %dma_start3A_71 = arith.constant 0 : i32
          %dma_start3A_72 = tpu.memref_slice %arg7[%add3A_49, %dma_start3A_71] : memref<63x80xi32, #tpu.memory_space<vmem>> -> memref<1x80xi32, #tpu.memory_space<vmem>>
          %dma_start3A_73 = tpu.memref_squeeze %dma_start3A_72 : memref<1x80xi32, #tpu.memory_space<vmem>> -> memref<80xi32, #tpu.memory_space<vmem>>
          %dma_start3A_74 = arith.constant 0 : i32
          %dma_start3A_75 = arith.constant 0 : i32
          %dma_start3A_76 = tpu.memref_slice %arg10[%dma_start3A_74, %dma_start3A_75] : memref<10240x128xf32, #tpu.memory_space<vmem_shared>> -> memref<10240x128xf32, #tpu.memory_space<vmem_shared>>
          tpu.enqueue_indirect_dma source(%arg8 : memref<80x128xf32, #tpu.memory_space<vmem>>) target(%dma_start3A_76 : memref<10240x128xf32, #tpu.memory_space<vmem_shared>>) offsets(%dma_start3A_73 : memref<80xi32, #tpu.memory_space<vmem>>) semaphore(%run_scoped3A : memref<!tpu.dma_semaphore, #tpu.memory_space<semaphore_mem>>) {add = true}
          %dma_wait3A_77 = arith.constant 0 : i32
          %dma_wait3A_78 = tpu.memref_slice %arg7[%add3A_49, %dma_wait3A_77] : memref<63x80xi32, #tpu.memory_space<vmem>> -> memref<1x80xi32, #tpu.memory_space<vmem>>
          %dma_wait3A_79 = tpu.memref_squeeze %dma_wait3A_78 : memref<1x80xi32, #tpu.memory_space<vmem>> -> memref<80xi32, #tpu.memory_space<vmem>>
          %dma_wait3A_80 = arith.constant 0 : i32
          %dma_wait3A_81 = arith.constant 0 : i32
          %dma_wait3A_82 = tpu.memref_slice %arg10[%dma_wait3A_80, %dma_wait3A_81] : memref<10240x128xf32, #tpu.memory_space<vmem_shared>> -> memref<10240x128xf32, #tpu.memory_space<vmem_shared>>
          tpu.wait_indirect_dma semaphore(%run_scoped3A : memref<!tpu.dma_semaphore, #tpu.memory_space<semaphore_mem>>) src(%arg8 : memref<80x128xf32, #tpu.memory_space<vmem>>) dst(%dma_wait3A_82 : memref<10240x128xf32, #tpu.memory_space<vmem_shared>>)
          tpu.yield
        }) : () -> ()
      } else {
      }
      %mul3A_52 = arith.constant 2 : i32
      %mul3A_53 = arith.muli %scan3A_45, %mul3A_52 : i32
      %add3A_54 = arith.constant 1 : i32
      %add3A_55 = arith.addi %mul3A_53, %add3A_54 : i32
      %lt3A_56 = arith.constant 63 : i32
      %lt3A_57 = arith.cmpi slt, %add3A_55, %lt3A_56 : i32
      %convert_element_type3A_58 = arith.extui %lt3A_57 : i1 to i32
      %cond3A_59 = arith.constant 0 : i32
      %cond3A_60 = arith.cmpi ne, %convert_element_type3A_58, %cond3A_59 : i32
      scf.if %cond3A_60 {
        %add3A_61 = arith.constant 1 : i32
        %add3A_62 = arith.addi %add3A_55, %add3A_61 : i32
        %lt3A_63 = arith.constant 63 : i32
        %lt3A_64 = arith.cmpi slt, %add3A_62, %lt3A_63 : i32
        %convert_element_type3A_65 = arith.extui %lt3A_64 : i1 to i32
        %cond3A_66 = arith.constant 0 : i32
        %cond3A_67 = arith.cmpi ne, %convert_element_type3A_65, %cond3A_66 : i32
        scf.if %cond3A_67 {
          %add3A_71 = arith.constant 1 : i32
          %add3A_72 = arith.addi %add3A_55, %add3A_71 : i32
          %mul3A_73 = arith.constant 80 : i32
          %mul3A_74 = arith.muli %add3A_72, %mul3A_73 : i32
          %add3A_75 = arith.addi %mul3A_13, %mul3A_74 : i32
          %dma_start3A_76 = arith.constant 0 : i32
          %dma_start3A_77 = tpu.memref_slice %arg2[%add3A_75, %dma_start3A_76] : memref<161280x128xf32, #tpu.memory_space<hbm>> -> memref<80x128xf32, #tpu.memory_space<hbm>>
          %dma_start3A_78 = arith.constant 0 : i32
          %dma_start3A_79 = tpu.memref_slice %arg2[%add3A_75, %dma_start3A_78] : memref<161280x128xf32, #tpu.memory_space<hbm>> -> memref<80x128xf32, #tpu.memory_space<hbm>>
          tpu.enqueue_dma source(%dma_start3A_79 : memref<80x128xf32, #tpu.memory_space<hbm>>) target(%arg8 : memref<80x128xf32, #tpu.memory_space<vmem>>) target_semaphore(%arg11 : memref<!tpu.dma_semaphore, #tpu.memory_space<semaphore_mem>>)
        } else {
        }
        %dma_wait3A = arith.constant 0 : i32
        %dma_wait3A_68 = tpu.memref_slice %arg2[%mul3A_13, %dma_wait3A] : memref<161280x128xf32, #tpu.memory_space<hbm>> -> memref<80x128xf32, #tpu.memory_space<hbm>>
        %dma_wait3A_69 = arith.constant 0 : i32
        %dma_wait3A_70 = tpu.memref_slice %arg2[%mul3A_13, %dma_wait3A_69] : memref<161280x128xf32, #tpu.memory_space<hbm>> -> memref<80x128xf32, #tpu.memory_space<hbm>>
        tpu.wait_dma2 semaphore(%arg12 : memref<!tpu.dma_semaphore, #tpu.memory_space<semaphore_mem>>) src(%dma_wait3A_70 : memref<80x128xf32, #tpu.memory_space<hbm>>) dst(%arg9 : memref<80x128xf32, #tpu.memory_space<vmem>>)
        "tpu.region"() ({
          %run_scoped3A = tpu.sem_alloc : memref<!tpu.dma_semaphore, #tpu.memory_space<semaphore_mem>>
          %dma_start3A_71 = arith.constant 0 : i32
          %dma_start3A_72 = tpu.memref_slice %arg7[%add3A_55, %dma_start3A_71] : memref<63x80xi32, #tpu.memory_space<vmem>> -> memref<1x80xi32, #tpu.memory_space<vmem>>
          %dma_start3A_73 = tpu.memref_squeeze %dma_start3A_72 : memref<1x80xi32, #tpu.memory_space<vmem>> -> memref<80xi32, #tpu.memory_space<vmem>>
          %dma_start3A_74 = arith.constant 0 : i32
          %dma_start3A_75 = arith.constant 0 : i32
          %dma_start3A_76 = tpu.memref_slice %arg10[%dma_start3A_74, %dma_start3A_75] : memref<10240x128xf32, #tpu.memory_space<vmem_shared>> -> memref<10240x128xf32, #tpu.memory_space<vmem_shared>>
          tpu.enqueue_indirect_dma source(%arg9 : memref<80x128xf32, #tpu.memory_space<vmem>>) target(%dma_start3A_76 : memref<10240x128xf32, #tpu.memory_space<vmem_shared>>) offsets(%dma_start3A_73 : memref<80xi32, #tpu.memory_space<vmem>>) semaphore(%run_scoped3A : memref<!tpu.dma_semaphore, #tpu.memory_space<semaphore_mem>>) {add = true}
          %dma_wait3A_77 = arith.constant 0 : i32
          %dma_wait3A_78 = tpu.memref_slice %arg7[%add3A_55, %dma_wait3A_77] : memref<63x80xi32, #tpu.memory_space<vmem>> -> memref<1x80xi32, #tpu.memory_space<vmem>>
          %dma_wait3A_79 = tpu.memref_squeeze %dma_wait3A_78 : memref<1x80xi32, #tpu.memory_space<vmem>> -> memref<80xi32, #tpu.memory_space<vmem>>
          %dma_wait3A_80 = arith.constant 0 : i32
          %dma_wait3A_81 = arith.constant 0 : i32
          %dma_wait3A_82 = tpu.memref_slice %arg10[%dma_wait3A_80, %dma_wait3A_81] : memref<10240x128xf32, #tpu.memory_space<vmem_shared>> -> memref<10240x128xf32, #tpu.memory_space<vmem_shared>>
          tpu.wait_indirect_dma semaphore(%run_scoped3A : memref<!tpu.dma_semaphore, #tpu.memory_space<semaphore_mem>>) src(%arg9 : memref<80x128xf32, #tpu.memory_space<vmem>>) dst(%dma_wait3A_82 : memref<10240x128xf32, #tpu.memory_space<vmem_shared>>)
          tpu.yield
        }) : () -> ()
      } else {
      }
    }
    %scan3A_24 = arith.constant 32 : i32
    "tpu.region"() ({
      %run_scoped3A = tpu.sem_alloc : memref<!tpu.dma_semaphore, #tpu.memory_space<semaphore_mem>>
      %dma_start3A_45 = arith.constant 0 : i32
      %dma_start3A_46 = arith.constant 0 : i32
      %dma_start3A_47 = tpu.memref_slice %arg5[%add3A, %dma_start3A_45, %dma_start3A_46] : memref<32x63x80xi32, #tpu.memory_space<hbm>> -> memref<1x63x80xi32, #tpu.memory_space<hbm>>
      %dma_start3A_48 = tpu.memref_squeeze %dma_start3A_47 : memref<1x63x80xi32, #tpu.memory_space<hbm>> -> memref<63x80xi32, #tpu.memory_space<hbm>>
      %dma_start3A_49 = arith.constant 0 : i32
      %dma_start3A_50 = arith.constant 0 : i32
      %dma_start3A_51 = tpu.memref_slice %arg5[%add3A, %dma_start3A_49, %dma_start3A_50] : memref<32x63x80xi32, #tpu.memory_space<hbm>> -> memref<1x63x80xi32, #tpu.memory_space<hbm>>
      %dma_start3A_52 = tpu.memref_squeeze %dma_start3A_51 : memref<1x63x80xi32, #tpu.memory_space<hbm>> -> memref<63x80xi32, #tpu.memory_space<hbm>>
      tpu.enqueue_dma source(%dma_start3A_52 : memref<63x80xi32, #tpu.memory_space<hbm>>) target(%arg7 : memref<63x80xi32, #tpu.memory_space<vmem>>) target_semaphore(%run_scoped3A : memref<!tpu.dma_semaphore, #tpu.memory_space<semaphore_mem>>)
      %dma_wait3A = arith.constant 0 : i32
      %dma_wait3A_53 = arith.constant 0 : i32
      %dma_wait3A_54 = tpu.memref_slice %arg5[%add3A, %dma_wait3A, %dma_wait3A_53] : memref<32x63x80xi32, #tpu.memory_space<hbm>> -> memref<1x63x80xi32, #tpu.memory_space<hbm>>
      %dma_wait3A_55 = tpu.memref_squeeze %dma_wait3A_54 : memref<1x63x80xi32, #tpu.memory_space<hbm>> -> memref<63x80xi32, #tpu.memory_space<hbm>>
      %dma_wait3A_56 = arith.constant 0 : i32
      %dma_wait3A_57 = arith.constant 0 : i32
      %dma_wait3A_58 = tpu.memref_slice %arg5[%add3A, %dma_wait3A_56, %dma_wait3A_57] : memref<32x63x80xi32, #tpu.memory_space<hbm>> -> memref<1x63x80xi32, #tpu.memory_space<hbm>>
      %dma_wait3A_59 = tpu.memref_squeeze %dma_wait3A_58 : memref<1x63x80xi32, #tpu.memory_space<hbm>> -> memref<63x80xi32, #tpu.memory_space<hbm>>
      tpu.wait_dma2 semaphore(%run_scoped3A : memref<!tpu.dma_semaphore, #tpu.memory_space<semaphore_mem>>) src(%dma_wait3A_59 : memref<63x80xi32, #tpu.memory_space<hbm>>) dst(%arg7 : memref<63x80xi32, #tpu.memory_space<vmem>>)
      tpu.yield
    }) : () -> ()
    %add3A_25 = arith.constant 0 : i32
    %add3A_26 = arith.addi %mul3A_13, %add3A_25 : i32
    %dma_start3A_27 = arith.constant 0 : i32
    %dma_start3A_28 = tpu.memref_slice %arg3[%add3A_26, %dma_start3A_27] : memref<161280x128xf32, #tpu.memory_space<hbm>> -> memref<80x128xf32, #tpu.memory_space<hbm>>
    %dma_start3A_29 = arith.constant 0 : i32
    %dma_start3A_30 = tpu.memref_slice %arg3[%add3A_26, %dma_start3A_29] : memref<161280x128xf32, #tpu.memory_space<hbm>> -> memref<80x128xf32, #tpu.memory_space<hbm>>
    tpu.enqueue_dma source(%dma_start3A_30 : memref<80x128xf32, #tpu.memory_space<hbm>>) target(%arg8 : memref<80x128xf32, #tpu.memory_space<vmem>>) target_semaphore(%arg11 : memref<!tpu.dma_semaphore, #tpu.memory_space<semaphore_mem>>)
    %scan3A_31 = arith.constant 0 : i32
    %scan3A_32 = arith.constant 0 : i32
    %scan3A_33 = arith.constant 32 : i32
    %scan3A_34 = arith.addi %scan3A_32, %scan3A_33 : i32
    %scan3A_35 = arith.constant 1 : i32
    scf.for %scan3A_45 = %scan3A_32 to %scan3A_34 step %scan3A_35  : i32 {
      %mul3A_46 = arith.constant 2 : i32
      %mul3A_47 = arith.muli %scan3A_45, %mul3A_46 : i32
      %add3A_48 = arith.constant 0 : i32
      %add3A_49 = arith.addi %mul3A_47, %add3A_48 : i32
      %lt3A = arith.constant 63 : i32
      %lt3A_50 = arith.cmpi slt, %add3A_49, %lt3A : i32
      %convert_element_type3A = arith.extui %lt3A_50 : i1 to i32
      %cond3A = arith.constant 0 : i32
      %cond3A_51 = arith.cmpi ne, %convert_element_type3A, %cond3A : i32
      scf.if %cond3A_51 {
        %add3A_61 = arith.constant 1 : i32
        %add3A_62 = arith.addi %add3A_49, %add3A_61 : i32
        %lt3A_63 = arith.constant 63 : i32
        %lt3A_64 = arith.cmpi slt, %add3A_62, %lt3A_63 : i32
        %convert_element_type3A_65 = arith.extui %lt3A_64 : i1 to i32
        %cond3A_66 = arith.constant 0 : i32
        %cond3A_67 = arith.cmpi ne, %convert_element_type3A_65, %cond3A_66 : i32
        scf.if %cond3A_67 {
          %add3A_71 = arith.constant 1 : i32
          %add3A_72 = arith.addi %add3A_49, %add3A_71 : i32
          %mul3A_73 = arith.constant 80 : i32
          %mul3A_74 = arith.muli %add3A_72, %mul3A_73 : i32
          %add3A_75 = arith.addi %mul3A_13, %mul3A_74 : i32
          %dma_start3A_76 = arith.constant 0 : i32
          %dma_start3A_77 = tpu.memref_slice %arg3[%add3A_75, %dma_start3A_76] : memref<161280x128xf32, #tpu.memory_space<hbm>> -> memref<80x128xf32, #tpu.memory_space<hbm>>
          %dma_start3A_78 = arith.constant 0 : i32
          %dma_start3A_79 = tpu.memref_slice %arg3[%add3A_75, %dma_start3A_78] : memref<161280x128xf32, #tpu.memory_space<hbm>> -> memref<80x128xf32, #tpu.memory_space<hbm>>
          tpu.enqueue_dma source(%dma_start3A_79 : memref<80x128xf32, #tpu.memory_space<hbm>>) target(%arg9 : memref<80x128xf32, #tpu.memory_space<vmem>>) target_semaphore(%arg12 : memref<!tpu.dma_semaphore, #tpu.memory_space<semaphore_mem>>)
        } else {
        }
        %dma_wait3A = arith.constant 0 : i32
        %dma_wait3A_68 = tpu.memref_slice %arg3[%mul3A_13, %dma_wait3A] : memref<161280x128xf32, #tpu.memory_space<hbm>> -> memref<80x128xf32, #tpu.memory_space<hbm>>
        %dma_wait3A_69 = arith.constant 0 : i32
        %dma_wait3A_70 = tpu.memref_slice %arg3[%mul3A_13, %dma_wait3A_69] : memref<161280x128xf32, #tpu.memory_space<hbm>> -> memref<80x128xf32, #tpu.memory_space<hbm>>
        tpu.wait_dma2 semaphore(%arg11 : memref<!tpu.dma_semaphore, #tpu.memory_space<semaphore_mem>>) src(%dma_wait3A_70 : memref<80x128xf32, #tpu.memory_space<hbm>>) dst(%arg8 : memref<80x128xf32, #tpu.memory_space<vmem>>)
        "tpu.region"() ({
          %run_scoped3A = tpu.sem_alloc : memref<!tpu.dma_semaphore, #tpu.memory_space<semaphore_mem>>
          %dma_start3A_71 = arith.constant 0 : i32
          %dma_start3A_72 = tpu.memref_slice %arg7[%add3A_49, %dma_start3A_71] : memref<63x80xi32, #tpu.memory_space<vmem>> -> memref<1x80xi32, #tpu.memory_space<vmem>>
          %dma_start3A_73 = tpu.memref_squeeze %dma_start3A_72 : memref<1x80xi32, #tpu.memory_space<vmem>> -> memref<80xi32, #tpu.memory_space<vmem>>
          %dma_start3A_74 = arith.constant 0 : i32
          %dma_start3A_75 = arith.constant 0 : i32
          %dma_start3A_76 = tpu.memref_slice %arg10[%dma_start3A_74, %dma_start3A_75] : memref<10240x128xf32, #tpu.memory_space<vmem_shared>> -> memref<10240x128xf32, #tpu.memory_space<vmem_shared>>
          tpu.enqueue_indirect_dma source(%arg8 : memref<80x128xf32, #tpu.memory_space<vmem>>) target(%dma_start3A_76 : memref<10240x128xf32, #tpu.memory_space<vmem_shared>>) offsets(%dma_start3A_73 : memref<80xi32, #tpu.memory_space<vmem>>) semaphore(%run_scoped3A : memref<!tpu.dma_semaphore, #tpu.memory_space<semaphore_mem>>) {add = true}
          %dma_wait3A_77 = arith.constant 0 : i32
          %dma_wait3A_78 = tpu.memref_slice %arg7[%add3A_49, %dma_wait3A_77] : memref<63x80xi32, #tpu.memory_space<vmem>> -> memref<1x80xi32, #tpu.memory_space<vmem>>
          %dma_wait3A_79 = tpu.memref_squeeze %dma_wait3A_78 : memref<1x80xi32, #tpu.memory_space<vmem>> -> memref<80xi32, #tpu.memory_space<vmem>>
          %dma_wait3A_80 = arith.constant 0 : i32
          %dma_wait3A_81 = arith.constant 0 : i32
          %dma_wait3A_82 = tpu.memref_slice %arg10[%dma_wait3A_80, %dma_wait3A_81] : memref<10240x128xf32, #tpu.memory_space<vmem_shared>> -> memref<10240x128xf32, #tpu.memory_space<vmem_shared>>
          tpu.wait_indirect_dma semaphore(%run_scoped3A : memref<!tpu.dma_semaphore, #tpu.memory_space<semaphore_mem>>) src(%arg8 : memref<80x128xf32, #tpu.memory_space<vmem>>) dst(%dma_wait3A_82 : memref<10240x128xf32, #tpu.memory_space<vmem_shared>>)
          tpu.yield
        }) : () -> ()
      } else {
      }
      %mul3A_52 = arith.constant 2 : i32
      %mul3A_53 = arith.muli %scan3A_45, %mul3A_52 : i32
      %add3A_54 = arith.constant 1 : i32
      %add3A_55 = arith.addi %mul3A_53, %add3A_54 : i32
      %lt3A_56 = arith.constant 63 : i32
      %lt3A_57 = arith.cmpi slt, %add3A_55, %lt3A_56 : i32
      %convert_element_type3A_58 = arith.extui %lt3A_57 : i1 to i32
      %cond3A_59 = arith.constant 0 : i32
      %cond3A_60 = arith.cmpi ne, %convert_element_type3A_58, %cond3A_59 : i32
      scf.if %cond3A_60 {
        %add3A_61 = arith.constant 1 : i32
        %add3A_62 = arith.addi %add3A_55, %add3A_61 : i32
        %lt3A_63 = arith.constant 63 : i32
        %lt3A_64 = arith.cmpi slt, %add3A_62, %lt3A_63 : i32
        %convert_element_type3A_65 = arith.extui %lt3A_64 : i1 to i32
        %cond3A_66 = arith.constant 0 : i32
        %cond3A_67 = arith.cmpi ne, %convert_element_type3A_65, %cond3A_66 : i32
        scf.if %cond3A_67 {
          %add3A_71 = arith.constant 1 : i32
          %add3A_72 = arith.addi %add3A_55, %add3A_71 : i32
          %mul3A_73 = arith.constant 80 : i32
          %mul3A_74 = arith.muli %add3A_72, %mul3A_73 : i32
          %add3A_75 = arith.addi %mul3A_13, %mul3A_74 : i32
          %dma_start3A_76 = arith.constant 0 : i32
          %dma_start3A_77 = tpu.memref_slice %arg3[%add3A_75, %dma_start3A_76] : memref<161280x128xf32, #tpu.memory_space<hbm>> -> memref<80x128xf32, #tpu.memory_space<hbm>>
          %dma_start3A_78 = arith.constant 0 : i32
          %dma_start3A_79 = tpu.memref_slice %arg3[%add3A_75, %dma_start3A_78] : memref<161280x128xf32, #tpu.memory_space<hbm>> -> memref<80x128xf32, #tpu.memory_space<hbm>>
          tpu.enqueue_dma source(%dma_start3A_79 : memref<80x128xf32, #tpu.memory_space<hbm>>) target(%arg8 : memref<80x128xf32, #tpu.memory_space<vmem>>) target_semaphore(%arg11 : memref<!tpu.dma_semaphore, #tpu.memory_space<semaphore_mem>>)
        } else {
        }
        %dma_wait3A = arith.constant 0 : i32
        %dma_wait3A_68 = tpu.memref_slice %arg3[%mul3A_13, %dma_wait3A] : memref<161280x128xf32, #tpu.memory_space<hbm>> -> memref<80x128xf32, #tpu.memory_space<hbm>>
        %dma_wait3A_69 = arith.constant 0 : i32
        %dma_wait3A_70 = tpu.memref_slice %arg3[%mul3A_13, %dma_wait3A_69] : memref<161280x128xf32, #tpu.memory_space<hbm>> -> memref<80x128xf32, #tpu.memory_space<hbm>>
        tpu.wait_dma2 semaphore(%arg12 : memref<!tpu.dma_semaphore, #tpu.memory_space<semaphore_mem>>) src(%dma_wait3A_70 : memref<80x128xf32, #tpu.memory_space<hbm>>) dst(%arg9 : memref<80x128xf32, #tpu.memory_space<vmem>>)
        "tpu.region"() ({
          %run_scoped3A = tpu.sem_alloc : memref<!tpu.dma_semaphore, #tpu.memory_space<semaphore_mem>>
          %dma_start3A_71 = arith.constant 0 : i32
          %dma_start3A_72 = tpu.memref_slice %arg7[%add3A_55, %dma_start3A_71] : memref<63x80xi32, #tpu.memory_space<vmem>> -> memref<1x80xi32, #tpu.memory_space<vmem>>
          %dma_start3A_73 = tpu.memref_squeeze %dma_start3A_72 : memref<1x80xi32, #tpu.memory_space<vmem>> -> memref<80xi32, #tpu.memory_space<vmem>>
          %dma_start3A_74 = arith.constant 0 : i32
          %dma_start3A_75 = arith.constant 0 : i32
          %dma_start3A_76 = tpu.memref_slice %arg10[%dma_start3A_74, %dma_start3A_75] : memref<10240x128xf32, #tpu.memory_space<vmem_shared>> -> memref<10240x128xf32, #tpu.memory_space<vmem_shared>>
          tpu.enqueue_indirect_dma source(%arg9 : memref<80x128xf32, #tpu.memory_space<vmem>>) target(%dma_start3A_76 : memref<10240x128xf32, #tpu.memory_space<vmem_shared>>) offsets(%dma_start3A_73 : memref<80xi32, #tpu.memory_space<vmem>>) semaphore(%run_scoped3A : memref<!tpu.dma_semaphore, #tpu.memory_space<semaphore_mem>>) {add = true}
          %dma_wait3A_77 = arith.constant 0 : i32
          %dma_wait3A_78 = tpu.memref_slice %arg7[%add3A_55, %dma_wait3A_77] : memref<63x80xi32, #tpu.memory_space<vmem>> -> memref<1x80xi32, #tpu.memory_space<vmem>>
          %dma_wait3A_79 = tpu.memref_squeeze %dma_wait3A_78 : memref<1x80xi32, #tpu.memory_space<vmem>> -> memref<80xi32, #tpu.memory_space<vmem>>
          %dma_wait3A_80 = arith.constant 0 : i32
          %dma_wait3A_81 = arith.constant 0 : i32
          %dma_wait3A_82 = tpu.memref_slice %arg10[%dma_wait3A_80, %dma_wait3A_81] : memref<10240x128xf32, #tpu.memory_space<vmem_shared>> -> memref<10240x128xf32, #tpu.memory_space<vmem_shared>>
          tpu.wait_indirect_dma semaphore(%run_scoped3A : memref<!tpu.dma_semaphore, #tpu.memory_space<semaphore_mem>>) src(%arg9 : memref<80x128xf32, #tpu.memory_space<vmem>>) dst(%dma_wait3A_82 : memref<10240x128xf32, #tpu.memory_space<vmem_shared>>)
          tpu.yield
        }) : () -> ()
      } else {
      }
    }
    %scan3A_36 = arith.constant 32 : i32
    %barrier3A_37 = arith.constant 0 : index
    tpu.barrier barrier_id(%barrier3A_37)
    %mul3A_38 = arith.constant 640 : i32
    %mul3A_39 = arith.muli %arg1, %mul3A_38 : i32
    %mul3A_40 = arith.constant 10240 : i32
    %mul3A_41 = arith.muli %arg0, %mul3A_40 : i32
    %mul3A_42 = arith.constant 640 : i32
    %mul3A_43 = arith.muli %arg1, %mul3A_42 : i32
    %add3A_44 = arith.addi %mul3A_41, %mul3A_43 : i32
    "tpu.region"() ({
      %run_scoped3A = tpu.sem_alloc : memref<!tpu.dma_semaphore, #tpu.memory_space<semaphore_mem>>
      %dma_start3A_45 = arith.constant 0 : i32
      %dma_start3A_46 = tpu.memref_slice %arg6[%add3A_44, %dma_start3A_45] : memref<20480x128xf32, #tpu.memory_space<hbm>> -> memref<640x128xf32, #tpu.memory_space<hbm>>
      %dma_start3A_47 = arith.constant 0 : i32
      %dma_start3A_48 = tpu.memref_slice %arg10[%mul3A_39, %dma_start3A_47] : memref<10240x128xf32, #tpu.memory_space<vmem_shared>> -> memref<640x128xf32, #tpu.memory_space<vmem_shared>>
      tpu.enqueue_dma source(%dma_start3A_48 : memref<640x128xf32, #tpu.memory_space<vmem_shared>>) target(%dma_start3A_46 : memref<640x128xf32, #tpu.memory_space<hbm>>) target_semaphore(%run_scoped3A : memref<!tpu.dma_semaphore, #tpu.memory_space<semaphore_mem>>)
      %dma_wait3A = arith.constant 0 : i32
      %dma_wait3A_49 = tpu.memref_slice %arg6[%add3A_44, %dma_wait3A] : memref<20480x128xf32, #tpu.memory_space<hbm>> -> memref<640x128xf32, #tpu.memory_space<hbm>>
      %dma_wait3A_50 = arith.constant 0 : i32
      %dma_wait3A_51 = tpu.memref_slice %arg10[%mul3A_39, %dma_wait3A_50] : memref<10240x128xf32, #tpu.memory_space<vmem_shared>> -> memref<640x128xf32, #tpu.memory_space<vmem_shared>>
      tpu.wait_dma2 semaphore(%run_scoped3A : memref<!tpu.dma_semaphore, #tpu.memory_space<semaphore_mem>>) src(%dma_wait3A_51 : memref<640x128xf32, #tpu.memory_space<vmem_shared>>) dst(%dma_wait3A_49 : memref<640x128xf32, #tpu.memory_space<hbm>>)
      tpu.yield
    }) : () -> ()
    return
  }
}

#map = affine_map<(d0, d1) -> (0, 0)>
#map1 = affine_map<(d0, d1) -> (0, 0, 0)>
module attributes {stable_mosaic.version = 14 : i64} {
  func.func @_scatter_body(%arg0: i32, %arg1: i32, %arg2: memref<158720x128xf32, #tpu.memory_space<hbm>>, %arg3: memref<158720x128xf32, #tpu.memory_space<hbm>>, %arg4: memref<32x62x80xi32, #tpu.memory_space<hbm>>, %arg5: memref<32x62x80xi32, #tpu.memory_space<hbm>>, %arg6: memref<20480x128xf32, #tpu.memory_space<hbm>>, %arg7: memref<62x80xi32, #tpu.memory_space<vmem>>, %arg8: memref<80x128xf32, #tpu.memory_space<vmem>>, %arg9: memref<80x128xf32, #tpu.memory_space<vmem>>, %arg10: memref<10240x128xf32, #tpu.memory_space<vmem_shared>>, %arg11: memref<!tpu.dma_semaphore, #tpu.memory_space<semaphore_mem>>, %arg12: memref<!tpu.dma_semaphore, #tpu.memory_space<semaphore_mem>>) attributes {dimension_semantics = [#tpu.dimension_semantics<core_parallel>, #tpu.dimension_semantics<subcore_parallel>], iteration_bounds = array<i64: 2, 16>, scalar_prefetch = 0 : i64, scratch_operands = 6 : i64, tpu.core_type = #tpu.core_type<sc_vector_subcore>, window_params = [{transform_indices = #map}, {transform_indices = #map}, {transform_indices = #map1}, {transform_indices = #map1}, {transform_indices = #map}]} {
    %mul3A = arith.constant 2 : i32
    %mul3A_0 = arith.muli %arg1, %mul3A : i32
    %add3A = arith.addi %mul3A_0, %arg0 : i32
    %scan3A = arith.constant 0 : i32
    %scan3A_1 = arith.constant 0 : i32
    %scan3A_2 = arith.constant 640 : i32
    %scan3A_3 = arith.addi %scan3A_1, %scan3A_2 : i32
    %scan3A_4 = arith.constant 1 : i32
    scf.for %scan3A_45 = %scan3A_1 to %scan3A_3 step %scan3A_4  : i32 {
      %jit3A = arith.constant 8 : i32
      %div3A = arith.divsi %scan3A_45, %jit3A : i32
      %sign3A = arith.constant 0 : i32
      %sign3A_46 = arith.cmpi sgt, %scan3A_45, %sign3A : i32
      %sign3A_47 = arith.extui %sign3A_46 : i1 to i32
      %sign3A_48 = arith.constant 0 : i32
      %sign3A_49 = arith.cmpi slt, %scan3A_45, %sign3A_48 : i32
      %sign3A_50 = arith.extui %sign3A_49 : i1 to i32
      %sign3A_51 = arith.subi %sign3A_47, %sign3A_50 : i32
      %sign3A_52 = arith.constant 0 : i32
      %sign3A_53 = arith.cmpi sgt, %jit3A, %sign3A_52 : i32
      %sign3A_54 = arith.extui %sign3A_53 : i1 to i32
      %sign3A_55 = arith.constant 0 : i32
      %sign3A_56 = arith.cmpi slt, %jit3A, %sign3A_55 : i32
      %sign3A_57 = arith.extui %sign3A_56 : i1 to i32
      %sign3A_58 = arith.subi %sign3A_54, %sign3A_57 : i32
      %ne3A = arith.cmpi ne, %sign3A_51, %sign3A_58 : i32
      %rem3A = arith.remsi %scan3A_45, %jit3A : i32
      %ne3A_59 = arith.constant 0 : i32
      %ne3A_60 = arith.cmpi ne, %rem3A, %ne3A_59 : i32
      %and3A = arith.andi %ne3A, %ne3A_60 : i1
      %sub3A = arith.constant 1 : i32
      %sub3A_61 = arith.subi %div3A, %sub3A : i32
      %select_n3A = arith.select %and3A, %sub3A_61, %div3A : i32
      %jit3A_62 = arith.constant 8 : i32
      %eq3A = arith.constant 0 : i32
      %eq3A_63 = arith.cmpi eq, %jit3A_62, %eq3A : i32
      %jit3A_64 = arith.constant 1 : i32
      %select_n3A_65 = arith.select %eq3A_63, %jit3A_64, %jit3A_62 : i32
      %rem3A_66 = arith.remsi %scan3A_45, %select_n3A_65 : i32
      %ne3A_67 = arith.constant 0 : i32
      %ne3A_68 = arith.cmpi ne, %rem3A_66, %ne3A_67 : i32
      %lt3A = arith.constant 0 : i32
      %lt3A_69 = arith.cmpi slt, %rem3A_66, %lt3A : i32
      %lt3A_70 = arith.constant 0 : i32
      %lt3A_71 = arith.cmpi slt, %select_n3A_65, %lt3A_70 : i32
      %ne3A_72 = arith.xori %lt3A_69, %lt3A_71 : i1
      %and3A_73 = arith.andi %ne3A_72, %ne3A_68 : i1
      %add3A_74 = arith.addi %rem3A_66, %select_n3A_65 : i32
      %select_n3A_75 = arith.select %and3A_73, %add3A_74, %rem3A_66 : i32
      %broadcast_in_dim3A = arith.constant 0.000000e+00 : f32
      %broadcast_in_dim3A_76 = vector.broadcast %broadcast_in_dim3A : f32 to vector<16xf32>
      %mul3A_77 = arith.constant 16 : i32
      %mul3A_78 = arith.muli %select_n3A_75, %mul3A_77 : i32
      %swap3A = arith.index_cast %select_n3A : i32 to index
      %swap3A_79 = arith.index_cast %mul3A_78 : i32 to index
      %swap3A_80 = tpu.vector_load %arg8[%swap3A, %swap3A_79] {strides = array<i32>} : memref<80x128xf32, #tpu.memory_space<vmem>>, vector<1x16xf32>,
      %swap3A_81 = vector.shape_cast %swap3A_80 : vector<1x16xf32> to vector<16xf32>
      %swap3A_82 = vector.shape_cast %broadcast_in_dim3A_76 : vector<16xf32> to vector<1x16xf32>
      tpu.vector_store %arg8[%swap3A, %swap3A_79], %swap3A_82 {strides = array<i32>} : memref<80x128xf32, #tpu.memory_space<vmem>>, vector<1x16xf32>,
      %broadcast_in_dim3A_83 = arith.constant 0.000000e+00 : f32
      %broadcast_in_dim3A_84 = vector.broadcast %broadcast_in_dim3A_83 : f32 to vector<16xf32>
      %mul3A_85 = arith.constant 16 : i32
      %mul3A_86 = arith.muli %select_n3A_75, %mul3A_85 : i32
      %swap3A_87 = arith.index_cast %select_n3A : i32 to index
      %swap3A_88 = arith.index_cast %mul3A_86 : i32 to index
      %swap3A_89 = tpu.vector_load %arg9[%swap3A_87, %swap3A_88] {strides = array<i32>} : memref<80x128xf32, #tpu.memory_space<vmem>>, vector<1x16xf32>,
      %swap3A_90 = vector.shape_cast %swap3A_89 : vector<1x16xf32> to vector<16xf32>
      %swap3A_91 = vector.shape_cast %broadcast_in_dim3A_84 : vector<16xf32> to vector<1x16xf32>
      tpu.vector_store %arg9[%swap3A_87, %swap3A_88], %swap3A_91 {strides = array<i32>} : memref<80x128xf32, #tpu.memory_space<vmem>>, vector<1x16xf32>,
    }
    %scan3A_5 = arith.constant 640 : i32
    %scan3A_6 = arith.constant 0 : i32
    %scan3A_7 = arith.constant 0 : i32
    %scan3A_8 = arith.constant 4 : i32
    %scan3A_9 = arith.addi %scan3A_7, %scan3A_8 : i32
    %scan3A_10 = arith.constant 1 : i32
    scf.for %scan3A_45 = %scan3A_7 to %scan3A_9 step %scan3A_10  : i32 {
      %mul3A_46 = arith.constant 640 : i32
      %mul3A_47 = arith.muli %arg1, %mul3A_46 : i32
      %mul3A_48 = arith.constant 2 : i32
      %mul3A_49 = arith.muli %mul3A_48, %scan3A_45 : i32
      %mul3A_50 = arith.constant 80 : i32
      %mul3A_51 = arith.muli %mul3A_49, %mul3A_50 : i32
      %add3A_52 = arith.addi %mul3A_47, %mul3A_51 : i32
      "tpu.region"() ({
        %run_scoped3A = tpu.sem_alloc : memref<!tpu.dma_semaphore, #tpu.memory_space<semaphore_mem>>
        %dma_start3A_62 = arith.constant 0 : i32
        %dma_start3A_63 = tpu.memref_slice %arg10[%add3A_52, %dma_start3A_62] : memref<10240x128xf32, #tpu.memory_space<vmem_shared>> -> memref<80x128xf32, #tpu.memory_space<vmem_shared>>
        %dma_start3A_64 = arith.constant 0 : i32
        %dma_start3A_65 = tpu.memref_slice %arg10[%add3A_52, %dma_start3A_64] : memref<10240x128xf32, #tpu.memory_space<vmem_shared>> -> memref<80x128xf32, #tpu.memory_space<vmem_shared>>
        tpu.enqueue_dma source(%arg8 : memref<80x128xf32, #tpu.memory_space<vmem>>) target(%dma_start3A_65 : memref<80x128xf32, #tpu.memory_space<vmem_shared>>) target_semaphore(%run_scoped3A : memref<!tpu.dma_semaphore, #tpu.memory_space<semaphore_mem>>)
        %dma_wait3A = arith.constant 0 : i32
        %dma_wait3A_66 = tpu.memref_slice %arg10[%add3A_52, %dma_wait3A] : memref<10240x128xf32, #tpu.memory_space<vmem_shared>> -> memref<80x128xf32, #tpu.memory_space<vmem_shared>>
        %dma_wait3A_67 = arith.constant 0 : i32
        %dma_wait3A_68 = tpu.memref_slice %arg10[%add3A_52, %dma_wait3A_67] : memref<10240x128xf32, #tpu.memory_space<vmem_shared>> -> memref<80x128xf32, #tpu.memory_space<vmem_shared>>
        tpu.wait_dma2 semaphore(%run_scoped3A : memref<!tpu.dma_semaphore, #tpu.memory_space<semaphore_mem>>) src(%arg8 : memref<80x128xf32, #tpu.memory_space<vmem>>) dst(%dma_wait3A_68 : memref<80x128xf32, #tpu.memory_space<vmem_shared>>)
        tpu.yield
      }) : () -> ()
      %mul3A_53 = arith.constant 640 : i32
      %mul3A_54 = arith.muli %arg1, %mul3A_53 : i32
      %mul3A_55 = arith.constant 2 : i32
      %mul3A_56 = arith.muli %mul3A_55, %scan3A_45 : i32
      %add3A_57 = arith.constant 1 : i32
      %add3A_58 = arith.addi %mul3A_56, %add3A_57 : i32
      %mul3A_59 = arith.constant 80 : i32
      %mul3A_60 = arith.muli %add3A_58, %mul3A_59 : i32
      %add3A_61 = arith.addi %mul3A_54, %mul3A_60 : i32
      "tpu.region"() ({
        %run_scoped3A = tpu.sem_alloc : memref<!tpu.dma_semaphore, #tpu.memory_space<semaphore_mem>>
        %dma_start3A_62 = arith.constant 0 : i32
        %dma_start3A_63 = tpu.memref_slice %arg10[%add3A_61, %dma_start3A_62] : memref<10240x128xf32, #tpu.memory_space<vmem_shared>> -> memref<80x128xf32, #tpu.memory_space<vmem_shared>>
        %dma_start3A_64 = arith.constant 0 : i32
        %dma_start3A_65 = tpu.memref_slice %arg10[%add3A_61, %dma_start3A_64] : memref<10240x128xf32, #tpu.memory_space<vmem_shared>> -> memref<80x128xf32, #tpu.memory_space<vmem_shared>>
        tpu.enqueue_dma source(%arg9 : memref<80x128xf32, #tpu.memory_space<vmem>>) target(%dma_start3A_65 : memref<80x128xf32, #tpu.memory_space<vmem_shared>>) target_semaphore(%run_scoped3A : memref<!tpu.dma_semaphore, #tpu.memory_space<semaphore_mem>>)
        %dma_wait3A = arith.constant 0 : i32
        %dma_wait3A_66 = tpu.memref_slice %arg10[%add3A_61, %dma_wait3A] : memref<10240x128xf32, #tpu.memory_space<vmem_shared>> -> memref<80x128xf32, #tpu.memory_space<vmem_shared>>
        %dma_wait3A_67 = arith.constant 0 : i32
        %dma_wait3A_68 = tpu.memref_slice %arg10[%add3A_61, %dma_wait3A_67] : memref<10240x128xf32, #tpu.memory_space<vmem_shared>> -> memref<80x128xf32, #tpu.memory_space<vmem_shared>>
        tpu.wait_dma2 semaphore(%run_scoped3A : memref<!tpu.dma_semaphore, #tpu.memory_space<semaphore_mem>>) src(%arg9 : memref<80x128xf32, #tpu.memory_space<vmem>>) dst(%dma_wait3A_68 : memref<80x128xf32, #tpu.memory_space<vmem_shared>>)
        tpu.yield
      }) : () -> ()
    }
    %scan3A_11 = arith.constant 4 : i32
    %barrier3A = arith.constant 0 : index
    tpu.barrier barrier_id(%barrier3A)
    %mul3A_12 = arith.constant 4960 : i32
    %mul3A_13 = arith.muli %add3A, %mul3A_12 : i32
    "tpu.region"() ({
      %run_scoped3A = tpu.sem_alloc : memref<!tpu.dma_semaphore, #tpu.memory_space<semaphore_mem>>
      %dma_start3A_45 = arith.constant 0 : i32
      %dma_start3A_46 = arith.constant 0 : i32
      %dma_start3A_47 = tpu.memref_slice %arg4[%add3A, %dma_start3A_45, %dma_start3A_46] : memref<32x62x80xi32, #tpu.memory_space<hbm>> -> memref<1x62x80xi32, #tpu.memory_space<hbm>>
      %dma_start3A_48 = tpu.memref_squeeze %dma_start3A_47 : memref<1x62x80xi32, #tpu.memory_space<hbm>> -> memref<62x80xi32, #tpu.memory_space<hbm>>
      %dma_start3A_49 = arith.constant 0 : i32
      %dma_start3A_50 = arith.constant 0 : i32
      %dma_start3A_51 = tpu.memref_slice %arg4[%add3A, %dma_start3A_49, %dma_start3A_50] : memref<32x62x80xi32, #tpu.memory_space<hbm>> -> memref<1x62x80xi32, #tpu.memory_space<hbm>>
      %dma_start3A_52 = tpu.memref_squeeze %dma_start3A_51 : memref<1x62x80xi32, #tpu.memory_space<hbm>> -> memref<62x80xi32, #tpu.memory_space<hbm>>
      tpu.enqueue_dma source(%dma_start3A_52 : memref<62x80xi32, #tpu.memory_space<hbm>>) target(%arg7 : memref<62x80xi32, #tpu.memory_space<vmem>>) target_semaphore(%run_scoped3A : memref<!tpu.dma_semaphore, #tpu.memory_space<semaphore_mem>>)
      %dma_wait3A = arith.constant 0 : i32
      %dma_wait3A_53 = arith.constant 0 : i32
      %dma_wait3A_54 = tpu.memref_slice %arg4[%add3A, %dma_wait3A, %dma_wait3A_53] : memref<32x62x80xi32, #tpu.memory_space<hbm>> -> memref<1x62x80xi32, #tpu.memory_space<hbm>>
      %dma_wait3A_55 = tpu.memref_squeeze %dma_wait3A_54 : memref<1x62x80xi32, #tpu.memory_space<hbm>> -> memref<62x80xi32, #tpu.memory_space<hbm>>
      %dma_wait3A_56 = arith.constant 0 : i32
      %dma_wait3A_57 = arith.constant 0 : i32
      %dma_wait3A_58 = tpu.memref_slice %arg4[%add3A, %dma_wait3A_56, %dma_wait3A_57] : memref<32x62x80xi32, #tpu.memory_space<hbm>> -> memref<1x62x80xi32, #tpu.memory_space<hbm>>
      %dma_wait3A_59 = tpu.memref_squeeze %dma_wait3A_58 : memref<1x62x80xi32, #tpu.memory_space<hbm>> -> memref<62x80xi32, #tpu.memory_space<hbm>>
      tpu.wait_dma2 semaphore(%run_scoped3A : memref<!tpu.dma_semaphore, #tpu.memory_space<semaphore_mem>>) src(%dma_wait3A_59 : memref<62x80xi32, #tpu.memory_space<hbm>>) dst(%arg7 : memref<62x80xi32, #tpu.memory_space<vmem>>)
      tpu.yield
    }) : () -> ()
    %add3A_14 = arith.constant 0 : i32
    %add3A_15 = arith.addi %mul3A_13, %add3A_14 : i32
    %dma_start3A = arith.constant 0 : i32
    %dma_start3A_16 = tpu.memref_slice %arg2[%add3A_15, %dma_start3A] : memref<158720x128xf32, #tpu.memory_space<hbm>> -> memref<80x128xf32, #tpu.memory_space<hbm>>
    %dma_start3A_17 = arith.constant 0 : i32
    %dma_start3A_18 = tpu.memref_slice %arg2[%add3A_15, %dma_start3A_17] : memref<158720x128xf32, #tpu.memory_space<hbm>> -> memref<80x128xf32, #tpu.memory_space<hbm>>
    tpu.enqueue_dma source(%dma_start3A_18 : memref<80x128xf32, #tpu.memory_space<hbm>>) target(%arg8 : memref<80x128xf32, #tpu.memory_space<vmem>>) target_semaphore(%arg11 : memref<!tpu.dma_semaphore, #tpu.memory_space<semaphore_mem>>)
    %scan3A_19 = arith.constant 0 : i32
    %scan3A_20 = arith.constant 0 : i32
    %scan3A_21 = arith.constant 31 : i32
    %scan3A_22 = arith.addi %scan3A_20, %scan3A_21 : i32
    %scan3A_23 = arith.constant 1 : i32
    scf.for %scan3A_45 = %scan3A_20 to %scan3A_22 step %scan3A_23  : i32 {
      %mul3A_46 = arith.constant 2 : i32
      %mul3A_47 = arith.muli %scan3A_45, %mul3A_46 : i32
      %add3A_48 = arith.constant 0 : i32
      %add3A_49 = arith.addi %mul3A_47, %add3A_48 : i32
      %lt3A = arith.constant 62 : i32
      %lt3A_50 = arith.cmpi slt, %add3A_49, %lt3A : i32
      %convert_element_type3A = arith.extui %lt3A_50 : i1 to i32
      %cond3A = arith.constant 0 : i32
      %cond3A_51 = arith.cmpi ne, %convert_element_type3A, %cond3A : i32
      scf.if %cond3A_51 {
        %add3A_61 = arith.constant 1 : i32
        %add3A_62 = arith.addi %add3A_49, %add3A_61 : i32
        %lt3A_63 = arith.constant 62 : i32
        %lt3A_64 = arith.cmpi slt, %add3A_62, %lt3A_63 : i32
        %convert_element_type3A_65 = arith.extui %lt3A_64 : i1 to i32
        %cond3A_66 = arith.constant 0 : i32
        %cond3A_67 = arith.cmpi ne, %convert_element_type3A_65, %cond3A_66 : i32
        scf.if %cond3A_67 {
          %add3A_71 = arith.constant 1 : i32
          %add3A_72 = arith.addi %add3A_49, %add3A_71 : i32
          %mul3A_73 = arith.constant 80 : i32
          %mul3A_74 = arith.muli %add3A_72, %mul3A_73 : i32
          %add3A_75 = arith.addi %mul3A_13, %mul3A_74 : i32
          %dma_start3A_76 = arith.constant 0 : i32
          %dma_start3A_77 = tpu.memref_slice %arg2[%add3A_75, %dma_start3A_76] : memref<158720x128xf32, #tpu.memory_space<hbm>> -> memref<80x128xf32, #tpu.memory_space<hbm>>
          %dma_start3A_78 = arith.constant 0 : i32
          %dma_start3A_79 = tpu.memref_slice %arg2[%add3A_75, %dma_start3A_78] : memref<158720x128xf32, #tpu.memory_space<hbm>> -> memref<80x128xf32, #tpu.memory_space<hbm>>
          tpu.enqueue_dma source(%dma_start3A_79 : memref<80x128xf32, #tpu.memory_space<hbm>>) target(%arg9 : memref<80x128xf32, #tpu.memory_space<vmem>>) target_semaphore(%arg12 : memref<!tpu.dma_semaphore, #tpu.memory_space<semaphore_mem>>)
        } else {
        }
        %dma_wait3A = arith.constant 0 : i32
        %dma_wait3A_68 = tpu.memref_slice %arg2[%mul3A_13, %dma_wait3A] : memref<158720x128xf32, #tpu.memory_space<hbm>> -> memref<80x128xf32, #tpu.memory_space<hbm>>
        %dma_wait3A_69 = arith.constant 0 : i32
        %dma_wait3A_70 = tpu.memref_slice %arg2[%mul3A_13, %dma_wait3A_69] : memref<158720x128xf32, #tpu.memory_space<hbm>> -> memref<80x128xf32, #tpu.memory_space<hbm>>
        tpu.wait_dma2 semaphore(%arg11 : memref<!tpu.dma_semaphore, #tpu.memory_space<semaphore_mem>>) src(%dma_wait3A_70 : memref<80x128xf32, #tpu.memory_space<hbm>>) dst(%arg8 : memref<80x128xf32, #tpu.memory_space<vmem>>)
        "tpu.region"() ({
          %run_scoped3A = tpu.sem_alloc : memref<!tpu.dma_semaphore, #tpu.memory_space<semaphore_mem>>
          %dma_start3A_71 = arith.constant 0 : i32
          %dma_start3A_72 = tpu.memref_slice %arg7[%add3A_49, %dma_start3A_71] : memref<62x80xi32, #tpu.memory_space<vmem>> -> memref<1x80xi32, #tpu.memory_space<vmem>>
          %dma_start3A_73 = tpu.memref_squeeze %dma_start3A_72 : memref<1x80xi32, #tpu.memory_space<vmem>> -> memref<80xi32, #tpu.memory_space<vmem>>
          %dma_start3A_74 = arith.constant 0 : i32
          %dma_start3A_75 = arith.constant 0 : i32
          %dma_start3A_76 = tpu.memref_slice %arg10[%dma_start3A_74, %dma_start3A_75] : memref<10240x128xf32, #tpu.memory_space<vmem_shared>> -> memref<10240x128xf32, #tpu.memory_space<vmem_shared>>
          tpu.enqueue_indirect_dma source(%arg8 : memref<80x128xf32, #tpu.memory_space<vmem>>) target(%dma_start3A_76 : memref<10240x128xf32, #tpu.memory_space<vmem_shared>>) offsets(%dma_start3A_73 : memref<80xi32, #tpu.memory_space<vmem>>) semaphore(%run_scoped3A : memref<!tpu.dma_semaphore, #tpu.memory_space<semaphore_mem>>) {add = true}
          %dma_wait3A_77 = arith.constant 0 : i32
          %dma_wait3A_78 = tpu.memref_slice %arg7[%add3A_49, %dma_wait3A_77] : memref<62x80xi32, #tpu.memory_space<vmem>> -> memref<1x80xi32, #tpu.memory_space<vmem>>
          %dma_wait3A_79 = tpu.memref_squeeze %dma_wait3A_78 : memref<1x80xi32, #tpu.memory_space<vmem>> -> memref<80xi32, #tpu.memory_space<vmem>>
          %dma_wait3A_80 = arith.constant 0 : i32
          %dma_wait3A_81 = arith.constant 0 : i32
          %dma_wait3A_82 = tpu.memref_slice %arg10[%dma_wait3A_80, %dma_wait3A_81] : memref<10240x128xf32, #tpu.memory_space<vmem_shared>> -> memref<10240x128xf32, #tpu.memory_space<vmem_shared>>
          tpu.wait_indirect_dma semaphore(%run_scoped3A : memref<!tpu.dma_semaphore, #tpu.memory_space<semaphore_mem>>) src(%arg8 : memref<80x128xf32, #tpu.memory_space<vmem>>) dst(%dma_wait3A_82 : memref<10240x128xf32, #tpu.memory_space<vmem_shared>>)
          tpu.yield
        }) : () -> ()
      } else {
      }
      %mul3A_52 = arith.constant 2 : i32
      %mul3A_53 = arith.muli %scan3A_45, %mul3A_52 : i32
      %add3A_54 = arith.constant 1 : i32
      %add3A_55 = arith.addi %mul3A_53, %add3A_54 : i32
      %lt3A_56 = arith.constant 62 : i32
      %lt3A_57 = arith.cmpi slt, %add3A_55, %lt3A_56 : i32
      %convert_element_type3A_58 = arith.extui %lt3A_57 : i1 to i32
      %cond3A_59 = arith.constant 0 : i32
      %cond3A_60 = arith.cmpi ne, %convert_element_type3A_58, %cond3A_59 : i32
      scf.if %cond3A_60 {
        %add3A_61 = arith.constant 1 : i32
        %add3A_62 = arith.addi %add3A_55, %add3A_61 : i32
        %lt3A_63 = arith.constant 62 : i32
        %lt3A_64 = arith.cmpi slt, %add3A_62, %lt3A_63 : i32
        %convert_element_type3A_65 = arith.extui %lt3A_64 : i1 to i32
        %cond3A_66 = arith.constant 0 : i32
        %cond3A_67 = arith.cmpi ne, %convert_element_type3A_65, %cond3A_66 : i32
        scf.if %cond3A_67 {
          %add3A_71 = arith.constant 1 : i32
          %add3A_72 = arith.addi %add3A_55, %add3A_71 : i32
          %mul3A_73 = arith.constant 80 : i32
          %mul3A_74 = arith.muli %add3A_72, %mul3A_73 : i32
          %add3A_75 = arith.addi %mul3A_13, %mul3A_74 : i32
          %dma_start3A_76 = arith.constant 0 : i32
          %dma_start3A_77 = tpu.memref_slice %arg2[%add3A_75, %dma_start3A_76] : memref<158720x128xf32, #tpu.memory_space<hbm>> -> memref<80x128xf32, #tpu.memory_space<hbm>>
          %dma_start3A_78 = arith.constant 0 : i32
          %dma_start3A_79 = tpu.memref_slice %arg2[%add3A_75, %dma_start3A_78] : memref<158720x128xf32, #tpu.memory_space<hbm>> -> memref<80x128xf32, #tpu.memory_space<hbm>>
          tpu.enqueue_dma source(%dma_start3A_79 : memref<80x128xf32, #tpu.memory_space<hbm>>) target(%arg8 : memref<80x128xf32, #tpu.memory_space<vmem>>) target_semaphore(%arg11 : memref<!tpu.dma_semaphore, #tpu.memory_space<semaphore_mem>>)
        } else {
        }
        %dma_wait3A = arith.constant 0 : i32
        %dma_wait3A_68 = tpu.memref_slice %arg2[%mul3A_13, %dma_wait3A] : memref<158720x128xf32, #tpu.memory_space<hbm>> -> memref<80x128xf32, #tpu.memory_space<hbm>>
        %dma_wait3A_69 = arith.constant 0 : i32
        %dma_wait3A_70 = tpu.memref_slice %arg2[%mul3A_13, %dma_wait3A_69] : memref<158720x128xf32, #tpu.memory_space<hbm>> -> memref<80x128xf32, #tpu.memory_space<hbm>>
        tpu.wait_dma2 semaphore(%arg12 : memref<!tpu.dma_semaphore, #tpu.memory_space<semaphore_mem>>) src(%dma_wait3A_70 : memref<80x128xf32, #tpu.memory_space<hbm>>) dst(%arg9 : memref<80x128xf32, #tpu.memory_space<vmem>>)
        "tpu.region"() ({
          %run_scoped3A = tpu.sem_alloc : memref<!tpu.dma_semaphore, #tpu.memory_space<semaphore_mem>>
          %dma_start3A_71 = arith.constant 0 : i32
          %dma_start3A_72 = tpu.memref_slice %arg7[%add3A_55, %dma_start3A_71] : memref<62x80xi32, #tpu.memory_space<vmem>> -> memref<1x80xi32, #tpu.memory_space<vmem>>
          %dma_start3A_73 = tpu.memref_squeeze %dma_start3A_72 : memref<1x80xi32, #tpu.memory_space<vmem>> -> memref<80xi32, #tpu.memory_space<vmem>>
          %dma_start3A_74 = arith.constant 0 : i32
          %dma_start3A_75 = arith.constant 0 : i32
          %dma_start3A_76 = tpu.memref_slice %arg10[%dma_start3A_74, %dma_start3A_75] : memref<10240x128xf32, #tpu.memory_space<vmem_shared>> -> memref<10240x128xf32, #tpu.memory_space<vmem_shared>>
          tpu.enqueue_indirect_dma source(%arg9 : memref<80x128xf32, #tpu.memory_space<vmem>>) target(%dma_start3A_76 : memref<10240x128xf32, #tpu.memory_space<vmem_shared>>) offsets(%dma_start3A_73 : memref<80xi32, #tpu.memory_space<vmem>>) semaphore(%run_scoped3A : memref<!tpu.dma_semaphore, #tpu.memory_space<semaphore_mem>>) {add = true}
          %dma_wait3A_77 = arith.constant 0 : i32
          %dma_wait3A_78 = tpu.memref_slice %arg7[%add3A_55, %dma_wait3A_77] : memref<62x80xi32, #tpu.memory_space<vmem>> -> memref<1x80xi32, #tpu.memory_space<vmem>>
          %dma_wait3A_79 = tpu.memref_squeeze %dma_wait3A_78 : memref<1x80xi32, #tpu.memory_space<vmem>> -> memref<80xi32, #tpu.memory_space<vmem>>
          %dma_wait3A_80 = arith.constant 0 : i32
          %dma_wait3A_81 = arith.constant 0 : i32
          %dma_wait3A_82 = tpu.memref_slice %arg10[%dma_wait3A_80, %dma_wait3A_81] : memref<10240x128xf32, #tpu.memory_space<vmem_shared>> -> memref<10240x128xf32, #tpu.memory_space<vmem_shared>>
          tpu.wait_indirect_dma semaphore(%run_scoped3A : memref<!tpu.dma_semaphore, #tpu.memory_space<semaphore_mem>>) src(%arg9 : memref<80x128xf32, #tpu.memory_space<vmem>>) dst(%dma_wait3A_82 : memref<10240x128xf32, #tpu.memory_space<vmem_shared>>)
          tpu.yield
        }) : () -> ()
      } else {
      }
    }
    %scan3A_24 = arith.constant 31 : i32
    "tpu.region"() ({
      %run_scoped3A = tpu.sem_alloc : memref<!tpu.dma_semaphore, #tpu.memory_space<semaphore_mem>>
      %dma_start3A_45 = arith.constant 0 : i32
      %dma_start3A_46 = arith.constant 0 : i32
      %dma_start3A_47 = tpu.memref_slice %arg5[%add3A, %dma_start3A_45, %dma_start3A_46] : memref<32x62x80xi32, #tpu.memory_space<hbm>> -> memref<1x62x80xi32, #tpu.memory_space<hbm>>
      %dma_start3A_48 = tpu.memref_squeeze %dma_start3A_47 : memref<1x62x80xi32, #tpu.memory_space<hbm>> -> memref<62x80xi32, #tpu.memory_space<hbm>>
      %dma_start3A_49 = arith.constant 0 : i32
      %dma_start3A_50 = arith.constant 0 : i32
      %dma_start3A_51 = tpu.memref_slice %arg5[%add3A, %dma_start3A_49, %dma_start3A_50] : memref<32x62x80xi32, #tpu.memory_space<hbm>> -> memref<1x62x80xi32, #tpu.memory_space<hbm>>
      %dma_start3A_52 = tpu.memref_squeeze %dma_start3A_51 : memref<1x62x80xi32, #tpu.memory_space<hbm>> -> memref<62x80xi32, #tpu.memory_space<hbm>>
      tpu.enqueue_dma source(%dma_start3A_52 : memref<62x80xi32, #tpu.memory_space<hbm>>) target(%arg7 : memref<62x80xi32, #tpu.memory_space<vmem>>) target_semaphore(%run_scoped3A : memref<!tpu.dma_semaphore, #tpu.memory_space<semaphore_mem>>)
      %dma_wait3A = arith.constant 0 : i32
      %dma_wait3A_53 = arith.constant 0 : i32
      %dma_wait3A_54 = tpu.memref_slice %arg5[%add3A, %dma_wait3A, %dma_wait3A_53] : memref<32x62x80xi32, #tpu.memory_space<hbm>> -> memref<1x62x80xi32, #tpu.memory_space<hbm>>
      %dma_wait3A_55 = tpu.memref_squeeze %dma_wait3A_54 : memref<1x62x80xi32, #tpu.memory_space<hbm>> -> memref<62x80xi32, #tpu.memory_space<hbm>>
      %dma_wait3A_56 = arith.constant 0 : i32
      %dma_wait3A_57 = arith.constant 0 : i32
      %dma_wait3A_58 = tpu.memref_slice %arg5[%add3A, %dma_wait3A_56, %dma_wait3A_57] : memref<32x62x80xi32, #tpu.memory_space<hbm>> -> memref<1x62x80xi32, #tpu.memory_space<hbm>>
      %dma_wait3A_59 = tpu.memref_squeeze %dma_wait3A_58 : memref<1x62x80xi32, #tpu.memory_space<hbm>> -> memref<62x80xi32, #tpu.memory_space<hbm>>
      tpu.wait_dma2 semaphore(%run_scoped3A : memref<!tpu.dma_semaphore, #tpu.memory_space<semaphore_mem>>) src(%dma_wait3A_59 : memref<62x80xi32, #tpu.memory_space<hbm>>) dst(%arg7 : memref<62x80xi32, #tpu.memory_space<vmem>>)
      tpu.yield
    }) : () -> ()
    %add3A_25 = arith.constant 0 : i32
    %add3A_26 = arith.addi %mul3A_13, %add3A_25 : i32
    %dma_start3A_27 = arith.constant 0 : i32
    %dma_start3A_28 = tpu.memref_slice %arg3[%add3A_26, %dma_start3A_27] : memref<158720x128xf32, #tpu.memory_space<hbm>> -> memref<80x128xf32, #tpu.memory_space<hbm>>
    %dma_start3A_29 = arith.constant 0 : i32
    %dma_start3A_30 = tpu.memref_slice %arg3[%add3A_26, %dma_start3A_29] : memref<158720x128xf32, #tpu.memory_space<hbm>> -> memref<80x128xf32, #tpu.memory_space<hbm>>
    tpu.enqueue_dma source(%dma_start3A_30 : memref<80x128xf32, #tpu.memory_space<hbm>>) target(%arg8 : memref<80x128xf32, #tpu.memory_space<vmem>>) target_semaphore(%arg11 : memref<!tpu.dma_semaphore, #tpu.memory_space<semaphore_mem>>)
    %scan3A_31 = arith.constant 0 : i32
    %scan3A_32 = arith.constant 0 : i32
    %scan3A_33 = arith.constant 31 : i32
    %scan3A_34 = arith.addi %scan3A_32, %scan3A_33 : i32
    %scan3A_35 = arith.constant 1 : i32
    scf.for %scan3A_45 = %scan3A_32 to %scan3A_34 step %scan3A_35  : i32 {
      %mul3A_46 = arith.constant 2 : i32
      %mul3A_47 = arith.muli %scan3A_45, %mul3A_46 : i32
      %add3A_48 = arith.constant 0 : i32
      %add3A_49 = arith.addi %mul3A_47, %add3A_48 : i32
      %lt3A = arith.constant 62 : i32
      %lt3A_50 = arith.cmpi slt, %add3A_49, %lt3A : i32
      %convert_element_type3A = arith.extui %lt3A_50 : i1 to i32
      %cond3A = arith.constant 0 : i32
      %cond3A_51 = arith.cmpi ne, %convert_element_type3A, %cond3A : i32
      scf.if %cond3A_51 {
        %add3A_61 = arith.constant 1 : i32
        %add3A_62 = arith.addi %add3A_49, %add3A_61 : i32
        %lt3A_63 = arith.constant 62 : i32
        %lt3A_64 = arith.cmpi slt, %add3A_62, %lt3A_63 : i32
        %convert_element_type3A_65 = arith.extui %lt3A_64 : i1 to i32
        %cond3A_66 = arith.constant 0 : i32
        %cond3A_67 = arith.cmpi ne, %convert_element_type3A_65, %cond3A_66 : i32
        scf.if %cond3A_67 {
          %add3A_71 = arith.constant 1 : i32
          %add3A_72 = arith.addi %add3A_49, %add3A_71 : i32
          %mul3A_73 = arith.constant 80 : i32
          %mul3A_74 = arith.muli %add3A_72, %mul3A_73 : i32
          %add3A_75 = arith.addi %mul3A_13, %mul3A_74 : i32
          %dma_start3A_76 = arith.constant 0 : i32
          %dma_start3A_77 = tpu.memref_slice %arg3[%add3A_75, %dma_start3A_76] : memref<158720x128xf32, #tpu.memory_space<hbm>> -> memref<80x128xf32, #tpu.memory_space<hbm>>
          %dma_start3A_78 = arith.constant 0 : i32
          %dma_start3A_79 = tpu.memref_slice %arg3[%add3A_75, %dma_start3A_78] : memref<158720x128xf32, #tpu.memory_space<hbm>> -> memref<80x128xf32, #tpu.memory_space<hbm>>
          tpu.enqueue_dma source(%dma_start3A_79 : memref<80x128xf32, #tpu.memory_space<hbm>>) target(%arg9 : memref<80x128xf32, #tpu.memory_space<vmem>>) target_semaphore(%arg12 : memref<!tpu.dma_semaphore, #tpu.memory_space<semaphore_mem>>)
        } else {
        }
        %dma_wait3A = arith.constant 0 : i32
        %dma_wait3A_68 = tpu.memref_slice %arg3[%mul3A_13, %dma_wait3A] : memref<158720x128xf32, #tpu.memory_space<hbm>> -> memref<80x128xf32, #tpu.memory_space<hbm>>
        %dma_wait3A_69 = arith.constant 0 : i32
        %dma_wait3A_70 = tpu.memref_slice %arg3[%mul3A_13, %dma_wait3A_69] : memref<158720x128xf32, #tpu.memory_space<hbm>> -> memref<80x128xf32, #tpu.memory_space<hbm>>
        tpu.wait_dma2 semaphore(%arg11 : memref<!tpu.dma_semaphore, #tpu.memory_space<semaphore_mem>>) src(%dma_wait3A_70 : memref<80x128xf32, #tpu.memory_space<hbm>>) dst(%arg8 : memref<80x128xf32, #tpu.memory_space<vmem>>)
        "tpu.region"() ({
          %run_scoped3A = tpu.sem_alloc : memref<!tpu.dma_semaphore, #tpu.memory_space<semaphore_mem>>
          %dma_start3A_71 = arith.constant 0 : i32
          %dma_start3A_72 = tpu.memref_slice %arg7[%add3A_49, %dma_start3A_71] : memref<62x80xi32, #tpu.memory_space<vmem>> -> memref<1x80xi32, #tpu.memory_space<vmem>>
          %dma_start3A_73 = tpu.memref_squeeze %dma_start3A_72 : memref<1x80xi32, #tpu.memory_space<vmem>> -> memref<80xi32, #tpu.memory_space<vmem>>
          %dma_start3A_74 = arith.constant 0 : i32
          %dma_start3A_75 = arith.constant 0 : i32
          %dma_start3A_76 = tpu.memref_slice %arg10[%dma_start3A_74, %dma_start3A_75] : memref<10240x128xf32, #tpu.memory_space<vmem_shared>> -> memref<10240x128xf32, #tpu.memory_space<vmem_shared>>
          tpu.enqueue_indirect_dma source(%arg8 : memref<80x128xf32, #tpu.memory_space<vmem>>) target(%dma_start3A_76 : memref<10240x128xf32, #tpu.memory_space<vmem_shared>>) offsets(%dma_start3A_73 : memref<80xi32, #tpu.memory_space<vmem>>) semaphore(%run_scoped3A : memref<!tpu.dma_semaphore, #tpu.memory_space<semaphore_mem>>) {add = true}
          %dma_wait3A_77 = arith.constant 0 : i32
          %dma_wait3A_78 = tpu.memref_slice %arg7[%add3A_49, %dma_wait3A_77] : memref<62x80xi32, #tpu.memory_space<vmem>> -> memref<1x80xi32, #tpu.memory_space<vmem>>
          %dma_wait3A_79 = tpu.memref_squeeze %dma_wait3A_78 : memref<1x80xi32, #tpu.memory_space<vmem>> -> memref<80xi32, #tpu.memory_space<vmem>>
          %dma_wait3A_80 = arith.constant 0 : i32
          %dma_wait3A_81 = arith.constant 0 : i32
          %dma_wait3A_82 = tpu.memref_slice %arg10[%dma_wait3A_80, %dma_wait3A_81] : memref<10240x128xf32, #tpu.memory_space<vmem_shared>> -> memref<10240x128xf32, #tpu.memory_space<vmem_shared>>
          tpu.wait_indirect_dma semaphore(%run_scoped3A : memref<!tpu.dma_semaphore, #tpu.memory_space<semaphore_mem>>) src(%arg8 : memref<80x128xf32, #tpu.memory_space<vmem>>) dst(%dma_wait3A_82 : memref<10240x128xf32, #tpu.memory_space<vmem_shared>>)
          tpu.yield
        }) : () -> ()
      } else {
      }
      %mul3A_52 = arith.constant 2 : i32
      %mul3A_53 = arith.muli %scan3A_45, %mul3A_52 : i32
      %add3A_54 = arith.constant 1 : i32
      %add3A_55 = arith.addi %mul3A_53, %add3A_54 : i32
      %lt3A_56 = arith.constant 62 : i32
      %lt3A_57 = arith.cmpi slt, %add3A_55, %lt3A_56 : i32
      %convert_element_type3A_58 = arith.extui %lt3A_57 : i1 to i32
      %cond3A_59 = arith.constant 0 : i32
      %cond3A_60 = arith.cmpi ne, %convert_element_type3A_58, %cond3A_59 : i32
      scf.if %cond3A_60 {
        %add3A_61 = arith.constant 1 : i32
        %add3A_62 = arith.addi %add3A_55, %add3A_61 : i32
        %lt3A_63 = arith.constant 62 : i32
        %lt3A_64 = arith.cmpi slt, %add3A_62, %lt3A_63 : i32
        %convert_element_type3A_65 = arith.extui %lt3A_64 : i1 to i32
        %cond3A_66 = arith.constant 0 : i32
        %cond3A_67 = arith.cmpi ne, %convert_element_type3A_65, %cond3A_66 : i32
        scf.if %cond3A_67 {
          %add3A_71 = arith.constant 1 : i32
          %add3A_72 = arith.addi %add3A_55, %add3A_71 : i32
          %mul3A_73 = arith.constant 80 : i32
          %mul3A_74 = arith.muli %add3A_72, %mul3A_73 : i32
          %add3A_75 = arith.addi %mul3A_13, %mul3A_74 : i32
          %dma_start3A_76 = arith.constant 0 : i32
          %dma_start3A_77 = tpu.memref_slice %arg3[%add3A_75, %dma_start3A_76] : memref<158720x128xf32, #tpu.memory_space<hbm>> -> memref<80x128xf32, #tpu.memory_space<hbm>>
          %dma_start3A_78 = arith.constant 0 : i32
          %dma_start3A_79 = tpu.memref_slice %arg3[%add3A_75, %dma_start3A_78] : memref<158720x128xf32, #tpu.memory_space<hbm>> -> memref<80x128xf32, #tpu.memory_space<hbm>>
          tpu.enqueue_dma source(%dma_start3A_79 : memref<80x128xf32, #tpu.memory_space<hbm>>) target(%arg8 : memref<80x128xf32, #tpu.memory_space<vmem>>) target_semaphore(%arg11 : memref<!tpu.dma_semaphore, #tpu.memory_space<semaphore_mem>>)
        } else {
        }
        %dma_wait3A = arith.constant 0 : i32
        %dma_wait3A_68 = tpu.memref_slice %arg3[%mul3A_13, %dma_wait3A] : memref<158720x128xf32, #tpu.memory_space<hbm>> -> memref<80x128xf32, #tpu.memory_space<hbm>>
        %dma_wait3A_69 = arith.constant 0 : i32
        %dma_wait3A_70 = tpu.memref_slice %arg3[%mul3A_13, %dma_wait3A_69] : memref<158720x128xf32, #tpu.memory_space<hbm>> -> memref<80x128xf32, #tpu.memory_space<hbm>>
        tpu.wait_dma2 semaphore(%arg12 : memref<!tpu.dma_semaphore, #tpu.memory_space<semaphore_mem>>) src(%dma_wait3A_70 : memref<80x128xf32, #tpu.memory_space<hbm>>) dst(%arg9 : memref<80x128xf32, #tpu.memory_space<vmem>>)
        "tpu.region"() ({
          %run_scoped3A = tpu.sem_alloc : memref<!tpu.dma_semaphore, #tpu.memory_space<semaphore_mem>>
          %dma_start3A_71 = arith.constant 0 : i32
          %dma_start3A_72 = tpu.memref_slice %arg7[%add3A_55, %dma_start3A_71] : memref<62x80xi32, #tpu.memory_space<vmem>> -> memref<1x80xi32, #tpu.memory_space<vmem>>
          %dma_start3A_73 = tpu.memref_squeeze %dma_start3A_72 : memref<1x80xi32, #tpu.memory_space<vmem>> -> memref<80xi32, #tpu.memory_space<vmem>>
          %dma_start3A_74 = arith.constant 0 : i32
          %dma_start3A_75 = arith.constant 0 : i32
          %dma_start3A_76 = tpu.memref_slice %arg10[%dma_start3A_74, %dma_start3A_75] : memref<10240x128xf32, #tpu.memory_space<vmem_shared>> -> memref<10240x128xf32, #tpu.memory_space<vmem_shared>>
          tpu.enqueue_indirect_dma source(%arg9 : memref<80x128xf32, #tpu.memory_space<vmem>>) target(%dma_start3A_76 : memref<10240x128xf32, #tpu.memory_space<vmem_shared>>) offsets(%dma_start3A_73 : memref<80xi32, #tpu.memory_space<vmem>>) semaphore(%run_scoped3A : memref<!tpu.dma_semaphore, #tpu.memory_space<semaphore_mem>>) {add = true}
          %dma_wait3A_77 = arith.constant 0 : i32
          %dma_wait3A_78 = tpu.memref_slice %arg7[%add3A_55, %dma_wait3A_77] : memref<62x80xi32, #tpu.memory_space<vmem>> -> memref<1x80xi32, #tpu.memory_space<vmem>>
          %dma_wait3A_79 = tpu.memref_squeeze %dma_wait3A_78 : memref<1x80xi32, #tpu.memory_space<vmem>> -> memref<80xi32, #tpu.memory_space<vmem>>
          %dma_wait3A_80 = arith.constant 0 : i32
          %dma_wait3A_81 = arith.constant 0 : i32
          %dma_wait3A_82 = tpu.memref_slice %arg10[%dma_wait3A_80, %dma_wait3A_81] : memref<10240x128xf32, #tpu.memory_space<vmem_shared>> -> memref<10240x128xf32, #tpu.memory_space<vmem_shared>>
          tpu.wait_indirect_dma semaphore(%run_scoped3A : memref<!tpu.dma_semaphore, #tpu.memory_space<semaphore_mem>>) src(%arg9 : memref<80x128xf32, #tpu.memory_space<vmem>>) dst(%dma_wait3A_82 : memref<10240x128xf32, #tpu.memory_space<vmem_shared>>)
          tpu.yield
        }) : () -> ()
      } else {
      }
    }
    %scan3A_36 = arith.constant 31 : i32
    %barrier3A_37 = arith.constant 0 : index
    tpu.barrier barrier_id(%barrier3A_37)
    %mul3A_38 = arith.constant 640 : i32
    %mul3A_39 = arith.muli %arg1, %mul3A_38 : i32
    %mul3A_40 = arith.constant 10240 : i32
    %mul3A_41 = arith.muli %arg0, %mul3A_40 : i32
    %mul3A_42 = arith.constant 640 : i32
    %mul3A_43 = arith.muli %arg1, %mul3A_42 : i32
    %add3A_44 = arith.addi %mul3A_41, %mul3A_43 : i32
    "tpu.region"() ({
      %run_scoped3A = tpu.sem_alloc : memref<!tpu.dma_semaphore, #tpu.memory_space<semaphore_mem>>
      %dma_start3A_45 = arith.constant 0 : i32
      %dma_start3A_46 = tpu.memref_slice %arg6[%add3A_44, %dma_start3A_45] : memref<20480x128xf32, #tpu.memory_space<hbm>> -> memref<640x128xf32, #tpu.memory_space<hbm>>
      %dma_start3A_47 = arith.constant 0 : i32
      %dma_start3A_48 = tpu.memref_slice %arg10[%mul3A_39, %dma_start3A_47] : memref<10240x128xf32, #tpu.memory_space<vmem_shared>> -> memref<640x128xf32, #tpu.memory_space<vmem_shared>>
      tpu.enqueue_dma source(%dma_start3A_48 : memref<640x128xf32, #tpu.memory_space<vmem_shared>>) target(%dma_start3A_46 : memref<640x128xf32, #tpu.memory_space<hbm>>) target_semaphore(%run_scoped3A : memref<!tpu.dma_semaphore, #tpu.memory_space<semaphore_mem>>)
      %dma_wait3A = arith.constant 0 : i32
      %dma_wait3A_49 = tpu.memref_slice %arg6[%add3A_44, %dma_wait3A] : memref<20480x128xf32, #tpu.memory_space<hbm>> -> memref<640x128xf32, #tpu.memory_space<hbm>>
      %dma_wait3A_50 = arith.constant 0 : i32
      %dma_wait3A_51 = tpu.memref_slice %arg10[%mul3A_39, %dma_wait3A_50] : memref<10240x128xf32, #tpu.memory_space<vmem_shared>> -> memref<640x128xf32, #tpu.memory_space<vmem_shared>>
      tpu.wait_dma2 semaphore(%run_scoped3A : memref<!tpu.dma_semaphore, #tpu.memory_space<semaphore_mem>>) src(%dma_wait3A_51 : memref<640x128xf32, #tpu.memory_space<vmem_shared>>) dst(%dma_wait3A_49 : memref<640x128xf32, #tpu.memory_space<hbm>>)
      tpu.yield
    }) : () -> ()
    return
  }
}

#map = affine_map<(d0, d1) -> (0, 0)>
#map1 = affine_map<(d0, d1) -> (0, 0, 0)>
module attributes {stable_mosaic.version = 14 : i64} {
  func.func @_gather_body(%arg0: i32, %arg1: i32, %arg2: memref<10000x128xf32, #tpu.memory_space<hbm>>, %arg3: memref<32x63x80xi32, #tpu.memory_space<hbm>>, %arg4: memref<32x63x80xi32, #tpu.memory_space<hbm>>, %arg5: memref<161280x128xf32, #tpu.memory_space<hbm>>, %arg6: memref<63x80xi32, #tpu.memory_space<vmem>>, %arg7: memref<63x80xi32, #tpu.memory_space<vmem>>, %arg8: memref<80x128xf32, #tpu.memory_space<vmem>>, %arg9: memref<80x128xf32, #tpu.memory_space<vmem>>, %arg10: memref<80x128xf32, #tpu.memory_space<vmem>>, %arg11: memref<80x128xf32, #tpu.memory_space<vmem>>, %arg12: memref<80x128xf32, #tpu.memory_space<vmem>>, %arg13: memref<80x128xf32, #tpu.memory_space<vmem>>, %arg14: memref<!tpu.dma_semaphore, #tpu.memory_space<semaphore_mem>>, %arg15: memref<!tpu.dma_semaphore, #tpu.memory_space<semaphore_mem>>, %arg16: memref<!tpu.dma_semaphore, #tpu.memory_space<semaphore_mem>>, %arg17: memref<!tpu.dma_semaphore, #tpu.memory_space<semaphore_mem>>, %arg18: memref<!tpu.dma_semaphore, #tpu.memory_space<semaphore_mem>>, %arg19: memref<!tpu.dma_semaphore, #tpu.memory_space<semaphore_mem>>) attributes {dimension_semantics = [#tpu.dimension_semantics<core_parallel>, #tpu.dimension_semantics<subcore_parallel>], iteration_bounds = array<i64: 2, 16>, scalar_prefetch = 0 : i64, scratch_operands = 14 : i64, tpu.core_type = #tpu.core_type<sc_vector_subcore>, window_params = [{transform_indices = #map}, {transform_indices = #map1}, {transform_indices = #map1}, {transform_indices = #map}]} {
    %mul3A = arith.constant 2 : i32
    %mul3A_0 = arith.muli %arg1, %mul3A : i32
    %add3A = arith.addi %mul3A_0, %arg0 : i32
    "tpu.region"() ({
      %run_scoped3A = tpu.sem_alloc : memref<!tpu.dma_semaphore, #tpu.memory_space<semaphore_mem>>
      %dma_start3A_32 = arith.constant 0 : i32
      %dma_start3A_33 = arith.constant 0 : i32
      %dma_start3A_34 = tpu.memref_slice %arg3[%add3A, %dma_start3A_32, %dma_start3A_33] : memref<32x63x80xi32, #tpu.memory_space<hbm>> -> memref<1x63x80xi32, #tpu.memory_space<hbm>>
      %dma_start3A_35 = tpu.memref_squeeze %dma_start3A_34 : memref<1x63x80xi32, #tpu.memory_space<hbm>> -> memref<63x80xi32, #tpu.memory_space<hbm>>
      %dma_start3A_36 = arith.constant 0 : i32
      %dma_start3A_37 = arith.constant 0 : i32
      %dma_start3A_38 = tpu.memref_slice %arg3[%add3A, %dma_start3A_36, %dma_start3A_37] : memref<32x63x80xi32, #tpu.memory_space<hbm>> -> memref<1x63x80xi32, #tpu.memory_space<hbm>>
      %dma_start3A_39 = tpu.memref_squeeze %dma_start3A_38 : memref<1x63x80xi32, #tpu.memory_space<hbm>> -> memref<63x80xi32, #tpu.memory_space<hbm>>
      tpu.enqueue_dma source(%dma_start3A_39 : memref<63x80xi32, #tpu.memory_space<hbm>>) target(%arg6 : memref<63x80xi32, #tpu.memory_space<vmem>>) target_semaphore(%run_scoped3A : memref<!tpu.dma_semaphore, #tpu.memory_space<semaphore_mem>>)
      %dma_wait3A_40 = arith.constant 0 : i32
      %dma_wait3A_41 = arith.constant 0 : i32
      %dma_wait3A_42 = tpu.memref_slice %arg3[%add3A, %dma_wait3A_40, %dma_wait3A_41] : memref<32x63x80xi32, #tpu.memory_space<hbm>> -> memref<1x63x80xi32, #tpu.memory_space<hbm>>
      %dma_wait3A_43 = tpu.memref_squeeze %dma_wait3A_42 : memref<1x63x80xi32, #tpu.memory_space<hbm>> -> memref<63x80xi32, #tpu.memory_space<hbm>>
      %dma_wait3A_44 = arith.constant 0 : i32
      %dma_wait3A_45 = arith.constant 0 : i32
      %dma_wait3A_46 = tpu.memref_slice %arg3[%add3A, %dma_wait3A_44, %dma_wait3A_45] : memref<32x63x80xi32, #tpu.memory_space<hbm>> -> memref<1x63x80xi32, #tpu.memory_space<hbm>>
      %dma_wait3A_47 = tpu.memref_squeeze %dma_wait3A_46 : memref<1x63x80xi32, #tpu.memory_space<hbm>> -> memref<63x80xi32, #tpu.memory_space<hbm>>
      tpu.wait_dma2 semaphore(%run_scoped3A : memref<!tpu.dma_semaphore, #tpu.memory_space<semaphore_mem>>) src(%dma_wait3A_47 : memref<63x80xi32, #tpu.memory_space<hbm>>) dst(%arg6 : memref<63x80xi32, #tpu.memory_space<vmem>>)
      tpu.yield
    }) : () -> ()
    "tpu.region"() ({
      %run_scoped3A = tpu.sem_alloc : memref<!tpu.dma_semaphore, #tpu.memory_space<semaphore_mem>>
      %dma_start3A_32 = arith.constant 0 : i32
      %dma_start3A_33 = arith.constant 0 : i32
      %dma_start3A_34 = tpu.memref_slice %arg4[%add3A, %dma_start3A_32, %dma_start3A_33] : memref<32x63x80xi32, #tpu.memory_space<hbm>> -> memref<1x63x80xi32, #tpu.memory_space<hbm>>
      %dma_start3A_35 = tpu.memref_squeeze %dma_start3A_34 : memref<1x63x80xi32, #tpu.memory_space<hbm>> -> memref<63x80xi32, #tpu.memory_space<hbm>>
      %dma_start3A_36 = arith.constant 0 : i32
      %dma_start3A_37 = arith.constant 0 : i32
      %dma_start3A_38 = tpu.memref_slice %arg4[%add3A, %dma_start3A_36, %dma_start3A_37] : memref<32x63x80xi32, #tpu.memory_space<hbm>> -> memref<1x63x80xi32, #tpu.memory_space<hbm>>
      %dma_start3A_39 = tpu.memref_squeeze %dma_start3A_38 : memref<1x63x80xi32, #tpu.memory_space<hbm>> -> memref<63x80xi32, #tpu.memory_space<hbm>>
      tpu.enqueue_dma source(%dma_start3A_39 : memref<63x80xi32, #tpu.memory_space<hbm>>) target(%arg7 : memref<63x80xi32, #tpu.memory_space<vmem>>) target_semaphore(%run_scoped3A : memref<!tpu.dma_semaphore, #tpu.memory_space<semaphore_mem>>)
      %dma_wait3A_40 = arith.constant 0 : i32
      %dma_wait3A_41 = arith.constant 0 : i32
      %dma_wait3A_42 = tpu.memref_slice %arg4[%add3A, %dma_wait3A_40, %dma_wait3A_41] : memref<32x63x80xi32, #tpu.memory_space<hbm>> -> memref<1x63x80xi32, #tpu.memory_space<hbm>>
      %dma_wait3A_43 = tpu.memref_squeeze %dma_wait3A_42 : memref<1x63x80xi32, #tpu.memory_space<hbm>> -> memref<63x80xi32, #tpu.memory_space<hbm>>
      %dma_wait3A_44 = arith.constant 0 : i32
      %dma_wait3A_45 = arith.constant 0 : i32
      %dma_wait3A_46 = tpu.memref_slice %arg4[%add3A, %dma_wait3A_44, %dma_wait3A_45] : memref<32x63x80xi32, #tpu.memory_space<hbm>> -> memref<1x63x80xi32, #tpu.memory_space<hbm>>
      %dma_wait3A_47 = tpu.memref_squeeze %dma_wait3A_46 : memref<1x63x80xi32, #tpu.memory_space<hbm>> -> memref<63x80xi32, #tpu.memory_space<hbm>>
      tpu.wait_dma2 semaphore(%run_scoped3A : memref<!tpu.dma_semaphore, #tpu.memory_space<semaphore_mem>>) src(%dma_wait3A_47 : memref<63x80xi32, #tpu.memory_space<hbm>>) dst(%arg7 : memref<63x80xi32, #tpu.memory_space<vmem>>)
      tpu.yield
    }) : () -> ()
    %mul3A_1 = arith.constant 5040 : i32
    %mul3A_2 = arith.muli %add3A, %mul3A_1 : i32
    %dma_start3A = arith.constant 0 : i32
    %dma_start3A_3 = arith.constant 0 : i32
    %dma_start3A_4 = tpu.memref_slice %arg6[%dma_start3A, %dma_start3A_3] : memref<63x80xi32, #tpu.memory_space<vmem>> -> memref<1x80xi32, #tpu.memory_space<vmem>>
    %dma_start3A_5 = tpu.memref_squeeze %dma_start3A_4 : memref<1x80xi32, #tpu.memory_space<vmem>> -> memref<80xi32, #tpu.memory_space<vmem>>
    %dma_start3A_6 = arith.constant 0 : i32
    %dma_start3A_7 = arith.constant 0 : i32
    %dma_start3A_8 = tpu.memref_slice %arg2[%dma_start3A_6, %dma_start3A_7] : memref<10000x128xf32, #tpu.memory_space<hbm>> -> memref<10000x128xf32, #tpu.memory_space<hbm>>
    tpu.enqueue_indirect_dma source(%dma_start3A_8 : memref<10000x128xf32, #tpu.memory_space<hbm>>) target(%arg8 : memref<80x128xf32, #tpu.memory_space<vmem>>) offsets(%dma_start3A_5 : memref<80xi32, #tpu.memory_space<vmem>>) semaphore(%arg14 : memref<!tpu.dma_semaphore, #tpu.memory_space<semaphore_mem>>)
    %dma_start3A_9 = arith.constant 0 : i32
    %dma_start3A_10 = arith.constant 0 : i32
    %dma_start3A_11 = tpu.memref_slice %arg7[%dma_start3A_9, %dma_start3A_10] : memref<63x80xi32, #tpu.memory_space<vmem>> -> memref<1x80xi32, #tpu.memory_space<vmem>>
    %dma_start3A_12 = tpu.memref_squeeze %dma_start3A_11 : memref<1x80xi32, #tpu.memory_space<vmem>> -> memref<80xi32, #tpu.memory_space<vmem>>
    %dma_start3A_13 = arith.constant 0 : i32
    %dma_start3A_14 = arith.constant 0 : i32
    %dma_start3A_15 = tpu.memref_slice %arg2[%dma_start3A_13, %dma_start3A_14] : memref<10000x128xf32, #tpu.memory_space<hbm>> -> memref<10000x128xf32, #tpu.memory_space<hbm>>
    tpu.enqueue_indirect_dma source(%dma_start3A_15 : memref<10000x128xf32, #tpu.memory_space<hbm>>) target(%arg10 : memref<80x128xf32, #tpu.memory_space<vmem>>) offsets(%dma_start3A_12 : memref<80xi32, #tpu.memory_space<vmem>>) semaphore(%arg16 : memref<!tpu.dma_semaphore, #tpu.memory_space<semaphore_mem>>)
    %scan3A = arith.constant 0 : i32
    %scan3A_16 = arith.constant 0 : i32
    %scan3A_17 = arith.constant 32 : i32
    %scan3A_18 = arith.addi %scan3A_16, %scan3A_17 : i32
    %scan3A_19 = arith.constant 1 : i32
    scf.for %scan3A_32 = %scan3A_16 to %scan3A_18 step %scan3A_19  : i32 {
      %mul3A_33 = arith.constant 2 : i32
      %mul3A_34 = arith.muli %scan3A_32, %mul3A_33 : i32
      %add3A_35 = arith.constant 0 : i32
      %add3A_36 = arith.addi %mul3A_34, %add3A_35 : i32
      %lt3A = arith.constant 63 : i32
      %lt3A_37 = arith.cmpi slt, %add3A_36, %lt3A : i32
      %convert_element_type3A = arith.extui %lt3A_37 : i1 to i32
      %cond3A = arith.constant 0 : i32
      %cond3A_38 = arith.cmpi ne, %convert_element_type3A, %cond3A : i32
      scf.if %cond3A_38 {
        %add3A_48 = arith.constant 1 : i32
        %add3A_49 = arith.addi %add3A_36, %add3A_48 : i32
        %lt3A_50 = arith.constant 63 : i32
        %lt3A_51 = arith.cmpi slt, %add3A_49, %lt3A_50 : i32
        %convert_element_type3A_52 = arith.extui %lt3A_51 : i1 to i32
        %cond3A_53 = arith.constant 0 : i32
        %cond3A_54 = arith.cmpi ne, %convert_element_type3A_52, %cond3A_53 : i32
        scf.if %cond3A_54 {
          %add3A_86 = arith.constant 1 : i32
          %add3A_87 = arith.addi %add3A_36, %add3A_86 : i32
          %dma_start3A_88 = arith.constant 0 : i32
          %dma_start3A_89 = tpu.memref_slice %arg6[%add3A_87, %dma_start3A_88] : memref<63x80xi32, #tpu.memory_space<vmem>> -> memref<1x80xi32, #tpu.memory_space<vmem>>
          %dma_start3A_90 = tpu.memref_squeeze %dma_start3A_89 : memref<1x80xi32, #tpu.memory_space<vmem>> -> memref<80xi32, #tpu.memory_space<vmem>>
          %dma_start3A_91 = arith.constant 0 : i32
          %dma_start3A_92 = arith.constant 0 : i32
          %dma_start3A_93 = tpu.memref_slice %arg2[%dma_start3A_91, %dma_start3A_92] : memref<10000x128xf32, #tpu.memory_space<hbm>> -> memref<10000x128xf32, #tpu.memory_space<hbm>>
          tpu.enqueue_indirect_dma source(%dma_start3A_93 : memref<10000x128xf32, #tpu.memory_space<hbm>>) target(%arg9 : memref<80x128xf32, #tpu.memory_space<vmem>>) offsets(%dma_start3A_90 : memref<80xi32, #tpu.memory_space<vmem>>) semaphore(%arg15 : memref<!tpu.dma_semaphore, #tpu.memory_space<semaphore_mem>>)
          %dma_start3A_94 = arith.constant 0 : i32
          %dma_start3A_95 = tpu.memref_slice %arg7[%add3A_87, %dma_start3A_94] : memref<63x80xi32, #tpu.memory_space<vmem>> -> memref<1x80xi32, #tpu.memory_space<vmem>>
          %dma_start3A_96 = tpu.memref_squeeze %dma_start3A_95 : memref<1x80xi32, #tpu.memory_space<vmem>> -> memref<80xi32, #tpu.memory_space<vmem>>
          %dma_start3A_97 = arith.constant 0 : i32
          %dma_start3A_98 = arith.constant 0 : i32
          %dma_start3A_99 = tpu.memref_slice %arg2[%dma_start3A_97, %dma_start3A_98] : memref<10000x128xf32, #tpu.memory_space<hbm>> -> memref<10000x128xf32, #tpu.memory_space<hbm>>
          tpu.enqueue_indirect_dma source(%dma_start3A_99 : memref<10000x128xf32, #tpu.memory_space<hbm>>) target(%arg11 : memref<80x128xf32, #tpu.memory_space<vmem>>) offsets(%dma_start3A_96 : memref<80xi32, #tpu.memory_space<vmem>>) semaphore(%arg17 : memref<!tpu.dma_semaphore, #tpu.memory_space<semaphore_mem>>)
        } else {
        }
        %dma_wait3A_55 = arith.constant 0 : i32
        %dma_wait3A_56 = arith.constant 0 : i32
        %dma_wait3A_57 = tpu.memref_slice %arg6[%dma_wait3A_55, %dma_wait3A_56] : memref<63x80xi32, #tpu.memory_space<vmem>> -> memref<1x80xi32, #tpu.memory_space<vmem>>
        %dma_wait3A_58 = tpu.memref_squeeze %dma_wait3A_57 : memref<1x80xi32, #tpu.memory_space<vmem>> -> memref<80xi32, #tpu.memory_space<vmem>>
        %dma_wait3A_59 = arith.constant 0 : i32
        %dma_wait3A_60 = arith.constant 0 : i32
        %dma_wait3A_61 = tpu.memref_slice %arg2[%dma_wait3A_59, %dma_wait3A_60] : memref<10000x128xf32, #tpu.memory_space<hbm>> -> memref<10000x128xf32, #tpu.memory_space<hbm>>
        tpu.wait_indirect_dma semaphore(%arg14 : memref<!tpu.dma_semaphore, #tpu.memory_space<semaphore_mem>>) src(%dma_wait3A_61 : memref<10000x128xf32, #tpu.memory_space<hbm>>) dst(%arg8 : memref<80x128xf32, #tpu.memory_space<vmem>>)
        %dma_wait3A_62 = arith.constant 0 : i32
        %dma_wait3A_63 = arith.constant 0 : i32
        %dma_wait3A_64 = tpu.memref_slice %arg7[%dma_wait3A_62, %dma_wait3A_63] : memref<63x80xi32, #tpu.memory_space<vmem>> -> memref<1x80xi32, #tpu.memory_space<vmem>>
        %dma_wait3A_65 = tpu.memref_squeeze %dma_wait3A_64 : memref<1x80xi32, #tpu.memory_space<vmem>> -> memref<80xi32, #tpu.memory_space<vmem>>
        %dma_wait3A_66 = arith.constant 0 : i32
        %dma_wait3A_67 = arith.constant 0 : i32
        %dma_wait3A_68 = tpu.memref_slice %arg2[%dma_wait3A_66, %dma_wait3A_67] : memref<10000x128xf32, #tpu.memory_space<hbm>> -> memref<10000x128xf32, #tpu.memory_space<hbm>>
        tpu.wait_indirect_dma semaphore(%arg16 : memref<!tpu.dma_semaphore, #tpu.memory_space<semaphore_mem>>) src(%dma_wait3A_68 : memref<10000x128xf32, #tpu.memory_space<hbm>>) dst(%arg10 : memref<80x128xf32, #tpu.memory_space<vmem>>)
        %ge3A = arith.constant 2 : i32
        %ge3A_69 = arith.cmpi sge, %add3A_36, %ge3A : i32
        %convert_element_type3A_70 = arith.extui %ge3A_69 : i1 to i32
        %cond3A_71 = arith.constant 0 : i32
        %cond3A_72 = arith.cmpi ne, %convert_element_type3A_70, %cond3A_71 : i32
        scf.if %cond3A_72 {
          %add3A_86 = arith.constant 0 : i32
          %add3A_87 = arith.addi %mul3A_2, %add3A_86 : i32
          %dma_wait3A_88 = arith.constant 0 : i32
          %dma_wait3A_89 = tpu.memref_slice %arg5[%add3A_87, %dma_wait3A_88] : memref<161280x128xf32, #tpu.memory_space<hbm>> -> memref<80x128xf32, #tpu.memory_space<hbm>>
          %dma_wait3A_90 = arith.constant 0 : i32
          %dma_wait3A_91 = tpu.memref_slice %arg5[%add3A_87, %dma_wait3A_90] : memref<161280x128xf32, #tpu.memory_space<hbm>> -> memref<80x128xf32, #tpu.memory_space<hbm>>
          tpu.wait_dma2 semaphore(%arg18 : memref<!tpu.dma_semaphore, #tpu.memory_space<semaphore_mem>>) src(%arg12 : memref<80x128xf32, #tpu.memory_space<vmem>>) dst(%dma_wait3A_91 : memref<80x128xf32, #tpu.memory_space<hbm>>)
        } else {
        }
        %scan3A_73 = arith.constant 0 : i32
        %scan3A_74 = arith.constant 0 : i32
        %scan3A_75 = arith.constant 80 : i32
        %scan3A_76 = arith.addi %scan3A_74, %scan3A_75 : i32
        %scan3A_77 = arith.constant 1 : i32
        scf.for %scan3A_86 = %scan3A_74 to %scan3A_76 step %scan3A_77  : i32 {
          %get3A = arith.index_cast %scan3A_86 : i32 to index
          %get3A_87 = arith.constant 0 : index
          %get3A_88 = tpu.vector_load %arg8[%get3A, %get3A_87] {strides = array<i32>} : memref<80x128xf32, #tpu.memory_space<vmem>>, vector<1x16xf32>,
          %get3A_89 = vector.shape_cast %get3A_88 : vector<1x16xf32> to vector<16xf32>
          %get3A_90 = arith.index_cast %scan3A_86 : i32 to index
          %get3A_91 = arith.constant 64 : index
          %get3A_92 = tpu.vector_load %arg10[%get3A_90, %get3A_91] {strides = array<i32>} : memref<80x128xf32, #tpu.memory_space<vmem>>, vector<1x16xf32>,
          %get3A_93 = vector.shape_cast %get3A_92 : vector<1x16xf32> to vector<16xf32>
          %add3A_94 = arith.addf %get3A_89, %get3A_93 : vector<16xf32>
          %swap3A = arith.index_cast %scan3A_86 : i32 to index
          %swap3A_95 = arith.constant 0 : index
          %swap3A_96 = tpu.vector_load %arg12[%swap3A, %swap3A_95] {strides = array<i32>} : memref<80x128xf32, #tpu.memory_space<vmem>>, vector<1x16xf32>,
          %swap3A_97 = vector.shape_cast %swap3A_96 : vector<1x16xf32> to vector<16xf32>
          %swap3A_98 = vector.shape_cast %add3A_94 : vector<16xf32> to vector<1x16xf32>
          tpu.vector_store %arg12[%swap3A, %swap3A_95], %swap3A_98 {strides = array<i32>} : memref<80x128xf32, #tpu.memory_space<vmem>>, vector<1x16xf32>,
          %get3A_99 = arith.index_cast %scan3A_86 : i32 to index
          %get3A_100 = arith.constant 16 : index
          %get3A_101 = tpu.vector_load %arg8[%get3A_99, %get3A_100] {strides = array<i32>} : memref<80x128xf32, #tpu.memory_space<vmem>>, vector<1x16xf32>,
          %get3A_102 = vector.shape_cast %get3A_101 : vector<1x16xf32> to vector<16xf32>
          %get3A_103 = arith.index_cast %scan3A_86 : i32 to index
          %get3A_104 = arith.constant 80 : index
          %get3A_105 = tpu.vector_load %arg10[%get3A_103, %get3A_104] {strides = array<i32>} : memref<80x128xf32, #tpu.memory_space<vmem>>, vector<1x16xf32>,
          %get3A_106 = vector.shape_cast %get3A_105 : vector<1x16xf32> to vector<16xf32>
          %add3A_107 = arith.addf %get3A_102, %get3A_106 : vector<16xf32>
          %swap3A_108 = arith.index_cast %scan3A_86 : i32 to index
          %swap3A_109 = arith.constant 16 : index
          %swap3A_110 = tpu.vector_load %arg12[%swap3A_108, %swap3A_109] {strides = array<i32>} : memref<80x128xf32, #tpu.memory_space<vmem>>, vector<1x16xf32>,
          %swap3A_111 = vector.shape_cast %swap3A_110 : vector<1x16xf32> to vector<16xf32>
          %swap3A_112 = vector.shape_cast %add3A_107 : vector<16xf32> to vector<1x16xf32>
          tpu.vector_store %arg12[%swap3A_108, %swap3A_109], %swap3A_112 {strides = array<i32>} : memref<80x128xf32, #tpu.memory_space<vmem>>, vector<1x16xf32>,
          %get3A_113 = arith.index_cast %scan3A_86 : i32 to index
          %get3A_114 = arith.constant 32 : index
          %get3A_115 = tpu.vector_load %arg8[%get3A_113, %get3A_114] {strides = array<i32>} : memref<80x128xf32, #tpu.memory_space<vmem>>, vector<1x16xf32>,
          %get3A_116 = vector.shape_cast %get3A_115 : vector<1x16xf32> to vector<16xf32>
          %get3A_117 = arith.index_cast %scan3A_86 : i32 to index
          %get3A_118 = arith.constant 96 : index
          %get3A_119 = tpu.vector_load %arg10[%get3A_117, %get3A_118] {strides = array<i32>} : memref<80x128xf32, #tpu.memory_space<vmem>>, vector<1x16xf32>,
          %get3A_120 = vector.shape_cast %get3A_119 : vector<1x16xf32> to vector<16xf32>
          %add3A_121 = arith.addf %get3A_116, %get3A_120 : vector<16xf32>
          %swap3A_122 = arith.index_cast %scan3A_86 : i32 to index
          %swap3A_123 = arith.constant 32 : index
          %swap3A_124 = tpu.vector_load %arg12[%swap3A_122, %swap3A_123] {strides = array<i32>} : memref<80x128xf32, #tpu.memory_space<vmem>>, vector<1x16xf32>,
          %swap3A_125 = vector.shape_cast %swap3A_124 : vector<1x16xf32> to vector<16xf32>
          %swap3A_126 = vector.shape_cast %add3A_121 : vector<16xf32> to vector<1x16xf32>
          tpu.vector_store %arg12[%swap3A_122, %swap3A_123], %swap3A_126 {strides = array<i32>} : memref<80x128xf32, #tpu.memory_space<vmem>>, vector<1x16xf32>,
          %get3A_127 = arith.index_cast %scan3A_86 : i32 to index
          %get3A_128 = arith.constant 48 : index
          %get3A_129 = tpu.vector_load %arg8[%get3A_127, %get3A_128] {strides = array<i32>} : memref<80x128xf32, #tpu.memory_space<vmem>>, vector<1x16xf32>,
          %get3A_130 = vector.shape_cast %get3A_129 : vector<1x16xf32> to vector<16xf32>
          %get3A_131 = arith.index_cast %scan3A_86 : i32 to index
          %get3A_132 = arith.constant 112 : index
          %get3A_133 = tpu.vector_load %arg10[%get3A_131, %get3A_132] {strides = array<i32>} : memref<80x128xf32, #tpu.memory_space<vmem>>, vector<1x16xf32>,
          %get3A_134 = vector.shape_cast %get3A_133 : vector<1x16xf32> to vector<16xf32>
          %add3A_135 = arith.addf %get3A_130, %get3A_134 : vector<16xf32>
          %swap3A_136 = arith.index_cast %scan3A_86 : i32 to index
          %swap3A_137 = arith.constant 48 : index
          %swap3A_138 = tpu.vector_load %arg12[%swap3A_136, %swap3A_137] {strides = array<i32>} : memref<80x128xf32, #tpu.memory_space<vmem>>, vector<1x16xf32>,
          %swap3A_139 = vector.shape_cast %swap3A_138 : vector<1x16xf32> to vector<16xf32>
          %swap3A_140 = vector.shape_cast %add3A_135 : vector<16xf32> to vector<1x16xf32>
          tpu.vector_store %arg12[%swap3A_136, %swap3A_137], %swap3A_140 {strides = array<i32>} : memref<80x128xf32, #tpu.memory_space<vmem>>, vector<1x16xf32>,
          %get3A_141 = arith.index_cast %scan3A_86 : i32 to index
          %get3A_142 = arith.constant 64 : index
          %get3A_143 = tpu.vector_load %arg8[%get3A_141, %get3A_142] {strides = array<i32>} : memref<80x128xf32, #tpu.memory_space<vmem>>, vector<1x16xf32>,
          %get3A_144 = vector.shape_cast %get3A_143 : vector<1x16xf32> to vector<16xf32>
          %get3A_145 = arith.index_cast %scan3A_86 : i32 to index
          %get3A_146 = arith.constant 0 : index
          %get3A_147 = tpu.vector_load %arg10[%get3A_145, %get3A_146] {strides = array<i32>} : memref<80x128xf32, #tpu.memory_space<vmem>>, vector<1x16xf32>,
          %get3A_148 = vector.shape_cast %get3A_147 : vector<1x16xf32> to vector<16xf32>
          %add3A_149 = arith.addf %get3A_144, %get3A_148 : vector<16xf32>
          %swap3A_150 = arith.index_cast %scan3A_86 : i32 to index
          %swap3A_151 = arith.constant 64 : index
          %swap3A_152 = tpu.vector_load %arg12[%swap3A_150, %swap3A_151] {strides = array<i32>} : memref<80x128xf32, #tpu.memory_space<vmem>>, vector<1x16xf32>,
          %swap3A_153 = vector.shape_cast %swap3A_152 : vector<1x16xf32> to vector<16xf32>
          %swap3A_154 = vector.shape_cast %add3A_149 : vector<16xf32> to vector<1x16xf32>
          tpu.vector_store %arg12[%swap3A_150, %swap3A_151], %swap3A_154 {strides = array<i32>} : memref<80x128xf32, #tpu.memory_space<vmem>>, vector<1x16xf32>,
          %get3A_155 = arith.index_cast %scan3A_86 : i32 to index
          %get3A_156 = arith.constant 80 : index
          %get3A_157 = tpu.vector_load %arg8[%get3A_155, %get3A_156] {strides = array<i32>} : memref<80x128xf32, #tpu.memory_space<vmem>>, vector<1x16xf32>,
          %get3A_158 = vector.shape_cast %get3A_157 : vector<1x16xf32> to vector<16xf32>
          %get3A_159 = arith.index_cast %scan3A_86 : i32 to index
          %get3A_160 = arith.constant 16 : index
          %get3A_161 = tpu.vector_load %arg10[%get3A_159, %get3A_160] {strides = array<i32>} : memref<80x128xf32, #tpu.memory_space<vmem>>, vector<1x16xf32>,
          %get3A_162 = vector.shape_cast %get3A_161 : vector<1x16xf32> to vector<16xf32>
          %add3A_163 = arith.addf %get3A_158, %get3A_162 : vector<16xf32>
          %swap3A_164 = arith.index_cast %scan3A_86 : i32 to index
          %swap3A_165 = arith.constant 80 : index
          %swap3A_166 = tpu.vector_load %arg12[%swap3A_164, %swap3A_165] {strides = array<i32>} : memref<80x128xf32, #tpu.memory_space<vmem>>, vector<1x16xf32>,
          %swap3A_167 = vector.shape_cast %swap3A_166 : vector<1x16xf32> to vector<16xf32>
          %swap3A_168 = vector.shape_cast %add3A_163 : vector<16xf32> to vector<1x16xf32>
          tpu.vector_store %arg12[%swap3A_164, %swap3A_165], %swap3A_168 {strides = array<i32>} : memref<80x128xf32, #tpu.memory_space<vmem>>, vector<1x16xf32>,
          %get3A_169 = arith.index_cast %scan3A_86 : i32 to index
          %get3A_170 = arith.constant 96 : index
          %get3A_171 = tpu.vector_load %arg8[%get3A_169, %get3A_170] {strides = array<i32>} : memref<80x128xf32, #tpu.memory_space<vmem>>, vector<1x16xf32>,
          %get3A_172 = vector.shape_cast %get3A_171 : vector<1x16xf32> to vector<16xf32>
          %get3A_173 = arith.index_cast %scan3A_86 : i32 to index
          %get3A_174 = arith.constant 32 : index
          %get3A_175 = tpu.vector_load %arg10[%get3A_173, %get3A_174] {strides = array<i32>} : memref<80x128xf32, #tpu.memory_space<vmem>>, vector<1x16xf32>,
          %get3A_176 = vector.shape_cast %get3A_175 : vector<1x16xf32> to vector<16xf32>
          %add3A_177 = arith.addf %get3A_172, %get3A_176 : vector<16xf32>
          %swap3A_178 = arith.index_cast %scan3A_86 : i32 to index
          %swap3A_179 = arith.constant 96 : index
          %swap3A_180 = tpu.vector_load %arg12[%swap3A_178, %swap3A_179] {strides = array<i32>} : memref<80x128xf32, #tpu.memory_space<vmem>>, vector<1x16xf32>,
          %swap3A_181 = vector.shape_cast %swap3A_180 : vector<1x16xf32> to vector<16xf32>
          %swap3A_182 = vector.shape_cast %add3A_177 : vector<16xf32> to vector<1x16xf32>
          tpu.vector_store %arg12[%swap3A_178, %swap3A_179], %swap3A_182 {strides = array<i32>} : memref<80x128xf32, #tpu.memory_space<vmem>>, vector<1x16xf32>,
          %get3A_183 = arith.index_cast %scan3A_86 : i32 to index
          %get3A_184 = arith.constant 112 : index
          %get3A_185 = tpu.vector_load %arg8[%get3A_183, %get3A_184] {strides = array<i32>} : memref<80x128xf32, #tpu.memory_space<vmem>>, vector<1x16xf32>,
          %get3A_186 = vector.shape_cast %get3A_185 : vector<1x16xf32> to vector<16xf32>
          %get3A_187 = arith.index_cast %scan3A_86 : i32 to index
          %get3A_188 = arith.constant 48 : index
          %get3A_189 = tpu.vector_load %arg10[%get3A_187, %get3A_188] {strides = array<i32>} : memref<80x128xf32, #tpu.memory_space<vmem>>, vector<1x16xf32>,
          %get3A_190 = vector.shape_cast %get3A_189 : vector<1x16xf32> to vector<16xf32>
          %add3A_191 = arith.addf %get3A_186, %get3A_190 : vector<16xf32>
          %swap3A_192 = arith.index_cast %scan3A_86 : i32 to index
          %swap3A_193 = arith.constant 112 : index
          %swap3A_194 = tpu.vector_load %arg12[%swap3A_192, %swap3A_193] {strides = array<i32>} : memref<80x128xf32, #tpu.memory_space<vmem>>, vector<1x16xf32>,
          %swap3A_195 = vector.shape_cast %swap3A_194 : vector<1x16xf32> to vector<16xf32>
          %swap3A_196 = vector.shape_cast %add3A_191 : vector<16xf32> to vector<1x16xf32>
          tpu.vector_store %arg12[%swap3A_192, %swap3A_193], %swap3A_196 {strides = array<i32>} : memref<80x128xf32, #tpu.memory_space<vmem>>, vector<1x16xf32>,
        }
        %scan3A_78 = arith.constant 80 : i32
        %mul3A_79 = arith.constant 80 : i32
        %mul3A_80 = arith.muli %add3A_36, %mul3A_79 : i32
        %add3A_81 = arith.addi %mul3A_2, %mul3A_80 : i32
        %dma_start3A_82 = arith.constant 0 : i32
        %dma_start3A_83 = tpu.memref_slice %arg5[%add3A_81, %dma_start3A_82] : memref<161280x128xf32, #tpu.memory_space<hbm>> -> memref<80x128xf32, #tpu.memory_space<hbm>>
        %dma_start3A_84 = arith.constant 0 : i32
        %dma_start3A_85 = tpu.memref_slice %arg5[%add3A_81, %dma_start3A_84] : memref<161280x128xf32, #tpu.memory_space<hbm>> -> memref<80x128xf32, #tpu.memory_space<hbm>>
        tpu.enqueue_dma source(%arg12 : memref<80x128xf32, #tpu.memory_space<vmem>>) target(%dma_start3A_85 : memref<80x128xf32, #tpu.memory_space<hbm>>) target_semaphore(%arg18 : memref<!tpu.dma_semaphore, #tpu.memory_space<semaphore_mem>>)
      } else {
      }
      %mul3A_39 = arith.constant 2 : i32
      %mul3A_40 = arith.muli %scan3A_32, %mul3A_39 : i32
      %add3A_41 = arith.constant 1 : i32
      %add3A_42 = arith.addi %mul3A_40, %add3A_41 : i32
      %lt3A_43 = arith.constant 63 : i32
      %lt3A_44 = arith.cmpi slt, %add3A_42, %lt3A_43 : i32
      %convert_element_type3A_45 = arith.extui %lt3A_44 : i1 to i32
      %cond3A_46 = arith.constant 0 : i32
      %cond3A_47 = arith.cmpi ne, %convert_element_type3A_45, %cond3A_46 : i32
      scf.if %cond3A_47 {
        %add3A_48 = arith.constant 1 : i32
        %add3A_49 = arith.addi %add3A_42, %add3A_48 : i32
        %lt3A_50 = arith.constant 63 : i32
        %lt3A_51 = arith.cmpi slt, %add3A_49, %lt3A_50 : i32
        %convert_element_type3A_52 = arith.extui %lt3A_51 : i1 to i32
        %cond3A_53 = arith.constant 0 : i32
        %cond3A_54 = arith.cmpi ne, %convert_element_type3A_52, %cond3A_53 : i32
        scf.if %cond3A_54 {
          %add3A_86 = arith.constant 1 : i32
          %add3A_87 = arith.addi %add3A_42, %add3A_86 : i32
          %dma_start3A_88 = arith.constant 0 : i32
          %dma_start3A_89 = tpu.memref_slice %arg6[%add3A_87, %dma_start3A_88] : memref<63x80xi32, #tpu.memory_space<vmem>> -> memref<1x80xi32, #tpu.memory_space<vmem>>
          %dma_start3A_90 = tpu.memref_squeeze %dma_start3A_89 : memref<1x80xi32, #tpu.memory_space<vmem>> -> memref<80xi32, #tpu.memory_space<vmem>>
          %dma_start3A_91 = arith.constant 0 : i32
          %dma_start3A_92 = arith.constant 0 : i32
          %dma_start3A_93 = tpu.memref_slice %arg2[%dma_start3A_91, %dma_start3A_92] : memref<10000x128xf32, #tpu.memory_space<hbm>> -> memref<10000x128xf32, #tpu.memory_space<hbm>>
          tpu.enqueue_indirect_dma source(%dma_start3A_93 : memref<10000x128xf32, #tpu.memory_space<hbm>>) target(%arg8 : memref<80x128xf32, #tpu.memory_space<vmem>>) offsets(%dma_start3A_90 : memref<80xi32, #tpu.memory_space<vmem>>) semaphore(%arg14 : memref<!tpu.dma_semaphore, #tpu.memory_space<semaphore_mem>>)
          %dma_start3A_94 = arith.constant 0 : i32
          %dma_start3A_95 = tpu.memref_slice %arg7[%add3A_87, %dma_start3A_94] : memref<63x80xi32, #tpu.memory_space<vmem>> -> memref<1x80xi32, #tpu.memory_space<vmem>>
          %dma_start3A_96 = tpu.memref_squeeze %dma_start3A_95 : memref<1x80xi32, #tpu.memory_space<vmem>> -> memref<80xi32, #tpu.memory_space<vmem>>
          %dma_start3A_97 = arith.constant 0 : i32
          %dma_start3A_98 = arith.constant 0 : i32
          %dma_start3A_99 = tpu.memref_slice %arg2[%dma_start3A_97, %dma_start3A_98] : memref<10000x128xf32, #tpu.memory_space<hbm>> -> memref<10000x128xf32, #tpu.memory_space<hbm>>
          tpu.enqueue_indirect_dma source(%dma_start3A_99 : memref<10000x128xf32, #tpu.memory_space<hbm>>) target(%arg10 : memref<80x128xf32, #tpu.memory_space<vmem>>) offsets(%dma_start3A_96 : memref<80xi32, #tpu.memory_space<vmem>>) semaphore(%arg16 : memref<!tpu.dma_semaphore, #tpu.memory_space<semaphore_mem>>)
        } else {
        }
        %dma_wait3A_55 = arith.constant 0 : i32
        %dma_wait3A_56 = arith.constant 0 : i32
        %dma_wait3A_57 = tpu.memref_slice %arg6[%dma_wait3A_55, %dma_wait3A_56] : memref<63x80xi32, #tpu.memory_space<vmem>> -> memref<1x80xi32, #tpu.memory_space<vmem>>
        %dma_wait3A_58 = tpu.memref_squeeze %dma_wait3A_57 : memref<1x80xi32, #tpu.memory_space<vmem>> -> memref<80xi32, #tpu.memory_space<vmem>>
        %dma_wait3A_59 = arith.constant 0 : i32
        %dma_wait3A_60 = arith.constant 0 : i32
        %dma_wait3A_61 = tpu.memref_slice %arg2[%dma_wait3A_59, %dma_wait3A_60] : memref<10000x128xf32, #tpu.memory_space<hbm>> -> memref<10000x128xf32, #tpu.memory_space<hbm>>
        tpu.wait_indirect_dma semaphore(%arg15 : memref<!tpu.dma_semaphore, #tpu.memory_space<semaphore_mem>>) src(%dma_wait3A_61 : memref<10000x128xf32, #tpu.memory_space<hbm>>) dst(%arg9 : memref<80x128xf32, #tpu.memory_space<vmem>>)
        %dma_wait3A_62 = arith.constant 0 : i32
        %dma_wait3A_63 = arith.constant 0 : i32
        %dma_wait3A_64 = tpu.memref_slice %arg7[%dma_wait3A_62, %dma_wait3A_63] : memref<63x80xi32, #tpu.memory_space<vmem>> -> memref<1x80xi32, #tpu.memory_space<vmem>>
        %dma_wait3A_65 = tpu.memref_squeeze %dma_wait3A_64 : memref<1x80xi32, #tpu.memory_space<vmem>> -> memref<80xi32, #tpu.memory_space<vmem>>
        %dma_wait3A_66 = arith.constant 0 : i32
        %dma_wait3A_67 = arith.constant 0 : i32
        %dma_wait3A_68 = tpu.memref_slice %arg2[%dma_wait3A_66, %dma_wait3A_67] : memref<10000x128xf32, #tpu.memory_space<hbm>> -> memref<10000x128xf32, #tpu.memory_space<hbm>>
        tpu.wait_indirect_dma semaphore(%arg17 : memref<!tpu.dma_semaphore, #tpu.memory_space<semaphore_mem>>) src(%dma_wait3A_68 : memref<10000x128xf32, #tpu.memory_space<hbm>>) dst(%arg11 : memref<80x128xf32, #tpu.memory_space<vmem>>)
        %ge3A = arith.constant 2 : i32
        %ge3A_69 = arith.cmpi sge, %add3A_42, %ge3A : i32
        %convert_element_type3A_70 = arith.extui %ge3A_69 : i1 to i32
        %cond3A_71 = arith.constant 0 : i32
        %cond3A_72 = arith.cmpi ne, %convert_element_type3A_70, %cond3A_71 : i32
        scf.if %cond3A_72 {
          %add3A_86 = arith.constant 0 : i32
          %add3A_87 = arith.addi %mul3A_2, %add3A_86 : i32
          %dma_wait3A_88 = arith.constant 0 : i32
          %dma_wait3A_89 = tpu.memref_slice %arg5[%add3A_87, %dma_wait3A_88] : memref<161280x128xf32, #tpu.memory_space<hbm>> -> memref<80x128xf32, #tpu.memory_space<hbm>>
          %dma_wait3A_90 = arith.constant 0 : i32
          %dma_wait3A_91 = tpu.memref_slice %arg5[%add3A_87, %dma_wait3A_90] : memref<161280x128xf32, #tpu.memory_space<hbm>> -> memref<80x128xf32, #tpu.memory_space<hbm>>
          tpu.wait_dma2 semaphore(%arg19 : memref<!tpu.dma_semaphore, #tpu.memory_space<semaphore_mem>>) src(%arg13 : memref<80x128xf32, #tpu.memory_space<vmem>>) dst(%dma_wait3A_91 : memref<80x128xf32, #tpu.memory_space<hbm>>)
        } else {
        }
        %scan3A_73 = arith.constant 0 : i32
        %scan3A_74 = arith.constant 0 : i32
        %scan3A_75 = arith.constant 80 : i32
        %scan3A_76 = arith.addi %scan3A_74, %scan3A_75 : i32
        %scan3A_77 = arith.constant 1 : i32
        scf.for %scan3A_86 = %scan3A_74 to %scan3A_76 step %scan3A_77  : i32 {
          %get3A = arith.index_cast %scan3A_86 : i32 to index
          %get3A_87 = arith.constant 0 : index
          %get3A_88 = tpu.vector_load %arg9[%get3A, %get3A_87] {strides = array<i32>} : memref<80x128xf32, #tpu.memory_space<vmem>>, vector<1x16xf32>,
          %get3A_89 = vector.shape_cast %get3A_88 : vector<1x16xf32> to vector<16xf32>
          %get3A_90 = arith.index_cast %scan3A_86 : i32 to index
          %get3A_91 = arith.constant 64 : index
          %get3A_92 = tpu.vector_load %arg11[%get3A_90, %get3A_91] {strides = array<i32>} : memref<80x128xf32, #tpu.memory_space<vmem>>, vector<1x16xf32>,
          %get3A_93 = vector.shape_cast %get3A_92 : vector<1x16xf32> to vector<16xf32>
          %add3A_94 = arith.addf %get3A_89, %get3A_93 : vector<16xf32>
          %swap3A = arith.index_cast %scan3A_86 : i32 to index
          %swap3A_95 = arith.constant 0 : index
          %swap3A_96 = tpu.vector_load %arg13[%swap3A, %swap3A_95] {strides = array<i32>} : memref<80x128xf32, #tpu.memory_space<vmem>>, vector<1x16xf32>,
          %swap3A_97 = vector.shape_cast %swap3A_96 : vector<1x16xf32> to vector<16xf32>
          %swap3A_98 = vector.shape_cast %add3A_94 : vector<16xf32> to vector<1x16xf32>
          tpu.vector_store %arg13[%swap3A, %swap3A_95], %swap3A_98 {strides = array<i32>} : memref<80x128xf32, #tpu.memory_space<vmem>>, vector<1x16xf32>,
          %get3A_99 = arith.index_cast %scan3A_86 : i32 to index
          %get3A_100 = arith.constant 16 : index
          %get3A_101 = tpu.vector_load %arg9[%get3A_99, %get3A_100] {strides = array<i32>} : memref<80x128xf32, #tpu.memory_space<vmem>>, vector<1x16xf32>,
          %get3A_102 = vector.shape_cast %get3A_101 : vector<1x16xf32> to vector<16xf32>
          %get3A_103 = arith.index_cast %scan3A_86 : i32 to index
          %get3A_104 = arith.constant 80 : index
          %get3A_105 = tpu.vector_load %arg11[%get3A_103, %get3A_104] {strides = array<i32>} : memref<80x128xf32, #tpu.memory_space<vmem>>, vector<1x16xf32>,
          %get3A_106 = vector.shape_cast %get3A_105 : vector<1x16xf32> to vector<16xf32>
          %add3A_107 = arith.addf %get3A_102, %get3A_106 : vector<16xf32>
          %swap3A_108 = arith.index_cast %scan3A_86 : i32 to index
          %swap3A_109 = arith.constant 16 : index
          %swap3A_110 = tpu.vector_load %arg13[%swap3A_108, %swap3A_109] {strides = array<i32>} : memref<80x128xf32, #tpu.memory_space<vmem>>, vector<1x16xf32>,
          %swap3A_111 = vector.shape_cast %swap3A_110 : vector<1x16xf32> to vector<16xf32>
          %swap3A_112 = vector.shape_cast %add3A_107 : vector<16xf32> to vector<1x16xf32>
          tpu.vector_store %arg13[%swap3A_108, %swap3A_109], %swap3A_112 {strides = array<i32>} : memref<80x128xf32, #tpu.memory_space<vmem>>, vector<1x16xf32>,
          %get3A_113 = arith.index_cast %scan3A_86 : i32 to index
          %get3A_114 = arith.constant 32 : index
          %get3A_115 = tpu.vector_load %arg9[%get3A_113, %get3A_114] {strides = array<i32>} : memref<80x128xf32, #tpu.memory_space<vmem>>, vector<1x16xf32>,
          %get3A_116 = vector.shape_cast %get3A_115 : vector<1x16xf32> to vector<16xf32>
          %get3A_117 = arith.index_cast %scan3A_86 : i32 to index
          %get3A_118 = arith.constant 96 : index
          %get3A_119 = tpu.vector_load %arg11[%get3A_117, %get3A_118] {strides = array<i32>} : memref<80x128xf32, #tpu.memory_space<vmem>>, vector<1x16xf32>,
          %get3A_120 = vector.shape_cast %get3A_119 : vector<1x16xf32> to vector<16xf32>
          %add3A_121 = arith.addf %get3A_116, %get3A_120 : vector<16xf32>
          %swap3A_122 = arith.index_cast %scan3A_86 : i32 to index
          %swap3A_123 = arith.constant 32 : index
          %swap3A_124 = tpu.vector_load %arg13[%swap3A_122, %swap3A_123] {strides = array<i32>} : memref<80x128xf32, #tpu.memory_space<vmem>>, vector<1x16xf32>,
          %swap3A_125 = vector.shape_cast %swap3A_124 : vector<1x16xf32> to vector<16xf32>
          %swap3A_126 = vector.shape_cast %add3A_121 : vector<16xf32> to vector<1x16xf32>
          tpu.vector_store %arg13[%swap3A_122, %swap3A_123], %swap3A_126 {strides = array<i32>} : memref<80x128xf32, #tpu.memory_space<vmem>>, vector<1x16xf32>,
          %get3A_127 = arith.index_cast %scan3A_86 : i32 to index
          %get3A_128 = arith.constant 48 : index
          %get3A_129 = tpu.vector_load %arg9[%get3A_127, %get3A_128] {strides = array<i32>} : memref<80x128xf32, #tpu.memory_space<vmem>>, vector<1x16xf32>,
          %get3A_130 = vector.shape_cast %get3A_129 : vector<1x16xf32> to vector<16xf32>
          %get3A_131 = arith.index_cast %scan3A_86 : i32 to index
          %get3A_132 = arith.constant 112 : index
          %get3A_133 = tpu.vector_load %arg11[%get3A_131, %get3A_132] {strides = array<i32>} : memref<80x128xf32, #tpu.memory_space<vmem>>, vector<1x16xf32>,
          %get3A_134 = vector.shape_cast %get3A_133 : vector<1x16xf32> to vector<16xf32>
          %add3A_135 = arith.addf %get3A_130, %get3A_134 : vector<16xf32>
          %swap3A_136 = arith.index_cast %scan3A_86 : i32 to index
          %swap3A_137 = arith.constant 48 : index
          %swap3A_138 = tpu.vector_load %arg13[%swap3A_136, %swap3A_137] {strides = array<i32>} : memref<80x128xf32, #tpu.memory_space<vmem>>, vector<1x16xf32>,
          %swap3A_139 = vector.shape_cast %swap3A_138 : vector<1x16xf32> to vector<16xf32>
          %swap3A_140 = vector.shape_cast %add3A_135 : vector<16xf32> to vector<1x16xf32>
          tpu.vector_store %arg13[%swap3A_136, %swap3A_137], %swap3A_140 {strides = array<i32>} : memref<80x128xf32, #tpu.memory_space<vmem>>, vector<1x16xf32>,
          %get3A_141 = arith.index_cast %scan3A_86 : i32 to index
          %get3A_142 = arith.constant 64 : index
          %get3A_143 = tpu.vector_load %arg9[%get3A_141, %get3A_142] {strides = array<i32>} : memref<80x128xf32, #tpu.memory_space<vmem>>, vector<1x16xf32>,
          %get3A_144 = vector.shape_cast %get3A_143 : vector<1x16xf32> to vector<16xf32>
          %get3A_145 = arith.index_cast %scan3A_86 : i32 to index
          %get3A_146 = arith.constant 0 : index
          %get3A_147 = tpu.vector_load %arg11[%get3A_145, %get3A_146] {strides = array<i32>} : memref<80x128xf32, #tpu.memory_space<vmem>>, vector<1x16xf32>,
          %get3A_148 = vector.shape_cast %get3A_147 : vector<1x16xf32> to vector<16xf32>
          %add3A_149 = arith.addf %get3A_144, %get3A_148 : vector<16xf32>
          %swap3A_150 = arith.index_cast %scan3A_86 : i32 to index
          %swap3A_151 = arith.constant 64 : index
          %swap3A_152 = tpu.vector_load %arg13[%swap3A_150, %swap3A_151] {strides = array<i32>} : memref<80x128xf32, #tpu.memory_space<vmem>>, vector<1x16xf32>,
          %swap3A_153 = vector.shape_cast %swap3A_152 : vector<1x16xf32> to vector<16xf32>
          %swap3A_154 = vector.shape_cast %add3A_149 : vector<16xf32> to vector<1x16xf32>
          tpu.vector_store %arg13[%swap3A_150, %swap3A_151], %swap3A_154 {strides = array<i32>} : memref<80x128xf32, #tpu.memory_space<vmem>>, vector<1x16xf32>,
          %get3A_155 = arith.index_cast %scan3A_86 : i32 to index
          %get3A_156 = arith.constant 80 : index
          %get3A_157 = tpu.vector_load %arg9[%get3A_155, %get3A_156] {strides = array<i32>} : memref<80x128xf32, #tpu.memory_space<vmem>>, vector<1x16xf32>,
          %get3A_158 = vector.shape_cast %get3A_157 : vector<1x16xf32> to vector<16xf32>
          %get3A_159 = arith.index_cast %scan3A_86 : i32 to index
          %get3A_160 = arith.constant 16 : index
          %get3A_161 = tpu.vector_load %arg11[%get3A_159, %get3A_160] {strides = array<i32>} : memref<80x128xf32, #tpu.memory_space<vmem>>, vector<1x16xf32>,
          %get3A_162 = vector.shape_cast %get3A_161 : vector<1x16xf32> to vector<16xf32>
          %add3A_163 = arith.addf %get3A_158, %get3A_162 : vector<16xf32>
          %swap3A_164 = arith.index_cast %scan3A_86 : i32 to index
          %swap3A_165 = arith.constant 80 : index
          %swap3A_166 = tpu.vector_load %arg13[%swap3A_164, %swap3A_165] {strides = array<i32>} : memref<80x128xf32, #tpu.memory_space<vmem>>, vector<1x16xf32>,
          %swap3A_167 = vector.shape_cast %swap3A_166 : vector<1x16xf32> to vector<16xf32>
          %swap3A_168 = vector.shape_cast %add3A_163 : vector<16xf32> to vector<1x16xf32>
          tpu.vector_store %arg13[%swap3A_164, %swap3A_165], %swap3A_168 {strides = array<i32>} : memref<80x128xf32, #tpu.memory_space<vmem>>, vector<1x16xf32>,
          %get3A_169 = arith.index_cast %scan3A_86 : i32 to index
          %get3A_170 = arith.constant 96 : index
          %get3A_171 = tpu.vector_load %arg9[%get3A_169, %get3A_170] {strides = array<i32>} : memref<80x128xf32, #tpu.memory_space<vmem>>, vector<1x16xf32>,
          %get3A_172 = vector.shape_cast %get3A_171 : vector<1x16xf32> to vector<16xf32>
          %get3A_173 = arith.index_cast %scan3A_86 : i32 to index
          %get3A_174 = arith.constant 32 : index
          %get3A_175 = tpu.vector_load %arg11[%get3A_173, %get3A_174] {strides = array<i32>} : memref<80x128xf32, #tpu.memory_space<vmem>>, vector<1x16xf32>,
          %get3A_176 = vector.shape_cast %get3A_175 : vector<1x16xf32> to vector<16xf32>
          %add3A_177 = arith.addf %get3A_172, %get3A_176 : vector<16xf32>
          %swap3A_178 = arith.index_cast %scan3A_86 : i32 to index
          %swap3A_179 = arith.constant 96 : index
          %swap3A_180 = tpu.vector_load %arg13[%swap3A_178, %swap3A_179] {strides = array<i32>} : memref<80x128xf32, #tpu.memory_space<vmem>>, vector<1x16xf32>,
          %swap3A_181 = vector.shape_cast %swap3A_180 : vector<1x16xf32> to vector<16xf32>
          %swap3A_182 = vector.shape_cast %add3A_177 : vector<16xf32> to vector<1x16xf32>
          tpu.vector_store %arg13[%swap3A_178, %swap3A_179], %swap3A_182 {strides = array<i32>} : memref<80x128xf32, #tpu.memory_space<vmem>>, vector<1x16xf32>,
          %get3A_183 = arith.index_cast %scan3A_86 : i32 to index
          %get3A_184 = arith.constant 112 : index
          %get3A_185 = tpu.vector_load %arg9[%get3A_183, %get3A_184] {strides = array<i32>} : memref<80x128xf32, #tpu.memory_space<vmem>>, vector<1x16xf32>,
          %get3A_186 = vector.shape_cast %get3A_185 : vector<1x16xf32> to vector<16xf32>
          %get3A_187 = arith.index_cast %scan3A_86 : i32 to index
          %get3A_188 = arith.constant 48 : index
          %get3A_189 = tpu.vector_load %arg11[%get3A_187, %get3A_188] {strides = array<i32>} : memref<80x128xf32, #tpu.memory_space<vmem>>, vector<1x16xf32>,
          %get3A_190 = vector.shape_cast %get3A_189 : vector<1x16xf32> to vector<16xf32>
          %add3A_191 = arith.addf %get3A_186, %get3A_190 : vector<16xf32>
          %swap3A_192 = arith.index_cast %scan3A_86 : i32 to index
          %swap3A_193 = arith.constant 112 : index
          %swap3A_194 = tpu.vector_load %arg13[%swap3A_192, %swap3A_193] {strides = array<i32>} : memref<80x128xf32, #tpu.memory_space<vmem>>, vector<1x16xf32>,
          %swap3A_195 = vector.shape_cast %swap3A_194 : vector<1x16xf32> to vector<16xf32>
          %swap3A_196 = vector.shape_cast %add3A_191 : vector<16xf32> to vector<1x16xf32>
          tpu.vector_store %arg13[%swap3A_192, %swap3A_193], %swap3A_196 {strides = array<i32>} : memref<80x128xf32, #tpu.memory_space<vmem>>, vector<1x16xf32>,
        }
        %scan3A_78 = arith.constant 80 : i32
        %mul3A_79 = arith.constant 80 : i32
        %mul3A_80 = arith.muli %add3A_42, %mul3A_79 : i32
        %add3A_81 = arith.addi %mul3A_2, %mul3A_80 : i32
        %dma_start3A_82 = arith.constant 0 : i32
        %dma_start3A_83 = tpu.memref_slice %arg5[%add3A_81, %dma_start3A_82] : memref<161280x128xf32, #tpu.memory_space<hbm>> -> memref<80x128xf32, #tpu.memory_space<hbm>>
        %dma_start3A_84 = arith.constant 0 : i32
        %dma_start3A_85 = tpu.memref_slice %arg5[%add3A_81, %dma_start3A_84] : memref<161280x128xf32, #tpu.memory_space<hbm>> -> memref<80x128xf32, #tpu.memory_space<hbm>>
        tpu.enqueue_dma source(%arg13 : memref<80x128xf32, #tpu.memory_space<vmem>>) target(%dma_start3A_85 : memref<80x128xf32, #tpu.memory_space<hbm>>) target_semaphore(%arg19 : memref<!tpu.dma_semaphore, #tpu.memory_space<semaphore_mem>>)
      } else {
      }
    }
    %scan3A_20 = arith.constant 32 : i32
    %add3A_21 = arith.constant 0 : i32
    %add3A_22 = arith.addi %mul3A_2, %add3A_21 : i32
    %dma_wait3A = arith.constant 0 : i32
    %dma_wait3A_23 = tpu.memref_slice %arg5[%add3A_22, %dma_wait3A] : memref<161280x128xf32, #tpu.memory_space<hbm>> -> memref<80x128xf32, #tpu.memory_space<hbm>>
    %dma_wait3A_24 = arith.constant 0 : i32
    %dma_wait3A_25 = tpu.memref_slice %arg5[%add3A_22, %dma_wait3A_24] : memref<161280x128xf32, #tpu.memory_space<hbm>> -> memref<80x128xf32, #tpu.memory_space<hbm>>
    tpu.wait_dma2 semaphore(%arg18 : memref<!tpu.dma_semaphore, #tpu.memory_space<semaphore_mem>>) src(%arg12 : memref<80x128xf32, #tpu.memory_space<vmem>>) dst(%dma_wait3A_25 : memref<80x128xf32, #tpu.memory_space<hbm>>)
    %add3A_26 = arith.constant 0 : i32
    %add3A_27 = arith.addi %mul3A_2, %add3A_26 : i32
    %dma_wait3A_28 = arith.constant 0 : i32
    %dma_wait3A_29 = tpu.memref_slice %arg5[%add3A_27, %dma_wait3A_28] : memref<161280x128xf32, #tpu.memory_space<hbm>> -> memref<80x128xf32, #tpu.memory_space<hbm>>
    %dma_wait3A_30 = arith.constant 0 : i32
    %dma_wait3A_31 = tpu.memref_slice %arg5[%add3A_27, %dma_wait3A_30] : memref<161280x128xf32, #tpu.memory_space<hbm>> -> memref<80x128xf32, #tpu.memory_space<hbm>>
    tpu.wait_dma2 semaphore(%arg19 : memref<!tpu.dma_semaphore, #tpu.memory_space<semaphore_mem>>) src(%arg13 : memref<80x128xf32, #tpu.memory_space<vmem>>) dst(%dma_wait3A_31 : memref<80x128xf32, #tpu.memory_space<hbm>>)
    return
  }
}

module attributes {stable_mosaic.version = 14 : i64} {
  func.func @_table_body(%arg0: i32, %arg1: memref<2000x128xf32, #tpu.memory_space<vmem>>, %arg2: memref<128x128xf32, #tpu.memory_space<vmem>>, %arg3: memref<2000x128xf32, #tpu.memory_space<vmem>>) attributes {dimension_semantics = [#tpu.dimension_semantics<arbitrary>], iteration_bounds = array<i64: 5>, scalar_prefetch = 0 : i64, scratch_operands = 0 : i64, tpu.core_type = #tpu.core_type<tc>, window_params = [{transform_indices = @transform_0, window_bounds = array<i64: 2000, 128>}, {pipeline_mode = #tpu.pipeline_mode<synchronous>, transform_indices = @transform_1, window_bounds = array<i64: 128, 128>}, {transform_indices = @transform_2, window_bounds = array<i64: 2000, 128>}]} {
    %get3A = arith.constant 0 : index
    %get3A_0 = arith.constant 0 : index
    %get3A_1 = vector.load %arg1[%get3A, %get3A_0] : memref<2000x128xf32, #tpu.memory_space<vmem>>, vector<2000x128xf32>
    %get3A_2 = arith.constant 0 : index
    %get3A_3 = arith.constant 0 : index
    %get3A_4 = vector.load %arg2[%get3A_2, %get3A_3] : memref<128x128xf32, #tpu.memory_space<vmem>>, vector<128x128xf32>
    %dot_general3A = arith.constant dense<0.000000e+00> : vector<2000x128xf32>
    %dot_general3A_5 = tpu.matmul %get3A_1, %get3A_4, %dot_general3A {dimension_numbers = #tpu.dot_dimension_numbers<[1], [0], [0], [1], [0, 0, 1, 1], [], []>, transpose_lhs_hint = false} : vector<2000x128xf32>, vector<128x128xf32>, vector<2000x128xf32> -> vector<2000x128xf32>
    %swap3A = arith.constant 0 : index
    %swap3A_6 = arith.constant 0 : index
    %swap3A_7 = vector.load %arg3[%swap3A, %swap3A_6] : memref<2000x128xf32, #tpu.memory_space<vmem>>, vector<2000x128xf32>
    tpu.vector_store %arg3[%swap3A, %swap3A_6], %dot_general3A_5 {strides = array<i32>} : memref<2000x128xf32, #tpu.memory_space<vmem>>, vector<2000x128xf32>,
    return
  }
  func.func @transform_0(%arg0: i32) -> (i32, i32) {
    %c0_i32 = arith.constant 0 : i32
    %c0_i32_0 = arith.constant 0 : i32
    return %arg0, %c0_i32 : i32, i32
  }
  func.func @transform_1(%arg0: i32) -> (i32, i32) {
    %c0_i32 = arith.constant 0 : i32
    %c0_i32_0 = arith.constant 0 : i32
    %c0_i32_1 = arith.constant 0 : i32
    return %c0_i32, %c0_i32_0 : i32, i32
  }
  func.func @transform_2(%arg0: i32) -> (i32, i32) {
    %c0_i32 = arith.constant 0 : i32
    %c0_i32_0 = arith.constant 0 : i32
    return %arg0, %c0_i32 : i32, i32
  }
}

module attributes {stable_mosaic.version = 14 : i64} {
  func.func @_mlp_body(%arg0: i32, %arg1: memref<2560x128xf32, #tpu.memory_space<vmem>>, %arg2: memref<2560x128xf32, #tpu.memory_space<vmem>>, %arg3: memref<128x64xf32, #tpu.memory_space<vmem>>, %arg4: memref<64xf32, #tpu.memory_space<vmem>>, %arg5: memref<64x64xf32, #tpu.memory_space<vmem>>, %arg6: memref<64xf32, #tpu.memory_space<vmem>>, %arg7: memref<64x128xf32, #tpu.memory_space<vmem>>, %arg8: memref<128xf32, #tpu.memory_space<vmem>>, %arg9: memref<2560x128xf32, #tpu.memory_space<vmem>>, %arg10: memref<2560x128xf32, #tpu.memory_space<vmem>>) attributes {dimension_semantics = [#tpu.dimension_semantics<arbitrary>], iteration_bounds = array<i64: 63>, scalar_prefetch = 0 : i64, scratch_operands = 0 : i64, tpu.core_type = #tpu.core_type<tc>, window_params = [{transform_indices = @transform_0, window_bounds = array<i64: 2560, 128>}, {transform_indices = @transform_1, window_bounds = array<i64: 2560, 128>}, {pipeline_mode = #tpu.pipeline_mode<synchronous>, transform_indices = @transform_2, window_bounds = array<i64: 128, 64>}, {pipeline_mode = #tpu.pipeline_mode<synchronous>, transform_indices = @transform_3, window_bounds = array<i64: 64>}, {pipeline_mode = #tpu.pipeline_mode<synchronous>, transform_indices = @transform_4, window_bounds = array<i64: 64, 64>}, {pipeline_mode = #tpu.pipeline_mode<synchronous>, transform_indices = @transform_5, window_bounds = array<i64: 64>}, {pipeline_mode = #tpu.pipeline_mode<synchronous>, transform_indices = @transform_6, window_bounds = array<i64: 64, 128>}, {pipeline_mode = #tpu.pipeline_mode<synchronous>, transform_indices = @transform_7, window_bounds = array<i64: 128>}, {transform_indices = @transform_8, window_bounds = array<i64: 2560, 128>}, {transform_indices = @transform_9, window_bounds = array<i64: 2560, 128>}]} {
    %get3A = arith.constant 0 : index
    %get3A_0 = arith.constant 0 : index
    %get3A_1 = vector.load %arg2[%get3A, %get3A_0] : memref<2560x128xf32, #tpu.memory_space<vmem>>, vector<2560x128xf32>
    %get3A_2 = arith.constant 0 : index
    %get3A_3 = arith.constant 0 : index
    %get3A_4 = vector.load %arg3[%get3A_2, %get3A_3] : memref<128x64xf32, #tpu.memory_space<vmem>>, vector<128x64xf32>
    %dot_general3A = arith.constant dense<0.000000e+00> : vector<2560x64xf32>
    %dot_general3A_5 = tpu.matmul %get3A_1, %get3A_4, %dot_general3A {dimension_numbers = #tpu.dot_dimension_numbers<[1], [0], [0], [1], [0, 0, 1, 1], [], []>, transpose_lhs_hint = false} : vector<2560x128xf32>, vector<128x64xf32>, vector<2560x64xf32> -> vector<2560x64xf32>
    %get3A_6 = arith.constant 0 : index
    %get3A_7 = vector.load %arg4[%get3A_6] : memref<64xf32, #tpu.memory_space<vmem>>, vector<64xf32>
    %broadcast_in_dim3A = vector.shape_cast %get3A_7 : vector<64xf32> to vector<1x64xf32>
    %add3A = vector.broadcast %broadcast_in_dim3A : vector<1x64xf32> to vector<2560x64xf32>
    %add3A_8 = arith.addf %dot_general3A_5, %add3A : vector<2560x64xf32>
    %get3A_9 = arith.constant 0 : index
    %get3A_10 = arith.constant 0 : index
    %get3A_11 = vector.load %arg1[%get3A_9, %get3A_10] : memref<2560x128xf32, #tpu.memory_space<vmem>>, vector<2560x128xf32>
    %slice3A = vector.extract_strided_slice %get3A_11 {offsets = [0, 0], sizes = [2560, 64], strides = [1, 1]} : vector<2560x128xf32> to vector<2560x64xf32>
    %add3A_12 = arith.addf %slice3A, %add3A_8 : vector<2560x64xf32>
    %max3A = arith.constant 0.000000e+00 : f32
    %max3A_13 = vector.broadcast %max3A : f32 to vector<2560x64xf32>
    %max3A_14 = arith.maximumf %add3A_12, %max3A_13 : vector<2560x64xf32>
    %slice3A_15 = vector.extract_strided_slice %get3A_11 {offsets = [0, 64], sizes = [2560, 64], strides = [1, 1]} : vector<2560x128xf32> to vector<2560x64xf32>
    %add3A_16 = arith.addf %slice3A_15, %add3A_8 : vector<2560x64xf32>
    %max3A_17 = arith.constant 0.000000e+00 : f32
    %max3A_18 = vector.broadcast %max3A_17 : f32 to vector<2560x64xf32>
    %max3A_19 = arith.maximumf %add3A_16, %max3A_18 : vector<2560x64xf32>
    %get3A_20 = arith.constant 0 : index
    %get3A_21 = arith.constant 0 : index
    %get3A_22 = vector.load %arg5[%get3A_20, %get3A_21] : memref<64x64xf32, #tpu.memory_space<vmem>>, vector<64x64xf32>
    %get3A_23 = arith.constant 0 : index
    %get3A_24 = vector.load %arg6[%get3A_23] : memref<64xf32, #tpu.memory_space<vmem>>, vector<64xf32>
    %dot_general3A_25 = arith.constant dense<0.000000e+00> : vector<2560x64xf32>
    %dot_general3A_26 = tpu.matmul %max3A_14, %get3A_22, %dot_general3A_25 {dimension_numbers = #tpu.dot_dimension_numbers<[1], [0], [0], [1], [0, 0, 1, 1], [], []>, transpose_lhs_hint = false} : vector<2560x64xf32>, vector<64x64xf32>, vector<2560x64xf32> -> vector<2560x64xf32>
    %broadcast_in_dim3A_27 = vector.shape_cast %get3A_24 : vector<64xf32> to vector<1x64xf32>
    %add3A_28 = vector.broadcast %broadcast_in_dim3A_27 : vector<1x64xf32> to vector<2560x64xf32>
    %add3A_29 = arith.addf %dot_general3A_26, %add3A_28 : vector<2560x64xf32>
    %max3A_30 = arith.constant 0.000000e+00 : f32
    %max3A_31 = vector.broadcast %max3A_30 : f32 to vector<2560x64xf32>
    %max3A_32 = arith.maximumf %add3A_29, %max3A_31 : vector<2560x64xf32>
    %dot_general3A_33 = arith.constant dense<0.000000e+00> : vector<2560x64xf32>
    %dot_general3A_34 = tpu.matmul %max3A_19, %get3A_22, %dot_general3A_33 {dimension_numbers = #tpu.dot_dimension_numbers<[1], [0], [0], [1], [0, 0, 1, 1], [], []>, transpose_lhs_hint = false} : vector<2560x64xf32>, vector<64x64xf32>, vector<2560x64xf32> -> vector<2560x64xf32>
    %broadcast_in_dim3A_35 = vector.shape_cast %get3A_24 : vector<64xf32> to vector<1x64xf32>
    %add3A_36 = vector.broadcast %broadcast_in_dim3A_35 : vector<1x64xf32> to vector<2560x64xf32>
    %add3A_37 = arith.addf %dot_general3A_34, %add3A_36 : vector<2560x64xf32>
    %max3A_38 = arith.constant 0.000000e+00 : f32
    %max3A_39 = vector.broadcast %max3A_38 : f32 to vector<2560x64xf32>
    %max3A_40 = arith.maximumf %add3A_37, %max3A_39 : vector<2560x64xf32>
    %get3A_41 = arith.constant 0 : index
    %get3A_42 = arith.constant 0 : index
    %get3A_43 = vector.load %arg7[%get3A_41, %get3A_42] : memref<64x128xf32, #tpu.memory_space<vmem>>, vector<64x128xf32>
    %get3A_44 = arith.constant 0 : index
    %get3A_45 = vector.load %arg8[%get3A_44] : memref<128xf32, #tpu.memory_space<vmem>>, vector<128xf32>
    %dot_general3A_46 = arith.constant dense<0.000000e+00> : vector<2560x128xf32>
    %dot_general3A_47 = tpu.matmul %max3A_32, %get3A_43, %dot_general3A_46 {dimension_numbers = #tpu.dot_dimension_numbers<[1], [0], [0], [1], [0, 0, 1, 1], [], []>, transpose_lhs_hint = false} : vector<2560x64xf32>, vector<64x128xf32>, vector<2560x128xf32> -> vector<2560x128xf32>
    %broadcast_in_dim3A_48 = vector.shape_cast %get3A_45 : vector<128xf32> to vector<1x128xf32>
    %add3A_49 = vector.broadcast %broadcast_in_dim3A_48 : vector<1x128xf32> to vector<2560x128xf32>
    %add3A_50 = arith.addf %dot_general3A_47, %add3A_49 : vector<2560x128xf32>
    %swap3A = arith.constant 0 : index
    %swap3A_51 = arith.constant 0 : index
    %swap3A_52 = vector.load %arg9[%swap3A, %swap3A_51] : memref<2560x128xf32, #tpu.memory_space<vmem>>, vector<2560x128xf32>
    tpu.vector_store %arg9[%swap3A, %swap3A_51], %add3A_50 {strides = array<i32>} : memref<2560x128xf32, #tpu.memory_space<vmem>>, vector<2560x128xf32>,
    %dot_general3A_53 = arith.constant dense<0.000000e+00> : vector<2560x128xf32>
    %dot_general3A_54 = tpu.matmul %max3A_40, %get3A_43, %dot_general3A_53 {dimension_numbers = #tpu.dot_dimension_numbers<[1], [0], [0], [1], [0, 0, 1, 1], [], []>, transpose_lhs_hint = false} : vector<2560x64xf32>, vector<64x128xf32>, vector<2560x128xf32> -> vector<2560x128xf32>
    %broadcast_in_dim3A_55 = vector.shape_cast %get3A_45 : vector<128xf32> to vector<1x128xf32>
    %add3A_56 = vector.broadcast %broadcast_in_dim3A_55 : vector<1x128xf32> to vector<2560x128xf32>
    %add3A_57 = arith.addf %dot_general3A_54, %add3A_56 : vector<2560x128xf32>
    %swap3A_58 = arith.constant 0 : index
    %swap3A_59 = arith.constant 0 : index
    %swap3A_60 = vector.load %arg10[%swap3A_58, %swap3A_59] : memref<2560x128xf32, #tpu.memory_space<vmem>>, vector<2560x128xf32>
    tpu.vector_store %arg10[%swap3A_58, %swap3A_59], %add3A_57 {strides = array<i32>} : memref<2560x128xf32, #tpu.memory_space<vmem>>, vector<2560x128xf32>,
    return
  }
  func.func @transform_0(%arg0: i32) -> (i32, i32) {
    %c0_i32 = arith.constant 0 : i32
    %c0_i32_0 = arith.constant 0 : i32
    return %arg0, %c0_i32 : i32, i32
  }
  func.func @transform_1(%arg0: i32) -> (i32, i32) {
    %add3A = arith.constant 62 : i32
    %add3A_0 = arith.addi %arg0, %add3A : i32
    %c0_i32 = arith.constant 0 : i32
    %c0_i32_1 = arith.constant 0 : i32
    return %add3A_0, %c0_i32 : i32, i32
  }
  func.func @transform_2(%arg0: i32) -> (i32, i32) {
    %c0_i32 = arith.constant 0 : i32
    %c0_i32_0 = arith.constant 0 : i32
    %c0_i32_1 = arith.constant 0 : i32
    return %c0_i32, %c0_i32_0 : i32, i32
  }
  func.func @transform_3(%arg0: i32) -> i32 {
    %c0_i32 = arith.constant 0 : i32
    %c0_i32_0 = arith.constant 0 : i32
    return %c0_i32 : i32
  }
  func.func @transform_4(%arg0: i32) -> (i32, i32) {
    %c0_i32 = arith.constant 0 : i32
    %c0_i32_0 = arith.constant 0 : i32
    %c0_i32_1 = arith.constant 0 : i32
    return %c0_i32, %c0_i32_0 : i32, i32
  }
  func.func @transform_5(%arg0: i32) -> i32 {
    %c0_i32 = arith.constant 0 : i32
    %c0_i32_0 = arith.constant 0 : i32
    return %c0_i32 : i32
  }
  func.func @transform_6(%arg0: i32) -> (i32, i32) {
    %c0_i32 = arith.constant 0 : i32
    %c0_i32_0 = arith.constant 0 : i32
    %c0_i32_1 = arith.constant 0 : i32
    return %c0_i32, %c0_i32_0 : i32, i32
  }
  func.func @transform_7(%arg0: i32) -> i32 {
    %c0_i32 = arith.constant 0 : i32
    %c0_i32_0 = arith.constant 0 : i32
    return %c0_i32 : i32
  }
  func.func @transform_8(%arg0: i32) -> (i32, i32) {
    %c0_i32 = arith.constant 0 : i32
    %c0_i32_0 = arith.constant 0 : i32
    return %arg0, %c0_i32 : i32, i32
  }
  func.func @transform_9(%arg0: i32) -> (i32, i32) {
    %c0_i32 = arith.constant 0 : i32
    %c0_i32_0 = arith.constant 0 : i32
    return %arg0, %c0_i32 : i32, i32
  }
}

module attributes {stable_mosaic.version = 14 : i64} {
  func.func @_mlp_body(%arg0: i32, %arg1: memref<2560x128xf32, #tpu.memory_space<vmem>>, %arg2: memref<2560x128xf32, #tpu.memory_space<vmem>>, %arg3: memref<128x64xf32, #tpu.memory_space<vmem>>, %arg4: memref<64xf32, #tpu.memory_space<vmem>>, %arg5: memref<64x64xf32, #tpu.memory_space<vmem>>, %arg6: memref<64xf32, #tpu.memory_space<vmem>>, %arg7: memref<64x128xf32, #tpu.memory_space<vmem>>, %arg8: memref<128xf32, #tpu.memory_space<vmem>>, %arg9: memref<2560x128xf32, #tpu.memory_space<vmem>>, %arg10: memref<2560x128xf32, #tpu.memory_space<vmem>>) attributes {dimension_semantics = [#tpu.dimension_semantics<arbitrary>], iteration_bounds = array<i64: 62>, scalar_prefetch = 0 : i64, scratch_operands = 0 : i64, tpu.core_type = #tpu.core_type<tc>, window_params = [{transform_indices = @transform_0, window_bounds = array<i64: 2560, 128>}, {transform_indices = @transform_1, window_bounds = array<i64: 2560, 128>}, {pipeline_mode = #tpu.pipeline_mode<synchronous>, transform_indices = @transform_2, window_bounds = array<i64: 128, 64>}, {pipeline_mode = #tpu.pipeline_mode<synchronous>, transform_indices = @transform_3, window_bounds = array<i64: 64>}, {pipeline_mode = #tpu.pipeline_mode<synchronous>, transform_indices = @transform_4, window_bounds = array<i64: 64, 64>}, {pipeline_mode = #tpu.pipeline_mode<synchronous>, transform_indices = @transform_5, window_bounds = array<i64: 64>}, {pipeline_mode = #tpu.pipeline_mode<synchronous>, transform_indices = @transform_6, window_bounds = array<i64: 64, 128>}, {pipeline_mode = #tpu.pipeline_mode<synchronous>, transform_indices = @transform_7, window_bounds = array<i64: 128>}, {transform_indices = @transform_8, window_bounds = array<i64: 2560, 128>}, {transform_indices = @transform_9, window_bounds = array<i64: 2560, 128>}]} {
    %get3A = arith.constant 0 : index
    %get3A_0 = arith.constant 0 : index
    %get3A_1 = vector.load %arg2[%get3A, %get3A_0] : memref<2560x128xf32, #tpu.memory_space<vmem>>, vector<2560x128xf32>
    %get3A_2 = arith.constant 0 : index
    %get3A_3 = arith.constant 0 : index
    %get3A_4 = vector.load %arg3[%get3A_2, %get3A_3] : memref<128x64xf32, #tpu.memory_space<vmem>>, vector<128x64xf32>
    %dot_general3A = arith.constant dense<0.000000e+00> : vector<2560x64xf32>
    %dot_general3A_5 = tpu.matmul %get3A_1, %get3A_4, %dot_general3A {dimension_numbers = #tpu.dot_dimension_numbers<[1], [0], [0], [1], [0, 0, 1, 1], [], []>, transpose_lhs_hint = false} : vector<2560x128xf32>, vector<128x64xf32>, vector<2560x64xf32> -> vector<2560x64xf32>
    %get3A_6 = arith.constant 0 : index
    %get3A_7 = vector.load %arg4[%get3A_6] : memref<64xf32, #tpu.memory_space<vmem>>, vector<64xf32>
    %broadcast_in_dim3A = vector.shape_cast %get3A_7 : vector<64xf32> to vector<1x64xf32>
    %add3A = vector.broadcast %broadcast_in_dim3A : vector<1x64xf32> to vector<2560x64xf32>
    %add3A_8 = arith.addf %dot_general3A_5, %add3A : vector<2560x64xf32>
    %get3A_9 = arith.constant 0 : index
    %get3A_10 = arith.constant 0 : index
    %get3A_11 = vector.load %arg1[%get3A_9, %get3A_10] : memref<2560x128xf32, #tpu.memory_space<vmem>>, vector<2560x128xf32>
    %slice3A = vector.extract_strided_slice %get3A_11 {offsets = [0, 0], sizes = [2560, 64], strides = [1, 1]} : vector<2560x128xf32> to vector<2560x64xf32>
    %add3A_12 = arith.addf %slice3A, %add3A_8 : vector<2560x64xf32>
    %max3A = arith.constant 0.000000e+00 : f32
    %max3A_13 = vector.broadcast %max3A : f32 to vector<2560x64xf32>
    %max3A_14 = arith.maximumf %add3A_12, %max3A_13 : vector<2560x64xf32>
    %slice3A_15 = vector.extract_strided_slice %get3A_11 {offsets = [0, 64], sizes = [2560, 64], strides = [1, 1]} : vector<2560x128xf32> to vector<2560x64xf32>
    %add3A_16 = arith.addf %slice3A_15, %add3A_8 : vector<2560x64xf32>
    %max3A_17 = arith.constant 0.000000e+00 : f32
    %max3A_18 = vector.broadcast %max3A_17 : f32 to vector<2560x64xf32>
    %max3A_19 = arith.maximumf %add3A_16, %max3A_18 : vector<2560x64xf32>
    %get3A_20 = arith.constant 0 : index
    %get3A_21 = arith.constant 0 : index
    %get3A_22 = vector.load %arg5[%get3A_20, %get3A_21] : memref<64x64xf32, #tpu.memory_space<vmem>>, vector<64x64xf32>
    %get3A_23 = arith.constant 0 : index
    %get3A_24 = vector.load %arg6[%get3A_23] : memref<64xf32, #tpu.memory_space<vmem>>, vector<64xf32>
    %dot_general3A_25 = arith.constant dense<0.000000e+00> : vector<2560x64xf32>
    %dot_general3A_26 = tpu.matmul %max3A_14, %get3A_22, %dot_general3A_25 {dimension_numbers = #tpu.dot_dimension_numbers<[1], [0], [0], [1], [0, 0, 1, 1], [], []>, transpose_lhs_hint = false} : vector<2560x64xf32>, vector<64x64xf32>, vector<2560x64xf32> -> vector<2560x64xf32>
    %broadcast_in_dim3A_27 = vector.shape_cast %get3A_24 : vector<64xf32> to vector<1x64xf32>
    %add3A_28 = vector.broadcast %broadcast_in_dim3A_27 : vector<1x64xf32> to vector<2560x64xf32>
    %add3A_29 = arith.addf %dot_general3A_26, %add3A_28 : vector<2560x64xf32>
    %max3A_30 = arith.constant 0.000000e+00 : f32
    %max3A_31 = vector.broadcast %max3A_30 : f32 to vector<2560x64xf32>
    %max3A_32 = arith.maximumf %add3A_29, %max3A_31 : vector<2560x64xf32>
    %dot_general3A_33 = arith.constant dense<0.000000e+00> : vector<2560x64xf32>
    %dot_general3A_34 = tpu.matmul %max3A_19, %get3A_22, %dot_general3A_33 {dimension_numbers = #tpu.dot_dimension_numbers<[1], [0], [0], [1], [0, 0, 1, 1], [], []>, transpose_lhs_hint = false} : vector<2560x64xf32>, vector<64x64xf32>, vector<2560x64xf32> -> vector<2560x64xf32>
    %broadcast_in_dim3A_35 = vector.shape_cast %get3A_24 : vector<64xf32> to vector<1x64xf32>
    %add3A_36 = vector.broadcast %broadcast_in_dim3A_35 : vector<1x64xf32> to vector<2560x64xf32>
    %add3A_37 = arith.addf %dot_general3A_34, %add3A_36 : vector<2560x64xf32>
    %max3A_38 = arith.constant 0.000000e+00 : f32
    %max3A_39 = vector.broadcast %max3A_38 : f32 to vector<2560x64xf32>
    %max3A_40 = arith.maximumf %add3A_37, %max3A_39 : vector<2560x64xf32>
    %get3A_41 = arith.constant 0 : index
    %get3A_42 = arith.constant 0 : index
    %get3A_43 = vector.load %arg7[%get3A_41, %get3A_42] : memref<64x128xf32, #tpu.memory_space<vmem>>, vector<64x128xf32>
    %get3A_44 = arith.constant 0 : index
    %get3A_45 = vector.load %arg8[%get3A_44] : memref<128xf32, #tpu.memory_space<vmem>>, vector<128xf32>
    %dot_general3A_46 = arith.constant dense<0.000000e+00> : vector<2560x128xf32>
    %dot_general3A_47 = tpu.matmul %max3A_32, %get3A_43, %dot_general3A_46 {dimension_numbers = #tpu.dot_dimension_numbers<[1], [0], [0], [1], [0, 0, 1, 1], [], []>, transpose_lhs_hint = false} : vector<2560x64xf32>, vector<64x128xf32>, vector<2560x128xf32> -> vector<2560x128xf32>
    %broadcast_in_dim3A_48 = vector.shape_cast %get3A_45 : vector<128xf32> to vector<1x128xf32>
    %add3A_49 = vector.broadcast %broadcast_in_dim3A_48 : vector<1x128xf32> to vector<2560x128xf32>
    %add3A_50 = arith.addf %dot_general3A_47, %add3A_49 : vector<2560x128xf32>
    %swap3A = arith.constant 0 : index
    %swap3A_51 = arith.constant 0 : index
    %swap3A_52 = vector.load %arg9[%swap3A, %swap3A_51] : memref<2560x128xf32, #tpu.memory_space<vmem>>, vector<2560x128xf32>
    tpu.vector_store %arg9[%swap3A, %swap3A_51], %add3A_50 {strides = array<i32>} : memref<2560x128xf32, #tpu.memory_space<vmem>>, vector<2560x128xf32>,
    %dot_general3A_53 = arith.constant dense<0.000000e+00> : vector<2560x128xf32>
    %dot_general3A_54 = tpu.matmul %max3A_40, %get3A_43, %dot_general3A_53 {dimension_numbers = #tpu.dot_dimension_numbers<[1], [0], [0], [1], [0, 0, 1, 1], [], []>, transpose_lhs_hint = false} : vector<2560x64xf32>, vector<64x128xf32>, vector<2560x128xf32> -> vector<2560x128xf32>
    %broadcast_in_dim3A_55 = vector.shape_cast %get3A_45 : vector<128xf32> to vector<1x128xf32>
    %add3A_56 = vector.broadcast %broadcast_in_dim3A_55 : vector<1x128xf32> to vector<2560x128xf32>
    %add3A_57 = arith.addf %dot_general3A_54, %add3A_56 : vector<2560x128xf32>
    %swap3A_58 = arith.constant 0 : index
    %swap3A_59 = arith.constant 0 : index
    %swap3A_60 = vector.load %arg10[%swap3A_58, %swap3A_59] : memref<2560x128xf32, #tpu.memory_space<vmem>>, vector<2560x128xf32>
    tpu.vector_store %arg10[%swap3A_58, %swap3A_59], %add3A_57 {strides = array<i32>} : memref<2560x128xf32, #tpu.memory_space<vmem>>, vector<2560x128xf32>,
    return
  }
  func.func @transform_0(%arg0: i32) -> (i32, i32) {
    %c0_i32 = arith.constant 0 : i32
    %c0_i32_0 = arith.constant 0 : i32
    return %arg0, %c0_i32 : i32, i32
  }
  func.func @transform_1(%arg0: i32) -> (i32, i32) {
    %add3A = arith.constant 0 : i32
    %add3A_0 = arith.addi %arg0, %add3A : i32
    %c0_i32 = arith.constant 0 : i32
    %c0_i32_1 = arith.constant 0 : i32
    return %add3A_0, %c0_i32 : i32, i32
  }
  func.func @transform_2(%arg0: i32) -> (i32, i32) {
    %c0_i32 = arith.constant 0 : i32
    %c0_i32_0 = arith.constant 0 : i32
    %c0_i32_1 = arith.constant 0 : i32
    return %c0_i32, %c0_i32_0 : i32, i32
  }
  func.func @transform_3(%arg0: i32) -> i32 {
    %c0_i32 = arith.constant 0 : i32
    %c0_i32_0 = arith.constant 0 : i32
    return %c0_i32 : i32
  }
  func.func @transform_4(%arg0: i32) -> (i32, i32) {
    %c0_i32 = arith.constant 0 : i32
    %c0_i32_0 = arith.constant 0 : i32
    %c0_i32_1 = arith.constant 0 : i32
    return %c0_i32, %c0_i32_0 : i32, i32
  }
  func.func @transform_5(%arg0: i32) -> i32 {
    %c0_i32 = arith.constant 0 : i32
    %c0_i32_0 = arith.constant 0 : i32
    return %c0_i32 : i32
  }
  func.func @transform_6(%arg0: i32) -> (i32, i32) {
    %c0_i32 = arith.constant 0 : i32
    %c0_i32_0 = arith.constant 0 : i32
    %c0_i32_1 = arith.constant 0 : i32
    return %c0_i32, %c0_i32_0 : i32, i32
  }
  func.func @transform_7(%arg0: i32) -> i32 {
    %c0_i32 = arith.constant 0 : i32
    %c0_i32_0 = arith.constant 0 : i32
    return %c0_i32 : i32
  }
  func.func @transform_8(%arg0: i32) -> (i32, i32) {
    %c0_i32 = arith.constant 0 : i32
    %c0_i32_0 = arith.constant 0 : i32
    return %arg0, %c0_i32 : i32, i32
  }
  func.func @transform_9(%arg0: i32) -> (i32, i32) {
    %c0_i32 = arith.constant 0 : i32
    %c0_i32_0 = arith.constant 0 : i32
    return %arg0, %c0_i32 : i32, i32
  }
}

module attributes {stable_mosaic.version = 14 : i64} {
  func.func @_gru_body(%arg0: i32, %arg1: memref<2000x128xf32, #tpu.memory_space<vmem>>, %arg2: memref<2000x128xf32, #tpu.memory_space<vmem>>, %arg3: memref<2000x128xf32, #tpu.memory_space<vmem>>, %arg4: memref<2000x128xf32, #tpu.memory_space<vmem>>, %arg5: memref<2000x128xf32, #tpu.memory_space<vmem>>, %arg6: memref<384x128xf32, #tpu.memory_space<vmem>>, %arg7: memref<384x128xf32, #tpu.memory_space<vmem>>, %arg8: memref<384xf32, #tpu.memory_space<vmem>>, %arg9: memref<384xf32, #tpu.memory_space<vmem>>, %arg10: memref<384x128xf32, #tpu.memory_space<vmem>>, %arg11: memref<384x128xf32, #tpu.memory_space<vmem>>, %arg12: memref<384xf32, #tpu.memory_space<vmem>>, %arg13: memref<384xf32, #tpu.memory_space<vmem>>, %arg14: memref<384x128xf32, #tpu.memory_space<vmem>>, %arg15: memref<384x128xf32, #tpu.memory_space<vmem>>, %arg16: memref<384xf32, #tpu.memory_space<vmem>>, %arg17: memref<384xf32, #tpu.memory_space<vmem>>, %arg18: memref<2000x128xf32, #tpu.memory_space<vmem>>) attributes {dimension_semantics = [#tpu.dimension_semantics<arbitrary>], iteration_bounds = array<i64: 5>, scalar_prefetch = 0 : i64, scratch_operands = 0 : i64, tpu.core_type = #tpu.core_type<tc>, window_params = [{transform_indices = @transform_0, window_bounds = array<i64: 2000, 128>}, {transform_indices = @transform_1, window_bounds = array<i64: 2000, 128>}, {transform_indices = @transform_2, window_bounds = array<i64: 2000, 128>}, {transform_indices = @transform_3, window_bounds = array<i64: 2000, 128>}, {transform_indices = @transform_4, window_bounds = array<i64: 2000, 128>}, {pipeline_mode = #tpu.pipeline_mode<synchronous>, transform_indices = @transform_5, window_bounds = array<i64: 384, 128>}, {pipeline_mode = #tpu.pipeline_mode<synchronous>, transform_indices = @transform_6, window_bounds = array<i64: 384, 128>}, {pipeline_mode = #tpu.pipeline_mode<synchronous>, transform_indices = @transform_7, window_bounds = array<i64: 384>}, {pipeline_mode = #tpu.pipeline_mode<synchronous>, transform_indices = @transform_8, window_bounds = array<i64: 384>}, {pipeline_mode = #tpu.pipeline_mode<synchronous>, transform_indices = @transform_9, window_bounds = array<i64: 384, 128>}, {pipeline_mode = #tpu.pipeline_mode<synchronous>, transform_indices = @transform_10, window_bounds = array<i64: 384, 128>}, {pipeline_mode = #tpu.pipeline_mode<synchronous>, transform_indices = @transform_11, window_bounds = array<i64: 384>}, {pipeline_mode = #tpu.pipeline_mode<synchronous>, transform_indices = @transform_12, window_bounds = array<i64: 384>}, {pipeline_mode = #tpu.pipeline_mode<synchronous>, transform_indices = @transform_13, window_bounds = array<i64: 384, 128>}, {pipeline_mode = #tpu.pipeline_mode<synchronous>, transform_indices = @transform_14, window_bounds = array<i64: 384, 128>}, {pipeline_mode = #tpu.pipeline_mode<synchronous>, transform_indices = @transform_15, window_bounds = array<i64: 384>}, {pipeline_mode = #tpu.pipeline_mode<synchronous>, transform_indices = @transform_16, window_bounds = array<i64: 384>}, {transform_indices = @transform_17, window_bounds = array<i64: 2000, 128>}]} {
    %get3A = arith.constant 0 : index
    %get3A_0 = arith.constant 0 : index
    %get3A_1 = vector.load %arg1[%get3A, %get3A_0] : memref<2000x128xf32, #tpu.memory_space<vmem>>, vector<2000x128xf32>
    %get3A_2 = arith.constant 0 : index
    %get3A_3 = arith.constant 0 : index
    %get3A_4 = vector.load %arg2[%get3A_2, %get3A_3] : memref<2000x128xf32, #tpu.memory_space<vmem>>, vector<2000x128xf32>
    %get3A_5 = arith.constant 0 : index
    %get3A_6 = arith.constant 0 : index
    %get3A_7 = vector.load %arg3[%get3A_5, %get3A_6] : memref<2000x128xf32, #tpu.memory_space<vmem>>, vector<2000x128xf32>
    %add3A = arith.addf %get3A_4, %get3A_7 : vector<2000x128xf32>
    %get3A_8 = arith.constant 0 : index
    %get3A_9 = arith.constant 0 : index
    %get3A_10 = vector.load %arg4[%get3A_8, %get3A_9] : memref<2000x128xf32, #tpu.memory_space<vmem>>, vector<2000x128xf32>
    %add3A_11 = arith.addf %add3A, %get3A_10 : vector<2000x128xf32>
    %get3A_12 = arith.constant 0 : index
    %get3A_13 = arith.constant 0 : index
    %get3A_14 = vector.load %arg5[%get3A_12, %get3A_13] : memref<2000x128xf32, #tpu.memory_space<vmem>>, vector<2000x128xf32>
    %add3A_15 = arith.addf %add3A_11, %get3A_14 : vector<2000x128xf32>
    %get3A_16 = arith.constant 0 : index
    %get3A_17 = arith.constant 0 : index
    %get3A_18 = vector.load %arg6[%get3A_16, %get3A_17] : memref<384x128xf32, #tpu.memory_space<vmem>>, vector<384x128xf32>
    %get3A_19 = arith.constant 0 : index
    %get3A_20 = arith.constant 0 : index
    %get3A_21 = vector.load %arg7[%get3A_19, %get3A_20] : memref<384x128xf32, #tpu.memory_space<vmem>>, vector<384x128xf32>
    %get3A_22 = arith.constant 0 : index
    %get3A_23 = vector.load %arg8[%get3A_22] : memref<384xf32, #tpu.memory_space<vmem>>, vector<384xf32>
    %get3A_24 = arith.constant 0 : index
    %get3A_25 = vector.load %arg9[%get3A_24] : memref<384xf32, #tpu.memory_space<vmem>>, vector<384xf32>
    %transpose3A = tpu.transpose %get3A_18, [1, 0] : vector<384x128xf32> -> vector<128x384xf32>
    %dot_general3A = arith.constant dense<0.000000e+00> : vector<2000x384xf32>
    %dot_general3A_26 = tpu.matmul %get3A_1, %transpose3A, %dot_general3A {dimension_numbers = #tpu.dot_dimension_numbers<[1], [0], [0], [1], [0, 0, 1, 1], [], []>, transpose_lhs_hint = false} : vector<2000x128xf32>, vector<128x384xf32>, vector<2000x384xf32> -> vector<2000x384xf32>
    %broadcast_in_dim3A = vector.shape_cast %get3A_23 : vector<384xf32> to vector<1x384xf32>
    %add3A_27 = vector.broadcast %broadcast_in_dim3A : vector<1x384xf32> to vector<2000x384xf32>
    %add3A_28 = arith.addf %dot_general3A_26, %add3A_27 : vector<2000x384xf32>
    %transpose3A_29 = tpu.transpose %get3A_21, [1, 0] : vector<384x128xf32> -> vector<128x384xf32>
    %dot_general3A_30 = arith.constant dense<0.000000e+00> : vector<2000x384xf32>
    %dot_general3A_31 = tpu.matmul %add3A_15, %transpose3A_29, %dot_general3A_30 {dimension_numbers = #tpu.dot_dimension_numbers<[1], [0], [0], [1], [0, 0, 1, 1], [], []>, transpose_lhs_hint = false} : vector<2000x128xf32>, vector<128x384xf32>, vector<2000x384xf32> -> vector<2000x384xf32>
    %broadcast_in_dim3A_32 = vector.shape_cast %get3A_25 : vector<384xf32> to vector<1x384xf32>
    %add3A_33 = vector.broadcast %broadcast_in_dim3A_32 : vector<1x384xf32> to vector<2000x384xf32>
    %add3A_34 = arith.addf %dot_general3A_31, %add3A_33 : vector<2000x384xf32>
    %split3A = vector.extract_strided_slice %add3A_28 {offsets = [0, 0], sizes = [2000, 128], strides = [1, 1]} : vector<2000x384xf32> to vector<2000x128xf32>
    %split3A_35 = vector.extract_strided_slice %add3A_28 {offsets = [0, 128], sizes = [2000, 128], strides = [1, 1]} : vector<2000x384xf32> to vector<2000x128xf32>
    %split3A_36 = vector.extract_strided_slice %add3A_28 {offsets = [0, 256], sizes = [2000, 128], strides = [1, 1]} : vector<2000x384xf32> to vector<2000x128xf32>
    %split3A_37 = vector.extract_strided_slice %add3A_34 {offsets = [0, 0], sizes = [2000, 128], strides = [1, 1]} : vector<2000x384xf32> to vector<2000x128xf32>
    %split3A_38 = vector.extract_strided_slice %add3A_34 {offsets = [0, 128], sizes = [2000, 128], strides = [1, 1]} : vector<2000x384xf32> to vector<2000x128xf32>
    %split3A_39 = vector.extract_strided_slice %add3A_34 {offsets = [0, 256], sizes = [2000, 128], strides = [1, 1]} : vector<2000x384xf32> to vector<2000x128xf32>
    %add3A_40 = arith.addf %split3A, %split3A_37 : vector<2000x128xf32>
    %logistic3A = arith.negf %add3A_40 : vector<2000x128xf32>
    %logistic3A_41 = math.exp %logistic3A : vector<2000x128xf32>
    %logistic3A_42 = arith.constant 1.000000e+00 : f32
    %logistic3A_43 = vector.broadcast %logistic3A_42 : f32 to vector<2000x128xf32>
    %logistic3A_44 = arith.addf %logistic3A_43, %logistic3A_41 : vector<2000x128xf32>
    %logistic3A_45 = arith.divf %logistic3A_43, %logistic3A_44 : vector<2000x128xf32>
    %add3A_46 = arith.addf %split3A_35, %split3A_38 : vector<2000x128xf32>
    %logistic3A_47 = arith.negf %add3A_46 : vector<2000x128xf32>
    %logistic3A_48 = math.exp %logistic3A_47 : vector<2000x128xf32>
    %logistic3A_49 = arith.constant 1.000000e+00 : f32
    %logistic3A_50 = vector.broadcast %logistic3A_49 : f32 to vector<2000x128xf32>
    %logistic3A_51 = arith.addf %logistic3A_50, %logistic3A_48 : vector<2000x128xf32>
    %logistic3A_52 = arith.divf %logistic3A_50, %logistic3A_51 : vector<2000x128xf32>
    %mul3A = arith.mulf %logistic3A_45, %split3A_39 : vector<2000x128xf32>
    %add3A_53 = arith.addf %split3A_36, %mul3A : vector<2000x128xf32>
    %tanh3A = math.tanh %add3A_53 : vector<2000x128xf32>
    %sub3A = arith.constant 1.000000e+00 : f32
    %sub3A_54 = vector.broadcast %sub3A : f32 to vector<2000x128xf32>
    %sub3A_55 = arith.subf %sub3A_54, %logistic3A_52 : vector<2000x128xf32>
    %mul3A_56 = arith.mulf %sub3A_55, %tanh3A : vector<2000x128xf32>
    %mul3A_57 = arith.mulf %logistic3A_52, %add3A_15 : vector<2000x128xf32>
    %add3A_58 = arith.addf %mul3A_56, %mul3A_57 : vector<2000x128xf32>
    %get3A_59 = arith.constant 0 : index
    %get3A_60 = arith.constant 0 : index
    %get3A_61 = vector.load %arg10[%get3A_59, %get3A_60] : memref<384x128xf32, #tpu.memory_space<vmem>>, vector<384x128xf32>
    %get3A_62 = arith.constant 0 : index
    %get3A_63 = arith.constant 0 : index
    %get3A_64 = vector.load %arg11[%get3A_62, %get3A_63] : memref<384x128xf32, #tpu.memory_space<vmem>>, vector<384x128xf32>
    %get3A_65 = arith.constant 0 : index
    %get3A_66 = vector.load %arg12[%get3A_65] : memref<384xf32, #tpu.memory_space<vmem>>, vector<384xf32>
    %get3A_67 = arith.constant 0 : index
    %get3A_68 = vector.load %arg13[%get3A_67] : memref<384xf32, #tpu.memory_space<vmem>>, vector<384xf32>
    %transpose3A_69 = tpu.transpose %get3A_61, [1, 0] : vector<384x128xf32> -> vector<128x384xf32>
    %dot_general3A_70 = arith.constant dense<0.000000e+00> : vector<2000x384xf32>
    %dot_general3A_71 = tpu.matmul %add3A_15, %transpose3A_69, %dot_general3A_70 {dimension_numbers = #tpu.dot_dimension_numbers<[1], [0], [0], [1], [0, 0, 1, 1], [], []>, transpose_lhs_hint = false} : vector<2000x128xf32>, vector<128x384xf32>, vector<2000x384xf32> -> vector<2000x384xf32>
    %broadcast_in_dim3A_72 = vector.shape_cast %get3A_66 : vector<384xf32> to vector<1x384xf32>
    %add3A_73 = vector.broadcast %broadcast_in_dim3A_72 : vector<1x384xf32> to vector<2000x384xf32>
    %add3A_74 = arith.addf %dot_general3A_71, %add3A_73 : vector<2000x384xf32>
    %transpose3A_75 = tpu.transpose %get3A_64, [1, 0] : vector<384x128xf32> -> vector<128x384xf32>
    %dot_general3A_76 = arith.constant dense<0.000000e+00> : vector<2000x384xf32>
    %dot_general3A_77 = tpu.matmul %add3A_58, %transpose3A_75, %dot_general3A_76 {dimension_numbers = #tpu.dot_dimension_numbers<[1], [0], [0], [1], [0, 0, 1, 1], [], []>, transpose_lhs_hint = false} : vector<2000x128xf32>, vector<128x384xf32>, vector<2000x384xf32> -> vector<2000x384xf32>
    %broadcast_in_dim3A_78 = vector.shape_cast %get3A_68 : vector<384xf32> to vector<1x384xf32>
    %add3A_79 = vector.broadcast %broadcast_in_dim3A_78 : vector<1x384xf32> to vector<2000x384xf32>
    %add3A_80 = arith.addf %dot_general3A_77, %add3A_79 : vector<2000x384xf32>
    %split3A_81 = vector.extract_strided_slice %add3A_74 {offsets = [0, 0], sizes = [2000, 128], strides = [1, 1]} : vector<2000x384xf32> to vector<2000x128xf32>
    %split3A_82 = vector.extract_strided_slice %add3A_74 {offsets = [0, 128], sizes = [2000, 128], strides = [1, 1]} : vector<2000x384xf32> to vector<2000x128xf32>
    %split3A_83 = vector.extract_strided_slice %add3A_74 {offsets = [0, 256], sizes = [2000, 128], strides = [1, 1]} : vector<2000x384xf32> to vector<2000x128xf32>
    %split3A_84 = vector.extract_strided_slice %add3A_80 {offsets = [0, 0], sizes = [2000, 128], strides = [1, 1]} : vector<2000x384xf32> to vector<2000x128xf32>
    %split3A_85 = vector.extract_strided_slice %add3A_80 {offsets = [0, 128], sizes = [2000, 128], strides = [1, 1]} : vector<2000x384xf32> to vector<2000x128xf32>
    %split3A_86 = vector.extract_strided_slice %add3A_80 {offsets = [0, 256], sizes = [2000, 128], strides = [1, 1]} : vector<2000x384xf32> to vector<2000x128xf32>
    %add3A_87 = arith.addf %split3A_81, %split3A_84 : vector<2000x128xf32>
    %logistic3A_88 = arith.negf %add3A_87 : vector<2000x128xf32>
    %logistic3A_89 = math.exp %logistic3A_88 : vector<2000x128xf32>
    %logistic3A_90 = arith.constant 1.000000e+00 : f32
    %logistic3A_91 = vector.broadcast %logistic3A_90 : f32 to vector<2000x128xf32>
    %logistic3A_92 = arith.addf %logistic3A_91, %logistic3A_89 : vector<2000x128xf32>
    %logistic3A_93 = arith.divf %logistic3A_91, %logistic3A_92 : vector<2000x128xf32>
    %add3A_94 = arith.addf %split3A_82, %split3A_85 : vector<2000x128xf32>
    %logistic3A_95 = arith.negf %add3A_94 : vector<2000x128xf32>
    %logistic3A_96 = math.exp %logistic3A_95 : vector<2000x128xf32>
    %logistic3A_97 = arith.constant 1.000000e+00 : f32
    %logistic3A_98 = vector.broadcast %logistic3A_97 : f32 to vector<2000x128xf32>
    %logistic3A_99 = arith.addf %logistic3A_98, %logistic3A_96 : vector<2000x128xf32>
    %logistic3A_100 = arith.divf %logistic3A_98, %logistic3A_99 : vector<2000x128xf32>
    %mul3A_101 = arith.mulf %logistic3A_93, %split3A_86 : vector<2000x128xf32>
    %add3A_102 = arith.addf %split3A_83, %mul3A_101 : vector<2000x128xf32>
    %tanh3A_103 = math.tanh %add3A_102 : vector<2000x128xf32>
    %sub3A_104 = arith.constant 1.000000e+00 : f32
    %sub3A_105 = vector.broadcast %sub3A_104 : f32 to vector<2000x128xf32>
    %sub3A_106 = arith.subf %sub3A_105, %logistic3A_100 : vector<2000x128xf32>
    %mul3A_107 = arith.mulf %sub3A_106, %tanh3A_103 : vector<2000x128xf32>
    %mul3A_108 = arith.mulf %logistic3A_100, %add3A_58 : vector<2000x128xf32>
    %add3A_109 = arith.addf %mul3A_107, %mul3A_108 : vector<2000x128xf32>
    %get3A_110 = arith.constant 0 : index
    %get3A_111 = arith.constant 0 : index
    %get3A_112 = vector.load %arg14[%get3A_110, %get3A_111] : memref<384x128xf32, #tpu.memory_space<vmem>>, vector<384x128xf32>
    %get3A_113 = arith.constant 0 : index
    %get3A_114 = arith.constant 0 : index
    %get3A_115 = vector.load %arg15[%get3A_113, %get3A_114] : memref<384x128xf32, #tpu.memory_space<vmem>>, vector<384x128xf32>
    %get3A_116 = arith.constant 0 : index
    %get3A_117 = vector.load %arg16[%get3A_116] : memref<384xf32, #tpu.memory_space<vmem>>, vector<384xf32>
    %get3A_118 = arith.constant 0 : index
    %get3A_119 = vector.load %arg17[%get3A_118] : memref<384xf32, #tpu.memory_space<vmem>>, vector<384xf32>
    %transpose3A_120 = tpu.transpose %get3A_112, [1, 0] : vector<384x128xf32> -> vector<128x384xf32>
    %dot_general3A_121 = arith.constant dense<0.000000e+00> : vector<2000x384xf32>
    %dot_general3A_122 = tpu.matmul %add3A_58, %transpose3A_120, %dot_general3A_121 {dimension_numbers = #tpu.dot_dimension_numbers<[1], [0], [0], [1], [0, 0, 1, 1], [], []>, transpose_lhs_hint = false} : vector<2000x128xf32>, vector<128x384xf32>, vector<2000x384xf32> -> vector<2000x384xf32>
    %broadcast_in_dim3A_123 = vector.shape_cast %get3A_117 : vector<384xf32> to vector<1x384xf32>
    %add3A_124 = vector.broadcast %broadcast_in_dim3A_123 : vector<1x384xf32> to vector<2000x384xf32>
    %add3A_125 = arith.addf %dot_general3A_122, %add3A_124 : vector<2000x384xf32>
    %transpose3A_126 = tpu.transpose %get3A_115, [1, 0] : vector<384x128xf32> -> vector<128x384xf32>
    %dot_general3A_127 = arith.constant dense<0.000000e+00> : vector<2000x384xf32>
    %dot_general3A_128 = tpu.matmul %add3A_109, %transpose3A_126, %dot_general3A_127 {dimension_numbers = #tpu.dot_dimension_numbers<[1], [0], [0], [1], [0, 0, 1, 1], [], []>, transpose_lhs_hint = false} : vector<2000x128xf32>, vector<128x384xf32>, vector<2000x384xf32> -> vector<2000x384xf32>
    %broadcast_in_dim3A_129 = vector.shape_cast %get3A_119 : vector<384xf32> to vector<1x384xf32>
    %add3A_130 = vector.broadcast %broadcast_in_dim3A_129 : vector<1x384xf32> to vector<2000x384xf32>
    %add3A_131 = arith.addf %dot_general3A_128, %add3A_130 : vector<2000x384xf32>
    %split3A_132 = vector.extract_strided_slice %add3A_125 {offsets = [0, 0], sizes = [2000, 128], strides = [1, 1]} : vector<2000x384xf32> to vector<2000x128xf32>
    %split3A_133 = vector.extract_strided_slice %add3A_125 {offsets = [0, 128], sizes = [2000, 128], strides = [1, 1]} : vector<2000x384xf32> to vector<2000x128xf32>
    %split3A_134 = vector.extract_strided_slice %add3A_125 {offsets = [0, 256], sizes = [2000, 128], strides = [1, 1]} : vector<2000x384xf32> to vector<2000x128xf32>
    %split3A_135 = vector.extract_strided_slice %add3A_131 {offsets = [0, 0], sizes = [2000, 128], strides = [1, 1]} : vector<2000x384xf32> to vector<2000x128xf32>
    %split3A_136 = vector.extract_strided_slice %add3A_131 {offsets = [0, 128], sizes = [2000, 128], strides = [1, 1]} : vector<2000x384xf32> to vector<2000x128xf32>
    %split3A_137 = vector.extract_strided_slice %add3A_131 {offsets = [0, 256], sizes = [2000, 128], strides = [1, 1]} : vector<2000x384xf32> to vector<2000x128xf32>
    %add3A_138 = arith.addf %split3A_132, %split3A_135 : vector<2000x128xf32>
    %logistic3A_139 = arith.negf %add3A_138 : vector<2000x128xf32>
    %logistic3A_140 = math.exp %logistic3A_139 : vector<2000x128xf32>
    %logistic3A_141 = arith.constant 1.000000e+00 : f32
    %logistic3A_142 = vector.broadcast %logistic3A_141 : f32 to vector<2000x128xf32>
    %logistic3A_143 = arith.addf %logistic3A_142, %logistic3A_140 : vector<2000x128xf32>
    %logistic3A_144 = arith.divf %logistic3A_142, %logistic3A_143 : vector<2000x128xf32>
    %add3A_145 = arith.addf %split3A_133, %split3A_136 : vector<2000x128xf32>
    %logistic3A_146 = arith.negf %add3A_145 : vector<2000x128xf32>
    %logistic3A_147 = math.exp %logistic3A_146 : vector<2000x128xf32>
    %logistic3A_148 = arith.constant 1.000000e+00 : f32
    %logistic3A_149 = vector.broadcast %logistic3A_148 : f32 to vector<2000x128xf32>
    %logistic3A_150 = arith.addf %logistic3A_149, %logistic3A_147 : vector<2000x128xf32>
    %logistic3A_151 = arith.divf %logistic3A_149, %logistic3A_150 : vector<2000x128xf32>
    %mul3A_152 = arith.mulf %logistic3A_144, %split3A_137 : vector<2000x128xf32>
    %add3A_153 = arith.addf %split3A_134, %mul3A_152 : vector<2000x128xf32>
    %tanh3A_154 = math.tanh %add3A_153 : vector<2000x128xf32>
    %sub3A_155 = arith.constant 1.000000e+00 : f32
    %sub3A_156 = vector.broadcast %sub3A_155 : f32 to vector<2000x128xf32>
    %sub3A_157 = arith.subf %sub3A_156, %logistic3A_151 : vector<2000x128xf32>
    %mul3A_158 = arith.mulf %sub3A_157, %tanh3A_154 : vector<2000x128xf32>
    %mul3A_159 = arith.mulf %logistic3A_151, %add3A_109 : vector<2000x128xf32>
    %add3A_160 = arith.addf %mul3A_158, %mul3A_159 : vector<2000x128xf32>
    %swap3A = arith.constant 0 : index
    %swap3A_161 = arith.constant 0 : index
    %swap3A_162 = vector.load %arg18[%swap3A, %swap3A_161] : memref<2000x128xf32, #tpu.memory_space<vmem>>, vector<2000x128xf32>
    tpu.vector_store %arg18[%swap3A, %swap3A_161], %add3A_160 {strides = array<i32>} : memref<2000x128xf32, #tpu.memory_space<vmem>>, vector<2000x128xf32>,
    return
  }
  func.func @transform_0(%arg0: i32) -> (i32, i32) {
    %c0_i32 = arith.constant 0 : i32
    %c0_i32_0 = arith.constant 0 : i32
    return %arg0, %c0_i32 : i32, i32
  }
  func.func @transform_1(%arg0: i32) -> (i32, i32) {
    %c0_i32 = arith.constant 0 : i32
    %c0_i32_0 = arith.constant 0 : i32
    return %arg0, %c0_i32 : i32, i32
  }
  func.func @transform_2(%arg0: i32) -> (i32, i32) {
    %c0_i32 = arith.constant 0 : i32
    %c0_i32_0 = arith.constant 0 : i32
    return %arg0, %c0_i32 : i32, i32
  }
  func.func @transform_3(%arg0: i32) -> (i32, i32) {
    %c0_i32 = arith.constant 0 : i32
    %c0_i32_0 = arith.constant 0 : i32
    return %arg0, %c0_i32 : i32, i32
  }
  func.func @transform_4(%arg0: i32) -> (i32, i32) {
    %c0_i32 = arith.constant 0 : i32
    %c0_i32_0 = arith.constant 0 : i32
    return %arg0, %c0_i32 : i32, i32
  }
  func.func @transform_5(%arg0: i32) -> (i32, i32) {
    %c0_i32 = arith.constant 0 : i32
    %c0_i32_0 = arith.constant 0 : i32
    %c0_i32_1 = arith.constant 0 : i32
    return %c0_i32, %c0_i32_0 : i32, i32
  }
  func.func @transform_6(%arg0: i32) -> (i32, i32) {
    %c0_i32 = arith.constant 0 : i32
    %c0_i32_0 = arith.constant 0 : i32
    %c0_i32_1 = arith.constant 0 : i32
    return %c0_i32, %c0_i32_0 : i32, i32
  }
  func.func @transform_7(%arg0: i32) -> i32 {
    %c0_i32 = arith.constant 0 : i32
    %c0_i32_0 = arith.constant 0 : i32
    return %c0_i32 : i32
  }
  func.func @transform_8(%arg0: i32) -> i32 {
    %c0_i32 = arith.constant 0 : i32
    %c0_i32_0 = arith.constant 0 : i32
    return %c0_i32 : i32
  }
  func.func @transform_9(%arg0: i32) -> (i32, i32) {
    %c0_i32 = arith.constant 0 : i32
    %c0_i32_0 = arith.constant 0 : i32
    %c0_i32_1 = arith.constant 0 : i32
    return %c0_i32, %c0_i32_0 : i32, i32
  }
  func.func @transform_10(%arg0: i32) -> (i32, i32) {
    %c0_i32 = arith.constant 0 : i32
    %c0_i32_0 = arith.constant 0 : i32
    %c0_i32_1 = arith.constant 0 : i32
    return %c0_i32, %c0_i32_0 : i32, i32
  }
  func.func @transform_11(%arg0: i32) -> i32 {
    %c0_i32 = arith.constant 0 : i32
    %c0_i32_0 = arith.constant 0 : i32
    return %c0_i32 : i32
  }
  func.func @transform_12(%arg0: i32) -> i32 {
    %c0_i32 = arith.constant 0 : i32
    %c0_i32_0 = arith.constant 0 : i32
    return %c0_i32 : i32
  }
  func.func @transform_13(%arg0: i32) -> (i32, i32) {
    %c0_i32 = arith.constant 0 : i32
    %c0_i32_0 = arith.constant 0 : i32
    %c0_i32_1 = arith.constant 0 : i32
    return %c0_i32, %c0_i32_0 : i32, i32
  }
  func.func @transform_14(%arg0: i32) -> (i32, i32) {
    %c0_i32 = arith.constant 0 : i32
    %c0_i32_0 = arith.constant 0 : i32
    %c0_i32_1 = arith.constant 0 : i32
    return %c0_i32, %c0_i32_0 : i32, i32
  }
  func.func @transform_15(%arg0: i32) -> i32 {
    %c0_i32 = arith.constant 0 : i32
    %c0_i32_0 = arith.constant 0 : i32
    return %c0_i32 : i32
  }
  func.func @transform_16(%arg0: i32) -> i32 {
    %c0_i32 = arith.constant 0 : i32
    %c0_i32_0 = arith.constant 0 : i32
    return %c0_i32 : i32
  }
  func.func @transform_17(%arg0: i32) -> (i32, i32) {
    %c0_i32 = arith.constant 0 : i32
    %c0_i32_0 = arith.constant 0 : i32
    return %arg0, %c0_i32 : i32, i32
  }
}

</mosaic_0001>

<sc_bundles>
// kernel: kernel.10.cloned.1.call-start
scs
__scs_entry_jumppad:
0x0: {  	(pc) =	sbr.rel $0x88, $3  }
0x1: {  	(tag) =	ssettag $0x0;
	lr =	simm.s32 $0x1  }
0x2: {  	[smem:$0x3F8B] =	sst lr;
	_ =	strace $0xD0000000  }
0x3: {  	_ = 	snop  }
0x4: {  	_ = 	snop  }
0x5: {  	_ = 	snop  }
0x6: {  	_ = 	snop  }
0x7: {  	_ = 	snop  }
__scs_overlays_trampoline_lowered:
0x8: {  	[smem:$0x3F9A] =	sst s0  }
0x9: {  	[smem:$0x3F9B] =	sst s1  }
0xa: {  	[smem:$0x3F9C] =	sst s2  }
0xb: {  	[smem:$0x3F9D] =	sst s3  }
0xc: {  	[smem:$0x3F9E] =	sst s4  }
0xd: {  	[smem:$0x3F9F] =	sst s5  }
0xe: {  	[smem:$0x3FA0] =	sst s6  }
0xf: {  	[smem:$0x3FA1] =	sst s7  }
0x10: {  	[smem:$0x3FA2] =	sst s8  }
0x11: {  	[smem:$0x3FA3] =	sst s9;
	s0 =	simm.s32 @!p0 $0x0  }
0x12: {  	s1 =	sld [smem:$0x3F89];
	s0 =	simm.s32 @p0 $0x1  }
0x13: {  	[smem:$0x3FA4] =	sst s0;
	s0 =	simm.s32 @!p1 $0x0  }
0x14: {  	s2 =	sld [smem:$0x3F88];
	s0 =	simm.s32 @p1 $0x1  }
0x15: {  	[smem:$0x3FA5] =	sst s0;
	s0 =	simm.s32 @!p2 $0x0  }
0x16: {  	s3 =	sld [smem:$0x3FDB];
	s0 =	simm.s32 @p2 $0x1  }
0x17: {  	s4 =	simm.s32 $0x1BF5;
	[smem:$0x3FA7] =	sst s0  }
0x18: {  	s0 =	sld [smem:$0x3F8A];
	_ =	swait.ge [sflag:s4], $0x0  }
0x19: {  	s7 =	sld [smem:$0x3F8B]  }
0x1a: {  	s8 =	sadd.s32 $0xFFFFE003, lr  }
0x1b: {  	s9 =	sadd.s32 $0xFFFFFEF7, lr;
	s5 =	simm.s32 $0xFFFFFFFF;
	p2 =	slt.u32 s8, $0xFFFFF086  }
0x1c: {  	p1 =	slt.u32 s9, $0xF7A;
	s5 =	simm.s32 @!p2 $0x0  }
0x1d: {  	s5 =	simm.s32 @p1 $0x1;
	p0 =	seq.s32 s7, s2  }
0x1e: {  	s7 =	smul.u32 @!p0 $0xF7A, s2;
	p2 =	seq.s32 @!p0 s5, $0x0  }
0x1f: {  	s9 =	smul.u32 $0xF7A, s1;
	s8 =	simm.s32 @!p0 $0x1BF5;
	p2 =	por !p2, p0  }
0x20: {  	[sflag:s8] =	ssyncset.s32 @!p0 $0xFFFFF086;
	s6 =	sadd.s32 @!p0 s3, s7;
	s7 =	simm.s32 @!p0 $0x108  }
0x21: {  	s3 =	sadd.s32 s3, s9;
	s6 =	sadd.s32 @!p0 $0x88, s6;
	s7 =	simm.s32 @p2 $0x1082  }
0x22: {  	[simem:s7], [sflag:s8] =	dma.local @!p0 [hbm:s6], $0xF7A  }
0x23: {  	s9 =	sor.u32 $0xD0000000, s2;
	s6 =	simm.s32 $0x108;
	_ =	swait.ge @!p0 [sflag:s8], $0x0  }
0x24: {  	s3 =	sadd.s32 $0x88, s3;
	s6 =	simm.s32 @!p1 $0x1082;
	[sflag:s4] =	ssyncset.s32 $0xFFFFF086  }
0x25: {  	[simem:s6], [sflag:s4] =	dma.local [hbm:s3], $0xF7A  }
0x26: {  	[smem:$0x3F8B] =	sst s1;
	(tag) =	ssettag s2;
	_ =	strace s9  }
0x27: {  	s1 =	sld [smem:$0x3F9B]  }
0x28: {  	s2 =	sld [smem:$0x3F9C]  }
0x29: {  	s4 =	sld [smem:$0x3F9E]  }
0x2a: {  	p0 =	seq.s32 s5, $0x0;
	s5 =	sld [smem:$0x3F9F]  }
0x2b: {  	s6 =	sld [smem:$0x3FA0]  }
0x2c: {  	s7 =	sld [smem:$0x3FA1]  }
0x2d: {  	s3 =	simm.s32 $0x108;
	s8 =	sld [smem:$0x3FA2]  }
0x2e: {  	s3 =	simm.s32 @!p0 $0x1082;
	s9 =	sld [smem:$0x3FA3]  }
0x2f: {  	lr =	sadd.s32 s0, s3;
	s0 =	sld [smem:$0x3F9A]  }
0x30: {  	s3 =	sld [smem:$0x3F9D]  }
0x31: {  	[smem:$0x3FA6] =	sst s10  }
0x32: {  	s10 =	sld [smem:$0x3FA4];
	_ =	sdelay $0x3  }
0x33: {  	p0 =	seq.s32 s10, $0x1;
	s10 =	sld [smem:$0x3FA6];
	_ =	sdelay $0x3  }
0x34: {  	[smem:$0x3FA6] =	sst s10  }
0x35: {  	s10 =	sld [smem:$0x3FA5];
	_ =	sdelay $0x3  }
0x36: {  	p1 =	seq.s32 s10, $0x1;
	s10 =	sld [smem:$0x3FA6];
	_ =	sdelay $0x3  }
0x37: {  	[smem:$0x3FA6] =	sst s10  }
0x38: {  	s10 =	sld [smem:$0x3FA7]  }
0x39: {  	_ = 	snop;
	(pc) =	sbr.ind lr, $3  }
0x3a: {  	_ = 	snop  }
0x3b: {  	_ = 	snop  }
0x3c: {  	p2 =	seq.s32 s10, $0x1;
	s10 =	sld [smem:$0x3FA6]  }
0x3d: {  	_ =	shalt  }
0x3e: {  	_ =	shalt  }
0x3f: {  	_ =	shalt  }
0x40: {  	_ =	shalt  }
0x41: {  	_ =	shalt  }
0x42: {  	_ =	shalt  }
0x43: {  	_ =	shalt  }
0x44: {  	_ =	shalt  }
0x45: {  	_ =	shalt  }
0x46: {  	_ =	shalt  }
0x47: {  	_ =	shalt  }
0x48: {  	_ =	shalt  }
0x49: {  	_ =	shalt  }
0x4a: {  	_ =	shalt  }
0x4b: {  	_ =	shalt  }
0x4c: {  	_ =	shalt  }
0x4d: {  	_ =	shalt  }
0x4e: {  	_ =	shalt  }
0x4f: {  	_ =	shalt  }
0x50: {  	_ =	shalt  }
0x51: {  	_ =	shalt  }
0x52: {  	_ =	shalt  }
0x53: {  	_ =	shalt  }
0x54: {  	_ =	shalt  }
0x55: {  	_ =	shalt  }
0x56: {  	_ =	shalt  }
0x57: {  	_ =	shalt  }
0x58: {  	_ =	shalt  }
0x59: {  	_ =	shalt  }
0x5a: {  	_ =	shalt  }
0x5b: {  	_ =	shalt  }
0x5c: {  	_ =	shalt  }
0x5d: {  	_ =	shalt  }
0x5e: {  	_ =	shalt  }
0x5f: {  	_ =	shalt  }
0x60: {  	_ =	shalt  }
0x61: {  	_ =	shalt  }
0x62: {  	_ =	shalt  }
0x63: {  	_ =	shalt  }
0x64: {  	_ =	shalt  }
0x65: {  	_ =	shalt  }
0x66: {  	_ =	shalt  }
0x67: {  	_ =	shalt  }
0x68: {  	_ =	shalt  }
0x69: {  	_ =	shalt  }
0x6a: {  	_ =	shalt  }
0x6b: {  	_ =	shalt  }
0x6c: {  	_ =	shalt  }
0x6d: {  	_ =	shalt  }
0x6e: {  	_ =	shalt  }
0x6f: {  	_ =	shalt  }
0x70: {  	_ =	shalt  }
0x71: {  	_ =	shalt  }
0x72: {  	_ =	shalt  }
0x73: {  	_ =	shalt  }
0x74: {  	_ =	shalt  }
0x75: {  	_ =	shalt  }
0x76: {  	_ =	shalt  }
0x77: {  	_ =	shalt  }
0x78: {  	_ =	shalt  }
0x79: {  	_ =	shalt  }
0x7a: {  	_ =	shalt  }
0x7b: {  	_ =	shalt  }
0x7c: {  	_ =	shalt  }
0x7d: {  	_ =	shalt  }
0x7e: {  	_ =	shalt  }
0x7f: {  	_ =	shalt  }
0x80: {  	_ =	shalt  }
0x81: {  	_ =	shalt  }
0x82: {  	_ =	shalt  }
0x83: {  	_ =	shalt  }
0x84: {  	_ =	shalt  }
0x85: {  	_ =	shalt  }
0x86: {  	_ =	shalt  }
0x87: {  	_ =	shalt  }
.Lfunc_end0:
.L_simem_size_0:
called_computation_lowered:
.L_overlay_start_0:
0x88: {  	s2 =	sld [smem:$0x3FD9]  }
0x89: {  	s3 =	sld [smem:$0x3FFE];
	_ =	sdelay $0x1  }
0x8a: {  	s1 =	srdreg.scid  }
0x8b: {  	s0 =	sand.u32 $0x1, s1  }
0x8c: {  	s17 =	sshll.u32 s0, $0xA;
	s2 =	sadd.s32 s3, s2  }
0x8d: {  	s2 =	sadd.s32 s2, s17  }
0x8e: {  	[smem:$0x3FB2] =	sst s2  }
0x8f: {  	_ = 	snop  }
0x90: {  	s18 =	sld [smem:$0x3FD0];
	(tm) =	ssettm $0x1  }
0x91: {  	s19 =	sld [smem:$0x3FFB];
	_ =	sdelay $0x3  }
0x92: {  	_ =	strace s19  }
0x93: {  	s2 =	sld [smem:$0x3FFC];
	_ =	sdelay $0x3  }
0x94: {  	_ =	strace s2  }
0x95: {  	s2 =	sld [smem:$0x3FFD];
	_ =	sdelay $0x3  }
0x96: {  	_ =	strace s2  }
0x97: {  	_ =	strace $0x8FFFFFFF  }
0x98: {  	s20 =	sld [smem:$0x3FDB];
	_ =	sdelay $0x1  }
0x99: {  	s4 =	simm.s32 $_scs_section_size  }
0x9a: {  	s5 =	simm.s32 $_size__tile_overlayer_lowered;
	s6 =	simm.s32 $_tile_overlayer_lowered  }
0x9b: {  	s7 =	simm.s32 $0x1BFF;
	s21 =	sshll.u32 s6, $0x1;
	s4 =	sadd.s32 s4, s20  }
0x9c: {  	s22 =	simm.s32 $0x0;
	s5 =	sshll.u32 s5, $0x1;
	s6 =	sadd.s32 s21, s4  }
0x9d: {  	[timem:s22], [sflag:s7] =	dma.local [hbm:s6], s5  }
0x9e: {  	_ =	swait.ge [sflag:s7], s5  }
0x9f: {  	s5 =	ssub.s32 $0x0, s5;
	[sflag:s7] =	ssyncset.done $0x0  }
0xa0: {  	[sflag:s7] =	ssyncadd.s32 s5;
	_ =	sdelay $0x1  }
0xa1: {  	s23 =	simm.s32 $0x1B8B  }
0xa2: {  	_ =	swait.ge [sflag:s23], $0x1  }
0xa3: {  	[sflag:s23] =	ssyncset.done $0x0  }
0xa4: {  	[sflag:s23] =	ssyncadd.s32 $0xFFFFFFFF  }
0xa5: {  	s5 =	sld [smem:$0x0]  }
0xa6: {  	s6 =	sand.u32 $0xFFFFFFFE, s1  }
0xa7: {  	p0 =	sne.s32 s1, s6  }
0xa8: {  	s6 =	sshll.u32 @p0 s6, $0xE  }
0xa9: {  	s6 =	sadd.s32 @p0 $0x11B8D, s6;
	s7 =	sshll.u32 @p0 s5, $0x11  }
0xaa: {  	s6 =	sor.u32 @p0 s7, s6  }
0xab: {  	[sflag:s6] =	ssyncadd.remote.s32 @p0 $0x1;
	_ =	sdelay $0x1  }
0xac: {  	s6 =	simm.s32 @p0 $0x1B8D  }
0xad: {  	_ =	swait.eq @p0 [sflag:s6], $0x1  }
0xae: {  	[sflag:s6] =	ssyncadd.s32 @p0 $0xFFFFFFFF  }
0xaf: {  	s7 =	sshll.u32 @!p0 s1, $0xE  }
0xb0: {  	s7 =	sor.u32 @!p0 $0x4000, s7;
	s6 =	simm.s32 @!p0 $0x1B8D  }
0xb1: {  	s5 =	sshll.u32 @!p0 s5, $0x11;
	s7 =	sadd.s32 @!p0 $0x11B8D, s7;
	_ =	swait.eq @!p0 [sflag:s6], $0x1  }
0xb2: {  	s5 =	sor.u32 @!p0 s5, s7;
	[sflag:s6] =	ssyncadd.s32 @!p0 $0xFFFFFFFF  }
0xb3: {  	s25 =	simm.s32 $0x1B8E;
	s24 =	sld [smem:$0x3FFE];
	[sflag:s5] =	ssyncadd.remote.s32 @!p0 $0x1  }
0xb4: {  	s26 =	simm.s32 $execute0_lowered;
	[smem:$0x3FD2] =	sst s25  }
0xb5: {  	s6 =	sshll.u32 s26, $0x1;
	_ =	strace $0x80000049;
	[dreg:$0x1] =	wrdreg $0xFFFFFFFF  }
0xb6: {  	s28 =	simm.s32 $_size_execute0_lowered;
	s4 =	sadd.s32 s4, s6;
	[dreg:$0x0] =	wrdreg $0x0  }
0xb7: {  	s6 =	sshll.u32 s28, $0x1;
	[dreg:$0x2] =	wrdreg s4  }
0xb8: {  	[dreg:$0x3] =	wrdreg s6  }
0xb9: {  	[dreg:$0x4] =	wrdreg $0xC0  }
0xba: {  	_ =	task [dreg:s22], $0x5FFFF  }
0xbb: {  	[dreg:$0x1] =	wrdreg $0xFFFFFFFF  }
0xbc: {  	[dreg:$0x0] =	wrdreg $0x60  }
0xbd: {  	[dreg:$0x2] =	wrdreg s18  }
0xbe: {  	[dreg:$0x3] =	wrdreg s24  }
0xbf: {  	[dreg:$0x4] =	wrdreg $0x9  }
0xc0: {  	_ =	task.clear_ibuf [dreg:s22], $0x5FFFF;
	_ =	strace $0x90000049  }
0xc1: {  	s29 =	simm.s32 $0x9;
	_ =	strace $0x8000004B  }
0xc2: {  	_ =	swait.ge [sflag:s29], $0x1  }
0xc3: {  	[sflag:s29] =	ssyncadd.s32 $0xFFFFFFFF  }
0xc4: {  	_ =	strace $0x9000004B  }
0xc5: {  	_ =	sfence  }
0xc6: {  	s30 =	sld [smem:$0x0];
	_ =	sdelay $0x2  }
0xc7: {  	s31 =	sshll.u32 s1, $0xD;
	s1 =	sshrl.u32 s1, $0x2  }
0xc8: {  	s4 =	sand.u32 $0x4000, s31;
	s1 =	sadd.s32 s1, s30  }
0xc9: {  	s0 =	sor.u32 s4, s0;
	s1 =	sshll.u32 s1, $0x11  }
0xca: {  	s0 =	sor.u32 s1, s0  }
0xcb: {  	s0 =	sadd.s32 $0x8F2B, s0  }
0xcc: {  	[sflag:s0] =	ssyncadd.remote.s32 $0x1  }
0xcd: {  	_ =	sfence.sel $0xFFFF  }
0xce: {  	[dreg:$0x0] =	wrdreg $0xFFFFFFFF;
	(pc) =	sbr.abs _section_cstart, $3  }
0xcf: {  	[dreg:$0x1] =	wrdreg $0xFFFFFFFF  }
0xd0: {  	_ =	task.clear_ibuf [dreg:s22], $0x2FFFF;
	_ =	strace $0x9FFFFFFF  }
0xd1: {  	(tm) =	ssettm $0x7FFFFFFF  }
tec
execute0_lowered:
.L_overlay_start_1:
0x0: {  	(tag) =	ssettag $0x1  }
0x1: {  	s2 =	rddreg [dreg:$0x0];
	s1 =	srdreg.scid  }
0x2: {  	s0 =	stileid.u32;
	s4 =	rddreg [dreg:$0x1]  }
0x3: {  	s3 =	simm.s32 $0x0;
	s10 =	simm.s32 $0x7;
	s11 =	simm.s32 $0x2000  }
0x4: {  	s12 =	simm.s32 $0x50;
	s13 =	simm.s32 $0x4000;
	s14 =	simm.s32 $0x9000  }
0x5: {  	s15 =	simm.s32 $0x6800;
	s16 =	simm.s32 $0xB800;
	s17 =	simm.s32 $0x1  }
0x6: {  	s18 =	simm.s32 $0x3;
	s19 =	simm.s32 $0xE000;
	s20 =	simm.s32 $0x2  }
0x7: {  	s21 =	simm.s32 $0x4;
	s22 =	simm.s32 $0x10800;
	s23 =	simm.s32 $0x5  }
0x8: {  	s24 =	simm.s32 $0x6;
	s5 =	sand.u32 $0x1, s1;
	s6 =	sshll.u32 s0, $0x1  }
0x9: {  	s25 =	simm.s32 $0x0;
	[smem:$0x7FF] =	sst s3;
	s6 =	sor.u32 s5, s6  }
0xa: {  	_ =	strace $0x8000004A;
	s8 =	ssub.s32 $0x2, s5;
	s7 =	sshll.u32 s6, $0xA  }
0xb: {  	s9 =	sshrl.u32 s8, $0x1;
	s5 =	smul.u32 $0x1360, s6;
	s7 =	sadd.s32 s7, s4  }
0xc: {  	s4 =	sadd.s32 $0x29C000, s4;
	s9 =	ssub.s32 s8, s9;
	s6 =	sadd.s32 $0x28C000, s7  }
0xd: {  	s7 =	sadd.s32 $0x294000, s7;
	s8 =	sadd.s32 $0x50, s5;
	s9 =	smax.u32 s9, $0x1  }
.LBB2_1:
0xe: {  	[tilespmem:s3], [sflag:$0x7] =	stream.linear.gather [hbm4b:s6+s3], $0x1F00, $0x38;
	[tilespmem:$0x13000] =	vst v63  }
0xf: {  	_ =	swait.ge [sflag:s10], $0x1F00  }
0x10: {  	[sflag:s10] =	ssyncset.done $0x0  }
0x11: {  	[sflag:s10] =	ssyncadd.s32 $0xFFFFE100  }
0x12: {  	[tilespmem:s11], [sflag:$0x7] =	stream.linear.gather [hbm4b:s7+s3], $0x1F00, $0x38;
	[tilespmem:$0x13000] =	vst v63  }
0x13: {  	_ =	swait.ge [sflag:s10], $0x1F00  }
0x14: {  	[sflag:s10] =	ssyncset.done $0x0  }
0x15: {  	[sflag:s10] =	ssyncadd.s32 $0xFFFFE100  }
0x16: {  	[tilespmem:s13], [sflag:$0x1] =	stream.indirect.gather [hbm4b:s2+s12], $0x80, s3, s12, $0xb8;
	[tilespmem:$0x13000] =	vst v63  }
0x17: {  	s26 =	simm.s32 $0x0  }
0x18: {  	[tilespmem:s14], [sflag:$0x3] =	stream.indirect.gather [hbm4b:s2+s12], $0x80, s11, s12, $0xb8;
	[tilespmem:$0x13000] =	vst v63  }
.LBB2_2:
0x19: {  	s29 =	sshll.u32 s26, $0x8  }
0x1a: {  	s28 =	sor.u32 $0x80, s29  }
0x1b: {  	[tilespmem:s15], [sflag:$0x2] =	stream.indirect.gather [hbm4b:s2+s12], $0x80, s28, s12, $0xb8;
	[tilespmem:$0x13000] =	vst v63  }
0x1c: {  	s28 =	sadd.s32 $0x2080, s29  }
0x1d: {  	[tilespmem:s16], [sflag:$0x4] =	stream.indirect.gather [hbm4b:s2+s12], $0x80, s28, s12, $0xb8;
	[tilespmem:$0x13000] =	vst v63  }
0x1e: {  	_ =	swait.ge [sflag:s17], $0x2800  }
0x1f: {  	[sflag:s17] =	ssyncset.done $0x0  }
0x20: {  	[sflag:s17] =	ssyncadd.s32 $0xFFFFD800  }
0x21: {  	_ =	swait.ge [sflag:s18], $0x2800  }
0x22: {  	p0 =	seq.s32 s26, $0x0;
	[sflag:s18] =	ssyncset.done $0x0  }
0x23: {  	s28 =	simm.s32 @!p0 $0x5;
	[sflag:s18] =	ssyncadd.s32 $0xFFFFD800  }
0x24: {  	_ =	swait.ge @!p0 [sflag:s28], $0x2800  }
0x25: {  	[sflag:s28] =	ssyncset.done @!p0 $0x0  }
0x26: {  	[sflag:s28] =	ssyncadd.s32 @!p0 $0xFFFFD800;
	s28 =	simm.s32 $0x0  }
0x27: {  	v0 =	vld [tilespmem:s28+$0x4070]  }
0x28: {  	v1 =	vld [tilespmem:s28+$0x9030]  }
0x29: {  	v2 =	vld [tilespmem:s28+$0x4000]  }
0x2a: {  	v3 =	vld [tilespmem:s28+$0x9040]  }
0x2b: {  	v4 =	vld [tilespmem:s28+$0x4010]  }
0x2c: {  	v5 =	vld [tilespmem:s28+$0x9050]  }
0x2d: {  	v6 =	vld [tilespmem:s28+$0x4020]  }
0x2e: {  	v7 =	vld [tilespmem:s28+$0x4030]  }
0x2f: {  	v0 =	vadd.f32 v1, v0;
	v1 =	vld [tilespmem:s28+$0x9060]  }
0x30: {  	v8 =	vld [tilespmem:s28+$0x9070]  }
0x31: {  	v9 =	vld [tilespmem:s28+$0x9000];
	v2 =	vadd.f32 v3, v2  }
0x32: {  	[tilespmem:s28+$0xE070] =	vst v0;
	v0 =	vadd.f32 v5, v4;
	v5 =	vld [tilespmem:s28+$0x4040]  }
0x33: {  	v3 =	vld [tilespmem:s28+$0x9010];
	[tilespmem:s28+$0xE000] =	vst v2  }
0x34: {  	v2 =	vld [tilespmem:s28+$0x4050];
	[tilespmem:s28+$0xE010] =	vst v0;
	v0 =	vadd.f32 v1, v6  }
0x35: {  	v4 =	vld [tilespmem:s28+$0x9020];
	v6 =	vadd.f32 v8, v7  }
0x36: {  	s30 =	simm.s32 $0x80;
	[tilespmem:s28+$0xE020] =	vst v0;
	v0 =	vld [tilespmem:s28+$0x4060]  }
0x37: {  	s31 =	simm.s32 $0x400;
	v5 =	vadd.f32 v9, v5;
	v1 =	vld [tilespmem:s30+$0x4070];
	[tilespmem:s28+$0xE030] =	vst v6  }
.LBB2_3:
0x38: {  	p1 =	sne.s32 s31, $0x9E00;
	v6 =	vld [tilespmem:s30+$0x9030]  }
0x39: {  	v7 =	vld [tilespmem:s30+$0x4000];
	[tilespmem:s28+$0xE040] =	vst v5;
	v2 =	vadd.f32 v3, v2  }
0x3a: {  	v3 =	vld [tilespmem:s30+$0x9040]  }
0x3b: {  	v5 =	vld [tilespmem:s30+$0x4010];
	[tilespmem:s28+$0xE050] =	vst v2;
	v0 =	vadd.f32 v4, v0  }
0x3c: {  	v2 =	vld [tilespmem:s30+$0x9050]  }
0x3d: {  	v4 =	vld [tilespmem:s30+$0x4020];
	v1 =	vadd.f32 v6, v1;
	[tilespmem:s28+$0xE060] =	vst v0;
	s28 =	smov.u32 s30  }
0x3e: {  	v0 =	vld [tilespmem:s28+$0x9060]  }
0x3f: {  	v3 =	vadd.f32 v3, v7;
	v6 =	vld [tilespmem:s28+$0x4030];
	[tilespmem:s28+$0xE070] =	vst v1  }
0x40: {  	v1 =	vld [tilespmem:s28+$0x9070]  }
0x41: {  	[tilespmem:s28+$0xE000] =	vst v3;
	v2 =	vadd.f32 v2, v5;
	v5 =	vld [tilespmem:s28+$0x4040]  }
0x42: {  	v7 =	vld [tilespmem:s28+$0x9000]  }
.Ltmp0:
0x43: {  	[tilespmem:s28+$0xE010] =	vst v2;
	v0 =	vadd.f32 v0, v4;
	v2 =	vld [tilespmem:s28+$0x4050];
	(pc) =	sbr.rel @p1 .LBB2_3-.Ltmp0, $4  }
0x44: {  	v3 =	vld [tilespmem:s28+$0x9010]  }
0x45: {  	[tilespmem:s28+$0xE020] =	vst v0;
	v6 =	vadd.f32 v1, v6;
	v0 =	vld [tilespmem:s28+$0x4060]  }
0x46: {  	s30 =	sshra.s32 s31, $0x2;
	v4 =	vld [tilespmem:s28+$0x9020]  }
0x47: {  	s31 =	sadd.s32 $0x200, s31;
	v1 =	vld [tilespmem:s30+$0x4070];
	[tilespmem:s28+$0xE030] =	vst v6;
	v5 =	vadd.f32 v7, v5  }
0x48: {  	v6 =	vld [tilespmem:s30+$0x9030]  }
0x49: {  	v7 =	vld [tilespmem:s30+$0x4000];
	[tilespmem:s28+$0xE040] =	vst v5;
	v2 =	vadd.f32 v3, v2  }
0x4a: {  	v3 =	vld [tilespmem:s30+$0x9040]  }
0x4b: {  	v5 =	vld [tilespmem:s30+$0x4010];
	[tilespmem:s28+$0xE050] =	vst v2;
	v0 =	vadd.f32 v4, v0  }
0x4c: {  	v2 =	vld [tilespmem:s30+$0x9050]  }
0x4d: {  	v4 =	vld [tilespmem:s30+$0x4020];
	[tilespmem:s28+$0xE060] =	vst v0  }
0x4e: {  	v0 =	vadd.f32 v6, v1;
	v1 =	vld [tilespmem:s30+$0x9060]  }
0x4f: {  	v6 =	vld [tilespmem:s30+$0x4030]  }
0x50: {  	v3 =	vadd.f32 v3, v7;
	[tilespmem:s30+$0xE070] =	vst v0;
	v0 =	vld [tilespmem:s30+$0x9070]  }
0x51: {  	v7 =	vld [tilespmem:s30+$0x9020]  }
0x52: {  	[tilespmem:s30+$0xE000] =	vst v3;
	v2 =	vadd.f32 v2, v5;
	v3 =	vld [tilespmem:s30+$0x4040]  }
0x53: {  	v5 =	vld [tilespmem:s30+$0x9000]  }
0x54: {  	[tilespmem:s30+$0xE010] =	vst v2;
	v1 =	vadd.f32 v1, v4;
	v2 =	vld [tilespmem:s30+$0x4050]  }
0x55: {  	v4 =	vld [tilespmem:s30+$0x9010]  }
0x56: {  	[tilespmem:s30+$0xE020] =	vst v1;
	v1 =	vld [tilespmem:s30+$0x4060];
	_ =	sdelay $0x1  }
0x57: {  	v0 =	vadd.f32 v0, v6  }
0x58: {  	s28 =	smul.u32 $0xA0, s26;
	v3 =	vadd.f32 v5, v3  }
0x59: {  	[tilespmem:s30+$0xE030] =	vst v0;
	v0 =	vadd.f32 v4, v2  }
0x5a: {  	s31 =	sadd.s32 s5, s28;
	[tilespmem:s30+$0xE040] =	vst v3;
	v1 =	vadd.f32 v7, v1  }
0x5b: {  	s31 =	sshll.u32 s31, $0x4;
	[tilespmem:s30+$0xE050] =	vst v0  }
0x5c: {  	p1 =	seq.s32 s26, $0x1E;
	[tilespmem:s30+$0xE060] =	vst v1;
	s30 =	sadd.s32 s4, s31  }
0x5d: {  	[hbm4b:s30+s3] =	stream.linear.scatter [tilespmem:s19], [sflag:$0x5], $0x2800, $0x38;
	[tilespmem:$0x13000] =	vst v63  }
0x5e: {  	s1 =	simm.s32 @!p1 $0x4000;
	s31 =	simm.s32 @!p1 $0x50;
	s30 =	sadd.s32 @!p1 $0x100, s29  }
0x5f: {  	[tilespmem:s1], [sflag:$0x1] =	stream.indirect.gather @!p1 [hbm4b:s2+s31], $0x80, s30, s31, $0xb8;
	[tilespmem:$0x13000] =	vst v63  }
0x60: {  	s1 =	sadd.s32 @!p1 $0x2100, s29;
	s29 =	simm.s32 @!p1 $0x9000  }
0x61: {  	[tilespmem:s29], [sflag:$0x3] =	stream.indirect.gather @!p1 [hbm4b:s2+s31], $0x80, s1, s31, $0xb8;
	[tilespmem:$0x13000] =	vst v63  }
0x62: {  	_ =	swait.ge [sflag:s20], $0x2800  }
0x63: {  	[sflag:s20] =	ssyncset.done $0x0  }
0x64: {  	[sflag:s20] =	ssyncadd.s32 $0xFFFFD800  }
0x65: {  	_ =	swait.ge [sflag:s21], $0x2800  }
0x66: {  	[sflag:s21] =	ssyncset.done $0x0  }
0x67: {  	s1 =	simm.s32 @!p0 $0x6;
	[sflag:s21] =	ssyncadd.s32 $0xFFFFD800  }
0x68: {  	_ =	swait.ge @!p0 [sflag:s1], $0x2800  }
0x69: {  	[sflag:s1] =	ssyncset.done @!p0 $0x0  }
0x6a: {  	s29 =	simm.s32 $0x0;
	[sflag:s1] =	ssyncadd.s32 @!p0 $0xFFFFD800  }
0x6b: {  	v0 =	vld [tilespmem:s29+$0x6870]  }
0x6c: {  	v1 =	vld [tilespmem:s29+$0xB830]  }
0x6d: {  	v2 =	vld [tilespmem:s29+$0x6800]  }
0x6e: {  	v3 =	vld [tilespmem:s29+$0xB840]  }
0x6f: {  	v4 =	vld [tilespmem:s29+$0x6810]  }
0x70: {  	v5 =	vld [tilespmem:s29+$0xB850]  }
0x71: {  	v6 =	vld [tilespmem:s29+$0x6820]  }
0x72: {  	v7 =	vld [tilespmem:s29+$0x6830]  }
0x73: {  	v0 =	vadd.f32 v1, v0;
	v1 =	vld [tilespmem:s29+$0xB860]  }
0x74: {  	v8 =	vld [tilespmem:s29+$0xB870]  }
0x75: {  	v9 =	vld [tilespmem:s29+$0xB800];
	v2 =	vadd.f32 v3, v2  }
0x76: {  	[tilespmem:s29+$0x10870] =	vst v0;
	v0 =	vadd.f32 v5, v4;
	v5 =	vld [tilespmem:s29+$0x6840]  }
0x77: {  	v3 =	vld [tilespmem:s29+$0xB810];
	[tilespmem:s29+$0x10800] =	vst v2  }
0x78: {  	v2 =	vld [tilespmem:s29+$0x6850];
	[tilespmem:s29+$0x10810] =	vst v0;
	v0 =	vadd.f32 v1, v6  }
0x79: {  	v4 =	vld [tilespmem:s29+$0xB820];
	v6 =	vadd.f32 v8, v7  }
0x7a: {  	s30 =	simm.s32 $0x80;
	[tilespmem:s29+$0x10820] =	vst v0;
	v0 =	vld [tilespmem:s29+$0x6860]  }
0x7b: {  	s31 =	simm.s32 $0x400;
	v5 =	vadd.f32 v9, v5;
	v1 =	vld [tilespmem:s30+$0x6870];
	[tilespmem:s29+$0x10830] =	vst v6  }
.LBB2_5:
0x7c: {  	p0 =	sne.s32 s31, $0x9E00;
	v6 =	vld [tilespmem:s30+$0xB830]  }
0x7d: {  	v7 =	vld [tilespmem:s30+$0x6800];
	[tilespmem:s29+$0x10840] =	vst v5;
	v2 =	vadd.f32 v3, v2  }
0x7e: {  	v3 =	vld [tilespmem:s30+$0xB840]  }
0x7f: {  	v5 =	vld [tilespmem:s30+$0x6810];
	[tilespmem:s29+$0x10850] =	vst v2;
	v0 =	vadd.f32 v4, v0  }
0x80: {  	v2 =	vld [tilespmem:s30+$0xB850]  }
0x81: {  	v4 =	vld [tilespmem:s30+$0x6820];
	v1 =	vadd.f32 v6, v1;
	[tilespmem:s29+$0x10860] =	vst v0;
	s29 =	smov.u32 s30  }
0x82: {  	v0 =	vld [tilespmem:s29+$0xB860]  }
0x83: {  	v3 =	vadd.f32 v3, v7;
	v6 =	vld [tilespmem:s29+$0x6830];
	[tilespmem:s29+$0x10870] =	vst v1  }
0x84: {  	v1 =	vld [tilespmem:s29+$0xB870]  }
0x85: {  	[tilespmem:s29+$0x10800] =	vst v3;
	v2 =	vadd.f32 v2, v5;
	v5 =	vld [tilespmem:s29+$0x6840]  }
0x86: {  	v7 =	vld [tilespmem:s29+$0xB800]  }
.Ltmp1:
0x87: {  	[tilespmem:s29+$0x10810] =	vst v2;
	v0 =	vadd.f32 v0, v4;
	v2 =	vld [tilespmem:s29+$0x6850];
	(pc) =	sbr.rel @p0 .LBB2_5-.Ltmp1, $4  }
0x88: {  	v3 =	vld [tilespmem:s29+$0xB810]  }
0x89: {  	[tilespmem:s29+$0x10820] =	vst v0;
	v6 =	vadd.f32 v1, v6;
	v0 =	vld [tilespmem:s29+$0x6860]  }
0x8a: {  	s30 =	sshra.s32 s31, $0x2;
	v4 =	vld [tilespmem:s29+$0xB820]  }
0x8b: {  	s31 =	sadd.s32 $0x200, s31;
	v1 =	vld [tilespmem:s30+$0x6870];
	[tilespmem:s29+$0x10830] =	vst v6;
	v5 =	vadd.f32 v7, v5  }
0x8c: {  	v6 =	vld [tilespmem:s30+$0xB830]  }
0x8d: {  	v7 =	vld [tilespmem:s30+$0x6800];
	[tilespmem:s29+$0x10840] =	vst v5;
	v2 =	vadd.f32 v3, v2  }
0x8e: {  	v51 =	vld [tilespmem:s30+$0xB840]  }
0x8f: {  	v5 =	vld [tilespmem:s30+$0x6810];
	[tilespmem:s29+$0x10850] =	vst v2;
	v0 =	vadd.f32 v4, v0  }
0x90: {  	v2 =	vld [tilespmem:s30+$0xB850]  }
0x91: {  	v52 =	vld [tilespmem:s30+$0x6820];
	[tilespmem:s29+$0x10860] =	vst v0  }
0x92: {  	v54 =	vld [tilespmem:s30+$0xB860]  }
0x93: {  	v55 =	vld [tilespmem:s30+$0x6830]  }
0x94: {  	v56 =	vld [tilespmem:s30+$0xB870]  }
0x95: {  	v57 =	vld [tilespmem:s30+$0x6840]  }
0x96: {  	v58 =	vld [tilespmem:s30+$0xB800]  }
0x97: {  	v59 =	vld [tilespmem:s30+$0x6850]  }
0x98: {  	v53 =	vadd.f32 v6, v1;
	v60 =	vld [tilespmem:s30+$0xB810]  }
0x99: {  	v61 =	vld [tilespmem:s30+$0x6860];
	v3 =	vadd.f32 v51, v7  }
0x9a: {  	v62 =	vld [tilespmem:s30+$0xB820];
	[tilespmem:s30+$0x10870] =	vst v53;
	v2 =	vadd.f32 v2, v5  }
0x9b: {  	[tilespmem:s30+$0x10800] =	vst v3;
	v1 =	vadd.f32 v54, v52  }
0x9c: {  	s26 =	sadd.s32 $0x1, s26;
	[tilespmem:s30+$0x10810] =	vst v2;
	v0 =	vadd.f32 v56, v55  }
0x9d: {  	p0 =	sne.s32 s26, $0x1F;
	v3 =	vadd.f32 v58, v57;
	[tilespmem:s30+$0x10820] =	vst v1  }
.Ltmp2:
0x9e: {  	v63 =	vadd.f32 v60, v59;
	[tilespmem:s30+$0x10830] =	vst v0;
	(pc) =	sbr.rel @p0 .LBB2_2-.Ltmp2, $4  }
0x9f: {  	s1 =	sadd.s32 s28, s8;
	[tilespmem:s30+$0x10840] =	vst v3;
	v1 =	vadd.f32 v62, v61  }
0xa0: {  	s1 =	sshll.u32 s1, $0x4;
	[tilespmem:s30+$0x10850] =	vst v63  }
0xa1: {  	s1 =	sadd.s32 s4, s1;
	[tilespmem:s30+$0x10860] =	vst v1  }
0xa2: {  	[hbm4b:s1+s3] =	stream.linear.scatter [tilespmem:s22], [sflag:$0x6], $0x2800, $0x38;
	[tilespmem:$0x13000] =	vst v63  }
0xa3: {  	s25 =	sadd.s32 $0x1, s25  }
0xa4: {  	_ =	swait.ge [sflag:s23], $0x2800;
	p0 =	sne.s32 s25, s9  }
.Ltmp3:
0xa5: {  	[sflag:s23] =	ssyncset.done $0x0;
	(pc) =	sbr.rel @p0 .LBB2_1-.Ltmp3, $4  }
0xa6: {  	[sflag:s23] =	ssyncadd.s32 $0xFFFFD800  }
0xa7: {  	_ =	swait.ge [sflag:s24], $0x2800  }
0xa8: {  	[sflag:s24] =	ssyncset.done $0x0  }
0xa9: {  	[sflag:s24] =	ssyncadd.s32 $0xFFFFD800  }
0xaa: {  	_ =	sfence.sel $0x180000  }
0xab: {  	[bflag:$0x0] =	sbarrier.arrive $0xFFFF  }
0xac: {  	_ =	strace $0x9000004A  }
0xad: {  	[bflag:$0x2] =	sbarrier.arrive $0xFFFF  }
0xae: {  	p0 =	sne.s32 s0, $0x0;
	s0 =	rddreg [dreg:$0x2]  }
0xaf: {  	s0 =	sadd.s32 @!p0 $0x100000, s0  }
0xb0: {  	[sflag:s0] =	ssyncadd.tile.s32 @!p0 $0x1;
	_ =	shalt  }
.Lfunc_end2:
_tile_overlayer_lowered:
.L_overlay_start_2:
0xb1: {  	(tag) =	ssettag $0x2  }
0xb2: {  	s0 =	rddreg [dreg:$0x0];
	s2 =	stileid.u32  }
0xb3: {  	s1 =	rddreg [dreg:$0x1];
	p0 =	sne.s32 s2, $0x0  }
0xb4: {  	s3 =	rddreg [dreg:$0x2];
	[bflag:$0x3] =	sbarrier.arrive $0xFFFF;
	s2 =	simm.s32 @!p0 $0x1C07  }
0xb5: {  	[timem:s3], [sflag:s2] =	dma.local @!p0 [hbm:s0], s1  }
0xb6: {  	s0 =	simm.s32 @!p0 $0x7  }
0xb7: {  	_ =	swait.ge @!p0 [sflag:s0], s1  }
0xb8: {  	s1 =	ssub.s32 @!p0 $0x0, s1;
	[sflag:s0] =	ssyncset.done @!p0 $0x0  }
0xb9: {  	[sflag:s0] =	ssyncadd.s32 @!p0 s1  }
0xba: {  	[bflag:$0x3] =	sbarrier.arrive $0xFFFF  }
0xbb: {  	_ =	shalt  }

// kernel: kernel.13.cloned.1.call-start
scs
__scs_entry_jumppad:
0x0: {  	(pc) =	sbr.rel $0x88, $3  }
0x1: {  	(tag) =	ssettag $0x0;
	lr =	simm.s32 $0x1  }
0x2: {  	[smem:$0x3F8B] =	sst lr;
	_ =	strace $0xD0000000  }
0x3: {  	_ = 	snop  }
0x4: {  	_ = 	snop  }
0x5: {  	_ = 	snop  }
0x6: {  	_ = 	snop  }
0x7: {  	_ = 	snop  }
__scs_overlays_trampoline_lowered:
0x8: {  	[smem:$0x3F9A] =	sst s0  }
0x9: {  	[smem:$0x3F9B] =	sst s1  }
0xa: {  	[smem:$0x3F9C] =	sst s2  }
0xb: {  	[smem:$0x3F9D] =	sst s3  }
0xc: {  	[smem:$0x3F9E] =	sst s4  }
0xd: {  	[smem:$0x3F9F] =	sst s5  }
0xe: {  	[smem:$0x3FA0] =	sst s6  }
0xf: {  	[smem:$0x3FA1] =	sst s7  }
0x10: {  	[smem:$0x3FA2] =	sst s8  }
0x11: {  	[smem:$0x3FA3] =	sst s9;
	s0 =	simm.s32 @!p0 $0x0  }
0x12: {  	s1 =	sld [smem:$0x3F89];
	s0 =	simm.s32 @p0 $0x1  }
0x13: {  	[smem:$0x3FA4] =	sst s0;
	s0 =	simm.s32 @!p1 $0x0  }
0x14: {  	s2 =	sld [smem:$0x3F88];
	s0 =	simm.s32 @p1 $0x1  }
0x15: {  	[smem:$0x3FA5] =	sst s0;
	s0 =	simm.s32 @!p2 $0x0  }
0x16: {  	s3 =	sld [smem:$0x3FDB];
	s0 =	simm.s32 @p2 $0x1  }
0x17: {  	s4 =	simm.s32 $0x1BF5;
	[smem:$0x3FA7] =	sst s0  }
0x18: {  	s0 =	sld [smem:$0x3F8A];
	_ =	swait.ge [sflag:s4], $0x0  }
0x19: {  	s7 =	sld [smem:$0x3F8B]  }
0x1a: {  	s8 =	sadd.s32 $0xFFFFE003, lr  }
0x1b: {  	s9 =	sadd.s32 $0xFFFFFEF7, lr;
	s5 =	simm.s32 $0xFFFFFFFF;
	p2 =	slt.u32 s8, $0xFFFFF086  }
0x1c: {  	p1 =	slt.u32 s9, $0xF7A;
	s5 =	simm.s32 @!p2 $0x0  }
0x1d: {  	s5 =	simm.s32 @p1 $0x1;
	p0 =	seq.s32 s7, s2  }
0x1e: {  	s7 =	smul.u32 @!p0 $0xF7A, s2;
	p2 =	seq.s32 @!p0 s5, $0x0  }
0x1f: {  	s9 =	smul.u32 $0xF7A, s1;
	s8 =	simm.s32 @!p0 $0x1BF5;
	p2 =	por !p2, p0  }
0x20: {  	[sflag:s8] =	ssyncset.s32 @!p0 $0xFFFFF086;
	s6 =	sadd.s32 @!p0 s3, s7;
	s7 =	simm.s32 @!p0 $0x108  }
0x21: {  	s3 =	sadd.s32 s3, s9;
	s6 =	sadd.s32 @!p0 $0x88, s6;
	s7 =	simm.s32 @p2 $0x1082  }
0x22: {  	[simem:s7], [sflag:s8] =	dma.local @!p0 [hbm:s6], $0xF7A  }
0x23: {  	s9 =	sor.u32 $0xD0000000, s2;
	s6 =	simm.s32 $0x108;
	_ =	swait.ge @!p0 [sflag:s8], $0x0  }
0x24: {  	s3 =	sadd.s32 $0x88, s3;
	s6 =	simm.s32 @!p1 $0x1082;
	[sflag:s4] =	ssyncset.s32 $0xFFFFF086  }
0x25: {  	[simem:s6], [sflag:s4] =	dma.local [hbm:s3], $0xF7A  }
0x26: {  	[smem:$0x3F8B] =	sst s1;
	(tag) =	ssettag s2;
	_ =	strace s9  }
0x27: {  	s1 =	sld [smem:$0x3F9B]  }
0x28: {  	s2 =	sld [smem:$0x3F9C]  }
0x29: {  	s4 =	sld [smem:$0x3F9E]  }
0x2a: {  	p0 =	seq.s32 s5, $0x0;
	s5 =	sld [smem:$0x3F9F]  }
0x2b: {  	s6 =	sld [smem:$0x3FA0]  }
0x2c: {  	s7 =	sld [smem:$0x3FA1]  }
0x2d: {  	s3 =	simm.s32 $0x108;
	s8 =	sld [smem:$0x3FA2]  }
0x2e: {  	s3 =	simm.s32 @!p0 $0x1082;
	s9 =	sld [smem:$0x3FA3]  }
0x2f: {  	lr =	sadd.s32 s0, s3;
	s0 =	sld [smem:$0x3F9A]  }
0x30: {  	s3 =	sld [smem:$0x3F9D]  }
0x31: {  	[smem:$0x3FA6] =	sst s10  }
0x32: {  	s10 =	sld [smem:$0x3FA4];
	_ =	sdelay $0x3  }
0x33: {  	p0 =	seq.s32 s10, $0x1;
	s10 =	sld [smem:$0x3FA6];
	_ =	sdelay $0x3  }
0x34: {  	[smem:$0x3FA6] =	sst s10  }
0x35: {  	s10 =	sld [smem:$0x3FA5];
	_ =	sdelay $0x3  }
0x36: {  	p1 =	seq.s32 s10, $0x1;
	s10 =	sld [smem:$0x3FA6];
	_ =	sdelay $0x3  }
0x37: {  	[smem:$0x3FA6] =	sst s10  }
0x38: {  	s10 =	sld [smem:$0x3FA7]  }
0x39: {  	_ = 	snop;
	(pc) =	sbr.ind lr, $3  }
0x3a: {  	_ = 	snop  }
0x3b: {  	_ = 	snop  }
0x3c: {  	p2 =	seq.s32 s10, $0x1;
	s10 =	sld [smem:$0x3FA6]  }
0x3d: {  	_ =	shalt  }
0x3e: {  	_ =	shalt  }
0x3f: {  	_ =	shalt  }
0x40: {  	_ =	shalt  }
0x41: {  	_ =	shalt  }
0x42: {  	_ =	shalt  }
0x43: {  	_ =	shalt  }
0x44: {  	_ =	shalt  }
0x45: {  	_ =	shalt  }
0x46: {  	_ =	shalt  }
0x47: {  	_ =	shalt  }
0x48: {  	_ =	shalt  }
0x49: {  	_ =	shalt  }
0x4a: {  	_ =	shalt  }
0x4b: {  	_ =	shalt  }
0x4c: {  	_ =	shalt  }
0x4d: {  	_ =	shalt  }
0x4e: {  	_ =	shalt  }
0x4f: {  	_ =	shalt  }
0x50: {  	_ =	shalt  }
0x51: {  	_ =	shalt  }
0x52: {  	_ =	shalt  }
0x53: {  	_ =	shalt  }
0x54: {  	_ =	shalt  }
0x55: {  	_ =	shalt  }
0x56: {  	_ =	shalt  }
0x57: {  	_ =	shalt  }
0x58: {  	_ =	shalt  }
0x59: {  	_ =	shalt  }
0x5a: {  	_ =	shalt  }
0x5b: {  	_ =	shalt  }
0x5c: {  	_ =	shalt  }
0x5d: {  	_ =	shalt  }
0x5e: {  	_ =	shalt  }
0x5f: {  	_ =	shalt  }
0x60: {  	_ =	shalt  }
0x61: {  	_ =	shalt  }
0x62: {  	_ =	shalt  }
0x63: {  	_ =	shalt  }
0x64: {  	_ =	shalt  }
0x65: {  	_ =	shalt  }
0x66: {  	_ =	shalt  }
0x67: {  	_ =	shalt  }
0x68: {  	_ =	shalt  }
0x69: {  	_ =	shalt  }
0x6a: {  	_ =	shalt  }
0x6b: {  	_ =	shalt  }
0x6c: {  	_ =	shalt  }
0x6d: {  	_ =	shalt  }
0x6e: {  	_ =	shalt  }
0x6f: {  	_ =	shalt  }
0x70: {  	_ =	shalt  }
0x71: {  	_ =	shalt  }
0x72: {  	_ =	shalt  }
0x73: {  	_ =	shalt  }
0x74: {  	_ =	shalt  }
0x75: {  	_ =	shalt  }
0x76: {  	_ =	shalt  }
0x77: {  	_ =	shalt  }
0x78: {  	_ =	shalt  }
0x79: {  	_ =	shalt  }
0x7a: {  	_ =	shalt  }
0x7b: {  	_ =	shalt  }
0x7c: {  	_ =	shalt  }
0x7d: {  	_ =	shalt  }
0x7e: {  	_ =	shalt  }
0x7f: {  	_ =	shalt  }
0x80: {  	_ =	shalt  }
0x81: {  	_ =	shalt  }
0x82: {  	_ =	shalt  }
0x83: {  	_ =	shalt  }
0x84: {  	_ =	shalt  }
0x85: {  	_ =	shalt  }
0x86: {  	_ =	shalt  }
0x87: {  	_ =	shalt  }
.Lfunc_end0:
.L_simem_size_0:
called_computation.1_lowered:
.L_overlay_start_0:
0x88: {  	s2 =	sld [smem:$0x3FD9]  }
0x89: {  	s3 =	sld [smem:$0x3FFE];
	_ =	sdelay $0x1  }
0x8a: {  	s1 =	srdreg.scid  }
0x8b: {  	s0 =	sand.u32 $0x1, s1  }
0x8c: {  	s17 =	sshll.u32 s0, $0xA;
	s2 =	sadd.s32 s3, s2  }
0x8d: {  	s2 =	sadd.s32 s2, s17  }
0x8e: {  	[smem:$0x3FB2] =	sst s2  }
0x8f: {  	_ = 	snop  }
0x90: {  	(tm) =	ssettm $0x1  }
0x91: {  	s18 =	sld [smem:$0x3FFB];
	_ =	sdelay $0x3  }
0x92: {  	_ =	strace s18  }
0x93: {  	s2 =	sld [smem:$0x3FFC];
	_ =	sdelay $0x3  }
0x94: {  	_ =	strace s2  }
0x95: {  	s2 =	sld [smem:$0x3FFD];
	_ =	sdelay $0x3  }
0x96: {  	_ =	strace s2  }
0x97: {  	_ =	strace $0x8FFFFFFF  }
0x98: {  	s19 =	sld [smem:$0x3FDB];
	_ =	sdelay $0x1  }
0x99: {  	s20 =	simm.s32 $_scs_section_size  }
0x9a: {  	s4 =	simm.s32 $_size__tile_overlayer_lowered;
	s5 =	simm.s32 $_tile_overlayer_lowered  }
0x9b: {  	s6 =	simm.s32 $0x1BFF;
	s21 =	sshll.u32 s5, $0x1;
	s3 =	sadd.s32 s20, s19  }
0x9c: {  	s22 =	simm.s32 $0x0;
	s4 =	sshll.u32 s4, $0x1;
	s5 =	sadd.s32 s21, s3  }
0x9d: {  	[timem:s22], [sflag:s6] =	dma.local [hbm:s5], s4  }
0x9e: {  	_ =	swait.ge [sflag:s6], s4  }
0x9f: {  	s4 =	ssub.s32 $0x0, s4;
	[sflag:s6] =	ssyncset.done $0x0  }
0xa0: {  	[sflag:s6] =	ssyncadd.s32 s4;
	_ =	sdelay $0x1  }
0xa1: {  	s23 =	simm.s32 $0x1B8B  }
0xa2: {  	_ =	swait.ge [sflag:s23], $0x1  }
0xa3: {  	[sflag:s23] =	ssyncset.done $0x0  }
0xa4: {  	[sflag:s23] =	ssyncadd.s32 $0xFFFFFFFF  }
0xa5: {  	s4 =	sld [smem:$0x0]  }
0xa6: {  	s5 =	sand.u32 $0xFFFFFFFE, s1  }
0xa7: {  	p0 =	sne.s32 s1, s5  }
0xa8: {  	s5 =	sshll.u32 @p0 s5, $0xE  }
0xa9: {  	s5 =	sadd.s32 @p0 $0x11B8D, s5;
	s6 =	sshll.u32 @p0 s4, $0x11  }
0xaa: {  	s5 =	sor.u32 @p0 s6, s5  }
0xab: {  	[sflag:s5] =	ssyncadd.remote.s32 @p0 $0x1;
	_ =	sdelay $0x1  }
0xac: {  	s5 =	simm.s32 @p0 $0x1B8D  }
0xad: {  	_ =	swait.eq @p0 [sflag:s5], $0x1  }
0xae: {  	[sflag:s5] =	ssyncadd.s32 @p0 $0xFFFFFFFF  }
0xaf: {  	s6 =	sshll.u32 @!p0 s1, $0xE  }
0xb0: {  	s6 =	sor.u32 @!p0 $0x4000, s6;
	s5 =	simm.s32 @!p0 $0x1B8D  }
0xb1: {  	s4 =	sshll.u32 @!p0 s4, $0x11;
	s6 =	sadd.s32 @!p0 $0x11B8D, s6;
	_ =	swait.eq @!p0 [sflag:s5], $0x1  }
0xb2: {  	s4 =	sor.u32 @!p0 s4, s6;
	[sflag:s5] =	ssyncadd.s32 @!p0 $0xFFFFFFFF  }
0xb3: {  	s25 =	simm.s32 $0x1B8E;
	s24 =	sld [smem:$0x3FFE];
	[sflag:s4] =	ssyncadd.remote.s32 @!p0 $0x1  }
0xb4: {  	s26 =	simm.s32 $execute0_lowered;
	[smem:$0x3FD2] =	sst s25  }
0xb5: {  	s5 =	sshll.u32 s26, $0x1;
	_ =	strace $0x8000004F;
	[dreg:$0x1] =	wrdreg $0xFFFFFFFF  }
0xb6: {  	s28 =	simm.s32 $_size_execute0_lowered;
	s3 =	sadd.s32 s3, s5;
	[dreg:$0x0] =	wrdreg $0x0  }
0xb7: {  	s5 =	sshll.u32 s28, $0x1;
	[dreg:$0x2] =	wrdreg s3  }
0xb8: {  	[dreg:$0x3] =	wrdreg s5  }
0xb9: {  	[dreg:$0x4] =	wrdreg $0xC0  }
0xba: {  	_ =	task [dreg:s22], $0x5FFFF  }
0xbb: {  	[dreg:$0x1] =	wrdreg $0xFFFFFFFF  }
0xbc: {  	[dreg:$0x0] =	wrdreg $0x60  }
0xbd: {  	[dreg:$0x2] =	wrdreg s24  }
0xbe: {  	[dreg:$0x3] =	wrdreg $0x70000  }
0xbf: {  	[dreg:$0x4] =	wrdreg $0x9  }
0xc0: {  	_ =	task.clear_ibuf [dreg:s22], $0x5FFFF;
	_ =	strace $0x9000004F  }
0xc1: {  	s29 =	simm.s32 $0x9;
	_ =	strace $0x80000051  }
0xc2: {  	_ =	swait.ge [sflag:s29], $0x1  }
0xc3: {  	[sflag:s29] =	ssyncadd.s32 $0xFFFFFFFF  }
0xc4: {  	_ =	strace $0x90000051  }
0xc5: {  	_ =	sfence  }
0xc6: {  	s30 =	sld [smem:$0x0];
	_ =	sdelay $0x2  }
0xc7: {  	s31 =	sshll.u32 s1, $0xD;
	s1 =	sshrl.u32 s1, $0x2  }
0xc8: {  	s4 =	sand.u32 $0x4000, s31;
	s1 =	sadd.s32 s1, s30  }
0xc9: {  	s0 =	sor.u32 s4, s0;
	s1 =	sshll.u32 s1, $0x11  }
0xca: {  	s0 =	sor.u32 s1, s0  }
0xcb: {  	s0 =	sadd.s32 $0x8F2B, s0  }
0xcc: {  	[sflag:s0] =	ssyncadd.remote.s32 $0x1  }
0xcd: {  	_ =	sfence.sel $0xFFFF  }
0xce: {  	[dreg:$0x0] =	wrdreg $0xFFFFFFFF;
	(pc) =	sbr.abs _section_cstart, $3  }
0xcf: {  	[dreg:$0x1] =	wrdreg $0xFFFFFFFF  }
0xd0: {  	_ =	task.clear_ibuf [dreg:s22], $0x2FFFF;
	_ =	strace $0x9FFFFFFF  }
0xd1: {  	(tm) =	ssettm $0x7FFFFFFF  }
tec
execute0_lowered:
.L_overlay_start_1:
0x0: {  	(tag) =	ssettag $0x1  }
0x1: {  	s0 =	rddreg [dreg:$0x0]  }
0x2: {  	s1 =	rddreg [dreg:$0x1];
	s3 =	simm.s32 $0x0  }
0x3: {  	s2 =	srdreg.scid;
	s16 =	stileid.u32;
	s28 =	simm.s32 $0x4  }
0x4: {  	s29 =	simm.s32 $0x2;
	s30 =	simm.s32 $0x1E00;
	s7 =	smul.u32 $0x2800, s16  }
0x5: {  	s31 =	simm.s32 $0x1E80;
	[smem:$0x7FF] =	sst s3;
	s10 =	smul.u32 $0x50000, s16  }
0x6: {  	s2 =	sand.u32 $0x1, s2;
	s4 =	sadd.s32 $0x9F4800, s0;
	s25 =	smul.u32 $0x26C00, s16  }
0x7: {  	s5 =	sshll.u32 s16, $0x1;
	s19 =	sadd.s32 $0xC60800, s0;
	s6 =	smul.u32 $0x28000, s2  }
0x8: {  	s5 =	sor.u32 s2, s5;
	s9 =	ssub.s32 $0x2, s2;
	s2 =	smul.u32 $0x13600, s2  }
0x9: {  	_ =	strace $0x80000050;
	s8 =	sshll.u32 s5, $0xA;
	s5 =	smul.u32 $0x13600, s5  }
0xa: {  	s17 =	sshrl.u32 s9, $0x1;
	s21 =	sshrl.u32 s10, $0x2;
	s8 =	sadd.s32 s8, s0  }
0xb: {  	s6 =	sadd.s32 s7, s6;
	s11 =	ssub.s32 s9, s17;
	s18 =	sadd.s32 $0x294000, s8  }
0xc: {  	s0 =	sadd.s32 s6, s0;
	s20 =	sadd.s32 s4, s5;
	[dreg:$0x3] =	wrdreg s18  }
0xd: {  	s22 =	sadd.s32 $0x28C000, s8;
	s23 =	sadd.s32 s19, s5;
	[dreg:$0x4] =	wrdreg s20  }
0xe: {  	s8 =	sadd.s32 s21, s1;
	s10 =	smax.u32 s11, $0x1;
	[dreg:$0x5] =	wrdreg s22  }
0xf: {  	s24 =	sadd.s32 $0x13100, s5;
	s5 =	sadd.s32 s25, s19;
	[dreg:$0x6] =	wrdreg s23  }
0x10: {  	s9 =	sadd.s32 $0x66000, s0;
	s11 =	sadd.s32 s19, s24;
	s12 =	sadd.s32 $0x2800, s8  }
0x11: {  	s13 =	sadd.s32 $0x5000, s8;
	s14 =	sadd.s32 $0x7800, s8;
	s15 =	sadd.s32 $0xA000, s8  }
0x12: {  	s16 =	sadd.s32 $0xC800, s8;
	s17 =	sadd.s32 $0xF000, s8;
	s18 =	sadd.s32 $0x11800, s8  }
0x13: {  	s20 =	sadd.s32 s25, s4;
	s19 =	sadd.s32 s4, s24;
	s22 =	simm.s32 $0x2000  }
0x14: {  	s23 =	simm.s32 $0x3;
	s24 =	simm.s32 $0x4800;
	s25 =	simm.s32 $0x1  }
0x15: {  	s0 =	simm.s32 $0x0;
	s26 =	sadd.s32 s2, s20;
	s2 =	sadd.s32 s2, s5  }
0x16: {  	v0 =	vimm.f32 $0.0e+00;
	s20 =	sadd.s32 $0xA00, s26;
	s21 =	sadd.s32 $0xA00, s2;
	s26 =	simm.s32 $0x50  }
.LBB2_1:
0x17: {  	s2 =	simm.s32 $0x40;
	s4 =	simm.s32 $0x0  }
.LBB2_2:
0x18: {  	p0 =	sne.s32 s2, $0x9FC0;
	[tilespmem:s4+$0x2000] =	vst v0;
	s5 =	smov.u32 s2;
	s2 =	sadd.s32 $0x40, s2  }
.Ltmp0:
0x19: {  	[tilespmem:s4+$0x4800] =	vst v0;
	(pc) =	sbr.rel @p0 .LBB2_2-.Ltmp0, $2  }
0x1a: {  	_ =	sdelay $0x2  }
0x1b: {  	s4 =	sshra.s32 s5, $0x2  }
0x1c: {  	[tilespmem:s4+$0x2000] =	vst v0  }
0x1d: {  	[tilespmem:s4+$0x4800] =	vst v0  }
0x1e: {  	[spmem:s8] =	stream.linear.scatter [tilespmem:s22], [sflag:$0x3], $0x2800, $0x38;
	[tilespmem:$0x1B000] =	vst v63  }
0x1f: {  	_ =	swait.ge [sflag:s23], $0x2800  }
0x20: {  	[sflag:s23] =	ssyncset.done $0x0  }
0x21: {  	[sflag:s23] =	ssyncadd.s32 $0xFFFFD800  }
0x22: {  	[spmem:s12] =	stream.linear.scatter [tilespmem:s24], [sflag:$0x3], $0x2800, $0x38;
	[tilespmem:$0x1B000] =	vst v63  }
0x23: {  	_ =	swait.ge [sflag:s23], $0x2800  }
0x24: {  	[sflag:s23] =	ssyncset.done $0x0  }
0x25: {  	[sflag:s23] =	ssyncadd.s32 $0xFFFFD800  }
0x26: {  	[spmem:s13] =	stream.linear.scatter [tilespmem:s22], [sflag:$0x3], $0x2800, $0x38;
	[tilespmem:$0x1B000] =	vst v63  }
0x27: {  	_ =	swait.ge [sflag:s23], $0x2800  }
0x28: {  	[sflag:s23] =	ssyncset.done $0x0  }
0x29: {  	[sflag:s23] =	ssyncadd.s32 $0xFFFFD800  }
0x2a: {  	[spmem:s14] =	stream.linear.scatter [tilespmem:s24], [sflag:$0x3], $0x2800, $0x38;
	[tilespmem:$0x1B000] =	vst v63  }
0x2b: {  	_ =	swait.ge [sflag:s23], $0x2800  }
0x2c: {  	[sflag:s23] =	ssyncset.done $0x0  }
0x2d: {  	[sflag:s23] =	ssyncadd.s32 $0xFFFFD800  }
0x2e: {  	[spmem:s15] =	stream.linear.scatter [tilespmem:s22], [sflag:$0x3], $0x2800, $0x38;
	[tilespmem:$0x1B000] =	vst v63  }
0x2f: {  	_ =	swait.ge [sflag:s23], $0x2800  }
0x30: {  	[sflag:s23] =	ssyncset.done $0x0  }
0x31: {  	[sflag:s23] =	ssyncadd.s32 $0xFFFFD800  }
0x32: {  	[spmem:s16] =	stream.linear.scatter [tilespmem:s24], [sflag:$0x3], $0x2800, $0x38;
	[tilespmem:$0x1B000] =	vst v63  }
0x33: {  	_ =	swait.ge [sflag:s23], $0x2800  }
0x34: {  	[sflag:s23] =	ssyncset.done $0x0  }
0x35: {  	[sflag:s23] =	ssyncadd.s32 $0xFFFFD800  }
0x36: {  	[spmem:s17] =	stream.linear.scatter [tilespmem:s22], [sflag:$0x3], $0x2800, $0x38;
	[tilespmem:$0x1B000] =	vst v63  }
0x37: {  	_ =	swait.ge [sflag:s23], $0x2800  }
0x38: {  	[sflag:s23] =	ssyncset.done $0x0  }
0x39: {  	[sflag:s23] =	ssyncadd.s32 $0xFFFFD800  }
0x3a: {  	[spmem:s18] =	stream.linear.scatter [tilespmem:s24], [sflag:$0x3], $0x2800, $0x38;
	[tilespmem:$0x1B000] =	vst v63  }
0x3b: {  	_ =	swait.ge [sflag:s23], $0x2800  }
0x3c: {  	[sflag:s23] =	ssyncset.done $0x0  }
0x3d: {  	[sflag:s23] =	ssyncadd.s32 $0xFFFFD800  }
0x3e: {  	[bflag:$0x0] =	sbarrier.arrive $0xFFFF  }
0x3f: {  	s2 =	simm.s32 $0x0;
	s6 =	rddreg [dreg:$0x3]  }
0x40: {  	[tilespmem:s2], [sflag:$0x3] =	stream.linear.gather [hbm4b:s6+s2], $0x1F00, $0x38;
	[tilespmem:$0x1B000] =	vst v63  }
0x41: {  	_ =	swait.ge [sflag:s23], $0x1F00  }
0x42: {  	[sflag:s23] =	ssyncset.done $0x0  }
0x43: {  	s7 =	rddreg [dreg:$0x4];
	[sflag:s23] =	ssyncadd.s32 $0xFFFFE100  }
0x44: {  	[tilespmem:s22], [sflag:$0x1] =	stream.linear.gather [hbm4b:s7+s2], $0x2800, $0x38;
	[tilespmem:$0x1B000] =	vst v63  }
0x45: {  	s5 =	sadd.s32 $0xFFFFFB00, s20  }
0x46: {  	[tilespmem:s24], [sflag:$0x2] =	stream.linear.gather [hbm4b:s5+s3], $0x2800, $0x38;
	[tilespmem:$0x1B000] =	vst v63  }
0x47: {  	_ =	swait.ge [sflag:s25], $0x2800  }
0x48: {  	[sflag:s25] =	ssyncset.done $0x0  }
0x49: {  	s6 =	simm.s32 $0x0;
	[sflag:s25] =	ssyncadd.s32 $0xFFFFD800  }
0x4a: {  	[spmem:s1] =	stream.indirect.scatter.add.f32 [tilespmem:s22], [sflag:$0x4], $0x80, s6, s26, $0xb8;
	[tilespmem:$0x1B000] =	vst v63  }
0x4b: {  	_ =	swait.ge [sflag:s28], $0x2800  }
0x4c: {  	[sflag:s28] =	ssyncset.done $0x0  }
0x4d: {  	[sflag:s28] =	ssyncadd.s32 $0xFFFFD800  }
0x4e: {  	[tilespmem:s22], [sflag:$0x1] =	stream.linear.gather [hbm4b:s20+s3], $0x2800, $0x38;
	[tilespmem:$0x1B000] =	vst v63  }
0x4f: {  	_ =	swait.ge [sflag:s29], $0x2800  }
0x50: {  	[sflag:s29] =	ssyncset.done $0x0  }
0x51: {  	s7 =	simm.s32 $0x80;
	[sflag:s29] =	ssyncadd.s32 $0xFFFFD800  }
0x52: {  	[spmem:s1] =	stream.indirect.scatter.add.f32 [tilespmem:s24], [sflag:$0x3], $0x80, s7, s26, $0xb8;
	[tilespmem:$0x1B000] =	vst v63  }
0x53: {  	s4 =	simm.s32 $0x400;
	_ =	swait.ge [sflag:s23], $0x2800  }
0x54: {  	s2 =	sadd.s32 $0xA00, s20;
	s5 =	simm.s32 $0x800;
	[sflag:s23] =	ssyncset.done $0x0  }
.LBB2_4:
0x55: {  	p0 =	sne.s32 s5, $0x7400;
	s6 =	sadd.s32 $0xFFFFFB00, s2;
	[sflag:s23] =	ssyncadd.s32 $0xFFFFD800  }
0x56: {  	[tilespmem:s24], [sflag:$0x2] =	stream.linear.gather [hbm4b:s6+s3], $0x2800, $0x38;
	[tilespmem:$0x1B000] =	vst v63  }
0x57: {  	s6 =	smov.u32 s5;
	s5 =	sadd.s32 $0x400, s5;
	_ =	swait.ge [sflag:s25], $0x2800  }
0x58: {  	[sflag:s25] =	ssyncset.done $0x0  }
0x59: {  	s7 =	sshra.s32 s4, $0x2;
	s4 =	smov.u32 s6;
	[sflag:s25] =	ssyncadd.s32 $0xFFFFD800  }
0x5a: {  	[spmem:s1] =	stream.indirect.scatter.add.f32 [tilespmem:s22], [sflag:$0x4], $0x80, s7, s26, $0xb8;
	[tilespmem:$0x1B000] =	vst v63  }
0x5b: {  	_ =	swait.ge [sflag:s28], $0x2800  }
0x5c: {  	[sflag:s28] =	ssyncset.done $0x0  }
0x5d: {  	[sflag:s28] =	ssyncadd.s32 $0xFFFFD800  }
0x5e: {  	[tilespmem:s22], [sflag:$0x1] =	stream.linear.gather [hbm4b:s2+s3], $0x2800, $0x38;
	[tilespmem:$0x1B000] =	vst v63  }
0x5f: {  	_ =	swait.ge [sflag:s29], $0x2800  }
.Ltmp1:
0x60: {  	[sflag:s29] =	ssyncset.done $0x0;
	(pc) =	sbr.rel @p0 .LBB2_4-.Ltmp1, $4  }
0x61: {  	s6 =	sadd.s32 $0x80, s7;
	[sflag:s29] =	ssyncadd.s32 $0xFFFFD800  }
0x62: {  	[spmem:s1] =	stream.indirect.scatter.add.f32 [tilespmem:s24], [sflag:$0x3], $0x80, s6, s26, $0xb8;
	[tilespmem:$0x1B000] =	vst v63  }
0x63: {  	_ =	swait.ge [sflag:s23], $0x2800  }
0x64: {  	s2 =	sadd.s32 $0xA00, s2;
	[sflag:s23] =	ssyncset.done $0x0  }
0x65: {  	s5 =	sadd.s32 $0xFFFFFB00, s2;
	[sflag:s23] =	ssyncadd.s32 $0xFFFFD800  }
0x66: {  	[tilespmem:s24], [sflag:$0x2] =	stream.linear.gather [hbm4b:s5+s3], $0x2800, $0x38;
	[tilespmem:$0x1B000] =	vst v63  }
0x67: {  	_ =	swait.ge [sflag:s25], $0x2800  }
0x68: {  	[sflag:s25] =	ssyncset.done $0x0  }
0x69: {  	s4 =	sshra.s32 s4, $0x2;
	[sflag:s25] =	ssyncadd.s32 $0xFFFFD800  }
0x6a: {  	[spmem:s1] =	stream.indirect.scatter.add.f32 [tilespmem:s22], [sflag:$0x4], $0x80, s4, s26, $0xb8;
	[tilespmem:$0x1B000] =	vst v63  }
0x6b: {  	_ =	swait.ge [sflag:s28], $0x2800  }
0x6c: {  	[sflag:s28] =	ssyncset.done $0x0  }
0x6d: {  	[sflag:s28] =	ssyncadd.s32 $0xFFFFD800  }
0x6e: {  	[tilespmem:s22], [sflag:$0x1] =	stream.linear.gather [hbm4b:s2+s3], $0x2800, $0x38;
	[tilespmem:$0x1B000] =	vst v63  }
0x6f: {  	_ =	swait.ge [sflag:s29], $0x2800  }
0x70: {  	[sflag:s29] =	ssyncset.done $0x0  }
0x71: {  	s4 =	sadd.s32 $0x80, s4;
	[sflag:s29] =	ssyncadd.s32 $0xFFFFD800  }
0x72: {  	[spmem:s1] =	stream.indirect.scatter.add.f32 [tilespmem:s24], [sflag:$0x3], $0x80, s4, s26, $0xb8;
	[tilespmem:$0x1B000] =	vst v63  }
0x73: {  	_ =	swait.ge [sflag:s23], $0x2800  }
0x74: {  	[sflag:s23] =	ssyncset.done $0x0  }
0x75: {  	s5 =	simm.s32 $0x0;
	[sflag:s23] =	ssyncadd.s32 $0xFFFFD800  }
0x76: {  	[tilespmem:s24], [sflag:$0x2] =	stream.linear.gather [hbm4b:s19+s5], $0x2800, $0x38;
	[tilespmem:$0x1B000] =	vst v63  }
0x77: {  	_ =	swait.ge [sflag:s25], $0x2800  }
0x78: {  	[sflag:s25] =	ssyncset.done $0x0  }
0x79: {  	[sflag:s25] =	ssyncadd.s32 $0xFFFFD800  }
0x7a: {  	[spmem:s1] =	stream.indirect.scatter.add.f32 [tilespmem:s22], [sflag:$0x4], $0x80, s30, s26, $0xb8;
	[tilespmem:$0x1B000] =	vst v63  }
0x7b: {  	_ =	swait.ge [sflag:s28], $0x2800  }
0x7c: {  	[sflag:s28] =	ssyncset.done $0x0  }
0x7d: {  	[sflag:s28] =	ssyncadd.s32 $0xFFFFD800  }
0x7e: {  	_ =	swait.ge [sflag:s29], $0x2800  }
0x7f: {  	[sflag:s29] =	ssyncset.done $0x0  }
0x80: {  	[sflag:s29] =	ssyncadd.s32 $0xFFFFD800  }
0x81: {  	[spmem:s1] =	stream.indirect.scatter.add.f32 [tilespmem:s24], [sflag:$0x3], $0x80, s31, s26, $0xb8;
	[tilespmem:$0x1B000] =	vst v63  }
0x82: {  	_ =	swait.ge [sflag:s23], $0x2800  }
0x83: {  	[sflag:s23] =	ssyncset.done $0x0  }
0x84: {  	s6 =	rddreg [dreg:$0x5];
	[sflag:s23] =	ssyncadd.s32 $0xFFFFD800  }
0x85: {  	[tilespmem:s5], [sflag:$0x3] =	stream.linear.gather [hbm4b:s6+s5], $0x1F00, $0x38;
	[tilespmem:$0x1B000] =	vst v63  }
0x86: {  	_ =	swait.ge [sflag:s23], $0x1F00  }
0x87: {  	[sflag:s23] =	ssyncset.done $0x0  }
0x88: {  	s7 =	rddreg [dreg:$0x6];
	[sflag:s23] =	ssyncadd.s32 $0xFFFFE100  }
0x89: {  	[tilespmem:s22], [sflag:$0x1] =	stream.linear.gather [hbm4b:s7+s5], $0x2800, $0x38;
	[tilespmem:$0x1B000] =	vst v63  }
0x8a: {  	s5 =	sadd.s32 $0xFFFFFB00, s21  }
0x8b: {  	[tilespmem:s24], [sflag:$0x2] =	stream.linear.gather [hbm4b:s5+s3], $0x2800, $0x38;
	[tilespmem:$0x1B000] =	vst v63  }
0x8c: {  	_ =	swait.ge [sflag:s25], $0x2800  }
0x8d: {  	[sflag:s25] =	ssyncset.done $0x0  }
0x8e: {  	s6 =	simm.s32 $0x0;
	[sflag:s25] =	ssyncadd.s32 $0xFFFFD800  }
0x8f: {  	[spmem:s1] =	stream.indirect.scatter.add.f32 [tilespmem:s22], [sflag:$0x4], $0x80, s6, s26, $0xb8;
	[tilespmem:$0x1B000] =	vst v63  }
0x90: {  	_ =	swait.ge [sflag:s28], $0x2800  }
0x91: {  	[sflag:s28] =	ssyncset.done $0x0  }
0x92: {  	[sflag:s28] =	ssyncadd.s32 $0xFFFFD800  }
0x93: {  	[tilespmem:s22], [sflag:$0x1] =	stream.linear.gather [hbm4b:s21+s3], $0x2800, $0x38;
	[tilespmem:$0x1B000] =	vst v63  }
0x94: {  	_ =	swait.ge [sflag:s29], $0x2800  }
0x95: {  	[sflag:s29] =	ssyncset.done $0x0  }
0x96: {  	s7 =	simm.s32 $0x80;
	[sflag:s29] =	ssyncadd.s32 $0xFFFFD800  }
0x97: {  	[spmem:s1] =	stream.indirect.scatter.add.f32 [tilespmem:s24], [sflag:$0x3], $0x80, s7, s26, $0xb8;
	[tilespmem:$0x1B000] =	vst v63  }
0x98: {  	s2 =	sadd.s32 $0xA00, s21;
	_ =	swait.ge [sflag:s23], $0x2800  }
0x99: {  	s4 =	simm.s32 $0x400;
	s5 =	simm.s32 $0x800;
	[sflag:s23] =	ssyncset.done $0x0  }
.LBB2_6:
0x9a: {  	p0 =	sne.s32 s5, $0x7400;
	s6 =	sadd.s32 $0xFFFFFB00, s2;
	[sflag:s23] =	ssyncadd.s32 $0xFFFFD800  }
0x9b: {  	[tilespmem:s24], [sflag:$0x2] =	stream.linear.gather [hbm4b:s6+s3], $0x2800, $0x38;
	[tilespmem:$0x1B000] =	vst v63  }
0x9c: {  	s6 =	smov.u32 s5;
	s5 =	sadd.s32 $0x400, s5;
	_ =	swait.ge [sflag:s25], $0x2800  }
0x9d: {  	[sflag:s25] =	ssyncset.done $0x0  }
0x9e: {  	s7 =	sshra.s32 s4, $0x2;
	s4 =	smov.u32 s6;
	[sflag:s25] =	ssyncadd.s32 $0xFFFFD800  }
0x9f: {  	[spmem:s1] =	stream.indirect.scatter.add.f32 [tilespmem:s22], [sflag:$0x4], $0x80, s7, s26, $0xb8;
	[tilespmem:$0x1B000] =	vst v63  }
0xa0: {  	_ =	swait.ge [sflag:s28], $0x2800  }
0xa1: {  	[sflag:s28] =	ssyncset.done $0x0  }
0xa2: {  	[sflag:s28] =	ssyncadd.s32 $0xFFFFD800  }
0xa3: {  	[tilespmem:s22], [sflag:$0x1] =	stream.linear.gather [hbm4b:s2+s3], $0x2800, $0x38;
	[tilespmem:$0x1B000] =	vst v63  }
0xa4: {  	_ =	swait.ge [sflag:s29], $0x2800  }
.Ltmp2:
0xa5: {  	[sflag:s29] =	ssyncset.done $0x0;
	(pc) =	sbr.rel @p0 .LBB2_6-.Ltmp2, $4  }
0xa6: {  	s6 =	sadd.s32 $0x80, s7;
	[sflag:s29] =	ssyncadd.s32 $0xFFFFD800  }
0xa7: {  	[spmem:s1] =	stream.indirect.scatter.add.f32 [tilespmem:s24], [sflag:$0x3], $0x80, s6, s26, $0xb8;
	[tilespmem:$0x1B000] =	vst v63  }
0xa8: {  	_ =	swait.ge [sflag:s23], $0x2800  }
0xa9: {  	s2 =	sadd.s32 $0xA00, s2;
	[sflag:s23] =	ssyncset.done $0x0  }
0xaa: {  	s5 =	sadd.s32 $0xFFFFFB00, s2;
	[sflag:s23] =	ssyncadd.s32 $0xFFFFD800  }
0xab: {  	[tilespmem:s24], [sflag:$0x2] =	stream.linear.gather [hbm4b:s5+s3], $0x2800, $0x38;
	[tilespmem:$0x1B000] =	vst v63  }
0xac: {  	_ =	swait.ge [sflag:s25], $0x2800  }
0xad: {  	[sflag:s25] =	ssyncset.done $0x0  }
0xae: {  	s4 =	sshra.s32 s4, $0x2;
	[sflag:s25] =	ssyncadd.s32 $0xFFFFD800  }
0xaf: {  	[spmem:s1] =	stream.indirect.scatter.add.f32 [tilespmem:s22], [sflag:$0x4], $0x80, s4, s26, $0xb8;
	[tilespmem:$0x1B000] =	vst v63  }
0xb0: {  	_ =	swait.ge [sflag:s28], $0x2800  }
0xb1: {  	[sflag:s28] =	ssyncset.done $0x0  }
0xb2: {  	[sflag:s28] =	ssyncadd.s32 $0xFFFFD800  }
0xb3: {  	[tilespmem:s22], [sflag:$0x1] =	stream.linear.gather [hbm4b:s2+s3], $0x2800, $0x38;
	[tilespmem:$0x1B000] =	vst v63  }
0xb4: {  	_ =	swait.ge [sflag:s29], $0x2800  }
0xb5: {  	[sflag:s29] =	ssyncset.done $0x0  }
0xb6: {  	s5 =	sadd.s32 $0x80, s4;
	[sflag:s29] =	ssyncadd.s32 $0xFFFFD800  }
0xb7: {  	[spmem:s1] =	stream.indirect.scatter.add.f32 [tilespmem:s24], [sflag:$0x3], $0x80, s5, s26, $0xb8;
	[tilespmem:$0x1B000] =	vst v63  }
0xb8: {  	_ =	swait.ge [sflag:s23], $0x2800  }
0xb9: {  	[sflag:s23] =	ssyncset.done $0x0  }
0xba: {  	[sflag:s23] =	ssyncadd.s32 $0xFFFFD800  }
0xbb: {  	[tilespmem:s24], [sflag:$0x2] =	stream.linear.gather [hbm4b:s11+s3], $0x2800, $0x38;
	[tilespmem:$0x1B000] =	vst v63  }
0xbc: {  	_ =	swait.ge [sflag:s25], $0x2800  }
0xbd: {  	[sflag:s25] =	ssyncset.done $0x0  }
0xbe: {  	[sflag:s25] =	ssyncadd.s32 $0xFFFFD800  }
0xbf: {  	[spmem:s1] =	stream.indirect.scatter.add.f32 [tilespmem:s22], [sflag:$0x4], $0x80, s30, s26, $0xb8;
	[tilespmem:$0x1B000] =	vst v63  }
0xc0: {  	_ =	swait.ge [sflag:s28], $0x2800  }
0xc1: {  	[sflag:s28] =	ssyncset.done $0x0  }
0xc2: {  	[sflag:s28] =	ssyncadd.s32 $0xFFFFD800  }
0xc3: {  	_ =	swait.ge [sflag:s29], $0x2800  }
0xc4: {  	[sflag:s29] =	ssyncset.done $0x0  }
0xc5: {  	[sflag:s29] =	ssyncadd.s32 $0xFFFFD800  }
0xc6: {  	[spmem:s1] =	stream.indirect.scatter.add.f32 [tilespmem:s24], [sflag:$0x3], $0x80, s31, s26, $0xb8;
	[tilespmem:$0x1B000] =	vst v63  }
0xc7: {  	s6 =	stileid.u32;
	_ =	swait.ge [sflag:s23], $0x2800  }
0xc8: {  	s7 =	sshrl.u32 s8, $0x3;
	s0 =	sadd.s32 $0x1, s0;
	[sflag:s23] =	ssyncset.done $0x0  }
0xc9: {  	p0 =	sne.s32 s0, s10;
	s2 =	sshll.u32 s6, $0x6;
	[sflag:s23] =	ssyncadd.s32 $0xFFFFD800  }
.Ltmp3:
0xca: {  	s2 =	sor.u32 $0x1C03, s2;
	[bflag:$0x0] =	sbarrier.arrive $0xFFFF;
	(pc) =	sbr.rel @p0 .LBB2_1-.Ltmp3, $4  }
0xcb: {  	[hbm:s9], [sflag:s2] =	dma.local [spmem:s7], $0x2800  }
0xcc: {  	_ =	swait.ge [sflag:s23], $0x2800  }
0xcd: {  	[sflag:s23] =	ssyncset.done $0x0  }
0xce: {  	[sflag:s23] =	ssyncadd.s32 $0xFFFFD800  }
0xcf: {  	_ =	sfence.sel $0x180000  }
0xd0: {  	[bflag:$0x0] =	sbarrier.arrive $0xFFFF  }
0xd1: {  	_ =	strace $0x90000050  }
0xd2: {  	s0 =	stileid.u32;
	[bflag:$0x2] =	sbarrier.arrive $0xFFFF  }
0xd3: {  	p0 =	sne.s32 s0, $0x0;
	s0 =	rddreg [dreg:$0x2]  }
0xd4: {  	s0 =	sadd.s32 @!p0 $0x100000, s0  }
0xd5: {  	[sflag:s0] =	ssyncadd.tile.s32 @!p0 $0x1;
	_ =	shalt  }
.Lfunc_end2:
_tile_overlayer_lowered:
.L_overlay_start_2:
0xd6: {  	(tag) =	ssettag $0x2  }
0xd7: {  	s0 =	rddreg [dreg:$0x0];
	s2 =	stileid.u32  }
0xd8: {  	s1 =	rddreg [dreg:$0x1];
	p0 =	sne.s32 s2, $0x0  }
0xd9: {  	s3 =	rddreg [dreg:$0x2];
	[bflag:$0x3] =	sbarrier.arrive $0xFFFF;
	s2 =	simm.s32 @!p0 $0x1C03  }
0xda: {  	[timem:s3], [sflag:s2] =	dma.local @!p0 [hbm:s0], s1  }
0xdb: {  	s0 =	simm.s32 @!p0 $0x3  }
0xdc: {  	_ =	swait.ge @!p0 [sflag:s0], s1  }
0xdd: {  	s1 =	ssub.s32 @!p0 $0x0, s1;
	[sflag:s0] =	ssyncset.done @!p0 $0x0  }
0xde: {  	[sflag:s0] =	ssyncadd.s32 @!p0 s1  }
0xdf: {  	[bflag:$0x3] =	sbarrier.arrive $0xFFFF  }
0xe0: {  	_ =	shalt  }

// kernel: kernel.16.cloned.1.call-start
scs
__scs_entry_jumppad:
0x0: {  	(pc) =	sbr.rel $0x88, $3  }
0x1: {  	(tag) =	ssettag $0x0;
	lr =	simm.s32 $0x1  }
0x2: {  	[smem:$0x3F8B] =	sst lr;
	_ =	strace $0xD0000000  }
0x3: {  	_ = 	snop  }
0x4: {  	_ = 	snop  }
0x5: {  	_ = 	snop  }
0x6: {  	_ = 	snop  }
0x7: {  	_ = 	snop  }
__scs_overlays_trampoline_lowered:
0x8: {  	[smem:$0x3F9A] =	sst s0  }
0x9: {  	[smem:$0x3F9B] =	sst s1  }
0xa: {  	[smem:$0x3F9C] =	sst s2  }
0xb: {  	[smem:$0x3F9D] =	sst s3  }
0xc: {  	[smem:$0x3F9E] =	sst s4  }
0xd: {  	[smem:$0x3F9F] =	sst s5  }
0xe: {  	[smem:$0x3FA0] =	sst s6  }
0xf: {  	[smem:$0x3FA1] =	sst s7  }
0x10: {  	[smem:$0x3FA2] =	sst s8  }
0x11: {  	[smem:$0x3FA3] =	sst s9;
	s0 =	simm.s32 @!p0 $0x0  }
0x12: {  	s1 =	sld [smem:$0x3F89];
	s0 =	simm.s32 @p0 $0x1  }
0x13: {  	[smem:$0x3FA4] =	sst s0;
	s0 =	simm.s32 @!p1 $0x0  }
0x14: {  	s2 =	sld [smem:$0x3F88];
	s0 =	simm.s32 @p1 $0x1  }
0x15: {  	[smem:$0x3FA5] =	sst s0;
	s0 =	simm.s32 @!p2 $0x0  }
0x16: {  	s3 =	sld [smem:$0x3FDB];
	s0 =	simm.s32 @p2 $0x1  }
0x17: {  	s4 =	simm.s32 $0x1BF5;
	[smem:$0x3FA7] =	sst s0  }
0x18: {  	s0 =	sld [smem:$0x3F8A];
	_ =	swait.ge [sflag:s4], $0x0  }
0x19: {  	s7 =	sld [smem:$0x3F8B]  }
0x1a: {  	s8 =	sadd.s32 $0xFFFFE003, lr  }
0x1b: {  	s9 =	sadd.s32 $0xFFFFFEF7, lr;
	s5 =	simm.s32 $0xFFFFFFFF;
	p2 =	slt.u32 s8, $0xFFFFF086  }
0x1c: {  	p1 =	slt.u32 s9, $0xF7A;
	s5 =	simm.s32 @!p2 $0x0  }
0x1d: {  	s5 =	simm.s32 @p1 $0x1;
	p0 =	seq.s32 s7, s2  }
0x1e: {  	s7 =	smul.u32 @!p0 $0xF7A, s2;
	p2 =	seq.s32 @!p0 s5, $0x0  }
0x1f: {  	s9 =	smul.u32 $0xF7A, s1;
	s8 =	simm.s32 @!p0 $0x1BF5;
	p2 =	por !p2, p0  }
0x20: {  	[sflag:s8] =	ssyncset.s32 @!p0 $0xFFFFF086;
	s6 =	sadd.s32 @!p0 s3, s7;
	s7 =	simm.s32 @!p0 $0x108  }
0x21: {  	s3 =	sadd.s32 s3, s9;
	s6 =	sadd.s32 @!p0 $0x88, s6;
	s7 =	simm.s32 @p2 $0x1082  }
0x22: {  	[simem:s7], [sflag:s8] =	dma.local @!p0 [hbm:s6], $0xF7A  }
0x23: {  	s9 =	sor.u32 $0xD0000000, s2;
	s6 =	simm.s32 $0x108;
	_ =	swait.ge @!p0 [sflag:s8], $0x0  }
0x24: {  	s3 =	sadd.s32 $0x88, s3;
	s6 =	simm.s32 @!p1 $0x1082;
	[sflag:s4] =	ssyncset.s32 $0xFFFFF086  }
0x25: {  	[simem:s6], [sflag:s4] =	dma.local [hbm:s3], $0xF7A  }
0x26: {  	[smem:$0x3F8B] =	sst s1;
	(tag) =	ssettag s2;
	_ =	strace s9  }
0x27: {  	s1 =	sld [smem:$0x3F9B]  }
0x28: {  	s2 =	sld [smem:$0x3F9C]  }
0x29: {  	s4 =	sld [smem:$0x3F9E]  }
0x2a: {  	p0 =	seq.s32 s5, $0x0;
	s5 =	sld [smem:$0x3F9F]  }
0x2b: {  	s6 =	sld [smem:$0x3FA0]  }
0x2c: {  	s7 =	sld [smem:$0x3FA1]  }
0x2d: {  	s3 =	simm.s32 $0x108;
	s8 =	sld [smem:$0x3FA2]  }
0x2e: {  	s3 =	simm.s32 @!p0 $0x1082;
	s9 =	sld [smem:$0x3FA3]  }
0x2f: {  	lr =	sadd.s32 s0, s3;
	s0 =	sld [smem:$0x3F9A]  }
0x30: {  	s3 =	sld [smem:$0x3F9D]  }
0x31: {  	[smem:$0x3FA6] =	sst s10  }
0x32: {  	s10 =	sld [smem:$0x3FA4];
	_ =	sdelay $0x3  }
0x33: {  	p0 =	seq.s32 s10, $0x1;
	s10 =	sld [smem:$0x3FA6];
	_ =	sdelay $0x3  }
0x34: {  	[smem:$0x3FA6] =	sst s10  }
0x35: {  	s10 =	sld [smem:$0x3FA5];
	_ =	sdelay $0x3  }
0x36: {  	p1 =	seq.s32 s10, $0x1;
	s10 =	sld [smem:$0x3FA6];
	_ =	sdelay $0x3  }
0x37: {  	[smem:$0x3FA6] =	sst s10  }
0x38: {  	s10 =	sld [smem:$0x3FA7]  }
0x39: {  	_ = 	snop;
	(pc) =	sbr.ind lr, $3  }
0x3a: {  	_ = 	snop  }
0x3b: {  	_ = 	snop  }
0x3c: {  	p2 =	seq.s32 s10, $0x1;
	s10 =	sld [smem:$0x3FA6]  }
0x3d: {  	_ =	shalt  }
0x3e: {  	_ =	shalt  }
0x3f: {  	_ =	shalt  }
0x40: {  	_ =	shalt  }
0x41: {  	_ =	shalt  }
0x42: {  	_ =	shalt  }
0x43: {  	_ =	shalt  }
0x44: {  	_ =	shalt  }
0x45: {  	_ =	shalt  }
0x46: {  	_ =	shalt  }
0x47: {  	_ =	shalt  }
0x48: {  	_ =	shalt  }
0x49: {  	_ =	shalt  }
0x4a: {  	_ =	shalt  }
0x4b: {  	_ =	shalt  }
0x4c: {  	_ =	shalt  }
0x4d: {  	_ =	shalt  }
0x4e: {  	_ =	shalt  }
0x4f: {  	_ =	shalt  }
0x50: {  	_ =	shalt  }
0x51: {  	_ =	shalt  }
0x52: {  	_ =	shalt  }
0x53: {  	_ =	shalt  }
0x54: {  	_ =	shalt  }
0x55: {  	_ =	shalt  }
0x56: {  	_ =	shalt  }
0x57: {  	_ =	shalt  }
0x58: {  	_ =	shalt  }
0x59: {  	_ =	shalt  }
0x5a: {  	_ =	shalt  }
0x5b: {  	_ =	shalt  }
0x5c: {  	_ =	shalt  }
0x5d: {  	_ =	shalt  }
0x5e: {  	_ =	shalt  }
0x5f: {  	_ =	shalt  }
0x60: {  	_ =	shalt  }
0x61: {  	_ =	shalt  }
0x62: {  	_ =	shalt  }
0x63: {  	_ =	shalt  }
0x64: {  	_ =	shalt  }
0x65: {  	_ =	shalt  }
0x66: {  	_ =	shalt  }
0x67: {  	_ =	shalt  }
0x68: {  	_ =	shalt  }
0x69: {  	_ =	shalt  }
0x6a: {  	_ =	shalt  }
0x6b: {  	_ =	shalt  }
0x6c: {  	_ =	shalt  }
0x6d: {  	_ =	shalt  }
0x6e: {  	_ =	shalt  }
0x6f: {  	_ =	shalt  }
0x70: {  	_ =	shalt  }
0x71: {  	_ =	shalt  }
0x72: {  	_ =	shalt  }
0x73: {  	_ =	shalt  }
0x74: {  	_ =	shalt  }
0x75: {  	_ =	shalt  }
0x76: {  	_ =	shalt  }
0x77: {  	_ =	shalt  }
0x78: {  	_ =	shalt  }
0x79: {  	_ =	shalt  }
0x7a: {  	_ =	shalt  }
0x7b: {  	_ =	shalt  }
0x7c: {  	_ =	shalt  }
0x7d: {  	_ =	shalt  }
0x7e: {  	_ =	shalt  }
0x7f: {  	_ =	shalt  }
0x80: {  	_ =	shalt  }
0x81: {  	_ =	shalt  }
0x82: {  	_ =	shalt  }
0x83: {  	_ =	shalt  }
0x84: {  	_ =	shalt  }
0x85: {  	_ =	shalt  }
0x86: {  	_ =	shalt  }
0x87: {  	_ =	shalt  }
.Lfunc_end0:
.L_simem_size_0:
called_computation.2_lowered:
.L_overlay_start_0:
0x88: {  	s2 =	sld [smem:$0x3FD9]  }
0x89: {  	s3 =	sld [smem:$0x3FFE];
	_ =	sdelay $0x1  }
0x8a: {  	s1 =	srdreg.scid  }
0x8b: {  	s0 =	sand.u32 $0x1, s1  }
0x8c: {  	s17 =	sshll.u32 s0, $0xA;
	s2 =	sadd.s32 s3, s2  }
0x8d: {  	s2 =	sadd.s32 s2, s17  }
0x8e: {  	[smem:$0x3FB2] =	sst s2  }
0x8f: {  	_ = 	snop  }
0x90: {  	s2 =	sld [smem:$0x3FD0];
	(tm) =	ssettm $0x1  }
0x91: {  	s18 =	sld [smem:$0x3FFB];
	_ =	sdelay $0x3  }
0x92: {  	_ =	strace s18  }
0x93: {  	s3 =	sld [smem:$0x3FFC];
	_ =	sdelay $0x3  }
0x94: {  	_ =	strace s3  }
0x95: {  	s3 =	sld [smem:$0x3FFD];
	_ =	sdelay $0x3  }
0x96: {  	_ =	strace s3  }
0x97: {  	_ =	strace $0x8FFFFFFF  }
0x98: {  	s19 =	sld [smem:$0x3FDB];
	_ =	sdelay $0x1  }
0x99: {  	s4 =	simm.s32 $_scs_section_size  }
0x9a: {  	s5 =	simm.s32 $_size__tile_overlayer_lowered;
	s6 =	simm.s32 $_tile_overlayer_lowered  }
0x9b: {  	s22 =	simm.s32 $0x1BFF;
	s21 =	sshll.u32 s6, $0x1;
	s3 =	sadd.s32 s4, s19  }
0x9c: {  	s7 =	simm.s32 $0x0;
	s20 =	sshll.u32 s5, $0x1;
	s5 =	sadd.s32 s21, s3  }
0x9d: {  	[timem:s7], [sflag:s22] =	dma.local [hbm:s5], s20  }
0x9e: {  	_ =	swait.ge [sflag:s22], s20  }
0x9f: {  	s4 =	ssub.s32 $0x0, s20;
	[sflag:s22] =	ssyncset.done $0x0  }
0xa0: {  	[sflag:s22] =	ssyncadd.s32 s4;
	_ =	sdelay $0x1  }
0xa1: {  	s23 =	simm.s32 $0x1B8B  }
0xa2: {  	_ =	swait.ge [sflag:s23], $0x1  }
0xa3: {  	[sflag:s23] =	ssyncset.done $0x0  }
0xa4: {  	s25 =	simm.s32 $0x1B8E;
	s24 =	sld [smem:$0x3FFE];
	[sflag:s23] =	ssyncadd.s32 $0xFFFFFFFF  }
0xa5: {  	s26 =	simm.s32 $execute0_lowered;
	[smem:$0x3FD2] =	sst s25  }
0xa6: {  	s5 =	sshll.u32 s26, $0x1;
	_ =	strace $0x80000046;
	[dreg:$0x1] =	wrdreg $0xFFFFFFFF  }
0xa7: {  	s28 =	simm.s32 $_size_execute0_lowered;
	s3 =	sadd.s32 s3, s5;
	[dreg:$0x0] =	wrdreg $0x0  }
0xa8: {  	s5 =	sshll.u32 s28, $0x1;
	[dreg:$0x2] =	wrdreg s3  }
0xa9: {  	[dreg:$0x3] =	wrdreg s5  }
0xaa: {  	[dreg:$0x4] =	wrdreg $0xC0  }
0xab: {  	_ =	task [dreg:s7], $0x5FFFF  }
0xac: {  	[dreg:$0x1] =	wrdreg $0xFFFFFFFF  }
0xad: {  	[dreg:$0x0] =	wrdreg $0x60  }
0xae: {  	[dreg:$0x2] =	wrdreg s2  }
0xaf: {  	[dreg:$0x3] =	wrdreg s24  }
0xb0: {  	[dreg:$0x4] =	wrdreg $0xA  }
0xb1: {  	_ =	task.clear_ibuf [dreg:s7], $0x5FFFF;
	_ =	strace $0x90000046  }
0xb2: {  	s29 =	simm.s32 $0xA;
	_ =	strace $0x80000048  }
0xb3: {  	_ =	swait.ge [sflag:s29], $0x1  }
0xb4: {  	[sflag:s29] =	ssyncadd.s32 $0xFFFFFFFF  }
0xb5: {  	_ =	strace $0x90000048  }
0xb6: {  	_ =	sfence  }
0xb7: {  	s30 =	sld [smem:$0x0];
	_ =	sdelay $0x2  }
0xb8: {  	s31 =	sshll.u32 s1, $0xD;
	s1 =	sshrl.u32 s1, $0x2  }
0xb9: {  	s3 =	sand.u32 $0x4000, s31;
	s1 =	sadd.s32 s1, s30  }
0xba: {  	s0 =	sor.u32 s3, s0;
	s1 =	sshll.u32 s1, $0x11  }
0xbb: {  	s0 =	sor.u32 s1, s0  }
0xbc: {  	s0 =	sadd.s32 $0x8F2B, s0  }
0xbd: {  	[sflag:s0] =	ssyncadd.remote.s32 $0x1  }
0xbe: {  	_ =	sfence.sel $0xFFFF  }
0xbf: {  	[dreg:$0x0] =	wrdreg $0xFFFFFFFF;
	(pc) =	sbr.abs _section_cstart, $3  }
0xc0: {  	[dreg:$0x1] =	wrdreg $0xFFFFFFFF  }
0xc1: {  	_ =	task.clear_ibuf [dreg:s7], $0x2FFFF;
	_ =	strace $0x9FFFFFFF  }
0xc2: {  	(tm) =	ssettm $0x7FFFFFFF  }
0xc3: {  	_ =	shalt  }
tec
execute0_lowered:
.L_overlay_start_1:
0x0: {  	(tag) =	ssettag $0x1  }
0x1: {  	s2 =	rddreg [dreg:$0x0]  }
0x2: {  	s4 =	rddreg [dreg:$0x1]  }
0x3: {  	s0 =	rddreg [dreg:$0x2]  }
0x4: {  	s5 =	srdreg.scid;
	s1 =	stileid.u32;
	s3 =	simm.s32 $0x0  }
0x5: {  	s9 =	simm.s32 $0x7;
	s10 =	simm.s32 $0x2000;
	s11 =	simm.s32 $0x50  }
0x6: {  	s12 =	simm.s32 $0x4000;
	s13 =	simm.s32 $0x9000;
	s14 =	simm.s32 $0x1  }
0x7: {  	s15 =	simm.s32 $0x3;
	s16 =	simm.s32 $0xE000;
	s17 =	simm.s32 $0x2  }
0x8: {  	s18 =	simm.s32 $0x4;
	s19 =	simm.s32 $0x10800;
	s20 =	simm.s32 $0x5  }
0x9: {  	s21 =	simm.s32 $0x6;
	s22 =	simm.s32 $0x0;
	s5 =	sand.u32 $0x1, s5  }
.Ltmp0:
0xa: {  	s6 =	sshll.u32 s1, $0x1;
	[smem:$0x7FF] =	sst s3;
	(pc) =	sbr.rel .LBB2_1-.Ltmp0, $4  }
0xb: {  	s7 =	sor.u32 s5, s6;
	s5 =	ssub.s32 $0x2, s5;
	_ =	strace $0x80000047  }
0xc: {  	s6 =	sshll.u32 s7, $0xA;
	s8 =	sshrl.u32 s5, $0x1;
	s7 =	smul.u32 $0x13B0, s7  }
0xd: {  	s6 =	sadd.s32 s6, s4;
	s4 =	sadd.s32 $0x16000, s4;
	s8 =	ssub.s32 s5, s8  }
0xe: {  	s5 =	sadd.s32 $0x6000, s6;
	s6 =	sadd.s32 $0xE000, s6;
	s8 =	smax.u32 s8, $0x1  }
.LBB2_9:
0xf: {  	s22 =	sadd.s32 $0x1, s22  }
0x10: {  	_ =	swait.ge [sflag:s20], $0x2800;
	p0 =	sne.s32 s22, s8  }
.Ltmp1:
0x11: {  	[sflag:s20] =	ssyncset.done $0x0;
	(pc) =	sbr.rel @!p0 .LBB2_10-.Ltmp1, $4  }
0x12: {  	[sflag:s20] =	ssyncadd.s32 $0xFFFFD800  }
0x13: {  	_ =	swait.ge [sflag:s21], $0x2800  }
0x14: {  	[sflag:s21] =	ssyncset.done $0x0  }
0x15: {  	[sflag:s21] =	ssyncadd.s32 $0xFFFFD800  }
.LBB2_1:
0x16: {  	[tilespmem:s3], [sflag:$0x7] =	stream.linear.gather [hbm4b:s5+s3], $0x1F80, $0x38;
	[tilespmem:$0x13000] =	vst v63  }
0x17: {  	_ =	swait.ge [sflag:s9], $0x1F80  }
0x18: {  	[sflag:s9] =	ssyncset.done $0x0  }
0x19: {  	[sflag:s9] =	ssyncadd.s32 $0xFFFFE080  }
0x1a: {  	[tilespmem:s10], [sflag:$0x7] =	stream.linear.gather [hbm4b:s6+s3], $0x1F80, $0x38;
	[tilespmem:$0x13000] =	vst v63  }
0x1b: {  	_ =	swait.ge [sflag:s9], $0x1F80  }
.Ltmp2:
0x1c: {  	[sflag:s9] =	ssyncset.done $0x0;
	(pc) =	sbr.rel .LBB2_2-.Ltmp2, $4  }
0x1d: {  	[sflag:s9] =	ssyncadd.s32 $0xFFFFE080  }
0x1e: {  	[tilespmem:s12], [sflag:$0x1] =	stream.indirect.gather [hbm4b:s2+s11], $0x80, s3, s11, $0xb8;
	[tilespmem:$0x13000] =	vst v63  }
0x1f: {  	s23 =	simm.s32 $0x0  }
0x20: {  	[tilespmem:s13], [sflag:$0x3] =	stream.indirect.gather [hbm4b:s2+s11], $0x80, s10, s11, $0xb8;
	[tilespmem:$0x13000] =	vst v63  }
.LBB2_8:
0x21: {  	s23 =	sadd.s32 $0x1, s23  }
0x22: {  	p0 =	sne.s32 s23, $0x20  }
.Ltmp3:
0x23: {  	_ = 	snop;
	(pc) =	sbr.rel @!p0 .LBB2_9-.Ltmp3, $1  }
0x24: {  	_ =	sdelay $0x3  }
.LBB2_2:
0x25: {  	s24 =	sshllo.u32 s23, $0x1  }
0x26: {  	p1 =	sgt.u32 s24, $0x3E  }
0x27: {  	s25 =	sshll.u32 @!p1 s24, $0x7;
	s26 =	simm.s32 @!p1 $0x50;
	s28 =	simm.s32 @!p1 $0x6800  }
0x28: {  	[tilespmem:s28], [sflag:$0x2] =	stream.indirect.gather @!p1 [hbm4b:s2+s26], $0x80, s25, s26, $0xb8;
	[tilespmem:$0x13000] =	vst v63  }
0x29: {  	s25 =	sadd.s32 @!p1 $0x2000, s25;
	s28 =	simm.s32 @!p1 $0xB800  }
0x2a: {  	[tilespmem:s28], [sflag:$0x4] =	stream.indirect.gather @!p1 [hbm4b:s2+s26], $0x80, s25, s26, $0xb8;
	[tilespmem:$0x13000] =	vst v63  }
0x2b: {  	_ =	swait.ge [sflag:s14], $0x2800  }
0x2c: {  	[sflag:s14] =	ssyncset.done $0x0  }
0x2d: {  	[sflag:s14] =	ssyncadd.s32 $0xFFFFD800  }
0x2e: {  	_ =	swait.ge [sflag:s15], $0x2800  }
0x2f: {  	p0 =	seq.s32 s23, $0x0;
	[sflag:s15] =	ssyncset.done $0x0  }
0x30: {  	s25 =	simm.s32 @!p0 $0x5;
	[sflag:s15] =	ssyncadd.s32 $0xFFFFD800  }
0x31: {  	_ =	swait.ge @!p0 [sflag:s25], $0x2800  }
0x32: {  	[sflag:s25] =	ssyncset.done @!p0 $0x0  }
0x33: {  	[sflag:s25] =	ssyncadd.s32 @!p0 $0xFFFFD800;
	s25 =	simm.s32 $0x0  }
0x34: {  	v0 =	vld [tilespmem:s25+$0x4070]  }
0x35: {  	v1 =	vld [tilespmem:s25+$0x9030]  }
0x36: {  	v2 =	vld [tilespmem:s25+$0x4000]  }
0x37: {  	v3 =	vld [tilespmem:s25+$0x9040]  }
0x38: {  	v4 =	vld [tilespmem:s25+$0x4010]  }
0x39: {  	v5 =	vld [tilespmem:s25+$0x9050]  }
0x3a: {  	v6 =	vld [tilespmem:s25+$0x4020]  }
0x3b: {  	v7 =	vld [tilespmem:s25+$0x4030]  }
0x3c: {  	v0 =	vadd.f32 v1, v0;
	v1 =	vld [tilespmem:s25+$0x9060]  }
0x3d: {  	v8 =	vld [tilespmem:s25+$0x9070]  }
0x3e: {  	v9 =	vld [tilespmem:s25+$0x9000];
	v2 =	vadd.f32 v3, v2  }
0x3f: {  	[tilespmem:s25+$0xE070] =	vst v0;
	v0 =	vadd.f32 v5, v4;
	v5 =	vld [tilespmem:s25+$0x4040]  }
0x40: {  	v3 =	vld [tilespmem:s25+$0x9010];
	[tilespmem:s25+$0xE000] =	vst v2  }
0x41: {  	v2 =	vld [tilespmem:s25+$0x4050];
	[tilespmem:s25+$0xE010] =	vst v0;
	v0 =	vadd.f32 v1, v6  }
0x42: {  	v4 =	vld [tilespmem:s25+$0x9020];
	v6 =	vadd.f32 v8, v7  }
0x43: {  	s26 =	simm.s32 $0x80;
	[tilespmem:s25+$0xE020] =	vst v0;
	v0 =	vld [tilespmem:s25+$0x4060]  }
0x44: {  	s28 =	simm.s32 $0x400;
	v5 =	vadd.f32 v9, v5;
	v1 =	vld [tilespmem:s26+$0x4070];
	[tilespmem:s25+$0xE030] =	vst v6  }
.LBB2_3:
0x45: {  	p2 =	sne.s32 s28, $0x9E00;
	v6 =	vld [tilespmem:s26+$0x9030]  }
0x46: {  	v7 =	vld [tilespmem:s26+$0x4000];
	[tilespmem:s25+$0xE040] =	vst v5;
	v2 =	vadd.f32 v3, v2  }
0x47: {  	v3 =	vld [tilespmem:s26+$0x9040]  }
0x48: {  	v5 =	vld [tilespmem:s26+$0x4010];
	[tilespmem:s25+$0xE050] =	vst v2;
	v0 =	vadd.f32 v4, v0  }
0x49: {  	v2 =	vld [tilespmem:s26+$0x9050]  }
0x4a: {  	v4 =	vld [tilespmem:s26+$0x4020];
	v1 =	vadd.f32 v6, v1;
	[tilespmem:s25+$0xE060] =	vst v0;
	s25 =	smov.u32 s26  }
0x4b: {  	v0 =	vld [tilespmem:s25+$0x9060]  }
0x4c: {  	v3 =	vadd.f32 v3, v7;
	v6 =	vld [tilespmem:s25+$0x4030];
	[tilespmem:s25+$0xE070] =	vst v1  }
0x4d: {  	v1 =	vld [tilespmem:s25+$0x9070]  }
0x4e: {  	[tilespmem:s25+$0xE000] =	vst v3;
	v2 =	vadd.f32 v2, v5;
	v5 =	vld [tilespmem:s25+$0x4040]  }
0x4f: {  	v7 =	vld [tilespmem:s25+$0x9000]  }
.Ltmp4:
0x50: {  	[tilespmem:s25+$0xE010] =	vst v2;
	v0 =	vadd.f32 v0, v4;
	v2 =	vld [tilespmem:s25+$0x4050];
	(pc) =	sbr.rel @p2 .LBB2_3-.Ltmp4, $4  }
0x51: {  	v3 =	vld [tilespmem:s25+$0x9010]  }
0x52: {  	[tilespmem:s25+$0xE020] =	vst v0;
	v6 =	vadd.f32 v1, v6;
	v0 =	vld [tilespmem:s25+$0x4060]  }
0x53: {  	s26 =	sshra.s32 s28, $0x2;
	v4 =	vld [tilespmem:s25+$0x9020]  }
0x54: {  	s28 =	sadd.s32 $0x200, s28;
	v1 =	vld [tilespmem:s26+$0x4070];
	[tilespmem:s25+$0xE030] =	vst v6;
	v5 =	vadd.f32 v7, v5  }
0x55: {  	v6 =	vld [tilespmem:s26+$0x9030]  }
0x56: {  	v7 =	vld [tilespmem:s26+$0x4000];
	[tilespmem:s25+$0xE040] =	vst v5;
	v2 =	vadd.f32 v3, v2  }
0x57: {  	v51 =	vld [tilespmem:s26+$0x9040]  }
0x58: {  	v5 =	vld [tilespmem:s26+$0x4010];
	[tilespmem:s25+$0xE050] =	vst v2;
	v0 =	vadd.f32 v4, v0  }
0x59: {  	v2 =	vld [tilespmem:s26+$0x9050]  }
0x5a: {  	v52 =	vld [tilespmem:s26+$0x4020];
	[tilespmem:s25+$0xE060] =	vst v0  }
0x5b: {  	v54 =	vld [tilespmem:s26+$0x9060]  }
0x5c: {  	v55 =	vld [tilespmem:s26+$0x4030]  }
0x5d: {  	v56 =	vld [tilespmem:s26+$0x9070]  }
0x5e: {  	v57 =	vld [tilespmem:s26+$0x4040]  }
0x5f: {  	v58 =	vld [tilespmem:s26+$0x9000]  }
0x60: {  	v59 =	vld [tilespmem:s26+$0x4050]  }
0x61: {  	v53 =	vadd.f32 v6, v1;
	v60 =	vld [tilespmem:s26+$0x9010]  }
0x62: {  	v61 =	vld [tilespmem:s26+$0x4060];
	v3 =	vadd.f32 v51, v7  }
0x63: {  	v62 =	vld [tilespmem:s26+$0x9020];
	[tilespmem:s26+$0xE070] =	vst v53;
	v2 =	vadd.f32 v2, v5  }
0x64: {  	[tilespmem:s26+$0xE000] =	vst v3;
	v1 =	vadd.f32 v54, v52  }
0x65: {  	[tilespmem:s26+$0xE010] =	vst v2;
	v0 =	vadd.f32 v56, v55  }
0x66: {  	s31 =	smul.u32 $0xA0, s23;
	v3 =	vadd.f32 v58, v57;
	[tilespmem:s26+$0xE020] =	vst v1  }
.Ltmp5:
0x67: {  	v63 =	vadd.f32 v60, v59;
	[tilespmem:s26+$0xE030] =	vst v0;
	(pc) =	sbr.rel @p1 .LBB2_8-.Ltmp5, $4  }
0x68: {  	s25 =	sadd.s32 s7, s31;
	[tilespmem:s26+$0xE040] =	vst v3;
	v1 =	vadd.f32 v62, v61  }
0x69: {  	s25 =	sshll.u32 s25, $0x4;
	[tilespmem:s26+$0xE050] =	vst v63  }
0x6a: {  	s25 =	sadd.s32 s4, s25;
	[tilespmem:s26+$0xE060] =	vst v1  }
0x6b: {  	[hbm4b:s25+s3] =	stream.linear.scatter [tilespmem:s16], [sflag:$0x5], $0x2800, $0x38;
	[tilespmem:$0x13000] =	vst v63  }
0x6c: {  	s25 =	sshll.u32 s23, $0x8  }
0x6d: {  	s26 =	sadd.s32 $0x100, s25  }
0x6e: {  	[tilespmem:s12], [sflag:$0x1] =	stream.indirect.gather [hbm4b:s2+s11], $0x80, s26, s11, $0xb8;
	[tilespmem:$0x13000] =	vst v63  }
0x6f: {  	s25 =	sadd.s32 $0x2100, s25  }
0x70: {  	[tilespmem:s13], [sflag:$0x3] =	stream.indirect.gather [hbm4b:s2+s11], $0x80, s25, s11, $0xb8;
	[tilespmem:$0x13000] =	vst v63  }
0x71: {  	_ =	swait.ge [sflag:s17], $0x2800  }
0x72: {  	[sflag:s17] =	ssyncset.done $0x0  }
0x73: {  	[sflag:s17] =	ssyncadd.s32 $0xFFFFD800  }
0x74: {  	_ =	swait.ge [sflag:s18], $0x2800  }
0x75: {  	[sflag:s18] =	ssyncset.done $0x0  }
0x76: {  	s25 =	simm.s32 @!p0 $0x6;
	[sflag:s18] =	ssyncadd.s32 $0xFFFFD800  }
0x77: {  	_ =	swait.ge @!p0 [sflag:s25], $0x2800  }
0x78: {  	[sflag:s25] =	ssyncset.done @!p0 $0x0  }
0x79: {  	[sflag:s25] =	ssyncadd.s32 @!p0 $0xFFFFD800;
	s25 =	simm.s32 $0x0  }
0x7a: {  	v0 =	vld [tilespmem:s25+$0x6870]  }
0x7b: {  	v1 =	vld [tilespmem:s25+$0xB830]  }
0x7c: {  	v2 =	vld [tilespmem:s25+$0x6800]  }
0x7d: {  	v3 =	vld [tilespmem:s25+$0xB840]  }
0x7e: {  	v4 =	vld [tilespmem:s25+$0x6810]  }
0x7f: {  	v5 =	vld [tilespmem:s25+$0xB850]  }
0x80: {  	v6 =	vld [tilespmem:s25+$0x6820]  }
0x81: {  	v7 =	vld [tilespmem:s25+$0x6830]  }
0x82: {  	v0 =	vadd.f32 v1, v0;
	v1 =	vld [tilespmem:s25+$0xB860]  }
0x83: {  	v8 =	vld [tilespmem:s25+$0xB870]  }
0x84: {  	v9 =	vld [tilespmem:s25+$0xB800];
	v2 =	vadd.f32 v3, v2  }
0x85: {  	[tilespmem:s25+$0x10870] =	vst v0;
	v0 =	vadd.f32 v5, v4;
	v5 =	vld [tilespmem:s25+$0x6840]  }
0x86: {  	v3 =	vld [tilespmem:s25+$0xB810];
	[tilespmem:s25+$0x10800] =	vst v2  }
0x87: {  	v2 =	vld [tilespmem:s25+$0x6850];
	[tilespmem:s25+$0x10810] =	vst v0;
	v0 =	vadd.f32 v1, v6  }
0x88: {  	v4 =	vld [tilespmem:s25+$0xB820];
	v6 =	vadd.f32 v8, v7  }
0x89: {  	s26 =	simm.s32 $0x80;
	[tilespmem:s25+$0x10820] =	vst v0;
	v0 =	vld [tilespmem:s25+$0x6860]  }
0x8a: {  	s28 =	simm.s32 $0x400;
	v5 =	vadd.f32 v9, v5;
	v1 =	vld [tilespmem:s26+$0x6870];
	[tilespmem:s25+$0x10830] =	vst v6  }
.LBB2_6:
0x8b: {  	p0 =	sne.s32 s28, $0x9E00;
	v6 =	vld [tilespmem:s26+$0xB830]  }
0x8c: {  	v7 =	vld [tilespmem:s26+$0x6800];
	[tilespmem:s25+$0x10840] =	vst v5;
	v2 =	vadd.f32 v3, v2  }
0x8d: {  	v3 =	vld [tilespmem:s26+$0xB840]  }
0x8e: {  	v5 =	vld [tilespmem:s26+$0x6810];
	[tilespmem:s25+$0x10850] =	vst v2;
	v0 =	vadd.f32 v4, v0  }
0x8f: {  	v2 =	vld [tilespmem:s26+$0xB850]  }
0x90: {  	v4 =	vld [tilespmem:s26+$0x6820];
	v1 =	vadd.f32 v6, v1;
	[tilespmem:s25+$0x10860] =	vst v0;
	s25 =	smov.u32 s26  }
0x91: {  	v0 =	vld [tilespmem:s25+$0xB860]  }
0x92: {  	v3 =	vadd.f32 v3, v7;
	v6 =	vld [tilespmem:s25+$0x6830];
	[tilespmem:s25+$0x10870] =	vst v1  }
0x93: {  	v1 =	vld [tilespmem:s25+$0xB870]  }
0x94: {  	[tilespmem:s25+$0x10800] =	vst v3;
	v2 =	vadd.f32 v2, v5;
	v5 =	vld [tilespmem:s25+$0x6840]  }
0x95: {  	v7 =	vld [tilespmem:s25+$0xB800]  }
.Ltmp6:
0x96: {  	[tilespmem:s25+$0x10810] =	vst v2;
	v0 =	vadd.f32 v0, v4;
	v2 =	vld [tilespmem:s25+$0x6850];
	(pc) =	sbr.rel @p0 .LBB2_6-.Ltmp6, $4  }
0x97: {  	v3 =	vld [tilespmem:s25+$0xB810]  }
0x98: {  	[tilespmem:s25+$0x10820] =	vst v0;
	v6 =	vadd.f32 v1, v6;
	v0 =	vld [tilespmem:s25+$0x6860]  }
0x99: {  	s26 =	sshra.s32 s28, $0x2;
	v4 =	vld [tilespmem:s25+$0xB820]  }
0x9a: {  	s28 =	sadd.s32 $0x200, s28;
	v1 =	vld [tilespmem:s26+$0x6870];
	[tilespmem:s25+$0x10830] =	vst v6;
	v5 =	vadd.f32 v7, v5  }
0x9b: {  	v6 =	vld [tilespmem:s26+$0xB830]  }
0x9c: {  	v7 =	vld [tilespmem:s26+$0x6800];
	[tilespmem:s25+$0x10840] =	vst v5;
	v2 =	vadd.f32 v3, v2  }
0x9d: {  	v51 =	vld [tilespmem:s26+$0xB840]  }
0x9e: {  	v5 =	vld [tilespmem:s26+$0x6810];
	[tilespmem:s25+$0x10850] =	vst v2;
	v0 =	vadd.f32 v4, v0  }
0x9f: {  	v2 =	vld [tilespmem:s26+$0xB850]  }
0xa0: {  	v52 =	vld [tilespmem:s26+$0x6820];
	[tilespmem:s25+$0x10860] =	vst v0  }
0xa1: {  	v54 =	vld [tilespmem:s26+$0xB860]  }
0xa2: {  	v55 =	vld [tilespmem:s26+$0x6830]  }
0xa3: {  	v56 =	vld [tilespmem:s26+$0xB870]  }
0xa4: {  	v57 =	vld [tilespmem:s26+$0x6840]  }
0xa5: {  	v58 =	vld [tilespmem:s26+$0xB800]  }
0xa6: {  	v59 =	vld [tilespmem:s26+$0x6850]  }
0xa7: {  	v53 =	vadd.f32 v6, v1;
	v60 =	vld [tilespmem:s26+$0xB810]  }
0xa8: {  	v61 =	vld [tilespmem:s26+$0x6860];
	v3 =	vadd.f32 v51, v7  }
0xa9: {  	v62 =	vld [tilespmem:s26+$0xB820];
	[tilespmem:s26+$0x10870] =	vst v53;
	v2 =	vadd.f32 v2, v5  }
0xaa: {  	[tilespmem:s26+$0x10800] =	vst v3;
	v1 =	vadd.f32 v54, v52  }
0xab: {  	[tilespmem:s26+$0x10810] =	vst v2;
	v0 =	vadd.f32 v56, v55  }
0xac: {  	s24 =	smul.u32 $0x50, s24;
	v3 =	vadd.f32 v58, v57;
	[tilespmem:s26+$0x10820] =	vst v1  }
.Ltmp7:
0xad: {  	v63 =	vadd.f32 v60, v59;
	[tilespmem:s26+$0x10830] =	vst v0;
	(pc) =	sbr.rel .LBB2_8-.Ltmp7, $4  }
0xae: {  	s24 =	sadd.s32 s7, s24;
	[tilespmem:s26+$0x10840] =	vst v3;
	v1 =	vadd.f32 v62, v61  }
0xaf: {  	s24 =	sshll.u32 s24, $0x4;
	[tilespmem:s26+$0x10850] =	vst v63  }
0xb0: {  	s24 =	sadd.s32 s4, s24;
	[tilespmem:s26+$0x10860] =	vst v1  }
0xb1: {  	[hbm4b:s24+s3] =	stream.linear.scatter [tilespmem:s19], [sflag:$0x6], $0x2800, $0x38;
	[tilespmem:$0x13000] =	vst v63  }
.LBB2_10:
0xb2: {  	_ =	sfence.sel $0x180000  }
0xb3: {  	[bflag:$0x0] =	sbarrier.arrive $0xFFFF  }
0xb4: {  	p0 =	sne.s32 s1, $0x0;
	_ =	strace $0x90000047  }
0xb5: {  	s0 =	sadd.s32 @!p0 $0x100000, s0;
	[bflag:$0x2] =	sbarrier.arrive $0xFFFF  }
0xb6: {  	[sflag:s0] =	ssyncadd.tile.s32 @!p0 $0x1;
	_ =	shalt  }
.Lfunc_end2:
_tile_overlayer_lowered:
.L_overlay_start_2:
0xb7: {  	(tag) =	ssettag $0x2  }
0xb8: {  	s0 =	rddreg [dreg:$0x0];
	s2 =	stileid.u32  }
0xb9: {  	s1 =	rddreg [dreg:$0x1];
	p0 =	sne.s32 s2, $0x0  }
0xba: {  	s3 =	rddreg [dreg:$0x2];
	[bflag:$0x3] =	sbarrier.arrive $0xFFFF;
	s2 =	simm.s32 @!p0 $0x1C07  }
0xbb: {  	[timem:s3], [sflag:s2] =	dma.local @!p0 [hbm:s0], s1  }
0xbc: {  	s0 =	simm.s32 @!p0 $0x7  }
0xbd: {  	_ =	swait.ge @!p0 [sflag:s0], s1  }
0xbe: {  	s1 =	ssub.s32 @!p0 $0x0, s1;
	[sflag:s0] =	ssyncset.done @!p0 $0x0  }
0xbf: {  	[sflag:s0] =	ssyncadd.s32 @!p0 s1  }
0xc0: {  	[bflag:$0x3] =	sbarrier.arrive $0xFFFF  }
0xc1: {  	_ =	shalt  }

// kernel: kernel.19.cloned.1.call-start
scs
__scs_entry_jumppad:
0x0: {  	(pc) =	sbr.rel $0x88, $3  }
0x1: {  	(tag) =	ssettag $0x0;
	lr =	simm.s32 $0x1  }
0x2: {  	[smem:$0x3F8B] =	sst lr;
	_ =	strace $0xD0000000  }
0x3: {  	_ = 	snop  }
0x4: {  	_ = 	snop  }
0x5: {  	_ = 	snop  }
0x6: {  	_ = 	snop  }
0x7: {  	_ = 	snop  }
__scs_overlays_trampoline_lowered:
0x8: {  	[smem:$0x3F9A] =	sst s0  }
0x9: {  	[smem:$0x3F9B] =	sst s1  }
0xa: {  	[smem:$0x3F9C] =	sst s2  }
0xb: {  	[smem:$0x3F9D] =	sst s3  }
0xc: {  	[smem:$0x3F9E] =	sst s4  }
0xd: {  	[smem:$0x3F9F] =	sst s5  }
0xe: {  	[smem:$0x3FA0] =	sst s6  }
0xf: {  	[smem:$0x3FA1] =	sst s7  }
0x10: {  	[smem:$0x3FA2] =	sst s8  }
0x11: {  	[smem:$0x3FA3] =	sst s9;
	s0 =	simm.s32 @!p0 $0x0  }
0x12: {  	s1 =	sld [smem:$0x3F89];
	s0 =	simm.s32 @p0 $0x1  }
0x13: {  	[smem:$0x3FA4] =	sst s0;
	s0 =	simm.s32 @!p1 $0x0  }
0x14: {  	s2 =	sld [smem:$0x3F88];
	s0 =	simm.s32 @p1 $0x1  }
0x15: {  	[smem:$0x3FA5] =	sst s0;
	s0 =	simm.s32 @!p2 $0x0  }
0x16: {  	s3 =	sld [smem:$0x3FDB];
	s0 =	simm.s32 @p2 $0x1  }
0x17: {  	s4 =	simm.s32 $0x1BF5;
	[smem:$0x3FA7] =	sst s0  }
0x18: {  	s0 =	sld [smem:$0x3F8A];
	_ =	swait.ge [sflag:s4], $0x0  }
0x19: {  	s7 =	sld [smem:$0x3F8B]  }
0x1a: {  	s8 =	sadd.s32 $0xFFFFE003, lr  }
0x1b: {  	s9 =	sadd.s32 $0xFFFFFEF7, lr;
	s5 =	simm.s32 $0xFFFFFFFF;
	p2 =	slt.u32 s8, $0xFFFFF086  }
0x1c: {  	p1 =	slt.u32 s9, $0xF7A;
	s5 =	simm.s32 @!p2 $0x0  }
0x1d: {  	s5 =	simm.s32 @p1 $0x1;
	p0 =	seq.s32 s7, s2  }
0x1e: {  	s7 =	smul.u32 @!p0 $0xF7A, s2;
	p2 =	seq.s32 @!p0 s5, $0x0  }
0x1f: {  	s9 =	smul.u32 $0xF7A, s1;
	s8 =	simm.s32 @!p0 $0x1BF5;
	p2 =	por !p2, p0  }
0x20: {  	[sflag:s8] =	ssyncset.s32 @!p0 $0xFFFFF086;
	s6 =	sadd.s32 @!p0 s3, s7;
	s7 =	simm.s32 @!p0 $0x108  }
0x21: {  	s3 =	sadd.s32 s3, s9;
	s6 =	sadd.s32 @!p0 $0x88, s6;
	s7 =	simm.s32 @p2 $0x1082  }
0x22: {  	[simem:s7], [sflag:s8] =	dma.local @!p0 [hbm:s6], $0xF7A  }
0x23: {  	s9 =	sor.u32 $0xD0000000, s2;
	s6 =	simm.s32 $0x108;
	_ =	swait.ge @!p0 [sflag:s8], $0x0  }
0x24: {  	s3 =	sadd.s32 $0x88, s3;
	s6 =	simm.s32 @!p1 $0x1082;
	[sflag:s4] =	ssyncset.s32 $0xFFFFF086  }
0x25: {  	[simem:s6], [sflag:s4] =	dma.local [hbm:s3], $0xF7A  }
0x26: {  	[smem:$0x3F8B] =	sst s1;
	(tag) =	ssettag s2;
	_ =	strace s9  }
0x27: {  	s1 =	sld [smem:$0x3F9B]  }
0x28: {  	s2 =	sld [smem:$0x3F9C]  }
0x29: {  	s4 =	sld [smem:$0x3F9E]  }
0x2a: {  	p0 =	seq.s32 s5, $0x0;
	s5 =	sld [smem:$0x3F9F]  }
0x2b: {  	s6 =	sld [smem:$0x3FA0]  }
0x2c: {  	s7 =	sld [smem:$0x3FA1]  }
0x2d: {  	s3 =	simm.s32 $0x108;
	s8 =	sld [smem:$0x3FA2]  }
0x2e: {  	s3 =	simm.s32 @!p0 $0x1082;
	s9 =	sld [smem:$0x3FA3]  }
0x2f: {  	lr =	sadd.s32 s0, s3;
	s0 =	sld [smem:$0x3F9A]  }
0x30: {  	s3 =	sld [smem:$0x3F9D]  }
0x31: {  	[smem:$0x3FA6] =	sst s10  }
0x32: {  	s10 =	sld [smem:$0x3FA4];
	_ =	sdelay $0x3  }
0x33: {  	p0 =	seq.s32 s10, $0x1;
	s10 =	sld [smem:$0x3FA6];
	_ =	sdelay $0x3  }
0x34: {  	[smem:$0x3FA6] =	sst s10  }
0x35: {  	s10 =	sld [smem:$0x3FA5];
	_ =	sdelay $0x3  }
0x36: {  	p1 =	seq.s32 s10, $0x1;
	s10 =	sld [smem:$0x3FA6];
	_ =	sdelay $0x3  }
0x37: {  	[smem:$0x3FA6] =	sst s10  }
0x38: {  	s10 =	sld [smem:$0x3FA7]  }
0x39: {  	_ = 	snop;
	(pc) =	sbr.ind lr, $3  }
0x3a: {  	_ = 	snop  }
0x3b: {  	_ = 	snop  }
0x3c: {  	p2 =	seq.s32 s10, $0x1;
	s10 =	sld [smem:$0x3FA6]  }
0x3d: {  	_ =	shalt  }
0x3e: {  	_ =	shalt  }
0x3f: {  	_ =	shalt  }
0x40: {  	_ =	shalt  }
0x41: {  	_ =	shalt  }
0x42: {  	_ =	shalt  }
0x43: {  	_ =	shalt  }
0x44: {  	_ =	shalt  }
0x45: {  	_ =	shalt  }
0x46: {  	_ =	shalt  }
0x47: {  	_ =	shalt  }
0x48: {  	_ =	shalt  }
0x49: {  	_ =	shalt  }
0x4a: {  	_ =	shalt  }
0x4b: {  	_ =	shalt  }
0x4c: {  	_ =	shalt  }
0x4d: {  	_ =	shalt  }
0x4e: {  	_ =	shalt  }
0x4f: {  	_ =	shalt  }
0x50: {  	_ =	shalt  }
0x51: {  	_ =	shalt  }
0x52: {  	_ =	shalt  }
0x53: {  	_ =	shalt  }
0x54: {  	_ =	shalt  }
0x55: {  	_ =	shalt  }
0x56: {  	_ =	shalt  }
0x57: {  	_ =	shalt  }
0x58: {  	_ =	shalt  }
0x59: {  	_ =	shalt  }
0x5a: {  	_ =	shalt  }
0x5b: {  	_ =	shalt  }
0x5c: {  	_ =	shalt  }
0x5d: {  	_ =	shalt  }
0x5e: {  	_ =	shalt  }
0x5f: {  	_ =	shalt  }
0x60: {  	_ =	shalt  }
0x61: {  	_ =	shalt  }
0x62: {  	_ =	shalt  }
0x63: {  	_ =	shalt  }
0x64: {  	_ =	shalt  }
0x65: {  	_ =	shalt  }
0x66: {  	_ =	shalt  }
0x67: {  	_ =	shalt  }
0x68: {  	_ =	shalt  }
0x69: {  	_ =	shalt  }
0x6a: {  	_ =	shalt  }
0x6b: {  	_ =	shalt  }
0x6c: {  	_ =	shalt  }
0x6d: {  	_ =	shalt  }
0x6e: {  	_ =	shalt  }
0x6f: {  	_ =	shalt  }
0x70: {  	_ =	shalt  }
0x71: {  	_ =	shalt  }
0x72: {  	_ =	shalt  }
0x73: {  	_ =	shalt  }
0x74: {  	_ =	shalt  }
0x75: {  	_ =	shalt  }
0x76: {  	_ =	shalt  }
0x77: {  	_ =	shalt  }
0x78: {  	_ =	shalt  }
0x79: {  	_ =	shalt  }
0x7a: {  	_ =	shalt  }
0x7b: {  	_ =	shalt  }
0x7c: {  	_ =	shalt  }
0x7d: {  	_ =	shalt  }
0x7e: {  	_ =	shalt  }
0x7f: {  	_ =	shalt  }
0x80: {  	_ =	shalt  }
0x81: {  	_ =	shalt  }
0x82: {  	_ =	shalt  }
0x83: {  	_ =	shalt  }
0x84: {  	_ =	shalt  }
0x85: {  	_ =	shalt  }
0x86: {  	_ =	shalt  }
0x87: {  	_ =	shalt  }
.Lfunc_end0:
.L_simem_size_0:
called_computation.3_lowered:
.L_overlay_start_0:
0x88: {  	s2 =	sld [smem:$0x3FD9]  }
0x89: {  	s3 =	sld [smem:$0x3FFE];
	_ =	sdelay $0x1  }
0x8a: {  	s1 =	srdreg.scid  }
0x8b: {  	s0 =	sand.u32 $0x1, s1  }
0x8c: {  	s17 =	sshll.u32 s0, $0xA;
	s2 =	sadd.s32 s3, s2  }
0x8d: {  	s2 =	sadd.s32 s2, s17  }
0x8e: {  	[smem:$0x3FB2] =	sst s2  }
0x8f: {  	_ = 	snop  }
0x90: {  	(tm) =	ssettm $0x1  }
0x91: {  	s18 =	sld [smem:$0x3FFB];
	_ =	sdelay $0x3  }
0x92: {  	_ =	strace s18  }
0x93: {  	s2 =	sld [smem:$0x3FFC];
	_ =	sdelay $0x3  }
0x94: {  	_ =	strace s2  }
0x95: {  	s2 =	sld [smem:$0x3FFD];
	_ =	sdelay $0x3  }
0x96: {  	_ =	strace s2  }
0x97: {  	_ =	strace $0x8FFFFFFF  }
0x98: {  	s19 =	sld [smem:$0x3FDB];
	_ =	sdelay $0x1  }
0x99: {  	s20 =	simm.s32 $_scs_section_size  }
0x9a: {  	s4 =	simm.s32 $_size__tile_overlayer_lowered;
	s5 =	simm.s32 $_tile_overlayer_lowered  }
0x9b: {  	s6 =	simm.s32 $0x1BFF;
	s21 =	sshll.u32 s5, $0x1;
	s3 =	sadd.s32 s20, s19  }
0x9c: {  	s22 =	simm.s32 $0x0;
	s4 =	sshll.u32 s4, $0x1;
	s5 =	sadd.s32 s21, s3  }
0x9d: {  	[timem:s22], [sflag:s6] =	dma.local [hbm:s5], s4  }
0x9e: {  	_ =	swait.ge [sflag:s6], s4  }
0x9f: {  	s4 =	ssub.s32 $0x0, s4;
	[sflag:s6] =	ssyncset.done $0x0  }
0xa0: {  	[sflag:s6] =	ssyncadd.s32 s4;
	_ =	sdelay $0x1  }
0xa1: {  	s23 =	simm.s32 $0x1B8B  }
0xa2: {  	_ =	swait.ge [sflag:s23], $0x1  }
0xa3: {  	[sflag:s23] =	ssyncset.done $0x0  }
0xa4: {  	[sflag:s23] =	ssyncadd.s32 $0xFFFFFFFF  }
0xa5: {  	s4 =	sld [smem:$0x0]  }
0xa6: {  	s5 =	sand.u32 $0xFFFFFFFE, s1  }
0xa7: {  	p0 =	sne.s32 s1, s5  }
0xa8: {  	s5 =	sshll.u32 @p0 s5, $0xE  }
0xa9: {  	s5 =	sadd.s32 @p0 $0x11B8D, s5;
	s6 =	sshll.u32 @p0 s4, $0x11  }
0xaa: {  	s5 =	sor.u32 @p0 s6, s5  }
0xab: {  	[sflag:s5] =	ssyncadd.remote.s32 @p0 $0x1;
	_ =	sdelay $0x1  }
0xac: {  	s5 =	simm.s32 @p0 $0x1B8D  }
0xad: {  	_ =	swait.eq @p0 [sflag:s5], $0x1  }
0xae: {  	[sflag:s5] =	ssyncadd.s32 @p0 $0xFFFFFFFF  }
0xaf: {  	s6 =	sshll.u32 @!p0 s1, $0xE  }
0xb0: {  	s6 =	sor.u32 @!p0 $0x4000, s6;
	s5 =	simm.s32 @!p0 $0x1B8D  }
0xb1: {  	s4 =	sshll.u32 @!p0 s4, $0x11;
	s6 =	sadd.s32 @!p0 $0x11B8D, s6;
	_ =	swait.eq @!p0 [sflag:s5], $0x1  }
0xb2: {  	s4 =	sor.u32 @!p0 s4, s6;
	[sflag:s5] =	ssyncadd.s32 @!p0 $0xFFFFFFFF  }
0xb3: {  	s25 =	simm.s32 $0x1B8E;
	s24 =	sld [smem:$0x3FFE];
	[sflag:s4] =	ssyncadd.remote.s32 @!p0 $0x1  }
0xb4: {  	s26 =	simm.s32 $execute0_lowered;
	[smem:$0x3FD2] =	sst s25  }
0xb5: {  	s5 =	sshll.u32 s26, $0x1;
	_ =	strace $0x8000004C;
	[dreg:$0x1] =	wrdreg $0xFFFFFFFF  }
0xb6: {  	s28 =	simm.s32 $_size_execute0_lowered;
	s3 =	sadd.s32 s3, s5;
	[dreg:$0x0] =	wrdreg $0x0  }
0xb7: {  	s5 =	sshll.u32 s28, $0x1;
	[dreg:$0x2] =	wrdreg s3  }
0xb8: {  	[dreg:$0x3] =	wrdreg s5  }
0xb9: {  	[dreg:$0x4] =	wrdreg $0xC0  }
0xba: {  	_ =	task [dreg:s22], $0x5FFFF  }
0xbb: {  	[dreg:$0x1] =	wrdreg $0xFFFFFFFF  }
0xbc: {  	[dreg:$0x0] =	wrdreg $0x60  }
0xbd: {  	[dreg:$0x2] =	wrdreg s24  }
0xbe: {  	[dreg:$0x3] =	wrdreg $0x70000  }
0xbf: {  	[dreg:$0x4] =	wrdreg $0xA  }
0xc0: {  	_ =	task.clear_ibuf [dreg:s22], $0x5FFFF;
	_ =	strace $0x9000004C  }
0xc1: {  	s29 =	simm.s32 $0xA;
	_ =	strace $0x8000004E  }
0xc2: {  	_ =	swait.ge [sflag:s29], $0x1  }
0xc3: {  	[sflag:s29] =	ssyncadd.s32 $0xFFFFFFFF  }
0xc4: {  	_ =	strace $0x9000004E  }
0xc5: {  	_ =	sfence  }
0xc6: {  	s30 =	sld [smem:$0x0];
	_ =	sdelay $0x2  }
0xc7: {  	s31 =	sshll.u32 s1, $0xD;
	s1 =	sshrl.u32 s1, $0x2  }
0xc8: {  	s4 =	sand.u32 $0x4000, s31;
	s1 =	sadd.s32 s1, s30  }
0xc9: {  	s0 =	sor.u32 s4, s0;
	s1 =	sshll.u32 s1, $0x11  }
0xca: {  	s0 =	sor.u32 s1, s0  }
0xcb: {  	s0 =	sadd.s32 $0x8F2B, s0  }
0xcc: {  	[sflag:s0] =	ssyncadd.remote.s32 $0x1  }
0xcd: {  	_ =	sfence.sel $0xFFFF  }
0xce: {  	[dreg:$0x0] =	wrdreg $0xFFFFFFFF;
	(pc) =	sbr.abs _section_cstart, $3  }
0xcf: {  	[dreg:$0x1] =	wrdreg $0xFFFFFFFF  }
0xd0: {  	_ =	task.clear_ibuf [dreg:s22], $0x2FFFF;
	_ =	strace $0x9FFFFFFF  }
0xd1: {  	(tm) =	ssettm $0x7FFFFFFF  }
tec
execute0_lowered:
.L_overlay_start_1:
0x0: {  	(tag) =	ssettag $0x1  }
0x1: {  	s4 =	rddreg [dreg:$0x0]  }
0x2: {  	s2 =	rddreg [dreg:$0x1]  }
0x3: {  	s5 =	srdreg.scid;
	s0 =	stileid.u32  }
0x4: {  	s3 =	simm.s32 $0x0;
	s21 =	simm.s32 $0x3;
	s22 =	simm.s32 $0x4800  }
0x5: {  	s23 =	simm.s32 $0x1;
	s28 =	simm.s32 $0x1F00;
	s29 =	simm.s32 $0x0  }
0x6: {  	s15 =	sand.u32 $0x1, s5;
	s24 =	sshll.u32 s0, $0x1;
	s8 =	smul.u32 $0x2800, s0  }
0x7: {  	[smem:$0x7FF] =	sst s3;
	s16 =	sadd.s32 $0x508800, s4;
	s11 =	smul.u32 $0x50000, s0  }
0x8: {  	s17 =	sadd.s32 $0x77E800, s4;
	s18 =	smul.u32 $0x27600, s0;
	s5 =	sor.u32 s15, s24  }
0x9: {  	s6 =	smul.u32 $0x28000, s15;
	_ =	strace $0x8000004D;
	s25 =	ssub.s32 $0x2, s15  }
0xa: {  	s19 =	smul.u32 $0x13B00, s15;
	s24 =	simm.s32 $0x50;
	s7 =	sshll.u32 s5, $0xA  }
0xb: {  	s9 =	smul.u32 $0x13B00, s5;
	s26 =	sshrl.u32 s25, $0x1;
	s30 =	sshrl.u32 s11, $0x2  }
0xc: {  	s20 =	sadd.s32 s18, s16;
	s7 =	sadd.s32 s7, s4;
	s6 =	sadd.s32 s8, s6  }
0xd: {  	s12 =	ssub.s32 s25, s26;
	s8 =	sadd.s32 s30, s2;
	s31 =	sadd.s32 s19, s20  }
0xe: {  	s20 =	simm.s32 $0x2000;
	s25 =	simm.s32 $0x4;
	s26 =	simm.s32 $0x2  }
0xf: {  	s10 =	sadd.s32 s6, s4;
	s4 =	sadd.s32 $0xE000, s7;
	s5 =	sadd.s32 s16, s9  }
0x10: {  	s6 =	sadd.s32 $0x6000, s7;
	s7 =	sadd.s32 s17, s9;
	s11 =	sadd.s32 $0x2800, s8  }
0x11: {  	s13 =	sadd.s32 $0x7800, s8;
	s14 =	sadd.s32 $0xA000, s8;
	s15 =	sadd.s32 $0xC800, s8  }
0x12: {  	s17 =	sadd.s32 s18, s17;
	s16 =	sadd.s32 $0xF000, s8;
	s18 =	sadd.s32 $0x500, s31  }
0x13: {  	s9 =	sadd.s32 $0x16000, s10;
	s10 =	smax.u32 s12, $0x1;
	s19 =	sadd.s32 s19, s17  }
0x14: {  	v0 =	vimm.f32 $0.0e+00;
	s12 =	sadd.s32 $0x5000, s8;
	s17 =	sadd.s32 $0x11800, s8;
	s19 =	sadd.s32 $0x500, s19  }
.LBB2_1:
0x15: {  	s30 =	simm.s32 $0x40;
	s31 =	simm.s32 $0x0  }
.LBB2_2:
0x16: {  	p0 =	sne.s32 s30, $0x9FC0;
	[tilespmem:s31+$0x2000] =	vst v0;
	s0 =	smov.u32 s30;
	s30 =	sadd.s32 $0x40, s30  }
.Ltmp0:
0x17: {  	[tilespmem:s31+$0x4800] =	vst v0;
	(pc) =	sbr.rel @p0 .LBB2_2-.Ltmp0, $2  }
0x18: {  	_ =	sdelay $0x2  }
0x19: {  	s31 =	sshra.s32 s0, $0x2  }
0x1a: {  	[tilespmem:s31+$0x2000] =	vst v0  }
0x1b: {  	[tilespmem:s31+$0x4800] =	vst v0  }
0x1c: {  	[spmem:s8] =	stream.linear.scatter [tilespmem:s20], [sflag:$0x3], $0x2800, $0x38;
	[tilespmem:$0x1B000] =	vst v63  }
0x1d: {  	_ =	swait.ge [sflag:s21], $0x2800  }
0x1e: {  	[sflag:s21] =	ssyncset.done $0x0  }
0x1f: {  	[sflag:s21] =	ssyncadd.s32 $0xFFFFD800  }
0x20: {  	[spmem:s11] =	stream.linear.scatter [tilespmem:s22], [sflag:$0x3], $0x2800, $0x38;
	[tilespmem:$0x1B000] =	vst v63  }
0x21: {  	_ =	swait.ge [sflag:s21], $0x2800  }
0x22: {  	[sflag:s21] =	ssyncset.done $0x0  }
0x23: {  	[sflag:s21] =	ssyncadd.s32 $0xFFFFD800  }
0x24: {  	[spmem:s12] =	stream.linear.scatter [tilespmem:s20], [sflag:$0x3], $0x2800, $0x38;
	[tilespmem:$0x1B000] =	vst v63  }
0x25: {  	_ =	swait.ge [sflag:s21], $0x2800  }
0x26: {  	[sflag:s21] =	ssyncset.done $0x0  }
0x27: {  	[sflag:s21] =	ssyncadd.s32 $0xFFFFD800  }
0x28: {  	[spmem:s13] =	stream.linear.scatter [tilespmem:s22], [sflag:$0x3], $0x2800, $0x38;
	[tilespmem:$0x1B000] =	vst v63  }
0x29: {  	_ =	swait.ge [sflag:s21], $0x2800  }
0x2a: {  	[sflag:s21] =	ssyncset.done $0x0  }
0x2b: {  	[sflag:s21] =	ssyncadd.s32 $0xFFFFD800  }
0x2c: {  	[spmem:s14] =	stream.linear.scatter [tilespmem:s20], [sflag:$0x3], $0x2800, $0x38;
	[tilespmem:$0x1B000] =	vst v63  }
0x2d: {  	_ =	swait.ge [sflag:s21], $0x2800  }
0x2e: {  	[sflag:s21] =	ssyncset.done $0x0  }
0x2f: {  	[sflag:s21] =	ssyncadd.s32 $0xFFFFD800  }
0x30: {  	[spmem:s15] =	stream.linear.scatter [tilespmem:s22], [sflag:$0x3], $0x2800, $0x38;
	[tilespmem:$0x1B000] =	vst v63  }
0x31: {  	_ =	swait.ge [sflag:s21], $0x2800  }
0x32: {  	[sflag:s21] =	ssyncset.done $0x0  }
0x33: {  	[sflag:s21] =	ssyncadd.s32 $0xFFFFD800  }
0x34: {  	[spmem:s16] =	stream.linear.scatter [tilespmem:s20], [sflag:$0x3], $0x2800, $0x38;
	[tilespmem:$0x1B000] =	vst v63  }
0x35: {  	_ =	swait.ge [sflag:s21], $0x2800  }
0x36: {  	[sflag:s21] =	ssyncset.done $0x0  }
0x37: {  	[sflag:s21] =	ssyncadd.s32 $0xFFFFD800  }
0x38: {  	[spmem:s17] =	stream.linear.scatter [tilespmem:s22], [sflag:$0x3], $0x2800, $0x38;
	[tilespmem:$0x1B000] =	vst v63  }
0x39: {  	_ =	swait.ge [sflag:s21], $0x2800  }
0x3a: {  	[sflag:s21] =	ssyncset.done $0x0  }
0x3b: {  	[sflag:s21] =	ssyncadd.s32 $0xFFFFD800  }
0x3c: {  	s0 =	simm.s32 $0x0;
	[bflag:$0x0] =	sbarrier.arrive $0xFFFF  }
0x3d: {  	[tilespmem:s0], [sflag:$0x3] =	stream.linear.gather [hbm4b:s4+s0], $0x1F80, $0x38;
	[tilespmem:$0x1B000] =	vst v63  }
0x3e: {  	_ =	swait.ge [sflag:s21], $0x1F80  }
0x3f: {  	[sflag:s21] =	ssyncset.done $0x0  }
0x40: {  	[sflag:s21] =	ssyncadd.s32 $0xFFFFE080  }
0x41: {  	[tilespmem:s20], [sflag:$0x1] =	stream.linear.gather [hbm4b:s5+s0], $0x2800, $0x38;
	[tilespmem:$0x1B000] =	vst v63  }
0x42: {  	_ = 	snop  }
0x43: {  	[tilespmem:s22], [sflag:$0x2] =	stream.linear.gather [hbm4b:s18+s3], $0x2800, $0x38;
	[tilespmem:$0x1B000] =	vst v63  }
0x44: {  	_ =	swait.ge [sflag:s23], $0x2800  }
0x45: {  	[sflag:s23] =	ssyncset.done $0x0  }
0x46: {  	s1 =	simm.s32 $0x0;
	[sflag:s23] =	ssyncadd.s32 $0xFFFFD800  }
0x47: {  	[spmem:s2] =	stream.indirect.scatter.add.f32 [tilespmem:s20], [sflag:$0x4], $0x80, s1, s24, $0xb8;
	[tilespmem:$0x1B000] =	vst v63  }
0x48: {  	_ =	swait.ge [sflag:s25], $0x2800  }
0x49: {  	[sflag:s25] =	ssyncset.done $0x0  }
0x4a: {  	s1 =	sadd.s32 $0x500, s18;
	[sflag:s25] =	ssyncadd.s32 $0xFFFFD800  }
0x4b: {  	[tilespmem:s20], [sflag:$0x1] =	stream.linear.gather [hbm4b:s1+s3], $0x2800, $0x38;
	[tilespmem:$0x1B000] =	vst v63  }
0x4c: {  	_ =	swait.ge [sflag:s26], $0x2800  }
0x4d: {  	[sflag:s26] =	ssyncset.done $0x0  }
0x4e: {  	s1 =	simm.s32 $0x80;
	[sflag:s26] =	ssyncadd.s32 $0xFFFFD800  }
0x4f: {  	[spmem:s2] =	stream.indirect.scatter.add.f32 [tilespmem:s22], [sflag:$0x3], $0x80, s1, s24, $0xb8;
	[tilespmem:$0x1B000] =	vst v63  }
0x50: {  	_ =	swait.ge [sflag:s21], $0x2800  }
0x51: {  	s30 =	simm.s32 $0x400;
	s31 =	smov.u32 s18;
	[sflag:s21] =	ssyncset.done $0x0  }
.LBB2_4:
0x52: {  	p0 =	sne.s32 s30, $0x7800;
	[sflag:s21] =	ssyncadd.s32 $0xFFFFD800;
	s31 =	sadd.s32 $0xA00, s31  }
0x53: {  	[tilespmem:s22], [sflag:$0x2] =	stream.linear.gather [hbm4b:s31+s3], $0x2800, $0x38;
	[tilespmem:$0x1B000] =	vst v63  }
0x54: {  	s0 =	smov.u32 s30;
	s30 =	sadd.s32 $0x400, s30;
	_ =	swait.ge [sflag:s23], $0x2800  }
0x55: {  	[sflag:s23] =	ssyncset.done $0x0  }
0x56: {  	s0 =	sshra.s32 s0, $0x2;
	[sflag:s23] =	ssyncadd.s32 $0xFFFFD800  }
0x57: {  	[spmem:s2] =	stream.indirect.scatter.add.f32 [tilespmem:s20], [sflag:$0x4], $0x80, s0, s24, $0xb8;
	[tilespmem:$0x1B000] =	vst v63  }
0x58: {  	_ =	swait.ge [sflag:s25], $0x2800  }
0x59: {  	[sflag:s25] =	ssyncset.done $0x0  }
0x5a: {  	s1 =	sadd.s32 $0x500, s31;
	[sflag:s25] =	ssyncadd.s32 $0xFFFFD800  }
0x5b: {  	[tilespmem:s20], [sflag:$0x1] =	stream.linear.gather [hbm4b:s1+s3], $0x2800, $0x38;
	[tilespmem:$0x1B000] =	vst v63  }
0x5c: {  	_ =	swait.ge [sflag:s26], $0x2800  }
.Ltmp1:
0x5d: {  	[sflag:s26] =	ssyncset.done $0x0;
	(pc) =	sbr.rel @p0 .LBB2_4-.Ltmp1, $4  }
0x5e: {  	s0 =	sadd.s32 $0x80, s0;
	[sflag:s26] =	ssyncadd.s32 $0xFFFFD800  }
0x5f: {  	[spmem:s2] =	stream.indirect.scatter.add.f32 [tilespmem:s22], [sflag:$0x3], $0x80, s0, s24, $0xb8;
	[tilespmem:$0x1B000] =	vst v63  }
0x60: {  	_ =	swait.ge [sflag:s21], $0x2800  }
0x61: {  	[sflag:s21] =	ssyncset.done $0x0  }
0x62: {  	[sflag:s21] =	ssyncadd.s32 $0xFFFFD800  }
0x63: {  	_ =	swait.ge [sflag:s23], $0x2800  }
0x64: {  	[sflag:s23] =	ssyncset.done $0x0  }
0x65: {  	[sflag:s23] =	ssyncadd.s32 $0xFFFFD800  }
0x66: {  	[spmem:s2] =	stream.indirect.scatter.add.f32 [tilespmem:s20], [sflag:$0x4], $0x80, s28, s24, $0xb8;
	[tilespmem:$0x1B000] =	vst v63  }
0x67: {  	_ =	swait.ge [sflag:s25], $0x2800  }
0x68: {  	[sflag:s25] =	ssyncset.done $0x0  }
0x69: {  	s0 =	simm.s32 $0x0;
	[sflag:s25] =	ssyncadd.s32 $0xFFFFD800  }
0x6a: {  	[tilespmem:s0], [sflag:$0x3] =	stream.linear.gather [hbm4b:s6+s0], $0x1F80, $0x38;
	[tilespmem:$0x1B000] =	vst v63  }
0x6b: {  	_ =	swait.ge [sflag:s21], $0x1F80  }
0x6c: {  	[sflag:s21] =	ssyncset.done $0x0  }
0x6d: {  	[sflag:s21] =	ssyncadd.s32 $0xFFFFE080  }
0x6e: {  	[tilespmem:s20], [sflag:$0x1] =	stream.linear.gather [hbm4b:s7+s0], $0x2800, $0x38;
	[tilespmem:$0x1B000] =	vst v63  }
0x6f: {  	_ = 	snop  }
0x70: {  	[tilespmem:s22], [sflag:$0x2] =	stream.linear.gather [hbm4b:s19+s3], $0x2800, $0x38;
	[tilespmem:$0x1B000] =	vst v63  }
0x71: {  	_ =	swait.ge [sflag:s23], $0x2800  }
0x72: {  	[sflag:s23] =	ssyncset.done $0x0  }
0x73: {  	s1 =	simm.s32 $0x0;
	[sflag:s23] =	ssyncadd.s32 $0xFFFFD800  }
0x74: {  	[spmem:s2] =	stream.indirect.scatter.add.f32 [tilespmem:s20], [sflag:$0x4], $0x80, s1, s24, $0xb8;
	[tilespmem:$0x1B000] =	vst v63  }
0x75: {  	_ =	swait.ge [sflag:s25], $0x2800  }
0x76: {  	[sflag:s25] =	ssyncset.done $0x0  }
0x77: {  	s1 =	sadd.s32 $0x500, s19;
	[sflag:s25] =	ssyncadd.s32 $0xFFFFD800  }
0x78: {  	[tilespmem:s20], [sflag:$0x1] =	stream.linear.gather [hbm4b:s1+s3], $0x2800, $0x38;
	[tilespmem:$0x1B000] =	vst v63  }
0x79: {  	_ =	swait.ge [sflag:s26], $0x2800  }
0x7a: {  	[sflag:s26] =	ssyncset.done $0x0  }
0x7b: {  	s1 =	simm.s32 $0x80;
	[sflag:s26] =	ssyncadd.s32 $0xFFFFD800  }
0x7c: {  	[spmem:s2] =	stream.indirect.scatter.add.f32 [tilespmem:s22], [sflag:$0x3], $0x80, s1, s24, $0xb8;
	[tilespmem:$0x1B000] =	vst v63  }
0x7d: {  	_ =	swait.ge [sflag:s21], $0x2800  }
0x7e: {  	s30 =	simm.s32 $0x400;
	s31 =	smov.u32 s19;
	[sflag:s21] =	ssyncset.done $0x0  }
.LBB2_6:
0x7f: {  	p0 =	sne.s32 s30, $0x7800;
	[sflag:s21] =	ssyncadd.s32 $0xFFFFD800;
	s31 =	sadd.s32 $0xA00, s31  }
0x80: {  	[tilespmem:s22], [sflag:$0x2] =	stream.linear.gather [hbm4b:s31+s3], $0x2800, $0x38;
	[tilespmem:$0x1B000] =	vst v63  }
0x81: {  	s0 =	smov.u32 s30;
	s30 =	sadd.s32 $0x400, s30;
	_ =	swait.ge [sflag:s23], $0x2800  }
0x82: {  	[sflag:s23] =	ssyncset.done $0x0  }
0x83: {  	s0 =	sshra.s32 s0, $0x2;
	[sflag:s23] =	ssyncadd.s32 $0xFFFFD800  }
0x84: {  	[spmem:s2] =	stream.indirect.scatter.add.f32 [tilespmem:s20], [sflag:$0x4], $0x80, s0, s24, $0xb8;
	[tilespmem:$0x1B000] =	vst v63  }
0x85: {  	_ =	swait.ge [sflag:s25], $0x2800  }
0x86: {  	[sflag:s25] =	ssyncset.done $0x0  }
0x87: {  	s1 =	sadd.s32 $0x500, s31;
	[sflag:s25] =	ssyncadd.s32 $0xFFFFD800  }
0x88: {  	[tilespmem:s20], [sflag:$0x1] =	stream.linear.gather [hbm4b:s1+s3], $0x2800, $0x38;
	[tilespmem:$0x1B000] =	vst v63  }
0x89: {  	_ =	swait.ge [sflag:s26], $0x2800  }
.Ltmp2:
0x8a: {  	[sflag:s26] =	ssyncset.done $0x0;
	(pc) =	sbr.rel @p0 .LBB2_6-.Ltmp2, $4  }
0x8b: {  	s0 =	sadd.s32 $0x80, s0;
	[sflag:s26] =	ssyncadd.s32 $0xFFFFD800  }
0x8c: {  	[spmem:s2] =	stream.indirect.scatter.add.f32 [tilespmem:s22], [sflag:$0x3], $0x80, s0, s24, $0xb8;
	[tilespmem:$0x1B000] =	vst v63  }
0x8d: {  	_ =	swait.ge [sflag:s21], $0x2800  }
0x8e: {  	[sflag:s21] =	ssyncset.done $0x0  }
0x8f: {  	[sflag:s21] =	ssyncadd.s32 $0xFFFFD800  }
0x90: {  	_ =	swait.ge [sflag:s23], $0x2800  }
0x91: {  	[sflag:s23] =	ssyncset.done $0x0  }
0x92: {  	[sflag:s23] =	ssyncadd.s32 $0xFFFFD800  }
0x93: {  	[spmem:s2] =	stream.indirect.scatter.add.f32 [tilespmem:s20], [sflag:$0x4], $0x80, s28, s24, $0xb8;
	[tilespmem:$0x1B000] =	vst v63  }
0x94: {  	s0 =	stileid.u32;
	_ =	swait.ge [sflag:s25], $0x2800  }
0x95: {  	s1 =	sshrl.u32 s8, $0x3;
	s29 =	sadd.s32 $0x1, s29;
	[sflag:s25] =	ssyncset.done $0x0  }
0x96: {  	s0 =	sshll.u32 s0, $0x6;
	p0 =	sne.s32 s29, s10;
	[sflag:s25] =	ssyncadd.s32 $0xFFFFD800  }
.Ltmp3:
0x97: {  	s0 =	sor.u32 $0x1C03, s0;
	[bflag:$0x0] =	sbarrier.arrive $0xFFFF;
	(pc) =	sbr.rel @p0 .LBB2_1-.Ltmp3, $4  }
0x98: {  	[hbm:s9], [sflag:s0] =	dma.local [spmem:s1], $0x2800  }
0x99: {  	_ =	swait.ge [sflag:s21], $0x2800  }
0x9a: {  	[sflag:s21] =	ssyncset.done $0x0  }
0x9b: {  	[sflag:s21] =	ssyncadd.s32 $0xFFFFD800  }
0x9c: {  	_ =	sfence.sel $0x180000  }
0x9d: {  	[bflag:$0x0] =	sbarrier.arrive $0xFFFF  }
0x9e: {  	_ =	strace $0x9000004D  }
0x9f: {  	s0 =	stileid.u32;
	[bflag:$0x2] =	sbarrier.arrive $0xFFFF  }
0xa0: {  	p0 =	sne.s32 s0, $0x0;
	s0 =	rddreg [dreg:$0x2]  }
0xa1: {  	s0 =	sadd.s32 @!p0 $0x100000, s0  }
0xa2: {  	[sflag:s0] =	ssyncadd.tile.s32 @!p0 $0x1;
	_ =	shalt  }
.Lfunc_end2:
_tile_overlayer_lowered:
.L_overlay_start_2:
0xa3: {  	(tag) =	ssettag $0x2  }
0xa4: {  	s0 =	rddreg [dreg:$0x0];
	s2 =	stileid.u32  }
0xa5: {  	s1 =	rddreg [dreg:$0x1];
	p0 =	sne.s32 s2, $0x0  }
0xa6: {  	s3 =	rddreg [dreg:$0x2];
	[bflag:$0x3] =	sbarrier.arrive $0xFFFF;
	s2 =	simm.s32 @!p0 $0x1C03  }
0xa7: {  	[timem:s3], [sflag:s2] =	dma.local @!p0 [hbm:s0], s1  }
0xa8: {  	s0 =	simm.s32 @!p0 $0x3  }
0xa9: {  	_ =	swait.ge @!p0 [sflag:s0], s1  }
0xaa: {  	s1 =	ssub.s32 @!p0 $0x0, s1;
	[sflag:s0] =	ssyncset.done @!p0 $0x0  }
0xab: {  	[sflag:s0] =	ssyncadd.s32 @!p0 s1  }
0xac: {  	[bflag:$0x3] =	sbarrier.arrive $0xFFFF  }
0xad: {  	_ =	shalt  }

</sc_bundles>
